<compile_context>
chip_gen: v7x
topology: tpu7x:2x2x1
jax: 0.10.2.dev20260603
libtpu: 0.0.44.dev20260713+nightly
codegen_flags: <defaults>
</compile_context>

<pallas_src>
import math

import jax
import jax.numpy as jnp
from jax import lax
from jax.experimental import pallas as pl
from jax.experimental.pallas import tpu as pltpu
from jax.experimental.pallas import tpu_sc as plsc

B = 100
R = 200
DEG = 16
K = 8
D1 = 32
D2 = 32
D3 = 512
NC = 2
N = B * R
E = N * DEG
EG = R * DEG
K1 = int(math.ceil(0.5 * R))
K2 = int(math.ceil(0.5 * K1))
N1 = B * K1
NW = 32
GPW = (B + NW - 1) // NW

_F32 = jnp.float32


def _q(v):
    return v.astype(jnp.bfloat16).astype(_F32)


def _eye(n, m=None):
    ic = jax.lax.broadcasted_iota(jnp.int32, (n, 1), 0)
    ir = jax.lax.broadcasted_iota(jnp.int32, (1, m or n), 1)
    return (ic == ir).astype(_F32)


def _dot(a, b, dims):
    return jax.lax.dot_general(a, b, (dims, ((), ())),
                               preferred_element_type=_F32,
                               precision=jax.lax.Precision.HIGHEST)


def _pre1_body(x_ref, wa1_ref, wb1t_ref, h1pre_ref):
    xg = x_ref[...]
    c1 = jnp.maximum(_q(wa1_ref[...]), 0.0)
    t1 = jnp.dot(xg, wb1t_ref[...], preferred_element_type=_F32)
    h = jnp.zeros((R, D1), _F32)
    for k in range(K):
        h = h + c1[:, k:k + 1] * t1[:, k * D1:(k + 1) * D1]
    h1pre_ref[...] = _dot(h, _eye(R), ((0,), (0,))).reshape(1, D1, R)


def _sc_agg1_body(h_hbm, src_hbm, dst_hbm, ew_hbm, out_hbm,
                  hv, sv, dv, av, sumv, outv):
    wid = lax.axis_index("s") * 2 + lax.axis_index("c")

    def graph_loop(gi, carry):
        g = wid + gi * NW

        @pl.when(g < B)
        def _():
            nbase = g * R
            pltpu.sync_copy(h_hbm.at[g], hv.at[:, pl.ds(0, R)])
            pltpu.sync_copy(src_hbm.at[pl.ds(g * EG, EG)], sv)
            pltpu.sync_copy(dst_hbm.at[pl.ds(g * EG, EG)], dv)
            pltpu.sync_copy(ew_hbm.at[pl.ds(g * EG, EG)], av)

            @plsc.parallel_loop(0, (R + 15) // 16)
            def zs(i):
                sumv[pl.ds(i * 16, 16)] = jnp.zeros((16,), _F32)

            @plsc.parallel_loop(0, 13)
            def zo(i):
                for f in range(D1):
                    outv[f, pl.ds(i * 16, 16)] = jnp.zeros((16,), _F32)

            @plsc.parallel_loop(0, EG // 16)
            def pass1(i):
                sl = pl.ds(i * 16, 16)
                d16 = dv[sl] - nbase
                e16 = jnp.exp(av[sl])
                av[sl] = e16
                plsc.addupdate_scatter(sumv, [d16], e16)

            @plsc.parallel_loop(0, EG // 16)
            def pass2(i):
                sl = pl.ds(i * 16, 16)
                s16 = sv[sl] - nbase
                d16 = dv[sl] - nbase
                sd = plsc.load_gather(sumv, [d16])
                a16 = av[sl] / jnp.maximum(sd, 1e-16)
                for f in range(D1):
                    fsp = jnp.full((16,), f, jnp.int32)
                    hg = plsc.load_gather(hv, [fsp, s16])
                    plsc.addupdate_scatter(outv, [fsp, d16], a16 * hg)
            pltpu.sync_copy(outv.at[:, pl.ds(0, R)], out_hbm.at[g])
        return carry

    lax.fori_loop(0, GPW, graph_loop, 0)


def _sc_agg2_body(h_hbm, src_hbm, dst_hbm, ew_hbm, rank_hbm, out_hbm,
                  hv, sv, dv, av, rv, sumv, outv):
    wid = lax.axis_index("s") * 2 + lax.axis_index("c")

    def graph_loop(gi, carry):
        g = wid + gi * NW

        @pl.when(g < B)
        def _():
            nbase = g * R
            pltpu.sync_copy(h_hbm.at[g], hv)
            pltpu.sync_copy(src_hbm.at[pl.ds(g * EG, EG)], sv)
            pltpu.sync_copy(dst_hbm.at[pl.ds(g * EG, EG)], dv)
            pltpu.sync_copy(ew_hbm.at[pl.ds(g * EG, EG)], av)
            pltpu.sync_copy(rank_hbm.at[pl.ds(g * R, R)], rv)

            @plsc.parallel_loop(0, 8)
            def zs(i):
                sumv[pl.ds(i * 16, 16)] = jnp.zeros((16,), _F32)

            @plsc.parallel_loop(0, 8)
            def zo(i):
                for f in range(D2):
                    outv[f, pl.ds(i * 16, 16)] = jnp.zeros((16,), _F32)

            @plsc.parallel_loop(0, EG // 16)
            def pass1(i):
                sl = pl.ds(i * 16, 16)
                dummy = K1 + jax.lax.broadcasted_iota(jnp.int32, (16,), 0)
                s16 = plsc.load_gather(rv, [sv[sl] - nbase])
                d16 = plsc.load_gather(rv, [dv[sl] - nbase])
                keep = (s16 < K1) & (d16 < K1)
                kf = jnp.where(keep, 1.0, 0.0)
                dc = jnp.where(keep, d16, dummy)
                e16 = jnp.exp(av[sl]) * kf
                av[sl] = e16
                sv[sl] = jnp.where(keep, s16, dummy)
                dv[sl] = dc
                plsc.addupdate_scatter(sumv, [dc], e16)

            @plsc.parallel_loop(0, EG // 16)
            def pass2(i):
                sl = pl.ds(i * 16, 16)
                s16 = sv[sl]
                d16 = dv[sl]
                sd = plsc.load_gather(sumv, [d16])
                a16 = av[sl] / jnp.maximum(sd, 1e-16)
                for f in range(D2):
                    fsp = jnp.full((16,), f, jnp.int32)
                    hg = plsc.load_gather(hv, [fsp, s16])
                    plsc.addupdate_scatter(outv, [fsp, d16], a16 * hg)
            pltpu.sync_copy(outv, out_hbm.at[g])
        return carry

    lax.fori_loop(0, GPW, graph_loop, 0)


def _topk1_body(agg_ref, wa2_ref, wb2t_ref, misc_ref,
                s1_ref, sn1_ref, feat12_ref, h2pre_ref, rank_ref):
    aggt = agg_ref[0]
    h1 = _dot(_eye(R), aggt, ((1,), (1,))) + misc_ref[0:1, :D1]
    pw1r = misc_ref[2:3, :D1]
    nrm1 = jnp.sqrt(jnp.sum(pw1r * pw1r))
    z1 = _dot(_q(h1), _q(pw1r), ((1,), (1,))) / nrm1
    sc_col = 1.0 / (1.0 + jnp.exp(-z1))
    niota_c = jax.lax.broadcasted_iota(jnp.int32, (R, 1), 0)
    fiota_c = niota_c.astype(_F32)
    fiota_r = jax.lax.broadcasted_iota(jnp.int32, (1, R), 1).astype(_F32)
    eye_r = (fiota_c == fiota_r).astype(_F32)
    sc_row = _dot(sc_col, eye_r, ((0,), (0,)))
    cmp = jnp.where((sc_col > sc_row) |
                    ((sc_col == sc_row) & (fiota_c < fiota_r)), 1.0, 0.0)
    rank_row = jnp.sum(cmp, axis=0, keepdims=True)
    rank_ref[...] = rank_row.astype(jnp.int32).reshape(1, 1, R)
    k1iota_c = jax.lax.broadcasted_iota(jnp.int32, (K1, 1), 0).astype(_F32)
    p_t = (k1iota_c == rank_row).astype(_F32)
    vals1 = _dot(p_t, sc_col, ((1,), (0,)))
    x1g = _dot(p_t, h1 * sc_col, ((1,), (0,)))
    k1iota_r = jax.lax.broadcasted_iota(jnp.int32, (1, K1), 1).astype(_F32)
    eye_k1 = (k1iota_c == k1iota_r).astype(_F32)
    vals1_row = _dot(vals1, eye_k1, ((0,), (0,)))
    m1 = jnp.max(vals1_row)
    e1 = jnp.exp(vals1_row - m1)
    s1_ref[...] = vals1_row.reshape(1, 1, K1)
    sn1_ref[...] = (e1 / jnp.sum(e1)).reshape(1, 1, K1)

    c2 = jnp.maximum(_q(wa2_ref[...]), 0.0)
    c2l = _dot(p_t, c2, ((1,), (0,)))
    t2 = jnp.dot(x1g, wb2t_ref[...], preferred_element_type=_F32)
    h2pre = jnp.zeros((K1, D2), _F32)
    for k in range(K):
        h2pre = h2pre + c2l[:, k:k + 1] * t2[:, k * D2:(k + 1) * D2]
    h2pre_ref[...] = _dot(h2pre, _eye(K1, 128), ((0,), (0,))).reshape(1, D2, 128)

    feat12 = jnp.concatenate([
        jnp.max(x1g, axis=0, keepdims=True),
        jnp.mean(x1g, axis=0, keepdims=True),
    ], axis=1)
    feat12_ref[...] = feat12.reshape(1, 1, 2 * D1)


def _topk2_body(agg2_ref, misc_ref, sn2_ref, feat34_ref):
    aggt = agg2_ref[0]
    h2 = _dot(_eye(K1, 128), aggt, ((1,), (1,))) + misc_ref[1:2, :D2]
    pw2r = misc_ref[3:4, :D2]
    nrm2 = jnp.sqrt(jnp.sum(pw2r * pw2r))
    z2 = _dot(_q(h2), _q(pw2r), ((1,), (1,))) / nrm2
    sc2_col = 1.0 / (1.0 + jnp.exp(-z2))
    k1iota_c = jax.lax.broadcasted_iota(jnp.int32, (K1, 1), 0).astype(_F32)
    k1iota_r = jax.lax.broadcasted_iota(jnp.int32, (1, K1), 1).astype(_F32)
    eye_k1 = (k1iota_c == k1iota_r).astype(_F32)
    sc2_row = _dot(sc2_col, eye_k1, ((0,), (0,)))
    cmp2 = jnp.where((sc2_col > sc2_row) |
                     ((sc2_col == sc2_row) & (k1iota_c < k1iota_r)), 1.0, 0.0)
    rank2_row = jnp.sum(cmp2, axis=0, keepdims=True)
    k2iota_c = jax.lax.broadcasted_iota(jnp.int32, (K2, 1), 0).astype(_F32)
    p2_t = (k2iota_c == rank2_row).astype(_F32)
    vals2 = _dot(p2_t, sc2_col, ((1,), (0,)))
    x2g = _dot(p2_t, h2 * sc2_col, ((1,), (0,)))
    k2iota_r = jax.lax.broadcasted_iota(jnp.int32, (1, K2), 1).astype(_F32)
    eye_k2 = (k2iota_c == k2iota_r).astype(_F32)
    vals2_row = _dot(vals2, eye_k2, ((0,), (0,)))
    m2 = jnp.max(vals2_row)
    e2 = jnp.exp(vals2_row - m2)
    sn2_ref[...] = (e2 / jnp.sum(e2)).reshape(1, 1, K2)
    feat34 = jnp.concatenate([
        jnp.max(x2g, axis=0, keepdims=True),
        jnp.mean(x2g, axis=0, keepdims=True),
    ], axis=1)
    feat34_ref[...] = feat34.reshape(1, 1, 2 * D2)


def _mlp_body(feat_ref, w1_ref, w2_ref, w3_ref, misc_ref, out_ref):
    h = jnp.dot(_q(feat_ref[...]), _q(w1_ref[...]),
                preferred_element_type=_F32,
                precision=jax.lax.Precision.HIGHEST)
    h = h + misc_ref[0:1, :D2]
    a1 = misc_ref[7:8, 0:1]
    h = jnp.where(h > 0, h, a1 * h)
    m = jnp.mean(h, axis=0, keepdims=True)
    v = jnp.mean((h - m) ** 2, axis=0, keepdims=True)
    h = misc_ref[1:2, :D2] * (h - m) / jnp.sqrt(v + 1e-5) + misc_ref[2:3, :D2]

    h = jnp.dot(_q(h), _q(w2_ref[...]), preferred_element_type=_F32,
                precision=jax.lax.Precision.HIGHEST)
    h = h + misc_ref[3:4, :]
    a2 = misc_ref[7:8, 1:2]
    h = jnp.where(h > 0, h, a2 * h)
    m = jnp.mean(h, axis=0, keepdims=True)
    v = jnp.mean((h - m) ** 2, axis=0, keepdims=True)
    h = misc_ref[4:5, :] * (h - m) / jnp.sqrt(v + 1e-5) + misc_ref[5:6, :]

    logits = jnp.dot(_q(h), _q(w3_ref[...]), preferred_element_type=_F32,
                     precision=jax.lax.Precision.HIGHEST)
    logits = logits + misc_ref[6:7, :NC]
    mx = jnp.max(logits, axis=1, keepdims=True)
    lse = mx + jnp.log(jnp.sum(jnp.exp(logits - mx), axis=1, keepdims=True))
    out_ref[...] = logits - lse


def kernel(x, pos, edge_index, edge_attr, Wa1, Wb1, bc1, Wa2, Wb2, bc2,
           pw1, pw2, W1, b1, a1, g1, be1, W2, b2, a2, g2, be2, W3, b3):
    del pos
    sc_mesh = plsc.VectorSubcoreMesh(core_axis_name="c", subcore_axis_name="s")
    src_e = edge_index[0]
    dst_e = edge_index[1]
    wb1t = Wb1.reshape(K, R, D1).transpose(1, 0, 2).reshape(R, K * D1)
    wb2t = Wb2.reshape(K, D1, D2).transpose(1, 0, 2).reshape(D1, K * D2)
    misc = (jnp.zeros((8, 128), _F32)
            .at[0, :D1].set(bc1).at[1, :D2].set(bc2)
            .at[2, :D1].set(pw1).at[3, :D2].set(pw2))

    h1pre = pl.pallas_call(
        _pre1_body,
        grid=(B,),
        in_specs=[
            pl.BlockSpec((R, R), lambda g: (g, 0)),
            pl.BlockSpec((R, K), lambda g: (0, 0)),
            pl.BlockSpec((R, K * D1), lambda g: (0, 0)),
        ],
        out_specs=pl.BlockSpec((1, D1, R), lambda g: (g, 0, 0)),
        out_shape=jax.ShapeDtypeStruct((B, D1, R), _F32),
    )(x, Wa1, wb1t)

    agg1_flat = pl.kernel(
        _sc_agg1_body,
        out_type=jax.ShapeDtypeStruct((B, D1, R), _F32),
        mesh=sc_mesh,
        compiler_params=pltpu.CompilerParams(needs_layout_passes=False, use_tc_tiling_on_sc=False),
        scratch_types=[
            pltpu.VMEM((D1, 208), _F32),
            pltpu.VMEM((EG,), jnp.int32),
            pltpu.VMEM((EG,), jnp.int32),
            pltpu.VMEM((EG,), _F32),
            pltpu.VMEM((208,), _F32),
            pltpu.VMEM((D1, 208), _F32),
        ],
    )(h1pre, src_e, dst_e, edge_attr)

    s13, sn13, feat12, h2pre, rank1 = pl.pallas_call(
        _topk1_body,
        grid=(B,),
        in_specs=[
            pl.BlockSpec((1, D1, R), lambda g: (g, 0, 0)),
            pl.BlockSpec((R, K), lambda g: (0, 0)),
            pl.BlockSpec((D1, K * D2), lambda g: (0, 0)),
            pl.BlockSpec((8, 128), lambda g: (0, 0)),
        ],
        out_specs=[
            pl.BlockSpec((1, 1, K1), lambda g: (g, 0, 0)),
            pl.BlockSpec((1, 1, K1), lambda g: (g, 0, 0)),
            pl.BlockSpec((1, 1, 2 * D1), lambda g: (g, 0, 0)),
            pl.BlockSpec((1, D2, 128), lambda g: (g, 0, 0)),
            pl.BlockSpec((1, 1, R), lambda g: (g, 0, 0)),
        ],
        out_shape=[
            jax.ShapeDtypeStruct((B, 1, K1), _F32),
            jax.ShapeDtypeStruct((B, 1, K1), _F32),
            jax.ShapeDtypeStruct((B, 1, 2 * D1), _F32),
            jax.ShapeDtypeStruct((B, D2, 128), _F32),
            jax.ShapeDtypeStruct((B, 1, R), jnp.int32),
        ],
    )(agg1_flat, Wa2, wb2t, misc)

    agg2_flat = pl.kernel(
        _sc_agg2_body,
        out_type=jax.ShapeDtypeStruct((B, D2, 128), _F32),
        mesh=sc_mesh,
        compiler_params=pltpu.CompilerParams(needs_layout_passes=False, use_tc_tiling_on_sc=False),
        scratch_types=[
            pltpu.VMEM((D2, 128), _F32),
            pltpu.VMEM((EG,), jnp.int32),
            pltpu.VMEM((EG,), jnp.int32),
            pltpu.VMEM((EG,), _F32),
            pltpu.VMEM((R,), jnp.int32),
            pltpu.VMEM((128,), _F32),
            pltpu.VMEM((D2, 128), _F32),
        ],
    )(h2pre, src_e, dst_e, edge_attr, rank1.reshape(N))

    sn23, feat34 = pl.pallas_call(
        _topk2_body,
        grid=(B,),
        in_specs=[
            pl.BlockSpec((1, D2, 128), lambda g: (g, 0, 0)),
            pl.BlockSpec((8, 128), lambda g: (0, 0)),
        ],
        out_specs=[
            pl.BlockSpec((1, 1, K2), lambda g: (g, 0, 0)),
            pl.BlockSpec((1, 1, 2 * D2), lambda g: (g, 0, 0)),
        ],
        out_shape=[
            jax.ShapeDtypeStruct((B, 1, K2), _F32),
            jax.ShapeDtypeStruct((B, 1, 2 * D2), _F32),
        ],
    )(agg2_flat, misc)

    feat = jnp.concatenate([feat12.reshape(B, 2 * D1),
                            feat34.reshape(B, 2 * D2)], axis=1)

    misc2 = (jnp.zeros((8, D3), _F32)
             .at[0, :D2].set(b1).at[1, :D2].set(g1).at[2, :D2].set(be1)
             .at[3, :].set(b2).at[4, :].set(g2).at[5, :].set(be2)
             .at[6, :NC].set(b3).at[7, 0].set(a1).at[7, 1].set(a2))
    xout = pl.pallas_call(
        _mlp_body,
        out_shape=jax.ShapeDtypeStruct((B, NC), _F32),
    )(feat, W1, W2, W3, misc2)

    return (xout, pw1, pw2,
            sn13.reshape(B, K1), sn23.reshape(B, K2), s13.reshape(B, K1))

# --- scband reference (transcript-rebuilt; emitter-appended) ---
"""Pipeline reference for scband-brain-gnn-67808943669827 (READ-ONLY COPY).

The authoritative reference and input builder live on the scoring server;
editing this copy changes nothing except your own understanding.
"""

import jax, jax.numpy as jnp
import numpy as np
import math

B = 100; R = 200; DEG = 16
K = 8; D1 = 32; D2 = 32; D3 = 512; NC = 2; RATIO = 0.5
N = B * R; E = N * DEG
K1 = int(math.ceil(RATIO * R)); N1 = B * K1
K2 = int(math.ceil(RATIO * K1)); N2 = B * K2


def setup_inputs(seed: int = 0):
    key = jax.random.key(seed)
    ks = jax.random.split(key, 16)
    x = jax.random.normal(ks[0], (N, R), dtype=jnp.float32)
    pos = jnp.tile(jnp.eye(R, dtype=jnp.float32), (B, 1))
    g = jnp.repeat(jnp.arange(B), R * DEG)
    src = jax.random.randint(ks[1], (E,), 0, R) + g * R
    dst = jax.random.randint(ks[2], (E,), 0, R) + g * R
    edge_index = jnp.stack([src, dst]).astype(jnp.int32)
    edge_attr = jax.random.uniform(ks[3], (E,), dtype=jnp.float32)
    def gl(k, shape, fan):
        return (jax.random.normal(k, shape, jnp.float32) / np.sqrt(fan)).astype(jnp.float32)
    return {
        "x": x, "pos": pos, "edge_index": edge_index, "edge_attr": edge_attr,
        "Wa1": gl(ks[4], (R, K), R), "Wb1": gl(ks[5], (K, R * D1), K), "bc1": jnp.zeros((D1,), jnp.float32),
        "Wa2": gl(ks[6], (R, K), R), "Wb2": gl(ks[7], (K, D1 * D2), K), "bc2": jnp.zeros((D2,), jnp.float32),
        "pw1": gl(ks[8], (D1,), D1), "pw2": gl(ks[9], (D2,), D2),
        "W1": gl(ks[10], ((D1 + D2) * 2, D2), (D1 + D2) * 2), "b1": jnp.zeros((D2,), jnp.float32),
        "a1": jnp.float32(0.25), "g1": jnp.ones((D2,), jnp.float32), "be1": jnp.zeros((D2,), jnp.float32),
        "W2": gl(ks[11], (D2, D3), D2), "b2": jnp.zeros((D3,), jnp.float32),
        "a2": jnp.float32(0.25), "g2": jnp.ones((D3,), jnp.float32), "be2": jnp.zeros((D3,), jnp.float32),
        "W3": gl(ks[12], (D3, NC), D3), "b3": jnp.zeros((NC,), jnp.float32),
    }


def _seg_softmax(w, dst, mask, n):
    wm = jnp.where(mask, w, -1e30)
    mx = jax.lax.stop_gradient(jax.ops.segment_max(wm, dst, num_segments=n))
    mx = jnp.where(mx < -1e29, 0.0, mx)
    e = jnp.exp(wm - mx[dst]) * mask.astype(w.dtype)
    s = jax.ops.segment_sum(e, dst, num_segments=n)
    return e / jnp.maximum(s[dst], 1e-16)


def _gconv(x, pos, src, dst, ew, mask, n, Wa, Wb, bias, din, dout):
    # Ra-GConv: per-node weight basis from ROI positional one-hot
    c = jax.nn.relu(pos @ Wa)                                  # [n, K]
    t = jnp.einsum('ni,kio->nko', x, Wb.reshape(K, din, dout)) # basis-transformed features
    h = jnp.einsum('nk,nko->no', c, t)                         # x @ W(pos), without materializing [n, din, dout]
    srcc = jnp.where(mask, src, 0)
    dstc = jnp.where(mask, dst, 0)
    a = _seg_softmax(ew, dstc, mask, n)                        # edge-weight softmax per dst node
    return jax.ops.segment_sum(a[:, None] * h[srcc], dstc, num_segments=n) + bias


def _topk(x, w, npg, k):
    # pyg TopKPooling, multiplier=1, nonlinearity=Sigmoid; equal-sized graphs -> reshape topk
    score = jax.nn.sigmoid((x @ w) / jnp.linalg.norm(w))
    vals, idx = jax.lax.top_k(score.reshape(B, npg), k)
    perm = (idx + (jnp.arange(B) * npg)[:, None]).reshape(-1)
    xk = x[perm] * vals.reshape(-1)[:, None]
    return xk, perm, vals.reshape(-1), jax.nn.softmax(vals, axis=1).reshape(-1)


def _prelu(x, a):
    return jnp.where(x > 0, x, a * x)


def _bn(x, g, b):
    m = x.mean(0); v = x.var(0)
    return g * (x - m) / jnp.sqrt(v + 1e-5) + b


def _forward(x, pos, edge_attr, Wa1, Wb1, bc1, Wa2, Wb2, bc2, pw1, pw2,
             W1, b1, a1, g1, be1, W2, b2, a2, g2, be2, W3, b3, src, dst):
    m0 = jnp.ones((E,), bool)
    h1 = _gconv(x, pos, src, dst, edge_attr, m0, N, Wa1, Wb1, bc1, R, D1)
    x1, perm1, s1, sn1 = _topk(h1, pw1, R, K1)
    pos1 = pos[perm1]
    newid = jnp.full((N,), -1).at[perm1].set(jnp.arange(N1))
    s1i = newid[src]; d1i = newid[dst]
    m1 = (s1i >= 0) & (d1i >= 0)
    h2 = _gconv(x1, pos1, s1i, d1i, edge_attr, m1, N1, Wa2, Wb2, bc2, D1, D2)
    x2, perm2, s2, sn2 = _topk(h2, pw2, K1, K2)
    r1 = x1.reshape(B, K1, D1); r2 = x2.reshape(B, K2, D2)
    feat = jnp.concatenate([r1.max(1), r1.mean(1), r2.max(1), r2.mean(1)], axis=1)
    h = _bn(_prelu(feat @ W1 + b1, a1), g1, be1)
    h = _bn(_prelu(h @ W2 + b2, a2), g2, be2)
    xout = jax.nn.log_softmax(h @ W3 + b3, axis=-1)
    return xout, sn1, sn2, s1


def reference(x, pos, edge_index, edge_attr, Wa1, Wb1, bc1, Wa2, Wb2, bc2, pw1, pw2,
              W1, b1, a1, g1, be1, W2, b2, a2, g2, be2, W3, b3):
    xout, sn1, sn2, s1 = _forward(x, pos, edge_attr, Wa1, Wb1, bc1, Wa2, Wb2, bc2, pw1, pw2,
                                  W1, b1, a1, g1, be1, W2, b2, a2, g2, be2, W3, b3,
                                  edge_index[0], edge_index[1])
    return (xout, pw1, pw2, sn1.reshape(B, -1), sn2.reshape(B, -1), s1.reshape(B, -1))

if __name__ == "__main__":
    import jax
    _d = setup_inputs()
    print(jax.jit(kernel)(*tuple(_d.values())))

</pallas_src>

<mosaic_0001>
#map = affine_map<(d0, d1) -> (0, 0, 0)>
#map1 = affine_map<(d0, d1) -> (0)>
module attributes {stable_mosaic.version = 14 : i64} {
  func.func @_sc_agg1_body(%arg0: i32, %arg1: i32, %arg2: memref<100x32x200xf32, #tpu.memory_space<hbm>>, %arg3: memref<320000xi32, #tpu.memory_space<hbm>>, %arg4: memref<320000xi32, #tpu.memory_space<hbm>>, %arg5: memref<320000xf32, #tpu.memory_space<hbm>>, %arg6: memref<100x32x200xf32, #tpu.memory_space<hbm>>, %arg7: memref<32x208xf32, #tpu.memory_space<vmem>>, %arg8: memref<3200xi32, #tpu.memory_space<vmem>>, %arg9: memref<3200xi32, #tpu.memory_space<vmem>>, %arg10: memref<3200xf32, #tpu.memory_space<vmem>>, %arg11: memref<208xf32, #tpu.memory_space<vmem>>, %arg12: memref<32x208xf32, #tpu.memory_space<vmem>>) attributes {dimension_semantics = [#tpu.dimension_semantics<core_parallel>, #tpu.dimension_semantics<subcore_parallel>], iteration_bounds = array<i64: 2, 16>, scalar_prefetch = 0 : i64, scratch_operands = 6 : i64, tpu.core_type = #tpu.core_type<sc_vector_subcore>, window_params = [{transform_indices = #map}, {transform_indices = #map1}, {transform_indices = #map1}, {transform_indices = #map1}, {transform_indices = #map}]} {
    %mul3A = arith.constant 2 : i32
    %mul3A_0 = arith.muli %arg1, %mul3A : i32
    %add3A = arith.addi %mul3A_0, %arg0 : i32
    %scan3A = arith.constant 0 : i32
    %scan3A_1 = arith.constant 0 : i32
    %scan3A_2 = arith.constant 4 : i32
    %scan3A_3 = arith.addi %scan3A_1, %scan3A_2 : i32
    %scan3A_4 = arith.constant 1 : i32
    scf.for %scan3A_6 = %scan3A_1 to %scan3A_3 step %scan3A_4  : i32 {
      %mul3A_7 = arith.constant 32 : i32
      %mul3A_8 = arith.muli %scan3A_6, %mul3A_7 : i32
      %add3A_9 = arith.addi %add3A, %mul3A_8 : i32
      %lt3A = arith.constant 100 : i32
      %lt3A_10 = arith.cmpi slt, %add3A_9, %lt3A : i32
      %convert_element_type3A = arith.extui %lt3A_10 : i1 to i32
      %cond3A = arith.constant 0 : i32
      %cond3A_11 = arith.cmpi ne, %convert_element_type3A, %cond3A : i32
      scf.if %cond3A_11 {
        %mul3A_12 = arith.constant 200 : i32
        %mul3A_13 = arith.muli %add3A_9, %mul3A_12 : i32
        "tpu.region"() ({
          %run_scoped3A = tpu.sem_alloc : memref<!tpu.dma_semaphore, #tpu.memory_space<semaphore_mem>>
          %dma_start3A = arith.constant 0 : i32
          %dma_start3A_31 = arith.constant 0 : i32
          %dma_start3A_32 = tpu.memref_slice %arg7[%dma_start3A, %dma_start3A_31] : memref<32x208xf32, #tpu.memory_space<vmem>> -> memref<32x200xf32, #tpu.memory_space<vmem>>
          %dma_start3A_33 = arith.constant 0 : i32
          %dma_start3A_34 = arith.constant 0 : i32
          %dma_start3A_35 = tpu.memref_slice %arg2[%add3A_9, %dma_start3A_33, %dma_start3A_34] : memref<100x32x200xf32, #tpu.memory_space<hbm>> -> memref<1x32x200xf32, #tpu.memory_space<hbm>>
          %dma_start3A_36 = tpu.memref_squeeze %dma_start3A_35 : memref<1x32x200xf32, #tpu.memory_space<hbm>> -> memref<32x200xf32, #tpu.memory_space<hbm>>
          %dma_start3A_37 = arith.constant 0 : i32
          %dma_start3A_38 = arith.constant 0 : i32
          %dma_start3A_39 = tpu.memref_slice %arg7[%dma_start3A_37, %dma_start3A_38] : memref<32x208xf32, #tpu.memory_space<vmem>> -> memref<32x200xf32, #tpu.memory_space<vmem>>
          %dma_start3A_40 = arith.constant 0 : i32
          %dma_start3A_41 = arith.constant 0 : i32
          %dma_start3A_42 = tpu.memref_slice %arg2[%add3A_9, %dma_start3A_40, %dma_start3A_41] : memref<100x32x200xf32, #tpu.memory_space<hbm>> -> memref<1x32x200xf32, #tpu.memory_space<hbm>>
          %dma_start3A_43 = tpu.memref_squeeze %dma_start3A_42 : memref<1x32x200xf32, #tpu.memory_space<hbm>> -> memref<32x200xf32, #tpu.memory_space<hbm>>
          tpu.enqueue_dma source(%dma_start3A_43 : memref<32x200xf32, #tpu.memory_space<hbm>>) target(%dma_start3A_39 : memref<32x200xf32, #tpu.memory_space<vmem>>) target_semaphore(%run_scoped3A : memref<!tpu.dma_semaphore, #tpu.memory_space<semaphore_mem>>)
          %dma_wait3A = arith.constant 0 : i32
          %dma_wait3A_44 = arith.constant 0 : i32
          %dma_wait3A_45 = tpu.memref_slice %arg7[%dma_wait3A, %dma_wait3A_44] : memref<32x208xf32, #tpu.memory_space<vmem>> -> memref<32x200xf32, #tpu.memory_space<vmem>>
          %dma_wait3A_46 = arith.constant 0 : i32
          %dma_wait3A_47 = arith.constant 0 : i32
          %dma_wait3A_48 = tpu.memref_slice %arg2[%add3A_9, %dma_wait3A_46, %dma_wait3A_47] : memref<100x32x200xf32, #tpu.memory_space<hbm>> -> memref<1x32x200xf32, #tpu.memory_space<hbm>>
          %dma_wait3A_49 = tpu.memref_squeeze %dma_wait3A_48 : memref<1x32x200xf32, #tpu.memory_space<hbm>> -> memref<32x200xf32, #tpu.memory_space<hbm>>
          %dma_wait3A_50 = arith.constant 0 : i32
          %dma_wait3A_51 = arith.constant 0 : i32
          %dma_wait3A_52 = tpu.memref_slice %arg7[%dma_wait3A_50, %dma_wait3A_51] : memref<32x208xf32, #tpu.memory_space<vmem>> -> memref<32x200xf32, #tpu.memory_space<vmem>>
          %dma_wait3A_53 = arith.constant 0 : i32
          %dma_wait3A_54 = arith.constant 0 : i32
          %dma_wait3A_55 = tpu.memref_slice %arg2[%add3A_9, %dma_wait3A_53, %dma_wait3A_54] : memref<100x32x200xf32, #tpu.memory_space<hbm>> -> memref<1x32x200xf32, #tpu.memory_space<hbm>>
          %dma_wait3A_56 = tpu.memref_squeeze %dma_wait3A_55 : memref<1x32x200xf32, #tpu.memory_space<hbm>> -> memref<32x200xf32, #tpu.memory_space<hbm>>
          tpu.wait_dma2 semaphore(%run_scoped3A : memref<!tpu.dma_semaphore, #tpu.memory_space<semaphore_mem>>) src(%dma_wait3A_56 : memref<32x200xf32, #tpu.memory_space<hbm>>) dst(%dma_wait3A_52 : memref<32x200xf32, #tpu.memory_space<vmem>>)
          tpu.yield
        }) : () -> ()
        %mul3A_14 = arith.constant 3200 : i32
        %mul3A_15 = arith.muli %add3A_9, %mul3A_14 : i32
        "tpu.region"() ({
          %run_scoped3A = tpu.sem_alloc : memref<!tpu.dma_semaphore, #tpu.memory_space<semaphore_mem>>
          %dma_start3A = tpu.memref_slice %arg3[%mul3A_15] : memref<320000xi32, #tpu.memory_space<hbm>> -> memref<3200xi32, #tpu.memory_space<hbm>>
          %dma_start3A_31 = tpu.memref_slice %arg3[%mul3A_15] : memref<320000xi32, #tpu.memory_space<hbm>> -> memref<3200xi32, #tpu.memory_space<hbm>>
          tpu.enqueue_dma source(%dma_start3A_31 : memref<3200xi32, #tpu.memory_space<hbm>>) target(%arg8 : memref<3200xi32, #tpu.memory_space<vmem>>) target_semaphore(%run_scoped3A : memref<!tpu.dma_semaphore, #tpu.memory_space<semaphore_mem>>)
          %dma_wait3A = tpu.memref_slice %arg3[%mul3A_15] : memref<320000xi32, #tpu.memory_space<hbm>> -> memref<3200xi32, #tpu.memory_space<hbm>>
          %dma_wait3A_32 = tpu.memref_slice %arg3[%mul3A_15] : memref<320000xi32, #tpu.memory_space<hbm>> -> memref<3200xi32, #tpu.memory_space<hbm>>
          tpu.wait_dma2 semaphore(%run_scoped3A : memref<!tpu.dma_semaphore, #tpu.memory_space<semaphore_mem>>) src(%dma_wait3A_32 : memref<3200xi32, #tpu.memory_space<hbm>>) dst(%arg8 : memref<3200xi32, #tpu.memory_space<vmem>>)
          tpu.yield
        }) : () -> ()
        %mul3A_16 = arith.constant 3200 : i32
        %mul3A_17 = arith.muli %add3A_9, %mul3A_16 : i32
        "tpu.region"() ({
          %run_scoped3A = tpu.sem_alloc : memref<!tpu.dma_semaphore, #tpu.memory_space<semaphore_mem>>
          %dma_start3A = tpu.memref_slice %arg4[%mul3A_17] : memref<320000xi32, #tpu.memory_space<hbm>> -> memref<3200xi32, #tpu.memory_space<hbm>>
          %dma_start3A_31 = tpu.memref_slice %arg4[%mul3A_17] : memref<320000xi32, #tpu.memory_space<hbm>> -> memref<3200xi32, #tpu.memory_space<hbm>>
          tpu.enqueue_dma source(%dma_start3A_31 : memref<3200xi32, #tpu.memory_space<hbm>>) target(%arg9 : memref<3200xi32, #tpu.memory_space<vmem>>) target_semaphore(%run_scoped3A : memref<!tpu.dma_semaphore, #tpu.memory_space<semaphore_mem>>)
          %dma_wait3A = tpu.memref_slice %arg4[%mul3A_17] : memref<320000xi32, #tpu.memory_space<hbm>> -> memref<3200xi32, #tpu.memory_space<hbm>>
          %dma_wait3A_32 = tpu.memref_slice %arg4[%mul3A_17] : memref<320000xi32, #tpu.memory_space<hbm>> -> memref<3200xi32, #tpu.memory_space<hbm>>
          tpu.wait_dma2 semaphore(%run_scoped3A : memref<!tpu.dma_semaphore, #tpu.memory_space<semaphore_mem>>) src(%dma_wait3A_32 : memref<3200xi32, #tpu.memory_space<hbm>>) dst(%arg9 : memref<3200xi32, #tpu.memory_space<vmem>>)
          tpu.yield
        }) : () -> ()
        %mul3A_18 = arith.constant 3200 : i32
        %mul3A_19 = arith.muli %add3A_9, %mul3A_18 : i32
        "tpu.region"() ({
          %run_scoped3A = tpu.sem_alloc : memref<!tpu.dma_semaphore, #tpu.memory_space<semaphore_mem>>
          %dma_start3A = tpu.memref_slice %arg5[%mul3A_19] : memref<320000xf32, #tpu.memory_space<hbm>> -> memref<3200xf32, #tpu.memory_space<hbm>>
          %dma_start3A_31 = tpu.memref_slice %arg5[%mul3A_19] : memref<320000xf32, #tpu.memory_space<hbm>> -> memref<3200xf32, #tpu.memory_space<hbm>>
          tpu.enqueue_dma source(%dma_start3A_31 : memref<3200xf32, #tpu.memory_space<hbm>>) target(%arg10 : memref<3200xf32, #tpu.memory_space<vmem>>) target_semaphore(%run_scoped3A : memref<!tpu.dma_semaphore, #tpu.memory_space<semaphore_mem>>)
          %dma_wait3A = tpu.memref_slice %arg5[%mul3A_19] : memref<320000xf32, #tpu.memory_space<hbm>> -> memref<3200xf32, #tpu.memory_space<hbm>>
          %dma_wait3A_32 = tpu.memref_slice %arg5[%mul3A_19] : memref<320000xf32, #tpu.memory_space<hbm>> -> memref<3200xf32, #tpu.memory_space<hbm>>
          tpu.wait_dma2 semaphore(%run_scoped3A : memref<!tpu.dma_semaphore, #tpu.memory_space<semaphore_mem>>) src(%dma_wait3A_32 : memref<3200xf32, #tpu.memory_space<hbm>>) dst(%arg10 : memref<3200xf32, #tpu.memory_space<vmem>>)
          tpu.yield
        }) : () -> ()
        %parallel_loop3A = arith.constant 0 : i32
        %parallel_loop3A_20 = arith.constant 13 : i32
        %parallel_loop3A_21 = arith.constant 1 : i32
        scf.for %parallel_loop3A_31 = %parallel_loop3A to %parallel_loop3A_20 step %parallel_loop3A_21  : i32 {
          %parallel_loop3A_32 = arith.constant 0.000000e+00 : f32
          %parallel_loop3A_33 = vector.broadcast %parallel_loop3A_32 : f32 to vector<16xf32>
          %parallel_loop3A_34 = arith.constant 16 : i32
          %parallel_loop3A_35 = arith.muli %parallel_loop3A_31, %parallel_loop3A_34 : i32
          %parallel_loop3A_36 = arith.index_cast %parallel_loop3A_35 : i32 to index
          %parallel_loop3A_37 = tpu.vector_load %arg11[%parallel_loop3A_36] {strides = array<i32>} : memref<208xf32, #tpu.memory_space<vmem>>, vector<16xf32>,
          tpu.vector_store %arg11[%parallel_loop3A_36], %parallel_loop3A_33 {strides = array<i32>} : memref<208xf32, #tpu.memory_space<vmem>>, vector<16xf32>,
        } {sc.loop_unroll_factor = 1 : i64, sc.parallel_access}
        %parallel_loop3A_22 = arith.constant 0 : i32
        %parallel_loop3A_23 = arith.constant 13 : i32
        %parallel_loop3A_24 = arith.constant 1 : i32
        scf.for %parallel_loop3A_31 = %parallel_loop3A_22 to %parallel_loop3A_23 step %parallel_loop3A_24  : i32 {
          %parallel_loop3A_32 = arith.constant 0.000000e+00 : f32
          %parallel_loop3A_33 = vector.broadcast %parallel_loop3A_32 : f32 to vector<16xf32>
          %parallel_loop3A_34 = arith.constant 16 : i32
          %parallel_loop3A_35 = arith.muli %parallel_loop3A_31, %parallel_loop3A_34 : i32
          %parallel_loop3A_36 = arith.constant 0 : i32
          %parallel_loop3A_37 = arith.index_cast %parallel_loop3A_36 : i32 to index
          %parallel_loop3A_38 = arith.index_cast %parallel_loop3A_35 : i32 to index
          %parallel_loop3A_39 = tpu.vector_load %arg12[%parallel_loop3A_37, %parallel_loop3A_38] {strides = array<i32>} : memref<32x208xf32, #tpu.memory_space<vmem>>, vector<16xf32>,
          tpu.vector_store %arg12[%parallel_loop3A_37, %parallel_loop3A_38], %parallel_loop3A_33 {strides = array<i32>} : memref<32x208xf32, #tpu.memory_space<vmem>>, vector<16xf32>,
          %parallel_loop3A_40 = arith.constant 0.000000e+00 : f32
          %parallel_loop3A_41 = vector.broadcast %parallel_loop3A_40 : f32 to vector<16xf32>
          %parallel_loop3A_42 = arith.constant 16 : i32
          %parallel_loop3A_43 = arith.muli %parallel_loop3A_31, %parallel_loop3A_42 : i32
          %parallel_loop3A_44 = arith.constant 1 : i32
          %parallel_loop3A_45 = arith.index_cast %parallel_loop3A_44 : i32 to index
          %parallel_loop3A_46 = arith.index_cast %parallel_loop3A_43 : i32 to index
          %parallel_loop3A_47 = tpu.vector_load %arg12[%parallel_loop3A_45, %parallel_loop3A_46] {strides = array<i32>} : memref<32x208xf32, #tpu.memory_space<vmem>>, vector<16xf32>,
          tpu.vector_store %arg12[%parallel_loop3A_45, %parallel_loop3A_46], %parallel_loop3A_41 {strides = array<i32>} : memref<32x208xf32, #tpu.memory_space<vmem>>, vector<16xf32>,
          %parallel_loop3A_48 = arith.constant 0.000000e+00 : f32
          %parallel_loop3A_49 = vector.broadcast %parallel_loop3A_48 : f32 to vector<16xf32>
          %parallel_loop3A_50 = arith.constant 16 : i32
          %parallel_loop3A_51 = arith.muli %parallel_loop3A_31, %parallel_loop3A_50 : i32
          %parallel_loop3A_52 = arith.constant 2 : i32
          %parallel_loop3A_53 = arith.index_cast %parallel_loop3A_52 : i32 to index
          %parallel_loop3A_54 = arith.index_cast %parallel_loop3A_51 : i32 to index
          %parallel_loop3A_55 = tpu.vector_load %arg12[%parallel_loop3A_53, %parallel_loop3A_54] {strides = array<i32>} : memref<32x208xf32, #tpu.memory_space<vmem>>, vector<16xf32>,
          tpu.vector_store %arg12[%parallel_loop3A_53, %parallel_loop3A_54], %parallel_loop3A_49 {strides = array<i32>} : memref<32x208xf32, #tpu.memory_space<vmem>>, vector<16xf32>,
          %parallel_loop3A_56 = arith.constant 0.000000e+00 : f32
          %parallel_loop3A_57 = vector.broadcast %parallel_loop3A_56 : f32 to vector<16xf32>
          %parallel_loop3A_58 = arith.constant 16 : i32
          %parallel_loop3A_59 = arith.muli %parallel_loop3A_31, %parallel_loop3A_58 : i32
          %parallel_loop3A_60 = arith.constant 3 : i32
          %parallel_loop3A_61 = arith.index_cast %parallel_loop3A_60 : i32 to index
          %parallel_loop3A_62 = arith.index_cast %parallel_loop3A_59 : i32 to index
          %parallel_loop3A_63 = tpu.vector_load %arg12[%parallel_loop3A_61, %parallel_loop3A_62] {strides = array<i32>} : memref<32x208xf32, #tpu.memory_space<vmem>>, vector<16xf32>,
          tpu.vector_store %arg12[%parallel_loop3A_61, %parallel_loop3A_62], %parallel_loop3A_57 {strides = array<i32>} : memref<32x208xf32, #tpu.memory_space<vmem>>, vector<16xf32>,
          %parallel_loop3A_64 = arith.constant 0.000000e+00 : f32
          %parallel_loop3A_65 = vector.broadcast %parallel_loop3A_64 : f32 to vector<16xf32>
          %parallel_loop3A_66 = arith.constant 16 : i32
          %parallel_loop3A_67 = arith.muli %parallel_loop3A_31, %parallel_loop3A_66 : i32
          %parallel_loop3A_68 = arith.constant 4 : i32
          %parallel_loop3A_69 = arith.index_cast %parallel_loop3A_68 : i32 to index
          %parallel_loop3A_70 = arith.index_cast %parallel_loop3A_67 : i32 to index
          %parallel_loop3A_71 = tpu.vector_load %arg12[%parallel_loop3A_69, %parallel_loop3A_70] {strides = array<i32>} : memref<32x208xf32, #tpu.memory_space<vmem>>, vector<16xf32>,
          tpu.vector_store %arg12[%parallel_loop3A_69, %parallel_loop3A_70], %parallel_loop3A_65 {strides = array<i32>} : memref<32x208xf32, #tpu.memory_space<vmem>>, vector<16xf32>,
          %parallel_loop3A_72 = arith.constant 0.000000e+00 : f32
          %parallel_loop3A_73 = vector.broadcast %parallel_loop3A_72 : f32 to vector<16xf32>
          %parallel_loop3A_74 = arith.constant 16 : i32
          %parallel_loop3A_75 = arith.muli %parallel_loop3A_31, %parallel_loop3A_74 : i32
          %parallel_loop3A_76 = arith.constant 5 : i32
          %parallel_loop3A_77 = arith.index_cast %parallel_loop3A_76 : i32 to index
          %parallel_loop3A_78 = arith.index_cast %parallel_loop3A_75 : i32 to index
          %parallel_loop3A_79 = tpu.vector_load %arg12[%parallel_loop3A_77, %parallel_loop3A_78] {strides = array<i32>} : memref<32x208xf32, #tpu.memory_space<vmem>>, vector<16xf32>,
          tpu.vector_store %arg12[%parallel_loop3A_77, %parallel_loop3A_78], %parallel_loop3A_73 {strides = array<i32>} : memref<32x208xf32, #tpu.memory_space<vmem>>, vector<16xf32>,
          %parallel_loop3A_80 = arith.constant 0.000000e+00 : f32
          %parallel_loop3A_81 = vector.broadcast %parallel_loop3A_80 : f32 to vector<16xf32>
          %parallel_loop3A_82 = arith.constant 16 : i32
          %parallel_loop3A_83 = arith.muli %parallel_loop3A_31, %parallel_loop3A_82 : i32
          %parallel_loop3A_84 = arith.constant 6 : i32
          %parallel_loop3A_85 = arith.index_cast %parallel_loop3A_84 : i32 to index
          %parallel_loop3A_86 = arith.index_cast %parallel_loop3A_83 : i32 to index
          %parallel_loop3A_87 = tpu.vector_load %arg12[%parallel_loop3A_85, %parallel_loop3A_86] {strides = array<i32>} : memref<32x208xf32, #tpu.memory_space<vmem>>, vector<16xf32>,
          tpu.vector_store %arg12[%parallel_loop3A_85, %parallel_loop3A_86], %parallel_loop3A_81 {strides = array<i32>} : memref<32x208xf32, #tpu.memory_space<vmem>>, vector<16xf32>,
          %parallel_loop3A_88 = arith.constant 0.000000e+00 : f32
          %parallel_loop3A_89 = vector.broadcast %parallel_loop3A_88 : f32 to vector<16xf32>
          %parallel_loop3A_90 = arith.constant 16 : i32
          %parallel_loop3A_91 = arith.muli %parallel_loop3A_31, %parallel_loop3A_90 : i32
          %parallel_loop3A_92 = arith.constant 7 : i32
          %parallel_loop3A_93 = arith.index_cast %parallel_loop3A_92 : i32 to index
          %parallel_loop3A_94 = arith.index_cast %parallel_loop3A_91 : i32 to index
          %parallel_loop3A_95 = tpu.vector_load %arg12[%parallel_loop3A_93, %parallel_loop3A_94] {strides = array<i32>} : memref<32x208xf32, #tpu.memory_space<vmem>>, vector<16xf32>,
          tpu.vector_store %arg12[%parallel_loop3A_93, %parallel_loop3A_94], %parallel_loop3A_89 {strides = array<i32>} : memref<32x208xf32, #tpu.memory_space<vmem>>, vector<16xf32>,
          %parallel_loop3A_96 = arith.constant 0.000000e+00 : f32
          %parallel_loop3A_97 = vector.broadcast %parallel_loop3A_96 : f32 to vector<16xf32>
          %parallel_loop3A_98 = arith.constant 16 : i32
          %parallel_loop3A_99 = arith.muli %parallel_loop3A_31, %parallel_loop3A_98 : i32
          %parallel_loop3A_100 = arith.constant 8 : i32
          %parallel_loop3A_101 = arith.index_cast %parallel_loop3A_100 : i32 to index
          %parallel_loop3A_102 = arith.index_cast %parallel_loop3A_99 : i32 to index
          %parallel_loop3A_103 = tpu.vector_load %arg12[%parallel_loop3A_101, %parallel_loop3A_102] {strides = array<i32>} : memref<32x208xf32, #tpu.memory_space<vmem>>, vector<16xf32>,
          tpu.vector_store %arg12[%parallel_loop3A_101, %parallel_loop3A_102], %parallel_loop3A_97 {strides = array<i32>} : memref<32x208xf32, #tpu.memory_space<vmem>>, vector<16xf32>,
          %parallel_loop3A_104 = arith.constant 0.000000e+00 : f32
          %parallel_loop3A_105 = vector.broadcast %parallel_loop3A_104 : f32 to vector<16xf32>
          %parallel_loop3A_106 = arith.constant 16 : i32
          %parallel_loop3A_107 = arith.muli %parallel_loop3A_31, %parallel_loop3A_106 : i32
          %parallel_loop3A_108 = arith.constant 9 : i32
          %parallel_loop3A_109 = arith.index_cast %parallel_loop3A_108 : i32 to index
          %parallel_loop3A_110 = arith.index_cast %parallel_loop3A_107 : i32 to index
          %parallel_loop3A_111 = tpu.vector_load %arg12[%parallel_loop3A_109, %parallel_loop3A_110] {strides = array<i32>} : memref<32x208xf32, #tpu.memory_space<vmem>>, vector<16xf32>,
          tpu.vector_store %arg12[%parallel_loop3A_109, %parallel_loop3A_110], %parallel_loop3A_105 {strides = array<i32>} : memref<32x208xf32, #tpu.memory_space<vmem>>, vector<16xf32>,
          %parallel_loop3A_112 = arith.constant 0.000000e+00 : f32
          %parallel_loop3A_113 = vector.broadcast %parallel_loop3A_112 : f32 to vector<16xf32>
          %parallel_loop3A_114 = arith.constant 16 : i32
          %parallel_loop3A_115 = arith.muli %parallel_loop3A_31, %parallel_loop3A_114 : i32
          %parallel_loop3A_116 = arith.constant 10 : i32
          %parallel_loop3A_117 = arith.index_cast %parallel_loop3A_116 : i32 to index
          %parallel_loop3A_118 = arith.index_cast %parallel_loop3A_115 : i32 to index
          %parallel_loop3A_119 = tpu.vector_load %arg12[%parallel_loop3A_117, %parallel_loop3A_118] {strides = array<i32>} : memref<32x208xf32, #tpu.memory_space<vmem>>, vector<16xf32>,
          tpu.vector_store %arg12[%parallel_loop3A_117, %parallel_loop3A_118], %parallel_loop3A_113 {strides = array<i32>} : memref<32x208xf32, #tpu.memory_space<vmem>>, vector<16xf32>,
          %parallel_loop3A_120 = arith.constant 0.000000e+00 : f32
          %parallel_loop3A_121 = vector.broadcast %parallel_loop3A_120 : f32 to vector<16xf32>
          %parallel_loop3A_122 = arith.constant 16 : i32
          %parallel_loop3A_123 = arith.muli %parallel_loop3A_31, %parallel_loop3A_122 : i32
          %parallel_loop3A_124 = arith.constant 11 : i32
          %parallel_loop3A_125 = arith.index_cast %parallel_loop3A_124 : i32 to index
          %parallel_loop3A_126 = arith.index_cast %parallel_loop3A_123 : i32 to index
          %parallel_loop3A_127 = tpu.vector_load %arg12[%parallel_loop3A_125, %parallel_loop3A_126] {strides = array<i32>} : memref<32x208xf32, #tpu.memory_space<vmem>>, vector<16xf32>,
          tpu.vector_store %arg12[%parallel_loop3A_125, %parallel_loop3A_126], %parallel_loop3A_121 {strides = array<i32>} : memref<32x208xf32, #tpu.memory_space<vmem>>, vector<16xf32>,
          %parallel_loop3A_128 = arith.constant 0.000000e+00 : f32
          %parallel_loop3A_129 = vector.broadcast %parallel_loop3A_128 : f32 to vector<16xf32>
          %parallel_loop3A_130 = arith.constant 16 : i32
          %parallel_loop3A_131 = arith.muli %parallel_loop3A_31, %parallel_loop3A_130 : i32
          %parallel_loop3A_132 = arith.constant 12 : i32
          %parallel_loop3A_133 = arith.index_cast %parallel_loop3A_132 : i32 to index
          %parallel_loop3A_134 = arith.index_cast %parallel_loop3A_131 : i32 to index
          %parallel_loop3A_135 = tpu.vector_load %arg12[%parallel_loop3A_133, %parallel_loop3A_134] {strides = array<i32>} : memref<32x208xf32, #tpu.memory_space<vmem>>, vector<16xf32>,
          tpu.vector_store %arg12[%parallel_loop3A_133, %parallel_loop3A_134], %parallel_loop3A_129 {strides = array<i32>} : memref<32x208xf32, #tpu.memory_space<vmem>>, vector<16xf32>,
          %parallel_loop3A_136 = arith.constant 0.000000e+00 : f32
          %parallel_loop3A_137 = vector.broadcast %parallel_loop3A_136 : f32 to vector<16xf32>
          %parallel_loop3A_138 = arith.constant 16 : i32
          %parallel_loop3A_139 = arith.muli %parallel_loop3A_31, %parallel_loop3A_138 : i32
          %parallel_loop3A_140 = arith.constant 13 : i32
          %parallel_loop3A_141 = arith.index_cast %parallel_loop3A_140 : i32 to index
          %parallel_loop3A_142 = arith.index_cast %parallel_loop3A_139 : i32 to index
          %parallel_loop3A_143 = tpu.vector_load %arg12[%parallel_loop3A_141, %parallel_loop3A_142] {strides = array<i32>} : memref<32x208xf32, #tpu.memory_space<vmem>>, vector<16xf32>,
          tpu.vector_store %arg12[%parallel_loop3A_141, %parallel_loop3A_142], %parallel_loop3A_137 {strides = array<i32>} : memref<32x208xf32, #tpu.memory_space<vmem>>, vector<16xf32>,
          %parallel_loop3A_144 = arith.constant 0.000000e+00 : f32
          %parallel_loop3A_145 = vector.broadcast %parallel_loop3A_144 : f32 to vector<16xf32>
          %parallel_loop3A_146 = arith.constant 16 : i32
          %parallel_loop3A_147 = arith.muli %parallel_loop3A_31, %parallel_loop3A_146 : i32
          %parallel_loop3A_148 = arith.constant 14 : i32
          %parallel_loop3A_149 = arith.index_cast %parallel_loop3A_148 : i32 to index
          %parallel_loop3A_150 = arith.index_cast %parallel_loop3A_147 : i32 to index
          %parallel_loop3A_151 = tpu.vector_load %arg12[%parallel_loop3A_149, %parallel_loop3A_150] {strides = array<i32>} : memref<32x208xf32, #tpu.memory_space<vmem>>, vector<16xf32>,
          tpu.vector_store %arg12[%parallel_loop3A_149, %parallel_loop3A_150], %parallel_loop3A_145 {strides = array<i32>} : memref<32x208xf32, #tpu.memory_space<vmem>>, vector<16xf32>,
          %parallel_loop3A_152 = arith.constant 0.000000e+00 : f32
          %parallel_loop3A_153 = vector.broadcast %parallel_loop3A_152 : f32 to vector<16xf32>
          %parallel_loop3A_154 = arith.constant 16 : i32
          %parallel_loop3A_155 = arith.muli %parallel_loop3A_31, %parallel_loop3A_154 : i32
          %parallel_loop3A_156 = arith.constant 15 : i32
          %parallel_loop3A_157 = arith.index_cast %parallel_loop3A_156 : i32 to index
          %parallel_loop3A_158 = arith.index_cast %parallel_loop3A_155 : i32 to index
          %parallel_loop3A_159 = tpu.vector_load %arg12[%parallel_loop3A_157, %parallel_loop3A_158] {strides = array<i32>} : memref<32x208xf32, #tpu.memory_space<vmem>>, vector<16xf32>,
          tpu.vector_store %arg12[%parallel_loop3A_157, %parallel_loop3A_158], %parallel_loop3A_153 {strides = array<i32>} : memref<32x208xf32, #tpu.memory_space<vmem>>, vector<16xf32>,
          %parallel_loop3A_160 = arith.constant 0.000000e+00 : f32
          %parallel_loop3A_161 = vector.broadcast %parallel_loop3A_160 : f32 to vector<16xf32>
          %parallel_loop3A_162 = arith.constant 16 : i32
          %parallel_loop3A_163 = arith.muli %parallel_loop3A_31, %parallel_loop3A_162 : i32
          %parallel_loop3A_164 = arith.constant 16 : i32
          %parallel_loop3A_165 = arith.index_cast %parallel_loop3A_164 : i32 to index
          %parallel_loop3A_166 = arith.index_cast %parallel_loop3A_163 : i32 to index
          %parallel_loop3A_167 = tpu.vector_load %arg12[%parallel_loop3A_165, %parallel_loop3A_166] {strides = array<i32>} : memref<32x208xf32, #tpu.memory_space<vmem>>, vector<16xf32>,
          tpu.vector_store %arg12[%parallel_loop3A_165, %parallel_loop3A_166], %parallel_loop3A_161 {strides = array<i32>} : memref<32x208xf32, #tpu.memory_space<vmem>>, vector<16xf32>,
          %parallel_loop3A_168 = arith.constant 0.000000e+00 : f32
          %parallel_loop3A_169 = vector.broadcast %parallel_loop3A_168 : f32 to vector<16xf32>
          %parallel_loop3A_170 = arith.constant 16 : i32
          %parallel_loop3A_171 = arith.muli %parallel_loop3A_31, %parallel_loop3A_170 : i32
          %parallel_loop3A_172 = arith.constant 17 : i32
          %parallel_loop3A_173 = arith.index_cast %parallel_loop3A_172 : i32 to index
          %parallel_loop3A_174 = arith.index_cast %parallel_loop3A_171 : i32 to index
          %parallel_loop3A_175 = tpu.vector_load %arg12[%parallel_loop3A_173, %parallel_loop3A_174] {strides = array<i32>} : memref<32x208xf32, #tpu.memory_space<vmem>>, vector<16xf32>,
          tpu.vector_store %arg12[%parallel_loop3A_173, %parallel_loop3A_174], %parallel_loop3A_169 {strides = array<i32>} : memref<32x208xf32, #tpu.memory_space<vmem>>, vector<16xf32>,
          %parallel_loop3A_176 = arith.constant 0.000000e+00 : f32
          %parallel_loop3A_177 = vector.broadcast %parallel_loop3A_176 : f32 to vector<16xf32>
          %parallel_loop3A_178 = arith.constant 16 : i32
          %parallel_loop3A_179 = arith.muli %parallel_loop3A_31, %parallel_loop3A_178 : i32
          %parallel_loop3A_180 = arith.constant 18 : i32
          %parallel_loop3A_181 = arith.index_cast %parallel_loop3A_180 : i32 to index
          %parallel_loop3A_182 = arith.index_cast %parallel_loop3A_179 : i32 to index
          %parallel_loop3A_183 = tpu.vector_load %arg12[%parallel_loop3A_181, %parallel_loop3A_182] {strides = array<i32>} : memref<32x208xf32, #tpu.memory_space<vmem>>, vector<16xf32>,
          tpu.vector_store %arg12[%parallel_loop3A_181, %parallel_loop3A_182], %parallel_loop3A_177 {strides = array<i32>} : memref<32x208xf32, #tpu.memory_space<vmem>>, vector<16xf32>,
          %parallel_loop3A_184 = arith.constant 0.000000e+00 : f32
          %parallel_loop3A_185 = vector.broadcast %parallel_loop3A_184 : f32 to vector<16xf32>
          %parallel_loop3A_186 = arith.constant 16 : i32
          %parallel_loop3A_187 = arith.muli %parallel_loop3A_31, %parallel_loop3A_186 : i32
          %parallel_loop3A_188 = arith.constant 19 : i32
          %parallel_loop3A_189 = arith.index_cast %parallel_loop3A_188 : i32 to index
          %parallel_loop3A_190 = arith.index_cast %parallel_loop3A_187 : i32 to index
          %parallel_loop3A_191 = tpu.vector_load %arg12[%parallel_loop3A_189, %parallel_loop3A_190] {strides = array<i32>} : memref<32x208xf32, #tpu.memory_space<vmem>>, vector<16xf32>,
          tpu.vector_store %arg12[%parallel_loop3A_189, %parallel_loop3A_190], %parallel_loop3A_185 {strides = array<i32>} : memref<32x208xf32, #tpu.memory_space<vmem>>, vector<16xf32>,
          %parallel_loop3A_192 = arith.constant 0.000000e+00 : f32
          %parallel_loop3A_193 = vector.broadcast %parallel_loop3A_192 : f32 to vector<16xf32>
          %parallel_loop3A_194 = arith.constant 16 : i32
          %parallel_loop3A_195 = arith.muli %parallel_loop3A_31, %parallel_loop3A_194 : i32
          %parallel_loop3A_196 = arith.constant 20 : i32
          %parallel_loop3A_197 = arith.index_cast %parallel_loop3A_196 : i32 to index
          %parallel_loop3A_198 = arith.index_cast %parallel_loop3A_195 : i32 to index
          %parallel_loop3A_199 = tpu.vector_load %arg12[%parallel_loop3A_197, %parallel_loop3A_198] {strides = array<i32>} : memref<32x208xf32, #tpu.memory_space<vmem>>, vector<16xf32>,
          tpu.vector_store %arg12[%parallel_loop3A_197, %parallel_loop3A_198], %parallel_loop3A_193 {strides = array<i32>} : memref<32x208xf32, #tpu.memory_space<vmem>>, vector<16xf32>,
          %parallel_loop3A_200 = arith.constant 0.000000e+00 : f32
          %parallel_loop3A_201 = vector.broadcast %parallel_loop3A_200 : f32 to vector<16xf32>
          %parallel_loop3A_202 = arith.constant 16 : i32
          %parallel_loop3A_203 = arith.muli %parallel_loop3A_31, %parallel_loop3A_202 : i32
          %parallel_loop3A_204 = arith.constant 21 : i32
          %parallel_loop3A_205 = arith.index_cast %parallel_loop3A_204 : i32 to index
          %parallel_loop3A_206 = arith.index_cast %parallel_loop3A_203 : i32 to index
          %parallel_loop3A_207 = tpu.vector_load %arg12[%parallel_loop3A_205, %parallel_loop3A_206] {strides = array<i32>} : memref<32x208xf32, #tpu.memory_space<vmem>>, vector<16xf32>,
          tpu.vector_store %arg12[%parallel_loop3A_205, %parallel_loop3A_206], %parallel_loop3A_201 {strides = array<i32>} : memref<32x208xf32, #tpu.memory_space<vmem>>, vector<16xf32>,
          %parallel_loop3A_208 = arith.constant 0.000000e+00 : f32
          %parallel_loop3A_209 = vector.broadcast %parallel_loop3A_208 : f32 to vector<16xf32>
          %parallel_loop3A_210 = arith.constant 16 : i32
          %parallel_loop3A_211 = arith.muli %parallel_loop3A_31, %parallel_loop3A_210 : i32
          %parallel_loop3A_212 = arith.constant 22 : i32
          %parallel_loop3A_213 = arith.index_cast %parallel_loop3A_212 : i32 to index
          %parallel_loop3A_214 = arith.index_cast %parallel_loop3A_211 : i32 to index
          %parallel_loop3A_215 = tpu.vector_load %arg12[%parallel_loop3A_213, %parallel_loop3A_214] {strides = array<i32>} : memref<32x208xf32, #tpu.memory_space<vmem>>, vector<16xf32>,
          tpu.vector_store %arg12[%parallel_loop3A_213, %parallel_loop3A_214], %parallel_loop3A_209 {strides = array<i32>} : memref<32x208xf32, #tpu.memory_space<vmem>>, vector<16xf32>,
          %parallel_loop3A_216 = arith.constant 0.000000e+00 : f32
          %parallel_loop3A_217 = vector.broadcast %parallel_loop3A_216 : f32 to vector<16xf32>
          %parallel_loop3A_218 = arith.constant 16 : i32
          %parallel_loop3A_219 = arith.muli %parallel_loop3A_31, %parallel_loop3A_218 : i32
          %parallel_loop3A_220 = arith.constant 23 : i32
          %parallel_loop3A_221 = arith.index_cast %parallel_loop3A_220 : i32 to index
          %parallel_loop3A_222 = arith.index_cast %parallel_loop3A_219 : i32 to index
          %parallel_loop3A_223 = tpu.vector_load %arg12[%parallel_loop3A_221, %parallel_loop3A_222] {strides = array<i32>} : memref<32x208xf32, #tpu.memory_space<vmem>>, vector<16xf32>,
          tpu.vector_store %arg12[%parallel_loop3A_221, %parallel_loop3A_222], %parallel_loop3A_217 {strides = array<i32>} : memref<32x208xf32, #tpu.memory_space<vmem>>, vector<16xf32>,
          %parallel_loop3A_224 = arith.constant 0.000000e+00 : f32
          %parallel_loop3A_225 = vector.broadcast %parallel_loop3A_224 : f32 to vector<16xf32>
          %parallel_loop3A_226 = arith.constant 16 : i32
          %parallel_loop3A_227 = arith.muli %parallel_loop3A_31, %parallel_loop3A_226 : i32
          %parallel_loop3A_228 = arith.constant 24 : i32
          %parallel_loop3A_229 = arith.index_cast %parallel_loop3A_228 : i32 to index
          %parallel_loop3A_230 = arith.index_cast %parallel_loop3A_227 : i32 to index
          %parallel_loop3A_231 = tpu.vector_load %arg12[%parallel_loop3A_229, %parallel_loop3A_230] {strides = array<i32>} : memref<32x208xf32, #tpu.memory_space<vmem>>, vector<16xf32>,
          tpu.vector_store %arg12[%parallel_loop3A_229, %parallel_loop3A_230], %parallel_loop3A_225 {strides = array<i32>} : memref<32x208xf32, #tpu.memory_space<vmem>>, vector<16xf32>,
          %parallel_loop3A_232 = arith.constant 0.000000e+00 : f32
          %parallel_loop3A_233 = vector.broadcast %parallel_loop3A_232 : f32 to vector<16xf32>
          %parallel_loop3A_234 = arith.constant 16 : i32
          %parallel_loop3A_235 = arith.muli %parallel_loop3A_31, %parallel_loop3A_234 : i32
          %parallel_loop3A_236 = arith.constant 25 : i32
          %parallel_loop3A_237 = arith.index_cast %parallel_loop3A_236 : i32 to index
          %parallel_loop3A_238 = arith.index_cast %parallel_loop3A_235 : i32 to index
          %parallel_loop3A_239 = tpu.vector_load %arg12[%parallel_loop3A_237, %parallel_loop3A_238] {strides = array<i32>} : memref<32x208xf32, #tpu.memory_space<vmem>>, vector<16xf32>,
          tpu.vector_store %arg12[%parallel_loop3A_237, %parallel_loop3A_238], %parallel_loop3A_233 {strides = array<i32>} : memref<32x208xf32, #tpu.memory_space<vmem>>, vector<16xf32>,
          %parallel_loop3A_240 = arith.constant 0.000000e+00 : f32
          %parallel_loop3A_241 = vector.broadcast %parallel_loop3A_240 : f32 to vector<16xf32>
          %parallel_loop3A_242 = arith.constant 16 : i32
          %parallel_loop3A_243 = arith.muli %parallel_loop3A_31, %parallel_loop3A_242 : i32
          %parallel_loop3A_244 = arith.constant 26 : i32
          %parallel_loop3A_245 = arith.index_cast %parallel_loop3A_244 : i32 to index
          %parallel_loop3A_246 = arith.index_cast %parallel_loop3A_243 : i32 to index
          %parallel_loop3A_247 = tpu.vector_load %arg12[%parallel_loop3A_245, %parallel_loop3A_246] {strides = array<i32>} : memref<32x208xf32, #tpu.memory_space<vmem>>, vector<16xf32>,
          tpu.vector_store %arg12[%parallel_loop3A_245, %parallel_loop3A_246], %parallel_loop3A_241 {strides = array<i32>} : memref<32x208xf32, #tpu.memory_space<vmem>>, vector<16xf32>,
          %parallel_loop3A_248 = arith.constant 0.000000e+00 : f32
          %parallel_loop3A_249 = vector.broadcast %parallel_loop3A_248 : f32 to vector<16xf32>
          %parallel_loop3A_250 = arith.constant 16 : i32
          %parallel_loop3A_251 = arith.muli %parallel_loop3A_31, %parallel_loop3A_250 : i32
          %parallel_loop3A_252 = arith.constant 27 : i32
          %parallel_loop3A_253 = arith.index_cast %parallel_loop3A_252 : i32 to index
          %parallel_loop3A_254 = arith.index_cast %parallel_loop3A_251 : i32 to index
          %parallel_loop3A_255 = tpu.vector_load %arg12[%parallel_loop3A_253, %parallel_loop3A_254] {strides = array<i32>} : memref<32x208xf32, #tpu.memory_space<vmem>>, vector<16xf32>,
          tpu.vector_store %arg12[%parallel_loop3A_253, %parallel_loop3A_254], %parallel_loop3A_249 {strides = array<i32>} : memref<32x208xf32, #tpu.memory_space<vmem>>, vector<16xf32>,
          %parallel_loop3A_256 = arith.constant 0.000000e+00 : f32
          %parallel_loop3A_257 = vector.broadcast %parallel_loop3A_256 : f32 to vector<16xf32>
          %parallel_loop3A_258 = arith.constant 16 : i32
          %parallel_loop3A_259 = arith.muli %parallel_loop3A_31, %parallel_loop3A_258 : i32
          %parallel_loop3A_260 = arith.constant 28 : i32
          %parallel_loop3A_261 = arith.index_cast %parallel_loop3A_260 : i32 to index
          %parallel_loop3A_262 = arith.index_cast %parallel_loop3A_259 : i32 to index
          %parallel_loop3A_263 = tpu.vector_load %arg12[%parallel_loop3A_261, %parallel_loop3A_262] {strides = array<i32>} : memref<32x208xf32, #tpu.memory_space<vmem>>, vector<16xf32>,
          tpu.vector_store %arg12[%parallel_loop3A_261, %parallel_loop3A_262], %parallel_loop3A_257 {strides = array<i32>} : memref<32x208xf32, #tpu.memory_space<vmem>>, vector<16xf32>,
          %parallel_loop3A_264 = arith.constant 0.000000e+00 : f32
          %parallel_loop3A_265 = vector.broadcast %parallel_loop3A_264 : f32 to vector<16xf32>
          %parallel_loop3A_266 = arith.constant 16 : i32
          %parallel_loop3A_267 = arith.muli %parallel_loop3A_31, %parallel_loop3A_266 : i32
          %parallel_loop3A_268 = arith.constant 29 : i32
          %parallel_loop3A_269 = arith.index_cast %parallel_loop3A_268 : i32 to index
          %parallel_loop3A_270 = arith.index_cast %parallel_loop3A_267 : i32 to index
          %parallel_loop3A_271 = tpu.vector_load %arg12[%parallel_loop3A_269, %parallel_loop3A_270] {strides = array<i32>} : memref<32x208xf32, #tpu.memory_space<vmem>>, vector<16xf32>,
          tpu.vector_store %arg12[%parallel_loop3A_269, %parallel_loop3A_270], %parallel_loop3A_265 {strides = array<i32>} : memref<32x208xf32, #tpu.memory_space<vmem>>, vector<16xf32>,
          %parallel_loop3A_272 = arith.constant 0.000000e+00 : f32
          %parallel_loop3A_273 = vector.broadcast %parallel_loop3A_272 : f32 to vector<16xf32>
          %parallel_loop3A_274 = arith.constant 16 : i32
          %parallel_loop3A_275 = arith.muli %parallel_loop3A_31, %parallel_loop3A_274 : i32
          %parallel_loop3A_276 = arith.constant 30 : i32
          %parallel_loop3A_277 = arith.index_cast %parallel_loop3A_276 : i32 to index
          %parallel_loop3A_278 = arith.index_cast %parallel_loop3A_275 : i32 to index
          %parallel_loop3A_279 = tpu.vector_load %arg12[%parallel_loop3A_277, %parallel_loop3A_278] {strides = array<i32>} : memref<32x208xf32, #tpu.memory_space<vmem>>, vector<16xf32>,
          tpu.vector_store %arg12[%parallel_loop3A_277, %parallel_loop3A_278], %parallel_loop3A_273 {strides = array<i32>} : memref<32x208xf32, #tpu.memory_space<vmem>>, vector<16xf32>,
          %parallel_loop3A_280 = arith.constant 0.000000e+00 : f32
          %parallel_loop3A_281 = vector.broadcast %parallel_loop3A_280 : f32 to vector<16xf32>
          %parallel_loop3A_282 = arith.constant 16 : i32
          %parallel_loop3A_283 = arith.muli %parallel_loop3A_31, %parallel_loop3A_282 : i32
          %parallel_loop3A_284 = arith.constant 31 : i32
          %parallel_loop3A_285 = arith.index_cast %parallel_loop3A_284 : i32 to index
          %parallel_loop3A_286 = arith.index_cast %parallel_loop3A_283 : i32 to index
          %parallel_loop3A_287 = tpu.vector_load %arg12[%parallel_loop3A_285, %parallel_loop3A_286] {strides = array<i32>} : memref<32x208xf32, #tpu.memory_space<vmem>>, vector<16xf32>,
          tpu.vector_store %arg12[%parallel_loop3A_285, %parallel_loop3A_286], %parallel_loop3A_281 {strides = array<i32>} : memref<32x208xf32, #tpu.memory_space<vmem>>, vector<16xf32>,
        } {sc.loop_unroll_factor = 1 : i64, sc.parallel_access}
        %parallel_loop3A_25 = arith.constant 0 : i32
        %parallel_loop3A_26 = arith.constant 200 : i32
        %parallel_loop3A_27 = arith.constant 1 : i32
        scf.for %parallel_loop3A_31 = %parallel_loop3A_25 to %parallel_loop3A_26 step %parallel_loop3A_27  : i32 {
          %parallel_loop3A_32 = arith.constant 16 : i32
          %parallel_loop3A_33 = arith.muli %parallel_loop3A_31, %parallel_loop3A_32 : i32
          %parallel_loop3A_34 = arith.index_cast %parallel_loop3A_33 : i32 to index
          %parallel_loop3A_35 = tpu.vector_load %arg9[%parallel_loop3A_34] {strides = array<i32>} : memref<3200xi32, #tpu.memory_space<vmem>>, vector<16xi32>,
          %parallel_loop3A_36 = vector.broadcast %mul3A_13 : i32 to vector<16xi32>
          %parallel_loop3A_37 = arith.subi %parallel_loop3A_35, %parallel_loop3A_36 : vector<16xi32>
          %parallel_loop3A_38 = arith.index_cast %parallel_loop3A_33 : i32 to index
          %parallel_loop3A_39 = tpu.vector_load %arg10[%parallel_loop3A_38] {strides = array<i32>} : memref<3200xf32, #tpu.memory_space<vmem>>, vector<16xf32>,
          %parallel_loop3A_40 = math.exp %parallel_loop3A_39 : vector<16xf32>
          %parallel_loop3A_41 = arith.index_cast %parallel_loop3A_33 : i32 to index
          %parallel_loop3A_42 = tpu.vector_load %arg10[%parallel_loop3A_41] {strides = array<i32>} : memref<3200xf32, #tpu.memory_space<vmem>>, vector<16xf32>,
          tpu.vector_store %arg10[%parallel_loop3A_41], %parallel_loop3A_40 {strides = array<i32>} : memref<3200xf32, #tpu.memory_space<vmem>>, vector<16xf32>,
          tpu.vector_store_idx %arg11[%parallel_loop3A_37], %parallel_loop3A_40 {add = true} : memref<208xf32, #tpu.memory_space<vmem>>[vector<16xi32>], vector<16xf32>,
        } {sc.loop_unroll_factor = 1 : i64, sc.parallel_access}
        %parallel_loop3A_28 = arith.constant 0 : i32
        %parallel_loop3A_29 = arith.constant 200 : i32
        %parallel_loop3A_30 = arith.constant 1 : i32
        scf.for %parallel_loop3A_31 = %parallel_loop3A_28 to %parallel_loop3A_29 step %parallel_loop3A_30  : i32 {
          %parallel_loop3A_32 = arith.constant 16 : i32
          %parallel_loop3A_33 = arith.muli %parallel_loop3A_31, %parallel_loop3A_32 : i32
          %parallel_loop3A_34 = arith.index_cast %parallel_loop3A_33 : i32 to index
          %parallel_loop3A_35 = tpu.vector_load %arg8[%parallel_loop3A_34] {strides = array<i32>} : memref<3200xi32, #tpu.memory_space<vmem>>, vector<16xi32>,
          %parallel_loop3A_36 = vector.broadcast %mul3A_13 : i32 to vector<16xi32>
          %parallel_loop3A_37 = arith.subi %parallel_loop3A_35, %parallel_loop3A_36 : vector<16xi32>
          %parallel_loop3A_38 = arith.index_cast %parallel_loop3A_33 : i32 to index
          %parallel_loop3A_39 = tpu.vector_load %arg9[%parallel_loop3A_38] {strides = array<i32>} : memref<3200xi32, #tpu.memory_space<vmem>>, vector<16xi32>,
          %parallel_loop3A_40 = vector.broadcast %mul3A_13 : i32 to vector<16xi32>
          %parallel_loop3A_41 = arith.subi %parallel_loop3A_39, %parallel_loop3A_40 : vector<16xi32>
          %parallel_loop3A_42 = tpu.vector_load_idx %arg11[%parallel_loop3A_41] : memref<208xf32, #tpu.memory_space<vmem>>[vector<16xi32>], vector<16xf32>,
          %parallel_loop3A_43 = arith.index_cast %parallel_loop3A_33 : i32 to index
          %parallel_loop3A_44 = tpu.vector_load %arg10[%parallel_loop3A_43] {strides = array<i32>} : memref<3200xf32, #tpu.memory_space<vmem>>, vector<16xf32>,
          %parallel_loop3A_45 = arith.constant 1.000000e-16 : f32
          %parallel_loop3A_46 = vector.broadcast %parallel_loop3A_45 : f32 to vector<16xf32>
          %parallel_loop3A_47 = arith.maximumf %parallel_loop3A_42, %parallel_loop3A_46 : vector<16xf32>
          %parallel_loop3A_48 = arith.divf %parallel_loop3A_44, %parallel_loop3A_47 : vector<16xf32>
          %parallel_loop3A_49 = arith.constant 0 : i32
          %parallel_loop3A_50 = vector.broadcast %parallel_loop3A_49 : i32 to vector<16xi32>
          %parallel_loop3A_51 = tpu.vector_load_idx %arg7[%parallel_loop3A_50, %parallel_loop3A_37] : memref<32x208xf32, #tpu.memory_space<vmem>>[vector<16xi32>, vector<16xi32>], vector<16xf32>,
          %parallel_loop3A_52 = arith.mulf %parallel_loop3A_48, %parallel_loop3A_51 : vector<16xf32>
          tpu.vector_store_idx %arg12[%parallel_loop3A_50, %parallel_loop3A_41], %parallel_loop3A_52 {add = true} : memref<32x208xf32, #tpu.memory_space<vmem>>[vector<16xi32>, vector<16xi32>], vector<16xf32>,
          %parallel_loop3A_53 = arith.constant 1 : i32
          %parallel_loop3A_54 = vector.broadcast %parallel_loop3A_53 : i32 to vector<16xi32>
          %parallel_loop3A_55 = tpu.vector_load_idx %arg7[%parallel_loop3A_54, %parallel_loop3A_37] : memref<32x208xf32, #tpu.memory_space<vmem>>[vector<16xi32>, vector<16xi32>], vector<16xf32>,
          %parallel_loop3A_56 = arith.mulf %parallel_loop3A_48, %parallel_loop3A_55 : vector<16xf32>
          tpu.vector_store_idx %arg12[%parallel_loop3A_54, %parallel_loop3A_41], %parallel_loop3A_56 {add = true} : memref<32x208xf32, #tpu.memory_space<vmem>>[vector<16xi32>, vector<16xi32>], vector<16xf32>,
          %parallel_loop3A_57 = arith.constant 2 : i32
          %parallel_loop3A_58 = vector.broadcast %parallel_loop3A_57 : i32 to vector<16xi32>
          %parallel_loop3A_59 = tpu.vector_load_idx %arg7[%parallel_loop3A_58, %parallel_loop3A_37] : memref<32x208xf32, #tpu.memory_space<vmem>>[vector<16xi32>, vector<16xi32>], vector<16xf32>,
          %parallel_loop3A_60 = arith.mulf %parallel_loop3A_48, %parallel_loop3A_59 : vector<16xf32>
          tpu.vector_store_idx %arg12[%parallel_loop3A_58, %parallel_loop3A_41], %parallel_loop3A_60 {add = true} : memref<32x208xf32, #tpu.memory_space<vmem>>[vector<16xi32>, vector<16xi32>], vector<16xf32>,
          %parallel_loop3A_61 = arith.constant 3 : i32
          %parallel_loop3A_62 = vector.broadcast %parallel_loop3A_61 : i32 to vector<16xi32>
          %parallel_loop3A_63 = tpu.vector_load_idx %arg7[%parallel_loop3A_62, %parallel_loop3A_37] : memref<32x208xf32, #tpu.memory_space<vmem>>[vector<16xi32>, vector<16xi32>], vector<16xf32>,
          %parallel_loop3A_64 = arith.mulf %parallel_loop3A_48, %parallel_loop3A_63 : vector<16xf32>
          tpu.vector_store_idx %arg12[%parallel_loop3A_62, %parallel_loop3A_41], %parallel_loop3A_64 {add = true} : memref<32x208xf32, #tpu.memory_space<vmem>>[vector<16xi32>, vector<16xi32>], vector<16xf32>,
          %parallel_loop3A_65 = arith.constant 4 : i32
          %parallel_loop3A_66 = vector.broadcast %parallel_loop3A_65 : i32 to vector<16xi32>
          %parallel_loop3A_67 = tpu.vector_load_idx %arg7[%parallel_loop3A_66, %parallel_loop3A_37] : memref<32x208xf32, #tpu.memory_space<vmem>>[vector<16xi32>, vector<16xi32>], vector<16xf32>,
          %parallel_loop3A_68 = arith.mulf %parallel_loop3A_48, %parallel_loop3A_67 : vector<16xf32>
          tpu.vector_store_idx %arg12[%parallel_loop3A_66, %parallel_loop3A_41], %parallel_loop3A_68 {add = true} : memref<32x208xf32, #tpu.memory_space<vmem>>[vector<16xi32>, vector<16xi32>], vector<16xf32>,
          %parallel_loop3A_69 = arith.constant 5 : i32
          %parallel_loop3A_70 = vector.broadcast %parallel_loop3A_69 : i32 to vector<16xi32>
          %parallel_loop3A_71 = tpu.vector_load_idx %arg7[%parallel_loop3A_70, %parallel_loop3A_37] : memref<32x208xf32, #tpu.memory_space<vmem>>[vector<16xi32>, vector<16xi32>], vector<16xf32>,
          %parallel_loop3A_72 = arith.mulf %parallel_loop3A_48, %parallel_loop3A_71 : vector<16xf32>
          tpu.vector_store_idx %arg12[%parallel_loop3A_70, %parallel_loop3A_41], %parallel_loop3A_72 {add = true} : memref<32x208xf32, #tpu.memory_space<vmem>>[vector<16xi32>, vector<16xi32>], vector<16xf32>,
          %parallel_loop3A_73 = arith.constant 6 : i32
          %parallel_loop3A_74 = vector.broadcast %parallel_loop3A_73 : i32 to vector<16xi32>
          %parallel_loop3A_75 = tpu.vector_load_idx %arg7[%parallel_loop3A_74, %parallel_loop3A_37] : memref<32x208xf32, #tpu.memory_space<vmem>>[vector<16xi32>, vector<16xi32>], vector<16xf32>,
          %parallel_loop3A_76 = arith.mulf %parallel_loop3A_48, %parallel_loop3A_75 : vector<16xf32>
          tpu.vector_store_idx %arg12[%parallel_loop3A_74, %parallel_loop3A_41], %parallel_loop3A_76 {add = true} : memref<32x208xf32, #tpu.memory_space<vmem>>[vector<16xi32>, vector<16xi32>], vector<16xf32>,
          %parallel_loop3A_77 = arith.constant 7 : i32
          %parallel_loop3A_78 = vector.broadcast %parallel_loop3A_77 : i32 to vector<16xi32>
          %parallel_loop3A_79 = tpu.vector_load_idx %arg7[%parallel_loop3A_78, %parallel_loop3A_37] : memref<32x208xf32, #tpu.memory_space<vmem>>[vector<16xi32>, vector<16xi32>], vector<16xf32>,
          %parallel_loop3A_80 = arith.mulf %parallel_loop3A_48, %parallel_loop3A_79 : vector<16xf32>
          tpu.vector_store_idx %arg12[%parallel_loop3A_78, %parallel_loop3A_41], %parallel_loop3A_80 {add = true} : memref<32x208xf32, #tpu.memory_space<vmem>>[vector<16xi32>, vector<16xi32>], vector<16xf32>,
          %parallel_loop3A_81 = arith.constant 8 : i32
          %parallel_loop3A_82 = vector.broadcast %parallel_loop3A_81 : i32 to vector<16xi32>
          %parallel_loop3A_83 = tpu.vector_load_idx %arg7[%parallel_loop3A_82, %parallel_loop3A_37] : memref<32x208xf32, #tpu.memory_space<vmem>>[vector<16xi32>, vector<16xi32>], vector<16xf32>,
          %parallel_loop3A_84 = arith.mulf %parallel_loop3A_48, %parallel_loop3A_83 : vector<16xf32>
          tpu.vector_store_idx %arg12[%parallel_loop3A_82, %parallel_loop3A_41], %parallel_loop3A_84 {add = true} : memref<32x208xf32, #tpu.memory_space<vmem>>[vector<16xi32>, vector<16xi32>], vector<16xf32>,
          %parallel_loop3A_85 = arith.constant 9 : i32
          %parallel_loop3A_86 = vector.broadcast %parallel_loop3A_85 : i32 to vector<16xi32>
          %parallel_loop3A_87 = tpu.vector_load_idx %arg7[%parallel_loop3A_86, %parallel_loop3A_37] : memref<32x208xf32, #tpu.memory_space<vmem>>[vector<16xi32>, vector<16xi32>], vector<16xf32>,
          %parallel_loop3A_88 = arith.mulf %parallel_loop3A_48, %parallel_loop3A_87 : vector<16xf32>
          tpu.vector_store_idx %arg12[%parallel_loop3A_86, %parallel_loop3A_41], %parallel_loop3A_88 {add = true} : memref<32x208xf32, #tpu.memory_space<vmem>>[vector<16xi32>, vector<16xi32>], vector<16xf32>,
          %parallel_loop3A_89 = arith.constant 10 : i32
          %parallel_loop3A_90 = vector.broadcast %parallel_loop3A_89 : i32 to vector<16xi32>
          %parallel_loop3A_91 = tpu.vector_load_idx %arg7[%parallel_loop3A_90, %parallel_loop3A_37] : memref<32x208xf32, #tpu.memory_space<vmem>>[vector<16xi32>, vector<16xi32>], vector<16xf32>,
          %parallel_loop3A_92 = arith.mulf %parallel_loop3A_48, %parallel_loop3A_91 : vector<16xf32>
          tpu.vector_store_idx %arg12[%parallel_loop3A_90, %parallel_loop3A_41], %parallel_loop3A_92 {add = true} : memref<32x208xf32, #tpu.memory_space<vmem>>[vector<16xi32>, vector<16xi32>], vector<16xf32>,
          %parallel_loop3A_93 = arith.constant 11 : i32
          %parallel_loop3A_94 = vector.broadcast %parallel_loop3A_93 : i32 to vector<16xi32>
          %parallel_loop3A_95 = tpu.vector_load_idx %arg7[%parallel_loop3A_94, %parallel_loop3A_37] : memref<32x208xf32, #tpu.memory_space<vmem>>[vector<16xi32>, vector<16xi32>], vector<16xf32>,
          %parallel_loop3A_96 = arith.mulf %parallel_loop3A_48, %parallel_loop3A_95 : vector<16xf32>
          tpu.vector_store_idx %arg12[%parallel_loop3A_94, %parallel_loop3A_41], %parallel_loop3A_96 {add = true} : memref<32x208xf32, #tpu.memory_space<vmem>>[vector<16xi32>, vector<16xi32>], vector<16xf32>,
          %parallel_loop3A_97 = arith.constant 12 : i32
          %parallel_loop3A_98 = vector.broadcast %parallel_loop3A_97 : i32 to vector<16xi32>
          %parallel_loop3A_99 = tpu.vector_load_idx %arg7[%parallel_loop3A_98, %parallel_loop3A_37] : memref<32x208xf32, #tpu.memory_space<vmem>>[vector<16xi32>, vector<16xi32>], vector<16xf32>,
          %parallel_loop3A_100 = arith.mulf %parallel_loop3A_48, %parallel_loop3A_99 : vector<16xf32>
          tpu.vector_store_idx %arg12[%parallel_loop3A_98, %parallel_loop3A_41], %parallel_loop3A_100 {add = true} : memref<32x208xf32, #tpu.memory_space<vmem>>[vector<16xi32>, vector<16xi32>], vector<16xf32>,
          %parallel_loop3A_101 = arith.constant 13 : i32
          %parallel_loop3A_102 = vector.broadcast %parallel_loop3A_101 : i32 to vector<16xi32>
          %parallel_loop3A_103 = tpu.vector_load_idx %arg7[%parallel_loop3A_102, %parallel_loop3A_37] : memref<32x208xf32, #tpu.memory_space<vmem>>[vector<16xi32>, vector<16xi32>], vector<16xf32>,
          %parallel_loop3A_104 = arith.mulf %parallel_loop3A_48, %parallel_loop3A_103 : vector<16xf32>
          tpu.vector_store_idx %arg12[%parallel_loop3A_102, %parallel_loop3A_41], %parallel_loop3A_104 {add = true} : memref<32x208xf32, #tpu.memory_space<vmem>>[vector<16xi32>, vector<16xi32>], vector<16xf32>,
          %parallel_loop3A_105 = arith.constant 14 : i32
          %parallel_loop3A_106 = vector.broadcast %parallel_loop3A_105 : i32 to vector<16xi32>
          %parallel_loop3A_107 = tpu.vector_load_idx %arg7[%parallel_loop3A_106, %parallel_loop3A_37] : memref<32x208xf32, #tpu.memory_space<vmem>>[vector<16xi32>, vector<16xi32>], vector<16xf32>,
          %parallel_loop3A_108 = arith.mulf %parallel_loop3A_48, %parallel_loop3A_107 : vector<16xf32>
          tpu.vector_store_idx %arg12[%parallel_loop3A_106, %parallel_loop3A_41], %parallel_loop3A_108 {add = true} : memref<32x208xf32, #tpu.memory_space<vmem>>[vector<16xi32>, vector<16xi32>], vector<16xf32>,
          %parallel_loop3A_109 = arith.constant 15 : i32
          %parallel_loop3A_110 = vector.broadcast %parallel_loop3A_109 : i32 to vector<16xi32>
          %parallel_loop3A_111 = tpu.vector_load_idx %arg7[%parallel_loop3A_110, %parallel_loop3A_37] : memref<32x208xf32, #tpu.memory_space<vmem>>[vector<16xi32>, vector<16xi32>], vector<16xf32>,
          %parallel_loop3A_112 = arith.mulf %parallel_loop3A_48, %parallel_loop3A_111 : vector<16xf32>
          tpu.vector_store_idx %arg12[%parallel_loop3A_110, %parallel_loop3A_41], %parallel_loop3A_112 {add = true} : memref<32x208xf32, #tpu.memory_space<vmem>>[vector<16xi32>, vector<16xi32>], vector<16xf32>,
          %parallel_loop3A_113 = arith.constant 16 : i32
          %parallel_loop3A_114 = vector.broadcast %parallel_loop3A_113 : i32 to vector<16xi32>
          %parallel_loop3A_115 = tpu.vector_load_idx %arg7[%parallel_loop3A_114, %parallel_loop3A_37] : memref<32x208xf32, #tpu.memory_space<vmem>>[vector<16xi32>, vector<16xi32>], vector<16xf32>,
          %parallel_loop3A_116 = arith.mulf %parallel_loop3A_48, %parallel_loop3A_115 : vector<16xf32>
          tpu.vector_store_idx %arg12[%parallel_loop3A_114, %parallel_loop3A_41], %parallel_loop3A_116 {add = true} : memref<32x208xf32, #tpu.memory_space<vmem>>[vector<16xi32>, vector<16xi32>], vector<16xf32>,
          %parallel_loop3A_117 = arith.constant 17 : i32
          %parallel_loop3A_118 = vector.broadcast %parallel_loop3A_117 : i32 to vector<16xi32>
          %parallel_loop3A_119 = tpu.vector_load_idx %arg7[%parallel_loop3A_118, %parallel_loop3A_37] : memref<32x208xf32, #tpu.memory_space<vmem>>[vector<16xi32>, vector<16xi32>], vector<16xf32>,
          %parallel_loop3A_120 = arith.mulf %parallel_loop3A_48, %parallel_loop3A_119 : vector<16xf32>
          tpu.vector_store_idx %arg12[%parallel_loop3A_118, %parallel_loop3A_41], %parallel_loop3A_120 {add = true} : memref<32x208xf32, #tpu.memory_space<vmem>>[vector<16xi32>, vector<16xi32>], vector<16xf32>,
          %parallel_loop3A_121 = arith.constant 18 : i32
          %parallel_loop3A_122 = vector.broadcast %parallel_loop3A_121 : i32 to vector<16xi32>
          %parallel_loop3A_123 = tpu.vector_load_idx %arg7[%parallel_loop3A_122, %parallel_loop3A_37] : memref<32x208xf32, #tpu.memory_space<vmem>>[vector<16xi32>, vector<16xi32>], vector<16xf32>,
          %parallel_loop3A_124 = arith.mulf %parallel_loop3A_48, %parallel_loop3A_123 : vector<16xf32>
          tpu.vector_store_idx %arg12[%parallel_loop3A_122, %parallel_loop3A_41], %parallel_loop3A_124 {add = true} : memref<32x208xf32, #tpu.memory_space<vmem>>[vector<16xi32>, vector<16xi32>], vector<16xf32>,
          %parallel_loop3A_125 = arith.constant 19 : i32
          %parallel_loop3A_126 = vector.broadcast %parallel_loop3A_125 : i32 to vector<16xi32>
          %parallel_loop3A_127 = tpu.vector_load_idx %arg7[%parallel_loop3A_126, %parallel_loop3A_37] : memref<32x208xf32, #tpu.memory_space<vmem>>[vector<16xi32>, vector<16xi32>], vector<16xf32>,
          %parallel_loop3A_128 = arith.mulf %parallel_loop3A_48, %parallel_loop3A_127 : vector<16xf32>
          tpu.vector_store_idx %arg12[%parallel_loop3A_126, %parallel_loop3A_41], %parallel_loop3A_128 {add = true} : memref<32x208xf32, #tpu.memory_space<vmem>>[vector<16xi32>, vector<16xi32>], vector<16xf32>,
          %parallel_loop3A_129 = arith.constant 20 : i32
          %parallel_loop3A_130 = vector.broadcast %parallel_loop3A_129 : i32 to vector<16xi32>
          %parallel_loop3A_131 = tpu.vector_load_idx %arg7[%parallel_loop3A_130, %parallel_loop3A_37] : memref<32x208xf32, #tpu.memory_space<vmem>>[vector<16xi32>, vector<16xi32>], vector<16xf32>,
          %parallel_loop3A_132 = arith.mulf %parallel_loop3A_48, %parallel_loop3A_131 : vector<16xf32>
          tpu.vector_store_idx %arg12[%parallel_loop3A_130, %parallel_loop3A_41], %parallel_loop3A_132 {add = true} : memref<32x208xf32, #tpu.memory_space<vmem>>[vector<16xi32>, vector<16xi32>], vector<16xf32>,
          %parallel_loop3A_133 = arith.constant 21 : i32
          %parallel_loop3A_134 = vector.broadcast %parallel_loop3A_133 : i32 to vector<16xi32>
          %parallel_loop3A_135 = tpu.vector_load_idx %arg7[%parallel_loop3A_134, %parallel_loop3A_37] : memref<32x208xf32, #tpu.memory_space<vmem>>[vector<16xi32>, vector<16xi32>], vector<16xf32>,
          %parallel_loop3A_136 = arith.mulf %parallel_loop3A_48, %parallel_loop3A_135 : vector<16xf32>
          tpu.vector_store_idx %arg12[%parallel_loop3A_134, %parallel_loop3A_41], %parallel_loop3A_136 {add = true} : memref<32x208xf32, #tpu.memory_space<vmem>>[vector<16xi32>, vector<16xi32>], vector<16xf32>,
          %parallel_loop3A_137 = arith.constant 22 : i32
          %parallel_loop3A_138 = vector.broadcast %parallel_loop3A_137 : i32 to vector<16xi32>
          %parallel_loop3A_139 = tpu.vector_load_idx %arg7[%parallel_loop3A_138, %parallel_loop3A_37] : memref<32x208xf32, #tpu.memory_space<vmem>>[vector<16xi32>, vector<16xi32>], vector<16xf32>,
          %parallel_loop3A_140 = arith.mulf %parallel_loop3A_48, %parallel_loop3A_139 : vector<16xf32>
          tpu.vector_store_idx %arg12[%parallel_loop3A_138, %parallel_loop3A_41], %parallel_loop3A_140 {add = true} : memref<32x208xf32, #tpu.memory_space<vmem>>[vector<16xi32>, vector<16xi32>], vector<16xf32>,
          %parallel_loop3A_141 = arith.constant 23 : i32
          %parallel_loop3A_142 = vector.broadcast %parallel_loop3A_141 : i32 to vector<16xi32>
          %parallel_loop3A_143 = tpu.vector_load_idx %arg7[%parallel_loop3A_142, %parallel_loop3A_37] : memref<32x208xf32, #tpu.memory_space<vmem>>[vector<16xi32>, vector<16xi32>], vector<16xf32>,
          %parallel_loop3A_144 = arith.mulf %parallel_loop3A_48, %parallel_loop3A_143 : vector<16xf32>
          tpu.vector_store_idx %arg12[%parallel_loop3A_142, %parallel_loop3A_41], %parallel_loop3A_144 {add = true} : memref<32x208xf32, #tpu.memory_space<vmem>>[vector<16xi32>, vector<16xi32>], vector<16xf32>,
          %parallel_loop3A_145 = arith.constant 24 : i32
          %parallel_loop3A_146 = vector.broadcast %parallel_loop3A_145 : i32 to vector<16xi32>
          %parallel_loop3A_147 = tpu.vector_load_idx %arg7[%parallel_loop3A_146, %parallel_loop3A_37] : memref<32x208xf32, #tpu.memory_space<vmem>>[vector<16xi32>, vector<16xi32>], vector<16xf32>,
          %parallel_loop3A_148 = arith.mulf %parallel_loop3A_48, %parallel_loop3A_147 : vector<16xf32>
          tpu.vector_store_idx %arg12[%parallel_loop3A_146, %parallel_loop3A_41], %parallel_loop3A_148 {add = true} : memref<32x208xf32, #tpu.memory_space<vmem>>[vector<16xi32>, vector<16xi32>], vector<16xf32>,
          %parallel_loop3A_149 = arith.constant 25 : i32
          %parallel_loop3A_150 = vector.broadcast %parallel_loop3A_149 : i32 to vector<16xi32>
          %parallel_loop3A_151 = tpu.vector_load_idx %arg7[%parallel_loop3A_150, %parallel_loop3A_37] : memref<32x208xf32, #tpu.memory_space<vmem>>[vector<16xi32>, vector<16xi32>], vector<16xf32>,
          %parallel_loop3A_152 = arith.mulf %parallel_loop3A_48, %parallel_loop3A_151 : vector<16xf32>
          tpu.vector_store_idx %arg12[%parallel_loop3A_150, %parallel_loop3A_41], %parallel_loop3A_152 {add = true} : memref<32x208xf32, #tpu.memory_space<vmem>>[vector<16xi32>, vector<16xi32>], vector<16xf32>,
          %parallel_loop3A_153 = arith.constant 26 : i32
          %parallel_loop3A_154 = vector.broadcast %parallel_loop3A_153 : i32 to vector<16xi32>
          %parallel_loop3A_155 = tpu.vector_load_idx %arg7[%parallel_loop3A_154, %parallel_loop3A_37] : memref<32x208xf32, #tpu.memory_space<vmem>>[vector<16xi32>, vector<16xi32>], vector<16xf32>,
          %parallel_loop3A_156 = arith.mulf %parallel_loop3A_48, %parallel_loop3A_155 : vector<16xf32>
          tpu.vector_store_idx %arg12[%parallel_loop3A_154, %parallel_loop3A_41], %parallel_loop3A_156 {add = true} : memref<32x208xf32, #tpu.memory_space<vmem>>[vector<16xi32>, vector<16xi32>], vector<16xf32>,
          %parallel_loop3A_157 = arith.constant 27 : i32
          %parallel_loop3A_158 = vector.broadcast %parallel_loop3A_157 : i32 to vector<16xi32>
          %parallel_loop3A_159 = tpu.vector_load_idx %arg7[%parallel_loop3A_158, %parallel_loop3A_37] : memref<32x208xf32, #tpu.memory_space<vmem>>[vector<16xi32>, vector<16xi32>], vector<16xf32>,
          %parallel_loop3A_160 = arith.mulf %parallel_loop3A_48, %parallel_loop3A_159 : vector<16xf32>
          tpu.vector_store_idx %arg12[%parallel_loop3A_158, %parallel_loop3A_41], %parallel_loop3A_160 {add = true} : memref<32x208xf32, #tpu.memory_space<vmem>>[vector<16xi32>, vector<16xi32>], vector<16xf32>,
          %parallel_loop3A_161 = arith.constant 28 : i32
          %parallel_loop3A_162 = vector.broadcast %parallel_loop3A_161 : i32 to vector<16xi32>
          %parallel_loop3A_163 = tpu.vector_load_idx %arg7[%parallel_loop3A_162, %parallel_loop3A_37] : memref<32x208xf32, #tpu.memory_space<vmem>>[vector<16xi32>, vector<16xi32>], vector<16xf32>,
          %parallel_loop3A_164 = arith.mulf %parallel_loop3A_48, %parallel_loop3A_163 : vector<16xf32>
          tpu.vector_store_idx %arg12[%parallel_loop3A_162, %parallel_loop3A_41], %parallel_loop3A_164 {add = true} : memref<32x208xf32, #tpu.memory_space<vmem>>[vector<16xi32>, vector<16xi32>], vector<16xf32>,
          %parallel_loop3A_165 = arith.constant 29 : i32
          %parallel_loop3A_166 = vector.broadcast %parallel_loop3A_165 : i32 to vector<16xi32>
          %parallel_loop3A_167 = tpu.vector_load_idx %arg7[%parallel_loop3A_166, %parallel_loop3A_37] : memref<32x208xf32, #tpu.memory_space<vmem>>[vector<16xi32>, vector<16xi32>], vector<16xf32>,
          %parallel_loop3A_168 = arith.mulf %parallel_loop3A_48, %parallel_loop3A_167 : vector<16xf32>
          tpu.vector_store_idx %arg12[%parallel_loop3A_166, %parallel_loop3A_41], %parallel_loop3A_168 {add = true} : memref<32x208xf32, #tpu.memory_space<vmem>>[vector<16xi32>, vector<16xi32>], vector<16xf32>,
          %parallel_loop3A_169 = arith.constant 30 : i32
          %parallel_loop3A_170 = vector.broadcast %parallel_loop3A_169 : i32 to vector<16xi32>
          %parallel_loop3A_171 = tpu.vector_load_idx %arg7[%parallel_loop3A_170, %parallel_loop3A_37] : memref<32x208xf32, #tpu.memory_space<vmem>>[vector<16xi32>, vector<16xi32>], vector<16xf32>,
          %parallel_loop3A_172 = arith.mulf %parallel_loop3A_48, %parallel_loop3A_171 : vector<16xf32>
          tpu.vector_store_idx %arg12[%parallel_loop3A_170, %parallel_loop3A_41], %parallel_loop3A_172 {add = true} : memref<32x208xf32, #tpu.memory_space<vmem>>[vector<16xi32>, vector<16xi32>], vector<16xf32>,
          %parallel_loop3A_173 = arith.constant 31 : i32
          %parallel_loop3A_174 = vector.broadcast %parallel_loop3A_173 : i32 to vector<16xi32>
          %parallel_loop3A_175 = tpu.vector_load_idx %arg7[%parallel_loop3A_174, %parallel_loop3A_37] : memref<32x208xf32, #tpu.memory_space<vmem>>[vector<16xi32>, vector<16xi32>], vector<16xf32>,
          %parallel_loop3A_176 = arith.mulf %parallel_loop3A_48, %parallel_loop3A_175 : vector<16xf32>
          tpu.vector_store_idx %arg12[%parallel_loop3A_174, %parallel_loop3A_41], %parallel_loop3A_176 {add = true} : memref<32x208xf32, #tpu.memory_space<vmem>>[vector<16xi32>, vector<16xi32>], vector<16xf32>,
        } {sc.loop_unroll_factor = 1 : i64, sc.parallel_access}
        "tpu.region"() ({
          %run_scoped3A = tpu.sem_alloc : memref<!tpu.dma_semaphore, #tpu.memory_space<semaphore_mem>>
          %dma_start3A = arith.constant 0 : i32
          %dma_start3A_31 = arith.constant 0 : i32
          %dma_start3A_32 = tpu.memref_slice %arg12[%dma_start3A, %dma_start3A_31] : memref<32x208xf32, #tpu.memory_space<vmem>> -> memref<32x200xf32, #tpu.memory_space<vmem>>
          %dma_start3A_33 = arith.constant 0 : i32
          %dma_start3A_34 = arith.constant 0 : i32
          %dma_start3A_35 = tpu.memref_slice %arg6[%add3A_9, %dma_start3A_33, %dma_start3A_34] : memref<100x32x200xf32, #tpu.memory_space<hbm>> -> memref<1x32x200xf32, #tpu.memory_space<hbm>>
          %dma_start3A_36 = tpu.memref_squeeze %dma_start3A_35 : memref<1x32x200xf32, #tpu.memory_space<hbm>> -> memref<32x200xf32, #tpu.memory_space<hbm>>
          %dma_start3A_37 = arith.constant 0 : i32
          %dma_start3A_38 = arith.constant 0 : i32
          %dma_start3A_39 = tpu.memref_slice %arg6[%add3A_9, %dma_start3A_37, %dma_start3A_38] : memref<100x32x200xf32, #tpu.memory_space<hbm>> -> memref<1x32x200xf32, #tpu.memory_space<hbm>>
          %dma_start3A_40 = tpu.memref_squeeze %dma_start3A_39 : memref<1x32x200xf32, #tpu.memory_space<hbm>> -> memref<32x200xf32, #tpu.memory_space<hbm>>
          %dma_start3A_41 = arith.constant 0 : i32
          %dma_start3A_42 = arith.constant 0 : i32
          %dma_start3A_43 = tpu.memref_slice %arg12[%dma_start3A_41, %dma_start3A_42] : memref<32x208xf32, #tpu.memory_space<vmem>> -> memref<32x200xf32, #tpu.memory_space<vmem>>
          tpu.enqueue_dma source(%dma_start3A_43 : memref<32x200xf32, #tpu.memory_space<vmem>>) target(%dma_start3A_40 : memref<32x200xf32, #tpu.memory_space<hbm>>) target_semaphore(%run_scoped3A : memref<!tpu.dma_semaphore, #tpu.memory_space<semaphore_mem>>)
          %dma_wait3A = arith.constant 0 : i32
          %dma_wait3A_44 = arith.constant 0 : i32
          %dma_wait3A_45 = tpu.memref_slice %arg12[%dma_wait3A, %dma_wait3A_44] : memref<32x208xf32, #tpu.memory_space<vmem>> -> memref<32x200xf32, #tpu.memory_space<vmem>>
          %dma_wait3A_46 = arith.constant 0 : i32
          %dma_wait3A_47 = arith.constant 0 : i32
          %dma_wait3A_48 = tpu.memref_slice %arg6[%add3A_9, %dma_wait3A_46, %dma_wait3A_47] : memref<100x32x200xf32, #tpu.memory_space<hbm>> -> memref<1x32x200xf32, #tpu.memory_space<hbm>>
          %dma_wait3A_49 = tpu.memref_squeeze %dma_wait3A_48 : memref<1x32x200xf32, #tpu.memory_space<hbm>> -> memref<32x200xf32, #tpu.memory_space<hbm>>
          %dma_wait3A_50 = arith.constant 0 : i32
          %dma_wait3A_51 = arith.constant 0 : i32
          %dma_wait3A_52 = tpu.memref_slice %arg6[%add3A_9, %dma_wait3A_50, %dma_wait3A_51] : memref<100x32x200xf32, #tpu.memory_space<hbm>> -> memref<1x32x200xf32, #tpu.memory_space<hbm>>
          %dma_wait3A_53 = tpu.memref_squeeze %dma_wait3A_52 : memref<1x32x200xf32, #tpu.memory_space<hbm>> -> memref<32x200xf32, #tpu.memory_space<hbm>>
          %dma_wait3A_54 = arith.constant 0 : i32
          %dma_wait3A_55 = arith.constant 0 : i32
          %dma_wait3A_56 = tpu.memref_slice %arg12[%dma_wait3A_54, %dma_wait3A_55] : memref<32x208xf32, #tpu.memory_space<vmem>> -> memref<32x200xf32, #tpu.memory_space<vmem>>
          tpu.wait_dma2 semaphore(%run_scoped3A : memref<!tpu.dma_semaphore, #tpu.memory_space<semaphore_mem>>) src(%dma_wait3A_56 : memref<32x200xf32, #tpu.memory_space<vmem>>) dst(%dma_wait3A_53 : memref<32x200xf32, #tpu.memory_space<hbm>>)
          tpu.yield
        }) : () -> ()
      } else {
      }
    }
    %scan3A_5 = arith.constant 4 : i32
    return
  }
}

#map = affine_map<(d0, d1) -> (0, 0, 0)>
#map1 = affine_map<(d0, d1) -> (0)>
module attributes {stable_mosaic.version = 14 : i64} {
  func.func @_sc_agg2_body(%arg0: i32, %arg1: i32, %arg2: memref<100x32x128xf32, #tpu.memory_space<hbm>>, %arg3: memref<320000xi32, #tpu.memory_space<hbm>>, %arg4: memref<320000xi32, #tpu.memory_space<hbm>>, %arg5: memref<320000xf32, #tpu.memory_space<hbm>>, %arg6: memref<20000xi32, #tpu.memory_space<hbm>>, %arg7: memref<100x32x128xf32, #tpu.memory_space<hbm>>, %arg8: memref<32x128xf32, #tpu.memory_space<vmem>>, %arg9: memref<3200xi32, #tpu.memory_space<vmem>>, %arg10: memref<3200xi32, #tpu.memory_space<vmem>>, %arg11: memref<3200xf32, #tpu.memory_space<vmem>>, %arg12: memref<200xi32, #tpu.memory_space<vmem>>, %arg13: memref<128xf32, #tpu.memory_space<vmem>>, %arg14: memref<32x128xf32, #tpu.memory_space<vmem>>) attributes {dimension_semantics = [#tpu.dimension_semantics<core_parallel>, #tpu.dimension_semantics<subcore_parallel>], iteration_bounds = array<i64: 2, 16>, scalar_prefetch = 0 : i64, scratch_operands = 7 : i64, tpu.core_type = #tpu.core_type<sc_vector_subcore>, window_params = [{transform_indices = #map}, {transform_indices = #map1}, {transform_indices = #map1}, {transform_indices = #map1}, {transform_indices = #map1}, {transform_indices = #map}]} {
    %mul3A = arith.constant 2 : i32
    %mul3A_0 = arith.muli %arg1, %mul3A : i32
    %add3A = arith.addi %mul3A_0, %arg0 : i32
    %scan3A = arith.constant 0 : i32
    %scan3A_1 = arith.constant 0 : i32
    %scan3A_2 = arith.constant 4 : i32
    %scan3A_3 = arith.addi %scan3A_1, %scan3A_2 : i32
    %scan3A_4 = arith.constant 1 : i32
    scf.for %scan3A_6 = %scan3A_1 to %scan3A_3 step %scan3A_4  : i32 {
      %mul3A_7 = arith.constant 32 : i32
      %mul3A_8 = arith.muli %scan3A_6, %mul3A_7 : i32
      %add3A_9 = arith.addi %add3A, %mul3A_8 : i32
      %lt3A = arith.constant 100 : i32
      %lt3A_10 = arith.cmpi slt, %add3A_9, %lt3A : i32
      %convert_element_type3A = arith.extui %lt3A_10 : i1 to i32
      %cond3A = arith.constant 0 : i32
      %cond3A_11 = arith.cmpi ne, %convert_element_type3A, %cond3A : i32
      scf.if %cond3A_11 {
        %mul3A_12 = arith.constant 200 : i32
        %mul3A_13 = arith.muli %add3A_9, %mul3A_12 : i32
        "tpu.region"() ({
          %run_scoped3A = tpu.sem_alloc : memref<!tpu.dma_semaphore, #tpu.memory_space<semaphore_mem>>
          %dma_start3A = arith.constant 0 : i32
          %dma_start3A_33 = arith.constant 0 : i32
          %dma_start3A_34 = tpu.memref_slice %arg2[%add3A_9, %dma_start3A, %dma_start3A_33] : memref<100x32x128xf32, #tpu.memory_space<hbm>> -> memref<1x32x128xf32, #tpu.memory_space<hbm>>
          %dma_start3A_35 = tpu.memref_squeeze %dma_start3A_34 : memref<1x32x128xf32, #tpu.memory_space<hbm>> -> memref<32x128xf32, #tpu.memory_space<hbm>>
          %dma_start3A_36 = arith.constant 0 : i32
          %dma_start3A_37 = arith.constant 0 : i32
          %dma_start3A_38 = tpu.memref_slice %arg2[%add3A_9, %dma_start3A_36, %dma_start3A_37] : memref<100x32x128xf32, #tpu.memory_space<hbm>> -> memref<1x32x128xf32, #tpu.memory_space<hbm>>
          %dma_start3A_39 = tpu.memref_squeeze %dma_start3A_38 : memref<1x32x128xf32, #tpu.memory_space<hbm>> -> memref<32x128xf32, #tpu.memory_space<hbm>>
          tpu.enqueue_dma source(%dma_start3A_39 : memref<32x128xf32, #tpu.memory_space<hbm>>) target(%arg8 : memref<32x128xf32, #tpu.memory_space<vmem>>) target_semaphore(%run_scoped3A : memref<!tpu.dma_semaphore, #tpu.memory_space<semaphore_mem>>)
          %dma_wait3A = arith.constant 0 : i32
          %dma_wait3A_40 = arith.constant 0 : i32
          %dma_wait3A_41 = tpu.memref_slice %arg2[%add3A_9, %dma_wait3A, %dma_wait3A_40] : memref<100x32x128xf32, #tpu.memory_space<hbm>> -> memref<1x32x128xf32, #tpu.memory_space<hbm>>
          %dma_wait3A_42 = tpu.memref_squeeze %dma_wait3A_41 : memref<1x32x128xf32, #tpu.memory_space<hbm>> -> memref<32x128xf32, #tpu.memory_space<hbm>>
          %dma_wait3A_43 = arith.constant 0 : i32
          %dma_wait3A_44 = arith.constant 0 : i32
          %dma_wait3A_45 = tpu.memref_slice %arg2[%add3A_9, %dma_wait3A_43, %dma_wait3A_44] : memref<100x32x128xf32, #tpu.memory_space<hbm>> -> memref<1x32x128xf32, #tpu.memory_space<hbm>>
          %dma_wait3A_46 = tpu.memref_squeeze %dma_wait3A_45 : memref<1x32x128xf32, #tpu.memory_space<hbm>> -> memref<32x128xf32, #tpu.memory_space<hbm>>
          tpu.wait_dma2 semaphore(%run_scoped3A : memref<!tpu.dma_semaphore, #tpu.memory_space<semaphore_mem>>) src(%dma_wait3A_46 : memref<32x128xf32, #tpu.memory_space<hbm>>) dst(%arg8 : memref<32x128xf32, #tpu.memory_space<vmem>>)
          tpu.yield
        }) : () -> ()
        %mul3A_14 = arith.constant 3200 : i32
        %mul3A_15 = arith.muli %add3A_9, %mul3A_14 : i32
        "tpu.region"() ({
          %run_scoped3A = tpu.sem_alloc : memref<!tpu.dma_semaphore, #tpu.memory_space<semaphore_mem>>
          %dma_start3A = tpu.memref_slice %arg3[%mul3A_15] : memref<320000xi32, #tpu.memory_space<hbm>> -> memref<3200xi32, #tpu.memory_space<hbm>>
          %dma_start3A_33 = tpu.memref_slice %arg3[%mul3A_15] : memref<320000xi32, #tpu.memory_space<hbm>> -> memref<3200xi32, #tpu.memory_space<hbm>>
          tpu.enqueue_dma source(%dma_start3A_33 : memref<3200xi32, #tpu.memory_space<hbm>>) target(%arg9 : memref<3200xi32, #tpu.memory_space<vmem>>) target_semaphore(%run_scoped3A : memref<!tpu.dma_semaphore, #tpu.memory_space<semaphore_mem>>)
          %dma_wait3A = tpu.memref_slice %arg3[%mul3A_15] : memref<320000xi32, #tpu.memory_space<hbm>> -> memref<3200xi32, #tpu.memory_space<hbm>>
          %dma_wait3A_34 = tpu.memref_slice %arg3[%mul3A_15] : memref<320000xi32, #tpu.memory_space<hbm>> -> memref<3200xi32, #tpu.memory_space<hbm>>
          tpu.wait_dma2 semaphore(%run_scoped3A : memref<!tpu.dma_semaphore, #tpu.memory_space<semaphore_mem>>) src(%dma_wait3A_34 : memref<3200xi32, #tpu.memory_space<hbm>>) dst(%arg9 : memref<3200xi32, #tpu.memory_space<vmem>>)
          tpu.yield
        }) : () -> ()
        %mul3A_16 = arith.constant 3200 : i32
        %mul3A_17 = arith.muli %add3A_9, %mul3A_16 : i32
        "tpu.region"() ({
          %run_scoped3A = tpu.sem_alloc : memref<!tpu.dma_semaphore, #tpu.memory_space<semaphore_mem>>
          %dma_start3A = tpu.memref_slice %arg4[%mul3A_17] : memref<320000xi32, #tpu.memory_space<hbm>> -> memref<3200xi32, #tpu.memory_space<hbm>>
          %dma_start3A_33 = tpu.memref_slice %arg4[%mul3A_17] : memref<320000xi32, #tpu.memory_space<hbm>> -> memref<3200xi32, #tpu.memory_space<hbm>>
          tpu.enqueue_dma source(%dma_start3A_33 : memref<3200xi32, #tpu.memory_space<hbm>>) target(%arg10 : memref<3200xi32, #tpu.memory_space<vmem>>) target_semaphore(%run_scoped3A : memref<!tpu.dma_semaphore, #tpu.memory_space<semaphore_mem>>)
          %dma_wait3A = tpu.memref_slice %arg4[%mul3A_17] : memref<320000xi32, #tpu.memory_space<hbm>> -> memref<3200xi32, #tpu.memory_space<hbm>>
          %dma_wait3A_34 = tpu.memref_slice %arg4[%mul3A_17] : memref<320000xi32, #tpu.memory_space<hbm>> -> memref<3200xi32, #tpu.memory_space<hbm>>
          tpu.wait_dma2 semaphore(%run_scoped3A : memref<!tpu.dma_semaphore, #tpu.memory_space<semaphore_mem>>) src(%dma_wait3A_34 : memref<3200xi32, #tpu.memory_space<hbm>>) dst(%arg10 : memref<3200xi32, #tpu.memory_space<vmem>>)
          tpu.yield
        }) : () -> ()
        %mul3A_18 = arith.constant 3200 : i32
        %mul3A_19 = arith.muli %add3A_9, %mul3A_18 : i32
        "tpu.region"() ({
          %run_scoped3A = tpu.sem_alloc : memref<!tpu.dma_semaphore, #tpu.memory_space<semaphore_mem>>
          %dma_start3A = tpu.memref_slice %arg5[%mul3A_19] : memref<320000xf32, #tpu.memory_space<hbm>> -> memref<3200xf32, #tpu.memory_space<hbm>>
          %dma_start3A_33 = tpu.memref_slice %arg5[%mul3A_19] : memref<320000xf32, #tpu.memory_space<hbm>> -> memref<3200xf32, #tpu.memory_space<hbm>>
          tpu.enqueue_dma source(%dma_start3A_33 : memref<3200xf32, #tpu.memory_space<hbm>>) target(%arg11 : memref<3200xf32, #tpu.memory_space<vmem>>) target_semaphore(%run_scoped3A : memref<!tpu.dma_semaphore, #tpu.memory_space<semaphore_mem>>)
          %dma_wait3A = tpu.memref_slice %arg5[%mul3A_19] : memref<320000xf32, #tpu.memory_space<hbm>> -> memref<3200xf32, #tpu.memory_space<hbm>>
          %dma_wait3A_34 = tpu.memref_slice %arg5[%mul3A_19] : memref<320000xf32, #tpu.memory_space<hbm>> -> memref<3200xf32, #tpu.memory_space<hbm>>
          tpu.wait_dma2 semaphore(%run_scoped3A : memref<!tpu.dma_semaphore, #tpu.memory_space<semaphore_mem>>) src(%dma_wait3A_34 : memref<3200xf32, #tpu.memory_space<hbm>>) dst(%arg11 : memref<3200xf32, #tpu.memory_space<vmem>>)
          tpu.yield
        }) : () -> ()
        %mul3A_20 = arith.constant 200 : i32
        %mul3A_21 = arith.muli %add3A_9, %mul3A_20 : i32
        "tpu.region"() ({
          %run_scoped3A = tpu.sem_alloc : memref<!tpu.dma_semaphore, #tpu.memory_space<semaphore_mem>>
          %dma_start3A = tpu.memref_slice %arg6[%mul3A_21] : memref<20000xi32, #tpu.memory_space<hbm>> -> memref<200xi32, #tpu.memory_space<hbm>>
          %dma_start3A_33 = tpu.memref_slice %arg6[%mul3A_21] : memref<20000xi32, #tpu.memory_space<hbm>> -> memref<200xi32, #tpu.memory_space<hbm>>
          tpu.enqueue_dma source(%dma_start3A_33 : memref<200xi32, #tpu.memory_space<hbm>>) target(%arg12 : memref<200xi32, #tpu.memory_space<vmem>>) target_semaphore(%run_scoped3A : memref<!tpu.dma_semaphore, #tpu.memory_space<semaphore_mem>>)
          %dma_wait3A = tpu.memref_slice %arg6[%mul3A_21] : memref<20000xi32, #tpu.memory_space<hbm>> -> memref<200xi32, #tpu.memory_space<hbm>>
          %dma_wait3A_34 = tpu.memref_slice %arg6[%mul3A_21] : memref<20000xi32, #tpu.memory_space<hbm>> -> memref<200xi32, #tpu.memory_space<hbm>>
          tpu.wait_dma2 semaphore(%run_scoped3A : memref<!tpu.dma_semaphore, #tpu.memory_space<semaphore_mem>>) src(%dma_wait3A_34 : memref<200xi32, #tpu.memory_space<hbm>>) dst(%arg12 : memref<200xi32, #tpu.memory_space<vmem>>)
          tpu.yield
        }) : () -> ()
        %parallel_loop3A = arith.constant 0 : i32
        %parallel_loop3A_22 = arith.constant 8 : i32
        %parallel_loop3A_23 = arith.constant 1 : i32
        scf.for %parallel_loop3A_33 = %parallel_loop3A to %parallel_loop3A_22 step %parallel_loop3A_23  : i32 {
          %parallel_loop3A_34 = arith.constant 0.000000e+00 : f32
          %parallel_loop3A_35 = vector.broadcast %parallel_loop3A_34 : f32 to vector<16xf32>
          %parallel_loop3A_36 = arith.constant 16 : i32
          %parallel_loop3A_37 = arith.muli %parallel_loop3A_33, %parallel_loop3A_36 : i32
          %parallel_loop3A_38 = arith.index_cast %parallel_loop3A_37 : i32 to index
          %parallel_loop3A_39 = tpu.vector_load %arg13[%parallel_loop3A_38] {strides = array<i32>} : memref<128xf32, #tpu.memory_space<vmem>>, vector<16xf32>,
          tpu.vector_store %arg13[%parallel_loop3A_38], %parallel_loop3A_35 {strides = array<i32>} : memref<128xf32, #tpu.memory_space<vmem>>, vector<16xf32>,
        } {sc.loop_unroll_factor = 1 : i64, sc.parallel_access}
        %parallel_loop3A_24 = arith.constant 0 : i32
        %parallel_loop3A_25 = arith.constant 8 : i32
        %parallel_loop3A_26 = arith.constant 1 : i32
        scf.for %parallel_loop3A_33 = %parallel_loop3A_24 to %parallel_loop3A_25 step %parallel_loop3A_26  : i32 {
          %parallel_loop3A_34 = arith.constant 0.000000e+00 : f32
          %parallel_loop3A_35 = vector.broadcast %parallel_loop3A_34 : f32 to vector<16xf32>
          %parallel_loop3A_36 = arith.constant 16 : i32
          %parallel_loop3A_37 = arith.muli %parallel_loop3A_33, %parallel_loop3A_36 : i32
          %parallel_loop3A_38 = arith.constant 0 : i32
          %parallel_loop3A_39 = arith.index_cast %parallel_loop3A_38 : i32 to index
          %parallel_loop3A_40 = arith.index_cast %parallel_loop3A_37 : i32 to index
          %parallel_loop3A_41 = tpu.vector_load %arg14[%parallel_loop3A_39, %parallel_loop3A_40] {strides = array<i32>} : memref<32x128xf32, #tpu.memory_space<vmem>>, vector<16xf32>,
          tpu.vector_store %arg14[%parallel_loop3A_39, %parallel_loop3A_40], %parallel_loop3A_35 {strides = array<i32>} : memref<32x128xf32, #tpu.memory_space<vmem>>, vector<16xf32>,
          %parallel_loop3A_42 = arith.constant 0.000000e+00 : f32
          %parallel_loop3A_43 = vector.broadcast %parallel_loop3A_42 : f32 to vector<16xf32>
          %parallel_loop3A_44 = arith.constant 16 : i32
          %parallel_loop3A_45 = arith.muli %parallel_loop3A_33, %parallel_loop3A_44 : i32
          %parallel_loop3A_46 = arith.constant 1 : i32
          %parallel_loop3A_47 = arith.index_cast %parallel_loop3A_46 : i32 to index
          %parallel_loop3A_48 = arith.index_cast %parallel_loop3A_45 : i32 to index
          %parallel_loop3A_49 = tpu.vector_load %arg14[%parallel_loop3A_47, %parallel_loop3A_48] {strides = array<i32>} : memref<32x128xf32, #tpu.memory_space<vmem>>, vector<16xf32>,
          tpu.vector_store %arg14[%parallel_loop3A_47, %parallel_loop3A_48], %parallel_loop3A_43 {strides = array<i32>} : memref<32x128xf32, #tpu.memory_space<vmem>>, vector<16xf32>,
          %parallel_loop3A_50 = arith.constant 0.000000e+00 : f32
          %parallel_loop3A_51 = vector.broadcast %parallel_loop3A_50 : f32 to vector<16xf32>
          %parallel_loop3A_52 = arith.constant 16 : i32
          %parallel_loop3A_53 = arith.muli %parallel_loop3A_33, %parallel_loop3A_52 : i32
          %parallel_loop3A_54 = arith.constant 2 : i32
          %parallel_loop3A_55 = arith.index_cast %parallel_loop3A_54 : i32 to index
          %parallel_loop3A_56 = arith.index_cast %parallel_loop3A_53 : i32 to index
          %parallel_loop3A_57 = tpu.vector_load %arg14[%parallel_loop3A_55, %parallel_loop3A_56] {strides = array<i32>} : memref<32x128xf32, #tpu.memory_space<vmem>>, vector<16xf32>,
          tpu.vector_store %arg14[%parallel_loop3A_55, %parallel_loop3A_56], %parallel_loop3A_51 {strides = array<i32>} : memref<32x128xf32, #tpu.memory_space<vmem>>, vector<16xf32>,
          %parallel_loop3A_58 = arith.constant 0.000000e+00 : f32
          %parallel_loop3A_59 = vector.broadcast %parallel_loop3A_58 : f32 to vector<16xf32>
          %parallel_loop3A_60 = arith.constant 16 : i32
          %parallel_loop3A_61 = arith.muli %parallel_loop3A_33, %parallel_loop3A_60 : i32
          %parallel_loop3A_62 = arith.constant 3 : i32
          %parallel_loop3A_63 = arith.index_cast %parallel_loop3A_62 : i32 to index
          %parallel_loop3A_64 = arith.index_cast %parallel_loop3A_61 : i32 to index
          %parallel_loop3A_65 = tpu.vector_load %arg14[%parallel_loop3A_63, %parallel_loop3A_64] {strides = array<i32>} : memref<32x128xf32, #tpu.memory_space<vmem>>, vector<16xf32>,
          tpu.vector_store %arg14[%parallel_loop3A_63, %parallel_loop3A_64], %parallel_loop3A_59 {strides = array<i32>} : memref<32x128xf32, #tpu.memory_space<vmem>>, vector<16xf32>,
          %parallel_loop3A_66 = arith.constant 0.000000e+00 : f32
          %parallel_loop3A_67 = vector.broadcast %parallel_loop3A_66 : f32 to vector<16xf32>
          %parallel_loop3A_68 = arith.constant 16 : i32
          %parallel_loop3A_69 = arith.muli %parallel_loop3A_33, %parallel_loop3A_68 : i32
          %parallel_loop3A_70 = arith.constant 4 : i32
          %parallel_loop3A_71 = arith.index_cast %parallel_loop3A_70 : i32 to index
          %parallel_loop3A_72 = arith.index_cast %parallel_loop3A_69 : i32 to index
          %parallel_loop3A_73 = tpu.vector_load %arg14[%parallel_loop3A_71, %parallel_loop3A_72] {strides = array<i32>} : memref<32x128xf32, #tpu.memory_space<vmem>>, vector<16xf32>,
          tpu.vector_store %arg14[%parallel_loop3A_71, %parallel_loop3A_72], %parallel_loop3A_67 {strides = array<i32>} : memref<32x128xf32, #tpu.memory_space<vmem>>, vector<16xf32>,
          %parallel_loop3A_74 = arith.constant 0.000000e+00 : f32
          %parallel_loop3A_75 = vector.broadcast %parallel_loop3A_74 : f32 to vector<16xf32>
          %parallel_loop3A_76 = arith.constant 16 : i32
          %parallel_loop3A_77 = arith.muli %parallel_loop3A_33, %parallel_loop3A_76 : i32
          %parallel_loop3A_78 = arith.constant 5 : i32
          %parallel_loop3A_79 = arith.index_cast %parallel_loop3A_78 : i32 to index
          %parallel_loop3A_80 = arith.index_cast %parallel_loop3A_77 : i32 to index
          %parallel_loop3A_81 = tpu.vector_load %arg14[%parallel_loop3A_79, %parallel_loop3A_80] {strides = array<i32>} : memref<32x128xf32, #tpu.memory_space<vmem>>, vector<16xf32>,
          tpu.vector_store %arg14[%parallel_loop3A_79, %parallel_loop3A_80], %parallel_loop3A_75 {strides = array<i32>} : memref<32x128xf32, #tpu.memory_space<vmem>>, vector<16xf32>,
          %parallel_loop3A_82 = arith.constant 0.000000e+00 : f32
          %parallel_loop3A_83 = vector.broadcast %parallel_loop3A_82 : f32 to vector<16xf32>
          %parallel_loop3A_84 = arith.constant 16 : i32
          %parallel_loop3A_85 = arith.muli %parallel_loop3A_33, %parallel_loop3A_84 : i32
          %parallel_loop3A_86 = arith.constant 6 : i32
          %parallel_loop3A_87 = arith.index_cast %parallel_loop3A_86 : i32 to index
          %parallel_loop3A_88 = arith.index_cast %parallel_loop3A_85 : i32 to index
          %parallel_loop3A_89 = tpu.vector_load %arg14[%parallel_loop3A_87, %parallel_loop3A_88] {strides = array<i32>} : memref<32x128xf32, #tpu.memory_space<vmem>>, vector<16xf32>,
          tpu.vector_store %arg14[%parallel_loop3A_87, %parallel_loop3A_88], %parallel_loop3A_83 {strides = array<i32>} : memref<32x128xf32, #tpu.memory_space<vmem>>, vector<16xf32>,
          %parallel_loop3A_90 = arith.constant 0.000000e+00 : f32
          %parallel_loop3A_91 = vector.broadcast %parallel_loop3A_90 : f32 to vector<16xf32>
          %parallel_loop3A_92 = arith.constant 16 : i32
          %parallel_loop3A_93 = arith.muli %parallel_loop3A_33, %parallel_loop3A_92 : i32
          %parallel_loop3A_94 = arith.constant 7 : i32
          %parallel_loop3A_95 = arith.index_cast %parallel_loop3A_94 : i32 to index
          %parallel_loop3A_96 = arith.index_cast %parallel_loop3A_93 : i32 to index
          %parallel_loop3A_97 = tpu.vector_load %arg14[%parallel_loop3A_95, %parallel_loop3A_96] {strides = array<i32>} : memref<32x128xf32, #tpu.memory_space<vmem>>, vector<16xf32>,
          tpu.vector_store %arg14[%parallel_loop3A_95, %parallel_loop3A_96], %parallel_loop3A_91 {strides = array<i32>} : memref<32x128xf32, #tpu.memory_space<vmem>>, vector<16xf32>,
          %parallel_loop3A_98 = arith.constant 0.000000e+00 : f32
          %parallel_loop3A_99 = vector.broadcast %parallel_loop3A_98 : f32 to vector<16xf32>
          %parallel_loop3A_100 = arith.constant 16 : i32
          %parallel_loop3A_101 = arith.muli %parallel_loop3A_33, %parallel_loop3A_100 : i32
          %parallel_loop3A_102 = arith.constant 8 : i32
          %parallel_loop3A_103 = arith.index_cast %parallel_loop3A_102 : i32 to index
          %parallel_loop3A_104 = arith.index_cast %parallel_loop3A_101 : i32 to index
          %parallel_loop3A_105 = tpu.vector_load %arg14[%parallel_loop3A_103, %parallel_loop3A_104] {strides = array<i32>} : memref<32x128xf32, #tpu.memory_space<vmem>>, vector<16xf32>,
          tpu.vector_store %arg14[%parallel_loop3A_103, %parallel_loop3A_104], %parallel_loop3A_99 {strides = array<i32>} : memref<32x128xf32, #tpu.memory_space<vmem>>, vector<16xf32>,
          %parallel_loop3A_106 = arith.constant 0.000000e+00 : f32
          %parallel_loop3A_107 = vector.broadcast %parallel_loop3A_106 : f32 to vector<16xf32>
          %parallel_loop3A_108 = arith.constant 16 : i32
          %parallel_loop3A_109 = arith.muli %parallel_loop3A_33, %parallel_loop3A_108 : i32
          %parallel_loop3A_110 = arith.constant 9 : i32
          %parallel_loop3A_111 = arith.index_cast %parallel_loop3A_110 : i32 to index
          %parallel_loop3A_112 = arith.index_cast %parallel_loop3A_109 : i32 to index
          %parallel_loop3A_113 = tpu.vector_load %arg14[%parallel_loop3A_111, %parallel_loop3A_112] {strides = array<i32>} : memref<32x128xf32, #tpu.memory_space<vmem>>, vector<16xf32>,
          tpu.vector_store %arg14[%parallel_loop3A_111, %parallel_loop3A_112], %parallel_loop3A_107 {strides = array<i32>} : memref<32x128xf32, #tpu.memory_space<vmem>>, vector<16xf32>,
          %parallel_loop3A_114 = arith.constant 0.000000e+00 : f32
          %parallel_loop3A_115 = vector.broadcast %parallel_loop3A_114 : f32 to vector<16xf32>
          %parallel_loop3A_116 = arith.constant 16 : i32
          %parallel_loop3A_117 = arith.muli %parallel_loop3A_33, %parallel_loop3A_116 : i32
          %parallel_loop3A_118 = arith.constant 10 : i32
          %parallel_loop3A_119 = arith.index_cast %parallel_loop3A_118 : i32 to index
          %parallel_loop3A_120 = arith.index_cast %parallel_loop3A_117 : i32 to index
          %parallel_loop3A_121 = tpu.vector_load %arg14[%parallel_loop3A_119, %parallel_loop3A_120] {strides = array<i32>} : memref<32x128xf32, #tpu.memory_space<vmem>>, vector<16xf32>,
          tpu.vector_store %arg14[%parallel_loop3A_119, %parallel_loop3A_120], %parallel_loop3A_115 {strides = array<i32>} : memref<32x128xf32, #tpu.memory_space<vmem>>, vector<16xf32>,
          %parallel_loop3A_122 = arith.constant 0.000000e+00 : f32
          %parallel_loop3A_123 = vector.broadcast %parallel_loop3A_122 : f32 to vector<16xf32>
          %parallel_loop3A_124 = arith.constant 16 : i32
          %parallel_loop3A_125 = arith.muli %parallel_loop3A_33, %parallel_loop3A_124 : i32
          %parallel_loop3A_126 = arith.constant 11 : i32
          %parallel_loop3A_127 = arith.index_cast %parallel_loop3A_126 : i32 to index
          %parallel_loop3A_128 = arith.index_cast %parallel_loop3A_125 : i32 to index
          %parallel_loop3A_129 = tpu.vector_load %arg14[%parallel_loop3A_127, %parallel_loop3A_128] {strides = array<i32>} : memref<32x128xf32, #tpu.memory_space<vmem>>, vector<16xf32>,
          tpu.vector_store %arg14[%parallel_loop3A_127, %parallel_loop3A_128], %parallel_loop3A_123 {strides = array<i32>} : memref<32x128xf32, #tpu.memory_space<vmem>>, vector<16xf32>,
          %parallel_loop3A_130 = arith.constant 0.000000e+00 : f32
          %parallel_loop3A_131 = vector.broadcast %parallel_loop3A_130 : f32 to vector<16xf32>
          %parallel_loop3A_132 = arith.constant 16 : i32
          %parallel_loop3A_133 = arith.muli %parallel_loop3A_33, %parallel_loop3A_132 : i32
          %parallel_loop3A_134 = arith.constant 12 : i32
          %parallel_loop3A_135 = arith.index_cast %parallel_loop3A_134 : i32 to index
          %parallel_loop3A_136 = arith.index_cast %parallel_loop3A_133 : i32 to index
          %parallel_loop3A_137 = tpu.vector_load %arg14[%parallel_loop3A_135, %parallel_loop3A_136] {strides = array<i32>} : memref<32x128xf32, #tpu.memory_space<vmem>>, vector<16xf32>,
          tpu.vector_store %arg14[%parallel_loop3A_135, %parallel_loop3A_136], %parallel_loop3A_131 {strides = array<i32>} : memref<32x128xf32, #tpu.memory_space<vmem>>, vector<16xf32>,
          %parallel_loop3A_138 = arith.constant 0.000000e+00 : f32
          %parallel_loop3A_139 = vector.broadcast %parallel_loop3A_138 : f32 to vector<16xf32>
          %parallel_loop3A_140 = arith.constant 16 : i32
          %parallel_loop3A_141 = arith.muli %parallel_loop3A_33, %parallel_loop3A_140 : i32
          %parallel_loop3A_142 = arith.constant 13 : i32
          %parallel_loop3A_143 = arith.index_cast %parallel_loop3A_142 : i32 to index
          %parallel_loop3A_144 = arith.index_cast %parallel_loop3A_141 : i32 to index
          %parallel_loop3A_145 = tpu.vector_load %arg14[%parallel_loop3A_143, %parallel_loop3A_144] {strides = array<i32>} : memref<32x128xf32, #tpu.memory_space<vmem>>, vector<16xf32>,
          tpu.vector_store %arg14[%parallel_loop3A_143, %parallel_loop3A_144], %parallel_loop3A_139 {strides = array<i32>} : memref<32x128xf32, #tpu.memory_space<vmem>>, vector<16xf32>,
          %parallel_loop3A_146 = arith.constant 0.000000e+00 : f32
          %parallel_loop3A_147 = vector.broadcast %parallel_loop3A_146 : f32 to vector<16xf32>
          %parallel_loop3A_148 = arith.constant 16 : i32
          %parallel_loop3A_149 = arith.muli %parallel_loop3A_33, %parallel_loop3A_148 : i32
          %parallel_loop3A_150 = arith.constant 14 : i32
          %parallel_loop3A_151 = arith.index_cast %parallel_loop3A_150 : i32 to index
          %parallel_loop3A_152 = arith.index_cast %parallel_loop3A_149 : i32 to index
          %parallel_loop3A_153 = tpu.vector_load %arg14[%parallel_loop3A_151, %parallel_loop3A_152] {strides = array<i32>} : memref<32x128xf32, #tpu.memory_space<vmem>>, vector<16xf32>,
          tpu.vector_store %arg14[%parallel_loop3A_151, %parallel_loop3A_152], %parallel_loop3A_147 {strides = array<i32>} : memref<32x128xf32, #tpu.memory_space<vmem>>, vector<16xf32>,
          %parallel_loop3A_154 = arith.constant 0.000000e+00 : f32
          %parallel_loop3A_155 = vector.broadcast %parallel_loop3A_154 : f32 to vector<16xf32>
          %parallel_loop3A_156 = arith.constant 16 : i32
          %parallel_loop3A_157 = arith.muli %parallel_loop3A_33, %parallel_loop3A_156 : i32
          %parallel_loop3A_158 = arith.constant 15 : i32
          %parallel_loop3A_159 = arith.index_cast %parallel_loop3A_158 : i32 to index
          %parallel_loop3A_160 = arith.index_cast %parallel_loop3A_157 : i32 to index
          %parallel_loop3A_161 = tpu.vector_load %arg14[%parallel_loop3A_159, %parallel_loop3A_160] {strides = array<i32>} : memref<32x128xf32, #tpu.memory_space<vmem>>, vector<16xf32>,
          tpu.vector_store %arg14[%parallel_loop3A_159, %parallel_loop3A_160], %parallel_loop3A_155 {strides = array<i32>} : memref<32x128xf32, #tpu.memory_space<vmem>>, vector<16xf32>,
          %parallel_loop3A_162 = arith.constant 0.000000e+00 : f32
          %parallel_loop3A_163 = vector.broadcast %parallel_loop3A_162 : f32 to vector<16xf32>
          %parallel_loop3A_164 = arith.constant 16 : i32
          %parallel_loop3A_165 = arith.muli %parallel_loop3A_33, %parallel_loop3A_164 : i32
          %parallel_loop3A_166 = arith.constant 16 : i32
          %parallel_loop3A_167 = arith.index_cast %parallel_loop3A_166 : i32 to index
          %parallel_loop3A_168 = arith.index_cast %parallel_loop3A_165 : i32 to index
          %parallel_loop3A_169 = tpu.vector_load %arg14[%parallel_loop3A_167, %parallel_loop3A_168] {strides = array<i32>} : memref<32x128xf32, #tpu.memory_space<vmem>>, vector<16xf32>,
          tpu.vector_store %arg14[%parallel_loop3A_167, %parallel_loop3A_168], %parallel_loop3A_163 {strides = array<i32>} : memref<32x128xf32, #tpu.memory_space<vmem>>, vector<16xf32>,
          %parallel_loop3A_170 = arith.constant 0.000000e+00 : f32
          %parallel_loop3A_171 = vector.broadcast %parallel_loop3A_170 : f32 to vector<16xf32>
          %parallel_loop3A_172 = arith.constant 16 : i32
          %parallel_loop3A_173 = arith.muli %parallel_loop3A_33, %parallel_loop3A_172 : i32
          %parallel_loop3A_174 = arith.constant 17 : i32
          %parallel_loop3A_175 = arith.index_cast %parallel_loop3A_174 : i32 to index
          %parallel_loop3A_176 = arith.index_cast %parallel_loop3A_173 : i32 to index
          %parallel_loop3A_177 = tpu.vector_load %arg14[%parallel_loop3A_175, %parallel_loop3A_176] {strides = array<i32>} : memref<32x128xf32, #tpu.memory_space<vmem>>, vector<16xf32>,
          tpu.vector_store %arg14[%parallel_loop3A_175, %parallel_loop3A_176], %parallel_loop3A_171 {strides = array<i32>} : memref<32x128xf32, #tpu.memory_space<vmem>>, vector<16xf32>,
          %parallel_loop3A_178 = arith.constant 0.000000e+00 : f32
          %parallel_loop3A_179 = vector.broadcast %parallel_loop3A_178 : f32 to vector<16xf32>
          %parallel_loop3A_180 = arith.constant 16 : i32
          %parallel_loop3A_181 = arith.muli %parallel_loop3A_33, %parallel_loop3A_180 : i32
          %parallel_loop3A_182 = arith.constant 18 : i32
          %parallel_loop3A_183 = arith.index_cast %parallel_loop3A_182 : i32 to index
          %parallel_loop3A_184 = arith.index_cast %parallel_loop3A_181 : i32 to index
          %parallel_loop3A_185 = tpu.vector_load %arg14[%parallel_loop3A_183, %parallel_loop3A_184] {strides = array<i32>} : memref<32x128xf32, #tpu.memory_space<vmem>>, vector<16xf32>,
          tpu.vector_store %arg14[%parallel_loop3A_183, %parallel_loop3A_184], %parallel_loop3A_179 {strides = array<i32>} : memref<32x128xf32, #tpu.memory_space<vmem>>, vector<16xf32>,
          %parallel_loop3A_186 = arith.constant 0.000000e+00 : f32
          %parallel_loop3A_187 = vector.broadcast %parallel_loop3A_186 : f32 to vector<16xf32>
          %parallel_loop3A_188 = arith.constant 16 : i32
          %parallel_loop3A_189 = arith.muli %parallel_loop3A_33, %parallel_loop3A_188 : i32
          %parallel_loop3A_190 = arith.constant 19 : i32
          %parallel_loop3A_191 = arith.index_cast %parallel_loop3A_190 : i32 to index
          %parallel_loop3A_192 = arith.index_cast %parallel_loop3A_189 : i32 to index
          %parallel_loop3A_193 = tpu.vector_load %arg14[%parallel_loop3A_191, %parallel_loop3A_192] {strides = array<i32>} : memref<32x128xf32, #tpu.memory_space<vmem>>, vector<16xf32>,
          tpu.vector_store %arg14[%parallel_loop3A_191, %parallel_loop3A_192], %parallel_loop3A_187 {strides = array<i32>} : memref<32x128xf32, #tpu.memory_space<vmem>>, vector<16xf32>,
          %parallel_loop3A_194 = arith.constant 0.000000e+00 : f32
          %parallel_loop3A_195 = vector.broadcast %parallel_loop3A_194 : f32 to vector<16xf32>
          %parallel_loop3A_196 = arith.constant 16 : i32
          %parallel_loop3A_197 = arith.muli %parallel_loop3A_33, %parallel_loop3A_196 : i32
          %parallel_loop3A_198 = arith.constant 20 : i32
          %parallel_loop3A_199 = arith.index_cast %parallel_loop3A_198 : i32 to index
          %parallel_loop3A_200 = arith.index_cast %parallel_loop3A_197 : i32 to index
          %parallel_loop3A_201 = tpu.vector_load %arg14[%parallel_loop3A_199, %parallel_loop3A_200] {strides = array<i32>} : memref<32x128xf32, #tpu.memory_space<vmem>>, vector<16xf32>,
          tpu.vector_store %arg14[%parallel_loop3A_199, %parallel_loop3A_200], %parallel_loop3A_195 {strides = array<i32>} : memref<32x128xf32, #tpu.memory_space<vmem>>, vector<16xf32>,
          %parallel_loop3A_202 = arith.constant 0.000000e+00 : f32
          %parallel_loop3A_203 = vector.broadcast %parallel_loop3A_202 : f32 to vector<16xf32>
          %parallel_loop3A_204 = arith.constant 16 : i32
          %parallel_loop3A_205 = arith.muli %parallel_loop3A_33, %parallel_loop3A_204 : i32
          %parallel_loop3A_206 = arith.constant 21 : i32
          %parallel_loop3A_207 = arith.index_cast %parallel_loop3A_206 : i32 to index
          %parallel_loop3A_208 = arith.index_cast %parallel_loop3A_205 : i32 to index
          %parallel_loop3A_209 = tpu.vector_load %arg14[%parallel_loop3A_207, %parallel_loop3A_208] {strides = array<i32>} : memref<32x128xf32, #tpu.memory_space<vmem>>, vector<16xf32>,
          tpu.vector_store %arg14[%parallel_loop3A_207, %parallel_loop3A_208], %parallel_loop3A_203 {strides = array<i32>} : memref<32x128xf32, #tpu.memory_space<vmem>>, vector<16xf32>,
          %parallel_loop3A_210 = arith.constant 0.000000e+00 : f32
          %parallel_loop3A_211 = vector.broadcast %parallel_loop3A_210 : f32 to vector<16xf32>
          %parallel_loop3A_212 = arith.constant 16 : i32
          %parallel_loop3A_213 = arith.muli %parallel_loop3A_33, %parallel_loop3A_212 : i32
          %parallel_loop3A_214 = arith.constant 22 : i32
          %parallel_loop3A_215 = arith.index_cast %parallel_loop3A_214 : i32 to index
          %parallel_loop3A_216 = arith.index_cast %parallel_loop3A_213 : i32 to index
          %parallel_loop3A_217 = tpu.vector_load %arg14[%parallel_loop3A_215, %parallel_loop3A_216] {strides = array<i32>} : memref<32x128xf32, #tpu.memory_space<vmem>>, vector<16xf32>,
          tpu.vector_store %arg14[%parallel_loop3A_215, %parallel_loop3A_216], %parallel_loop3A_211 {strides = array<i32>} : memref<32x128xf32, #tpu.memory_space<vmem>>, vector<16xf32>,
          %parallel_loop3A_218 = arith.constant 0.000000e+00 : f32
          %parallel_loop3A_219 = vector.broadcast %parallel_loop3A_218 : f32 to vector<16xf32>
          %parallel_loop3A_220 = arith.constant 16 : i32
          %parallel_loop3A_221 = arith.muli %parallel_loop3A_33, %parallel_loop3A_220 : i32
          %parallel_loop3A_222 = arith.constant 23 : i32
          %parallel_loop3A_223 = arith.index_cast %parallel_loop3A_222 : i32 to index
          %parallel_loop3A_224 = arith.index_cast %parallel_loop3A_221 : i32 to index
          %parallel_loop3A_225 = tpu.vector_load %arg14[%parallel_loop3A_223, %parallel_loop3A_224] {strides = array<i32>} : memref<32x128xf32, #tpu.memory_space<vmem>>, vector<16xf32>,
          tpu.vector_store %arg14[%parallel_loop3A_223, %parallel_loop3A_224], %parallel_loop3A_219 {strides = array<i32>} : memref<32x128xf32, #tpu.memory_space<vmem>>, vector<16xf32>,
          %parallel_loop3A_226 = arith.constant 0.000000e+00 : f32
          %parallel_loop3A_227 = vector.broadcast %parallel_loop3A_226 : f32 to vector<16xf32>
          %parallel_loop3A_228 = arith.constant 16 : i32
          %parallel_loop3A_229 = arith.muli %parallel_loop3A_33, %parallel_loop3A_228 : i32
          %parallel_loop3A_230 = arith.constant 24 : i32
          %parallel_loop3A_231 = arith.index_cast %parallel_loop3A_230 : i32 to index
          %parallel_loop3A_232 = arith.index_cast %parallel_loop3A_229 : i32 to index
          %parallel_loop3A_233 = tpu.vector_load %arg14[%parallel_loop3A_231, %parallel_loop3A_232] {strides = array<i32>} : memref<32x128xf32, #tpu.memory_space<vmem>>, vector<16xf32>,
          tpu.vector_store %arg14[%parallel_loop3A_231, %parallel_loop3A_232], %parallel_loop3A_227 {strides = array<i32>} : memref<32x128xf32, #tpu.memory_space<vmem>>, vector<16xf32>,
          %parallel_loop3A_234 = arith.constant 0.000000e+00 : f32
          %parallel_loop3A_235 = vector.broadcast %parallel_loop3A_234 : f32 to vector<16xf32>
          %parallel_loop3A_236 = arith.constant 16 : i32
          %parallel_loop3A_237 = arith.muli %parallel_loop3A_33, %parallel_loop3A_236 : i32
          %parallel_loop3A_238 = arith.constant 25 : i32
          %parallel_loop3A_239 = arith.index_cast %parallel_loop3A_238 : i32 to index
          %parallel_loop3A_240 = arith.index_cast %parallel_loop3A_237 : i32 to index
          %parallel_loop3A_241 = tpu.vector_load %arg14[%parallel_loop3A_239, %parallel_loop3A_240] {strides = array<i32>} : memref<32x128xf32, #tpu.memory_space<vmem>>, vector<16xf32>,
          tpu.vector_store %arg14[%parallel_loop3A_239, %parallel_loop3A_240], %parallel_loop3A_235 {strides = array<i32>} : memref<32x128xf32, #tpu.memory_space<vmem>>, vector<16xf32>,
          %parallel_loop3A_242 = arith.constant 0.000000e+00 : f32
          %parallel_loop3A_243 = vector.broadcast %parallel_loop3A_242 : f32 to vector<16xf32>
          %parallel_loop3A_244 = arith.constant 16 : i32
          %parallel_loop3A_245 = arith.muli %parallel_loop3A_33, %parallel_loop3A_244 : i32
          %parallel_loop3A_246 = arith.constant 26 : i32
          %parallel_loop3A_247 = arith.index_cast %parallel_loop3A_246 : i32 to index
          %parallel_loop3A_248 = arith.index_cast %parallel_loop3A_245 : i32 to index
          %parallel_loop3A_249 = tpu.vector_load %arg14[%parallel_loop3A_247, %parallel_loop3A_248] {strides = array<i32>} : memref<32x128xf32, #tpu.memory_space<vmem>>, vector<16xf32>,
          tpu.vector_store %arg14[%parallel_loop3A_247, %parallel_loop3A_248], %parallel_loop3A_243 {strides = array<i32>} : memref<32x128xf32, #tpu.memory_space<vmem>>, vector<16xf32>,
          %parallel_loop3A_250 = arith.constant 0.000000e+00 : f32
          %parallel_loop3A_251 = vector.broadcast %parallel_loop3A_250 : f32 to vector<16xf32>
          %parallel_loop3A_252 = arith.constant 16 : i32
          %parallel_loop3A_253 = arith.muli %parallel_loop3A_33, %parallel_loop3A_252 : i32
          %parallel_loop3A_254 = arith.constant 27 : i32
          %parallel_loop3A_255 = arith.index_cast %parallel_loop3A_254 : i32 to index
          %parallel_loop3A_256 = arith.index_cast %parallel_loop3A_253 : i32 to index
          %parallel_loop3A_257 = tpu.vector_load %arg14[%parallel_loop3A_255, %parallel_loop3A_256] {strides = array<i32>} : memref<32x128xf32, #tpu.memory_space<vmem>>, vector<16xf32>,
          tpu.vector_store %arg14[%parallel_loop3A_255, %parallel_loop3A_256], %parallel_loop3A_251 {strides = array<i32>} : memref<32x128xf32, #tpu.memory_space<vmem>>, vector<16xf32>,
          %parallel_loop3A_258 = arith.constant 0.000000e+00 : f32
          %parallel_loop3A_259 = vector.broadcast %parallel_loop3A_258 : f32 to vector<16xf32>
          %parallel_loop3A_260 = arith.constant 16 : i32
          %parallel_loop3A_261 = arith.muli %parallel_loop3A_33, %parallel_loop3A_260 : i32
          %parallel_loop3A_262 = arith.constant 28 : i32
          %parallel_loop3A_263 = arith.index_cast %parallel_loop3A_262 : i32 to index
          %parallel_loop3A_264 = arith.index_cast %parallel_loop3A_261 : i32 to index
          %parallel_loop3A_265 = tpu.vector_load %arg14[%parallel_loop3A_263, %parallel_loop3A_264] {strides = array<i32>} : memref<32x128xf32, #tpu.memory_space<vmem>>, vector<16xf32>,
          tpu.vector_store %arg14[%parallel_loop3A_263, %parallel_loop3A_264], %parallel_loop3A_259 {strides = array<i32>} : memref<32x128xf32, #tpu.memory_space<vmem>>, vector<16xf32>,
          %parallel_loop3A_266 = arith.constant 0.000000e+00 : f32
          %parallel_loop3A_267 = vector.broadcast %parallel_loop3A_266 : f32 to vector<16xf32>
          %parallel_loop3A_268 = arith.constant 16 : i32
          %parallel_loop3A_269 = arith.muli %parallel_loop3A_33, %parallel_loop3A_268 : i32
          %parallel_loop3A_270 = arith.constant 29 : i32
          %parallel_loop3A_271 = arith.index_cast %parallel_loop3A_270 : i32 to index
          %parallel_loop3A_272 = arith.index_cast %parallel_loop3A_269 : i32 to index
          %parallel_loop3A_273 = tpu.vector_load %arg14[%parallel_loop3A_271, %parallel_loop3A_272] {strides = array<i32>} : memref<32x128xf32, #tpu.memory_space<vmem>>, vector<16xf32>,
          tpu.vector_store %arg14[%parallel_loop3A_271, %parallel_loop3A_272], %parallel_loop3A_267 {strides = array<i32>} : memref<32x128xf32, #tpu.memory_space<vmem>>, vector<16xf32>,
          %parallel_loop3A_274 = arith.constant 0.000000e+00 : f32
          %parallel_loop3A_275 = vector.broadcast %parallel_loop3A_274 : f32 to vector<16xf32>
          %parallel_loop3A_276 = arith.constant 16 : i32
          %parallel_loop3A_277 = arith.muli %parallel_loop3A_33, %parallel_loop3A_276 : i32
          %parallel_loop3A_278 = arith.constant 30 : i32
          %parallel_loop3A_279 = arith.index_cast %parallel_loop3A_278 : i32 to index
          %parallel_loop3A_280 = arith.index_cast %parallel_loop3A_277 : i32 to index
          %parallel_loop3A_281 = tpu.vector_load %arg14[%parallel_loop3A_279, %parallel_loop3A_280] {strides = array<i32>} : memref<32x128xf32, #tpu.memory_space<vmem>>, vector<16xf32>,
          tpu.vector_store %arg14[%parallel_loop3A_279, %parallel_loop3A_280], %parallel_loop3A_275 {strides = array<i32>} : memref<32x128xf32, #tpu.memory_space<vmem>>, vector<16xf32>,
          %parallel_loop3A_282 = arith.constant 0.000000e+00 : f32
          %parallel_loop3A_283 = vector.broadcast %parallel_loop3A_282 : f32 to vector<16xf32>
          %parallel_loop3A_284 = arith.constant 16 : i32
          %parallel_loop3A_285 = arith.muli %parallel_loop3A_33, %parallel_loop3A_284 : i32
          %parallel_loop3A_286 = arith.constant 31 : i32
          %parallel_loop3A_287 = arith.index_cast %parallel_loop3A_286 : i32 to index
          %parallel_loop3A_288 = arith.index_cast %parallel_loop3A_285 : i32 to index
          %parallel_loop3A_289 = tpu.vector_load %arg14[%parallel_loop3A_287, %parallel_loop3A_288] {strides = array<i32>} : memref<32x128xf32, #tpu.memory_space<vmem>>, vector<16xf32>,
          tpu.vector_store %arg14[%parallel_loop3A_287, %parallel_loop3A_288], %parallel_loop3A_283 {strides = array<i32>} : memref<32x128xf32, #tpu.memory_space<vmem>>, vector<16xf32>,
        } {sc.loop_unroll_factor = 1 : i64, sc.parallel_access}
        %parallel_loop3A_27 = arith.constant 0 : i32
        %parallel_loop3A_28 = arith.constant 200 : i32
        %parallel_loop3A_29 = arith.constant 1 : i32
        scf.for %parallel_loop3A_33 = %parallel_loop3A_27 to %parallel_loop3A_28 step %parallel_loop3A_29  : i32 {
          %parallel_loop3A_34 = arith.constant 16 : i32
          %parallel_loop3A_35 = arith.muli %parallel_loop3A_33, %parallel_loop3A_34 : i32
          %parallel_loop3A_36 = tpu.iota {dimensions = array<i32: 0>} : vector<16xi32>
          %parallel_loop3A_37 = arith.constant 100 : i32
          %parallel_loop3A_38 = vector.broadcast %parallel_loop3A_37 : i32 to vector<16xi32>
          %parallel_loop3A_39 = arith.addi %parallel_loop3A_38, %parallel_loop3A_36 : vector<16xi32>
          %parallel_loop3A_40 = arith.index_cast %parallel_loop3A_35 : i32 to index
          %parallel_loop3A_41 = tpu.vector_load %arg9[%parallel_loop3A_40] {strides = array<i32>} : memref<3200xi32, #tpu.memory_space<vmem>>, vector<16xi32>,
          %parallel_loop3A_42 = vector.broadcast %mul3A_13 : i32 to vector<16xi32>
          %parallel_loop3A_43 = arith.subi %parallel_loop3A_41, %parallel_loop3A_42 : vector<16xi32>
          %parallel_loop3A_44 = tpu.vector_load_idx %arg12[%parallel_loop3A_43] : memref<200xi32, #tpu.memory_space<vmem>>[vector<16xi32>], vector<16xi32>,
          %parallel_loop3A_45 = arith.index_cast %parallel_loop3A_35 : i32 to index
          %parallel_loop3A_46 = tpu.vector_load %arg10[%parallel_loop3A_45] {strides = array<i32>} : memref<3200xi32, #tpu.memory_space<vmem>>, vector<16xi32>,
          %parallel_loop3A_47 = vector.broadcast %mul3A_13 : i32 to vector<16xi32>
          %parallel_loop3A_48 = arith.subi %parallel_loop3A_46, %parallel_loop3A_47 : vector<16xi32>
          %parallel_loop3A_49 = tpu.vector_load_idx %arg12[%parallel_loop3A_48] : memref<200xi32, #tpu.memory_space<vmem>>[vector<16xi32>], vector<16xi32>,
          %parallel_loop3A_50 = arith.constant 100 : i32
          %parallel_loop3A_51 = vector.broadcast %parallel_loop3A_50 : i32 to vector<16xi32>
          %parallel_loop3A_52 = arith.cmpi slt, %parallel_loop3A_44, %parallel_loop3A_51 : vector<16xi32>
          %parallel_loop3A_53 = arith.constant 100 : i32
          %parallel_loop3A_54 = vector.broadcast %parallel_loop3A_53 : i32 to vector<16xi32>
          %parallel_loop3A_55 = arith.cmpi slt, %parallel_loop3A_49, %parallel_loop3A_54 : vector<16xi32>
          %parallel_loop3A_56 = arith.andi %parallel_loop3A_52, %parallel_loop3A_55 : vector<16xi1>
          %parallel_loop3A_57 = arith.constant 1.000000e+00 : f32
          %parallel_loop3A_58 = arith.constant 0.000000e+00 : f32
          %parallel_loop3A_59 = vector.broadcast %parallel_loop3A_57 : f32 to vector<16xf32>
          %parallel_loop3A_60 = vector.broadcast %parallel_loop3A_58 : f32 to vector<16xf32>
          %parallel_loop3A_61 = arith.select %parallel_loop3A_56, %parallel_loop3A_59, %parallel_loop3A_60 : vector<16xi1>, vector<16xf32>
          %parallel_loop3A_62 = arith.select %parallel_loop3A_56, %parallel_loop3A_49, %parallel_loop3A_39 : vector<16xi1>, vector<16xi32>
          %parallel_loop3A_63 = arith.index_cast %parallel_loop3A_35 : i32 to index
          %parallel_loop3A_64 = tpu.vector_load %arg11[%parallel_loop3A_63] {strides = array<i32>} : memref<3200xf32, #tpu.memory_space<vmem>>, vector<16xf32>,
          %parallel_loop3A_65 = math.exp %parallel_loop3A_64 : vector<16xf32>
          %parallel_loop3A_66 = arith.mulf %parallel_loop3A_65, %parallel_loop3A_61 : vector<16xf32>
          %parallel_loop3A_67 = arith.index_cast %parallel_loop3A_35 : i32 to index
          %parallel_loop3A_68 = tpu.vector_load %arg11[%parallel_loop3A_67] {strides = array<i32>} : memref<3200xf32, #tpu.memory_space<vmem>>, vector<16xf32>,
          tpu.vector_store %arg11[%parallel_loop3A_67], %parallel_loop3A_66 {strides = array<i32>} : memref<3200xf32, #tpu.memory_space<vmem>>, vector<16xf32>,
          %parallel_loop3A_69 = arith.select %parallel_loop3A_56, %parallel_loop3A_44, %parallel_loop3A_39 : vector<16xi1>, vector<16xi32>
          %parallel_loop3A_70 = arith.index_cast %parallel_loop3A_35 : i32 to index
          %parallel_loop3A_71 = tpu.vector_load %arg9[%parallel_loop3A_70] {strides = array<i32>} : memref<3200xi32, #tpu.memory_space<vmem>>, vector<16xi32>,
          tpu.vector_store %arg9[%parallel_loop3A_70], %parallel_loop3A_69 {strides = array<i32>} : memref<3200xi32, #tpu.memory_space<vmem>>, vector<16xi32>,
          %parallel_loop3A_72 = arith.index_cast %parallel_loop3A_35 : i32 to index
          %parallel_loop3A_73 = tpu.vector_load %arg10[%parallel_loop3A_72] {strides = array<i32>} : memref<3200xi32, #tpu.memory_space<vmem>>, vector<16xi32>,
          tpu.vector_store %arg10[%parallel_loop3A_72], %parallel_loop3A_62 {strides = array<i32>} : memref<3200xi32, #tpu.memory_space<vmem>>, vector<16xi32>,
          tpu.vector_store_idx %arg13[%parallel_loop3A_62], %parallel_loop3A_66 {add = true} : memref<128xf32, #tpu.memory_space<vmem>>[vector<16xi32>], vector<16xf32>,
        } {sc.loop_unroll_factor = 1 : i64, sc.parallel_access}
        %parallel_loop3A_30 = arith.constant 0 : i32
        %parallel_loop3A_31 = arith.constant 200 : i32
        %parallel_loop3A_32 = arith.constant 1 : i32
        scf.for %parallel_loop3A_33 = %parallel_loop3A_30 to %parallel_loop3A_31 step %parallel_loop3A_32  : i32 {
          %parallel_loop3A_34 = arith.constant 16 : i32
          %parallel_loop3A_35 = arith.muli %parallel_loop3A_33, %parallel_loop3A_34 : i32
          %parallel_loop3A_36 = arith.index_cast %parallel_loop3A_35 : i32 to index
          %parallel_loop3A_37 = tpu.vector_load %arg9[%parallel_loop3A_36] {strides = array<i32>} : memref<3200xi32, #tpu.memory_space<vmem>>, vector<16xi32>,
          %parallel_loop3A_38 = arith.index_cast %parallel_loop3A_35 : i32 to index
          %parallel_loop3A_39 = tpu.vector_load %arg10[%parallel_loop3A_38] {strides = array<i32>} : memref<3200xi32, #tpu.memory_space<vmem>>, vector<16xi32>,
          %parallel_loop3A_40 = tpu.vector_load_idx %arg13[%parallel_loop3A_39] : memref<128xf32, #tpu.memory_space<vmem>>[vector<16xi32>], vector<16xf32>,
          %parallel_loop3A_41 = arith.index_cast %parallel_loop3A_35 : i32 to index
          %parallel_loop3A_42 = tpu.vector_load %arg11[%parallel_loop3A_41] {strides = array<i32>} : memref<3200xf32, #tpu.memory_space<vmem>>, vector<16xf32>,
          %parallel_loop3A_43 = arith.constant 1.000000e-16 : f32
          %parallel_loop3A_44 = vector.broadcast %parallel_loop3A_43 : f32 to vector<16xf32>
          %parallel_loop3A_45 = arith.maximumf %parallel_loop3A_40, %parallel_loop3A_44 : vector<16xf32>
          %parallel_loop3A_46 = arith.divf %parallel_loop3A_42, %parallel_loop3A_45 : vector<16xf32>
          %parallel_loop3A_47 = arith.constant 0 : i32
          %parallel_loop3A_48 = vector.broadcast %parallel_loop3A_47 : i32 to vector<16xi32>
          %parallel_loop3A_49 = tpu.vector_load_idx %arg8[%parallel_loop3A_48, %parallel_loop3A_37] : memref<32x128xf32, #tpu.memory_space<vmem>>[vector<16xi32>, vector<16xi32>], vector<16xf32>,
          %parallel_loop3A_50 = arith.mulf %parallel_loop3A_46, %parallel_loop3A_49 : vector<16xf32>
          tpu.vector_store_idx %arg14[%parallel_loop3A_48, %parallel_loop3A_39], %parallel_loop3A_50 {add = true} : memref<32x128xf32, #tpu.memory_space<vmem>>[vector<16xi32>, vector<16xi32>], vector<16xf32>,
          %parallel_loop3A_51 = arith.constant 1 : i32
          %parallel_loop3A_52 = vector.broadcast %parallel_loop3A_51 : i32 to vector<16xi32>
          %parallel_loop3A_53 = tpu.vector_load_idx %arg8[%parallel_loop3A_52, %parallel_loop3A_37] : memref<32x128xf32, #tpu.memory_space<vmem>>[vector<16xi32>, vector<16xi32>], vector<16xf32>,
          %parallel_loop3A_54 = arith.mulf %parallel_loop3A_46, %parallel_loop3A_53 : vector<16xf32>
          tpu.vector_store_idx %arg14[%parallel_loop3A_52, %parallel_loop3A_39], %parallel_loop3A_54 {add = true} : memref<32x128xf32, #tpu.memory_space<vmem>>[vector<16xi32>, vector<16xi32>], vector<16xf32>,
          %parallel_loop3A_55 = arith.constant 2 : i32
          %parallel_loop3A_56 = vector.broadcast %parallel_loop3A_55 : i32 to vector<16xi32>
          %parallel_loop3A_57 = tpu.vector_load_idx %arg8[%parallel_loop3A_56, %parallel_loop3A_37] : memref<32x128xf32, #tpu.memory_space<vmem>>[vector<16xi32>, vector<16xi32>], vector<16xf32>,
          %parallel_loop3A_58 = arith.mulf %parallel_loop3A_46, %parallel_loop3A_57 : vector<16xf32>
          tpu.vector_store_idx %arg14[%parallel_loop3A_56, %parallel_loop3A_39], %parallel_loop3A_58 {add = true} : memref<32x128xf32, #tpu.memory_space<vmem>>[vector<16xi32>, vector<16xi32>], vector<16xf32>,
          %parallel_loop3A_59 = arith.constant 3 : i32
          %parallel_loop3A_60 = vector.broadcast %parallel_loop3A_59 : i32 to vector<16xi32>
          %parallel_loop3A_61 = tpu.vector_load_idx %arg8[%parallel_loop3A_60, %parallel_loop3A_37] : memref<32x128xf32, #tpu.memory_space<vmem>>[vector<16xi32>, vector<16xi32>], vector<16xf32>,
          %parallel_loop3A_62 = arith.mulf %parallel_loop3A_46, %parallel_loop3A_61 : vector<16xf32>
          tpu.vector_store_idx %arg14[%parallel_loop3A_60, %parallel_loop3A_39], %parallel_loop3A_62 {add = true} : memref<32x128xf32, #tpu.memory_space<vmem>>[vector<16xi32>, vector<16xi32>], vector<16xf32>,
          %parallel_loop3A_63 = arith.constant 4 : i32
          %parallel_loop3A_64 = vector.broadcast %parallel_loop3A_63 : i32 to vector<16xi32>
          %parallel_loop3A_65 = tpu.vector_load_idx %arg8[%parallel_loop3A_64, %parallel_loop3A_37] : memref<32x128xf32, #tpu.memory_space<vmem>>[vector<16xi32>, vector<16xi32>], vector<16xf32>,
          %parallel_loop3A_66 = arith.mulf %parallel_loop3A_46, %parallel_loop3A_65 : vector<16xf32>
          tpu.vector_store_idx %arg14[%parallel_loop3A_64, %parallel_loop3A_39], %parallel_loop3A_66 {add = true} : memref<32x128xf32, #tpu.memory_space<vmem>>[vector<16xi32>, vector<16xi32>], vector<16xf32>,
          %parallel_loop3A_67 = arith.constant 5 : i32
          %parallel_loop3A_68 = vector.broadcast %parallel_loop3A_67 : i32 to vector<16xi32>
          %parallel_loop3A_69 = tpu.vector_load_idx %arg8[%parallel_loop3A_68, %parallel_loop3A_37] : memref<32x128xf32, #tpu.memory_space<vmem>>[vector<16xi32>, vector<16xi32>], vector<16xf32>,
          %parallel_loop3A_70 = arith.mulf %parallel_loop3A_46, %parallel_loop3A_69 : vector<16xf32>
          tpu.vector_store_idx %arg14[%parallel_loop3A_68, %parallel_loop3A_39], %parallel_loop3A_70 {add = true} : memref<32x128xf32, #tpu.memory_space<vmem>>[vector<16xi32>, vector<16xi32>], vector<16xf32>,
          %parallel_loop3A_71 = arith.constant 6 : i32
          %parallel_loop3A_72 = vector.broadcast %parallel_loop3A_71 : i32 to vector<16xi32>
          %parallel_loop3A_73 = tpu.vector_load_idx %arg8[%parallel_loop3A_72, %parallel_loop3A_37] : memref<32x128xf32, #tpu.memory_space<vmem>>[vector<16xi32>, vector<16xi32>], vector<16xf32>,
          %parallel_loop3A_74 = arith.mulf %parallel_loop3A_46, %parallel_loop3A_73 : vector<16xf32>
          tpu.vector_store_idx %arg14[%parallel_loop3A_72, %parallel_loop3A_39], %parallel_loop3A_74 {add = true} : memref<32x128xf32, #tpu.memory_space<vmem>>[vector<16xi32>, vector<16xi32>], vector<16xf32>,
          %parallel_loop3A_75 = arith.constant 7 : i32
          %parallel_loop3A_76 = vector.broadcast %parallel_loop3A_75 : i32 to vector<16xi32>
          %parallel_loop3A_77 = tpu.vector_load_idx %arg8[%parallel_loop3A_76, %parallel_loop3A_37] : memref<32x128xf32, #tpu.memory_space<vmem>>[vector<16xi32>, vector<16xi32>], vector<16xf32>,
          %parallel_loop3A_78 = arith.mulf %parallel_loop3A_46, %parallel_loop3A_77 : vector<16xf32>
          tpu.vector_store_idx %arg14[%parallel_loop3A_76, %parallel_loop3A_39], %parallel_loop3A_78 {add = true} : memref<32x128xf32, #tpu.memory_space<vmem>>[vector<16xi32>, vector<16xi32>], vector<16xf32>,
          %parallel_loop3A_79 = arith.constant 8 : i32
          %parallel_loop3A_80 = vector.broadcast %parallel_loop3A_79 : i32 to vector<16xi32>
          %parallel_loop3A_81 = tpu.vector_load_idx %arg8[%parallel_loop3A_80, %parallel_loop3A_37] : memref<32x128xf32, #tpu.memory_space<vmem>>[vector<16xi32>, vector<16xi32>], vector<16xf32>,
          %parallel_loop3A_82 = arith.mulf %parallel_loop3A_46, %parallel_loop3A_81 : vector<16xf32>
          tpu.vector_store_idx %arg14[%parallel_loop3A_80, %parallel_loop3A_39], %parallel_loop3A_82 {add = true} : memref<32x128xf32, #tpu.memory_space<vmem>>[vector<16xi32>, vector<16xi32>], vector<16xf32>,
          %parallel_loop3A_83 = arith.constant 9 : i32
          %parallel_loop3A_84 = vector.broadcast %parallel_loop3A_83 : i32 to vector<16xi32>
          %parallel_loop3A_85 = tpu.vector_load_idx %arg8[%parallel_loop3A_84, %parallel_loop3A_37] : memref<32x128xf32, #tpu.memory_space<vmem>>[vector<16xi32>, vector<16xi32>], vector<16xf32>,
          %parallel_loop3A_86 = arith.mulf %parallel_loop3A_46, %parallel_loop3A_85 : vector<16xf32>
          tpu.vector_store_idx %arg14[%parallel_loop3A_84, %parallel_loop3A_39], %parallel_loop3A_86 {add = true} : memref<32x128xf32, #tpu.memory_space<vmem>>[vector<16xi32>, vector<16xi32>], vector<16xf32>,
          %parallel_loop3A_87 = arith.constant 10 : i32
          %parallel_loop3A_88 = vector.broadcast %parallel_loop3A_87 : i32 to vector<16xi32>
          %parallel_loop3A_89 = tpu.vector_load_idx %arg8[%parallel_loop3A_88, %parallel_loop3A_37] : memref<32x128xf32, #tpu.memory_space<vmem>>[vector<16xi32>, vector<16xi32>], vector<16xf32>,
          %parallel_loop3A_90 = arith.mulf %parallel_loop3A_46, %parallel_loop3A_89 : vector<16xf32>
          tpu.vector_store_idx %arg14[%parallel_loop3A_88, %parallel_loop3A_39], %parallel_loop3A_90 {add = true} : memref<32x128xf32, #tpu.memory_space<vmem>>[vector<16xi32>, vector<16xi32>], vector<16xf32>,
          %parallel_loop3A_91 = arith.constant 11 : i32
          %parallel_loop3A_92 = vector.broadcast %parallel_loop3A_91 : i32 to vector<16xi32>
          %parallel_loop3A_93 = tpu.vector_load_idx %arg8[%parallel_loop3A_92, %parallel_loop3A_37] : memref<32x128xf32, #tpu.memory_space<vmem>>[vector<16xi32>, vector<16xi32>], vector<16xf32>,
          %parallel_loop3A_94 = arith.mulf %parallel_loop3A_46, %parallel_loop3A_93 : vector<16xf32>
          tpu.vector_store_idx %arg14[%parallel_loop3A_92, %parallel_loop3A_39], %parallel_loop3A_94 {add = true} : memref<32x128xf32, #tpu.memory_space<vmem>>[vector<16xi32>, vector<16xi32>], vector<16xf32>,
          %parallel_loop3A_95 = arith.constant 12 : i32
          %parallel_loop3A_96 = vector.broadcast %parallel_loop3A_95 : i32 to vector<16xi32>
          %parallel_loop3A_97 = tpu.vector_load_idx %arg8[%parallel_loop3A_96, %parallel_loop3A_37] : memref<32x128xf32, #tpu.memory_space<vmem>>[vector<16xi32>, vector<16xi32>], vector<16xf32>,
          %parallel_loop3A_98 = arith.mulf %parallel_loop3A_46, %parallel_loop3A_97 : vector<16xf32>
          tpu.vector_store_idx %arg14[%parallel_loop3A_96, %parallel_loop3A_39], %parallel_loop3A_98 {add = true} : memref<32x128xf32, #tpu.memory_space<vmem>>[vector<16xi32>, vector<16xi32>], vector<16xf32>,
          %parallel_loop3A_99 = arith.constant 13 : i32
          %parallel_loop3A_100 = vector.broadcast %parallel_loop3A_99 : i32 to vector<16xi32>
          %parallel_loop3A_101 = tpu.vector_load_idx %arg8[%parallel_loop3A_100, %parallel_loop3A_37] : memref<32x128xf32, #tpu.memory_space<vmem>>[vector<16xi32>, vector<16xi32>], vector<16xf32>,
          %parallel_loop3A_102 = arith.mulf %parallel_loop3A_46, %parallel_loop3A_101 : vector<16xf32>
          tpu.vector_store_idx %arg14[%parallel_loop3A_100, %parallel_loop3A_39], %parallel_loop3A_102 {add = true} : memref<32x128xf32, #tpu.memory_space<vmem>>[vector<16xi32>, vector<16xi32>], vector<16xf32>,
          %parallel_loop3A_103 = arith.constant 14 : i32
          %parallel_loop3A_104 = vector.broadcast %parallel_loop3A_103 : i32 to vector<16xi32>
          %parallel_loop3A_105 = tpu.vector_load_idx %arg8[%parallel_loop3A_104, %parallel_loop3A_37] : memref<32x128xf32, #tpu.memory_space<vmem>>[vector<16xi32>, vector<16xi32>], vector<16xf32>,
          %parallel_loop3A_106 = arith.mulf %parallel_loop3A_46, %parallel_loop3A_105 : vector<16xf32>
          tpu.vector_store_idx %arg14[%parallel_loop3A_104, %parallel_loop3A_39], %parallel_loop3A_106 {add = true} : memref<32x128xf32, #tpu.memory_space<vmem>>[vector<16xi32>, vector<16xi32>], vector<16xf32>,
          %parallel_loop3A_107 = arith.constant 15 : i32
          %parallel_loop3A_108 = vector.broadcast %parallel_loop3A_107 : i32 to vector<16xi32>
          %parallel_loop3A_109 = tpu.vector_load_idx %arg8[%parallel_loop3A_108, %parallel_loop3A_37] : memref<32x128xf32, #tpu.memory_space<vmem>>[vector<16xi32>, vector<16xi32>], vector<16xf32>,
          %parallel_loop3A_110 = arith.mulf %parallel_loop3A_46, %parallel_loop3A_109 : vector<16xf32>
          tpu.vector_store_idx %arg14[%parallel_loop3A_108, %parallel_loop3A_39], %parallel_loop3A_110 {add = true} : memref<32x128xf32, #tpu.memory_space<vmem>>[vector<16xi32>, vector<16xi32>], vector<16xf32>,
          %parallel_loop3A_111 = arith.constant 16 : i32
          %parallel_loop3A_112 = vector.broadcast %parallel_loop3A_111 : i32 to vector<16xi32>
          %parallel_loop3A_113 = tpu.vector_load_idx %arg8[%parallel_loop3A_112, %parallel_loop3A_37] : memref<32x128xf32, #tpu.memory_space<vmem>>[vector<16xi32>, vector<16xi32>], vector<16xf32>,
          %parallel_loop3A_114 = arith.mulf %parallel_loop3A_46, %parallel_loop3A_113 : vector<16xf32>
          tpu.vector_store_idx %arg14[%parallel_loop3A_112, %parallel_loop3A_39], %parallel_loop3A_114 {add = true} : memref<32x128xf32, #tpu.memory_space<vmem>>[vector<16xi32>, vector<16xi32>], vector<16xf32>,
          %parallel_loop3A_115 = arith.constant 17 : i32
          %parallel_loop3A_116 = vector.broadcast %parallel_loop3A_115 : i32 to vector<16xi32>
          %parallel_loop3A_117 = tpu.vector_load_idx %arg8[%parallel_loop3A_116, %parallel_loop3A_37] : memref<32x128xf32, #tpu.memory_space<vmem>>[vector<16xi32>, vector<16xi32>], vector<16xf32>,
          %parallel_loop3A_118 = arith.mulf %parallel_loop3A_46, %parallel_loop3A_117 : vector<16xf32>
          tpu.vector_store_idx %arg14[%parallel_loop3A_116, %parallel_loop3A_39], %parallel_loop3A_118 {add = true} : memref<32x128xf32, #tpu.memory_space<vmem>>[vector<16xi32>, vector<16xi32>], vector<16xf32>,
          %parallel_loop3A_119 = arith.constant 18 : i32
          %parallel_loop3A_120 = vector.broadcast %parallel_loop3A_119 : i32 to vector<16xi32>
          %parallel_loop3A_121 = tpu.vector_load_idx %arg8[%parallel_loop3A_120, %parallel_loop3A_37] : memref<32x128xf32, #tpu.memory_space<vmem>>[vector<16xi32>, vector<16xi32>], vector<16xf32>,
          %parallel_loop3A_122 = arith.mulf %parallel_loop3A_46, %parallel_loop3A_121 : vector<16xf32>
          tpu.vector_store_idx %arg14[%parallel_loop3A_120, %parallel_loop3A_39], %parallel_loop3A_122 {add = true} : memref<32x128xf32, #tpu.memory_space<vmem>>[vector<16xi32>, vector<16xi32>], vector<16xf32>,
          %parallel_loop3A_123 = arith.constant 19 : i32
          %parallel_loop3A_124 = vector.broadcast %parallel_loop3A_123 : i32 to vector<16xi32>
          %parallel_loop3A_125 = tpu.vector_load_idx %arg8[%parallel_loop3A_124, %parallel_loop3A_37] : memref<32x128xf32, #tpu.memory_space<vmem>>[vector<16xi32>, vector<16xi32>], vector<16xf32>,
          %parallel_loop3A_126 = arith.mulf %parallel_loop3A_46, %parallel_loop3A_125 : vector<16xf32>
          tpu.vector_store_idx %arg14[%parallel_loop3A_124, %parallel_loop3A_39], %parallel_loop3A_126 {add = true} : memref<32x128xf32, #tpu.memory_space<vmem>>[vector<16xi32>, vector<16xi32>], vector<16xf32>,
          %parallel_loop3A_127 = arith.constant 20 : i32
          %parallel_loop3A_128 = vector.broadcast %parallel_loop3A_127 : i32 to vector<16xi32>
          %parallel_loop3A_129 = tpu.vector_load_idx %arg8[%parallel_loop3A_128, %parallel_loop3A_37] : memref<32x128xf32, #tpu.memory_space<vmem>>[vector<16xi32>, vector<16xi32>], vector<16xf32>,
          %parallel_loop3A_130 = arith.mulf %parallel_loop3A_46, %parallel_loop3A_129 : vector<16xf32>
          tpu.vector_store_idx %arg14[%parallel_loop3A_128, %parallel_loop3A_39], %parallel_loop3A_130 {add = true} : memref<32x128xf32, #tpu.memory_space<vmem>>[vector<16xi32>, vector<16xi32>], vector<16xf32>,
          %parallel_loop3A_131 = arith.constant 21 : i32
          %parallel_loop3A_132 = vector.broadcast %parallel_loop3A_131 : i32 to vector<16xi32>
          %parallel_loop3A_133 = tpu.vector_load_idx %arg8[%parallel_loop3A_132, %parallel_loop3A_37] : memref<32x128xf32, #tpu.memory_space<vmem>>[vector<16xi32>, vector<16xi32>], vector<16xf32>,
          %parallel_loop3A_134 = arith.mulf %parallel_loop3A_46, %parallel_loop3A_133 : vector<16xf32>
          tpu.vector_store_idx %arg14[%parallel_loop3A_132, %parallel_loop3A_39], %parallel_loop3A_134 {add = true} : memref<32x128xf32, #tpu.memory_space<vmem>>[vector<16xi32>, vector<16xi32>], vector<16xf32>,
          %parallel_loop3A_135 = arith.constant 22 : i32
          %parallel_loop3A_136 = vector.broadcast %parallel_loop3A_135 : i32 to vector<16xi32>
          %parallel_loop3A_137 = tpu.vector_load_idx %arg8[%parallel_loop3A_136, %parallel_loop3A_37] : memref<32x128xf32, #tpu.memory_space<vmem>>[vector<16xi32>, vector<16xi32>], vector<16xf32>,
          %parallel_loop3A_138 = arith.mulf %parallel_loop3A_46, %parallel_loop3A_137 : vector<16xf32>
          tpu.vector_store_idx %arg14[%parallel_loop3A_136, %parallel_loop3A_39], %parallel_loop3A_138 {add = true} : memref<32x128xf32, #tpu.memory_space<vmem>>[vector<16xi32>, vector<16xi32>], vector<16xf32>,
          %parallel_loop3A_139 = arith.constant 23 : i32
          %parallel_loop3A_140 = vector.broadcast %parallel_loop3A_139 : i32 to vector<16xi32>
          %parallel_loop3A_141 = tpu.vector_load_idx %arg8[%parallel_loop3A_140, %parallel_loop3A_37] : memref<32x128xf32, #tpu.memory_space<vmem>>[vector<16xi32>, vector<16xi32>], vector<16xf32>,
          %parallel_loop3A_142 = arith.mulf %parallel_loop3A_46, %parallel_loop3A_141 : vector<16xf32>
          tpu.vector_store_idx %arg14[%parallel_loop3A_140, %parallel_loop3A_39], %parallel_loop3A_142 {add = true} : memref<32x128xf32, #tpu.memory_space<vmem>>[vector<16xi32>, vector<16xi32>], vector<16xf32>,
          %parallel_loop3A_143 = arith.constant 24 : i32
          %parallel_loop3A_144 = vector.broadcast %parallel_loop3A_143 : i32 to vector<16xi32>
          %parallel_loop3A_145 = tpu.vector_load_idx %arg8[%parallel_loop3A_144, %parallel_loop3A_37] : memref<32x128xf32, #tpu.memory_space<vmem>>[vector<16xi32>, vector<16xi32>], vector<16xf32>,
          %parallel_loop3A_146 = arith.mulf %parallel_loop3A_46, %parallel_loop3A_145 : vector<16xf32>
          tpu.vector_store_idx %arg14[%parallel_loop3A_144, %parallel_loop3A_39], %parallel_loop3A_146 {add = true} : memref<32x128xf32, #tpu.memory_space<vmem>>[vector<16xi32>, vector<16xi32>], vector<16xf32>,
          %parallel_loop3A_147 = arith.constant 25 : i32
          %parallel_loop3A_148 = vector.broadcast %parallel_loop3A_147 : i32 to vector<16xi32>
          %parallel_loop3A_149 = tpu.vector_load_idx %arg8[%parallel_loop3A_148, %parallel_loop3A_37] : memref<32x128xf32, #tpu.memory_space<vmem>>[vector<16xi32>, vector<16xi32>], vector<16xf32>,
          %parallel_loop3A_150 = arith.mulf %parallel_loop3A_46, %parallel_loop3A_149 : vector<16xf32>
          tpu.vector_store_idx %arg14[%parallel_loop3A_148, %parallel_loop3A_39], %parallel_loop3A_150 {add = true} : memref<32x128xf32, #tpu.memory_space<vmem>>[vector<16xi32>, vector<16xi32>], vector<16xf32>,
          %parallel_loop3A_151 = arith.constant 26 : i32
          %parallel_loop3A_152 = vector.broadcast %parallel_loop3A_151 : i32 to vector<16xi32>
          %parallel_loop3A_153 = tpu.vector_load_idx %arg8[%parallel_loop3A_152, %parallel_loop3A_37] : memref<32x128xf32, #tpu.memory_space<vmem>>[vector<16xi32>, vector<16xi32>], vector<16xf32>,
          %parallel_loop3A_154 = arith.mulf %parallel_loop3A_46, %parallel_loop3A_153 : vector<16xf32>
          tpu.vector_store_idx %arg14[%parallel_loop3A_152, %parallel_loop3A_39], %parallel_loop3A_154 {add = true} : memref<32x128xf32, #tpu.memory_space<vmem>>[vector<16xi32>, vector<16xi32>], vector<16xf32>,
          %parallel_loop3A_155 = arith.constant 27 : i32
          %parallel_loop3A_156 = vector.broadcast %parallel_loop3A_155 : i32 to vector<16xi32>
          %parallel_loop3A_157 = tpu.vector_load_idx %arg8[%parallel_loop3A_156, %parallel_loop3A_37] : memref<32x128xf32, #tpu.memory_space<vmem>>[vector<16xi32>, vector<16xi32>], vector<16xf32>,
          %parallel_loop3A_158 = arith.mulf %parallel_loop3A_46, %parallel_loop3A_157 : vector<16xf32>
          tpu.vector_store_idx %arg14[%parallel_loop3A_156, %parallel_loop3A_39], %parallel_loop3A_158 {add = true} : memref<32x128xf32, #tpu.memory_space<vmem>>[vector<16xi32>, vector<16xi32>], vector<16xf32>,
          %parallel_loop3A_159 = arith.constant 28 : i32
          %parallel_loop3A_160 = vector.broadcast %parallel_loop3A_159 : i32 to vector<16xi32>
          %parallel_loop3A_161 = tpu.vector_load_idx %arg8[%parallel_loop3A_160, %parallel_loop3A_37] : memref<32x128xf32, #tpu.memory_space<vmem>>[vector<16xi32>, vector<16xi32>], vector<16xf32>,
          %parallel_loop3A_162 = arith.mulf %parallel_loop3A_46, %parallel_loop3A_161 : vector<16xf32>
          tpu.vector_store_idx %arg14[%parallel_loop3A_160, %parallel_loop3A_39], %parallel_loop3A_162 {add = true} : memref<32x128xf32, #tpu.memory_space<vmem>>[vector<16xi32>, vector<16xi32>], vector<16xf32>,
          %parallel_loop3A_163 = arith.constant 29 : i32
          %parallel_loop3A_164 = vector.broadcast %parallel_loop3A_163 : i32 to vector<16xi32>
          %parallel_loop3A_165 = tpu.vector_load_idx %arg8[%parallel_loop3A_164, %parallel_loop3A_37] : memref<32x128xf32, #tpu.memory_space<vmem>>[vector<16xi32>, vector<16xi32>], vector<16xf32>,
          %parallel_loop3A_166 = arith.mulf %parallel_loop3A_46, %parallel_loop3A_165 : vector<16xf32>
          tpu.vector_store_idx %arg14[%parallel_loop3A_164, %parallel_loop3A_39], %parallel_loop3A_166 {add = true} : memref<32x128xf32, #tpu.memory_space<vmem>>[vector<16xi32>, vector<16xi32>], vector<16xf32>,
          %parallel_loop3A_167 = arith.constant 30 : i32
          %parallel_loop3A_168 = vector.broadcast %parallel_loop3A_167 : i32 to vector<16xi32>
          %parallel_loop3A_169 = tpu.vector_load_idx %arg8[%parallel_loop3A_168, %parallel_loop3A_37] : memref<32x128xf32, #tpu.memory_space<vmem>>[vector<16xi32>, vector<16xi32>], vector<16xf32>,
          %parallel_loop3A_170 = arith.mulf %parallel_loop3A_46, %parallel_loop3A_169 : vector<16xf32>
          tpu.vector_store_idx %arg14[%parallel_loop3A_168, %parallel_loop3A_39], %parallel_loop3A_170 {add = true} : memref<32x128xf32, #tpu.memory_space<vmem>>[vector<16xi32>, vector<16xi32>], vector<16xf32>,
          %parallel_loop3A_171 = arith.constant 31 : i32
          %parallel_loop3A_172 = vector.broadcast %parallel_loop3A_171 : i32 to vector<16xi32>
          %parallel_loop3A_173 = tpu.vector_load_idx %arg8[%parallel_loop3A_172, %parallel_loop3A_37] : memref<32x128xf32, #tpu.memory_space<vmem>>[vector<16xi32>, vector<16xi32>], vector<16xf32>,
          %parallel_loop3A_174 = arith.mulf %parallel_loop3A_46, %parallel_loop3A_173 : vector<16xf32>
          tpu.vector_store_idx %arg14[%parallel_loop3A_172, %parallel_loop3A_39], %parallel_loop3A_174 {add = true} : memref<32x128xf32, #tpu.memory_space<vmem>>[vector<16xi32>, vector<16xi32>], vector<16xf32>,
        } {sc.loop_unroll_factor = 1 : i64, sc.parallel_access}
        "tpu.region"() ({
          %run_scoped3A = tpu.sem_alloc : memref<!tpu.dma_semaphore, #tpu.memory_space<semaphore_mem>>
          %dma_start3A = arith.constant 0 : i32
          %dma_start3A_33 = arith.constant 0 : i32
          %dma_start3A_34 = tpu.memref_slice %arg7[%add3A_9, %dma_start3A, %dma_start3A_33] : memref<100x32x128xf32, #tpu.memory_space<hbm>> -> memref<1x32x128xf32, #tpu.memory_space<hbm>>
          %dma_start3A_35 = tpu.memref_squeeze %dma_start3A_34 : memref<1x32x128xf32, #tpu.memory_space<hbm>> -> memref<32x128xf32, #tpu.memory_space<hbm>>
          %dma_start3A_36 = arith.constant 0 : i32
          %dma_start3A_37 = arith.constant 0 : i32
          %dma_start3A_38 = tpu.memref_slice %arg7[%add3A_9, %dma_start3A_36, %dma_start3A_37] : memref<100x32x128xf32, #tpu.memory_space<hbm>> -> memref<1x32x128xf32, #tpu.memory_space<hbm>>
          %dma_start3A_39 = tpu.memref_squeeze %dma_start3A_38 : memref<1x32x128xf32, #tpu.memory_space<hbm>> -> memref<32x128xf32, #tpu.memory_space<hbm>>
          tpu.enqueue_dma source(%arg14 : memref<32x128xf32, #tpu.memory_space<vmem>>) target(%dma_start3A_39 : memref<32x128xf32, #tpu.memory_space<hbm>>) target_semaphore(%run_scoped3A : memref<!tpu.dma_semaphore, #tpu.memory_space<semaphore_mem>>)
          %dma_wait3A = arith.constant 0 : i32
          %dma_wait3A_40 = arith.constant 0 : i32
          %dma_wait3A_41 = tpu.memref_slice %arg7[%add3A_9, %dma_wait3A, %dma_wait3A_40] : memref<100x32x128xf32, #tpu.memory_space<hbm>> -> memref<1x32x128xf32, #tpu.memory_space<hbm>>
          %dma_wait3A_42 = tpu.memref_squeeze %dma_wait3A_41 : memref<1x32x128xf32, #tpu.memory_space<hbm>> -> memref<32x128xf32, #tpu.memory_space<hbm>>
          %dma_wait3A_43 = arith.constant 0 : i32
          %dma_wait3A_44 = arith.constant 0 : i32
          %dma_wait3A_45 = tpu.memref_slice %arg7[%add3A_9, %dma_wait3A_43, %dma_wait3A_44] : memref<100x32x128xf32, #tpu.memory_space<hbm>> -> memref<1x32x128xf32, #tpu.memory_space<hbm>>
          %dma_wait3A_46 = tpu.memref_squeeze %dma_wait3A_45 : memref<1x32x128xf32, #tpu.memory_space<hbm>> -> memref<32x128xf32, #tpu.memory_space<hbm>>
          tpu.wait_dma2 semaphore(%run_scoped3A : memref<!tpu.dma_semaphore, #tpu.memory_space<semaphore_mem>>) src(%arg14 : memref<32x128xf32, #tpu.memory_space<vmem>>) dst(%dma_wait3A_46 : memref<32x128xf32, #tpu.memory_space<hbm>>)
          tpu.yield
        }) : () -> ()
      } else {
      }
    }
    %scan3A_5 = arith.constant 4 : i32
    return
  }
}

module attributes {stable_mosaic.version = 14 : i64} {
  func.func @_pre1_body(%arg0: i32, %arg1: memref<200x200xf32, #tpu.memory_space<vmem>>, %arg2: memref<200x8xf32, #tpu.memory_space<vmem>>, %arg3: memref<200x256xf32, #tpu.memory_space<vmem>>, %arg4: memref<1x32x200xf32, #tpu.memory_space<vmem>>) attributes {dimension_semantics = [#tpu.dimension_semantics<arbitrary>], iteration_bounds = array<i64: 100>, scalar_prefetch = 0 : i64, scratch_operands = 0 : i64, tpu.core_type = #tpu.core_type<tc>, window_params = [{transform_indices = @transform_0, window_bounds = array<i64: 200, 200>}, {pipeline_mode = #tpu.pipeline_mode<synchronous>, transform_indices = @transform_1, window_bounds = array<i64: 200, 8>}, {pipeline_mode = #tpu.pipeline_mode<synchronous>, transform_indices = @transform_2, window_bounds = array<i64: 200, 256>}, {transform_indices = @transform_3, window_bounds = array<i64: 1, 32, 200>}]} {
    %get3A = arith.constant 0 : index
    %get3A_0 = arith.constant 0 : index
    %get3A_1 = vector.load %arg1[%get3A, %get3A_0] : memref<200x200xf32, #tpu.memory_space<vmem>>, vector<200x200xf32>
    %get3A_2 = arith.constant 0 : index
    %get3A_3 = arith.constant 0 : index
    %get3A_4 = vector.load %arg2[%get3A_2, %get3A_3] : memref<200x8xf32, #tpu.memory_space<vmem>>, vector<200x8xf32>
    %convert_element_type3A = arith.truncf %get3A_4 : vector<200x8xf32> to vector<200x8xbf16>
    %convert_element_type3A_5 = arith.extf %convert_element_type3A : vector<200x8xbf16> to vector<200x8xf32>
    %max3A = arith.constant 0.000000e+00 : f32
    %max3A_6 = vector.broadcast %max3A : f32 to vector<200x8xf32>
    %max3A_7 = arith.maximumf %convert_element_type3A_5, %max3A_6 : vector<200x8xf32>
    %get3A_8 = arith.constant 0 : index
    %get3A_9 = arith.constant 0 : index
    %get3A_10 = vector.load %arg3[%get3A_8, %get3A_9] : memref<200x256xf32, #tpu.memory_space<vmem>>, vector<200x256xf32>
    %dot_general3A = arith.constant dense<0.000000e+00> : vector<200x256xf32>
    %dot_general3A_11 = tpu.matmul %get3A_1, %get3A_10, %dot_general3A {dimension_numbers = #tpu.dot_dimension_numbers<[1], [0], [0], [1], [0, 0, 1, 1], [], []>, transpose_lhs_hint = false} : vector<200x200xf32>, vector<200x256xf32>, vector<200x256xf32> -> vector<200x256xf32>
    %broadcast_in_dim3A = arith.constant 0.000000e+00 : f32
    %broadcast_in_dim3A_12 = vector.broadcast %broadcast_in_dim3A : f32 to vector<200x32xf32>
    %slice3A = vector.extract_strided_slice %max3A_7 {offsets = [0, 0], sizes = [200, 1], strides = [1, 1]} : vector<200x8xf32> to vector<200x1xf32>
    %slice3A_13 = vector.extract_strided_slice %dot_general3A_11 {offsets = [0, 0], sizes = [200, 32], strides = [1, 1]} : vector<200x256xf32> to vector<200x32xf32>
    %mul3A = vector.broadcast %slice3A : vector<200x1xf32> to vector<200x32xf32>
    %mul3A_14 = arith.mulf %mul3A, %slice3A_13 : vector<200x32xf32>
    %add3A = arith.addf %broadcast_in_dim3A_12, %mul3A_14 : vector<200x32xf32>
    %slice3A_15 = vector.extract_strided_slice %max3A_7 {offsets = [0, 1], sizes = [200, 1], strides = [1, 1]} : vector<200x8xf32> to vector<200x1xf32>
    %slice3A_16 = vector.extract_strided_slice %dot_general3A_11 {offsets = [0, 32], sizes = [200, 32], strides = [1, 1]} : vector<200x256xf32> to vector<200x32xf32>
    %mul3A_17 = vector.broadcast %slice3A_15 : vector<200x1xf32> to vector<200x32xf32>
    %mul3A_18 = arith.mulf %mul3A_17, %slice3A_16 : vector<200x32xf32>
    %add3A_19 = arith.addf %add3A, %mul3A_18 : vector<200x32xf32>
    %slice3A_20 = vector.extract_strided_slice %max3A_7 {offsets = [0, 2], sizes = [200, 1], strides = [1, 1]} : vector<200x8xf32> to vector<200x1xf32>
    %slice3A_21 = vector.extract_strided_slice %dot_general3A_11 {offsets = [0, 64], sizes = [200, 32], strides = [1, 1]} : vector<200x256xf32> to vector<200x32xf32>
    %mul3A_22 = vector.broadcast %slice3A_20 : vector<200x1xf32> to vector<200x32xf32>
    %mul3A_23 = arith.mulf %mul3A_22, %slice3A_21 : vector<200x32xf32>
    %add3A_24 = arith.addf %add3A_19, %mul3A_23 : vector<200x32xf32>
    %slice3A_25 = vector.extract_strided_slice %max3A_7 {offsets = [0, 3], sizes = [200, 1], strides = [1, 1]} : vector<200x8xf32> to vector<200x1xf32>
    %slice3A_26 = vector.extract_strided_slice %dot_general3A_11 {offsets = [0, 96], sizes = [200, 32], strides = [1, 1]} : vector<200x256xf32> to vector<200x32xf32>
    %mul3A_27 = vector.broadcast %slice3A_25 : vector<200x1xf32> to vector<200x32xf32>
    %mul3A_28 = arith.mulf %mul3A_27, %slice3A_26 : vector<200x32xf32>
    %add3A_29 = arith.addf %add3A_24, %mul3A_28 : vector<200x32xf32>
    %slice3A_30 = vector.extract_strided_slice %max3A_7 {offsets = [0, 4], sizes = [200, 1], strides = [1, 1]} : vector<200x8xf32> to vector<200x1xf32>
    %slice3A_31 = vector.extract_strided_slice %dot_general3A_11 {offsets = [0, 128], sizes = [200, 32], strides = [1, 1]} : vector<200x256xf32> to vector<200x32xf32>
    %mul3A_32 = vector.broadcast %slice3A_30 : vector<200x1xf32> to vector<200x32xf32>
    %mul3A_33 = arith.mulf %mul3A_32, %slice3A_31 : vector<200x32xf32>
    %add3A_34 = arith.addf %add3A_29, %mul3A_33 : vector<200x32xf32>
    %slice3A_35 = vector.extract_strided_slice %max3A_7 {offsets = [0, 5], sizes = [200, 1], strides = [1, 1]} : vector<200x8xf32> to vector<200x1xf32>
    %slice3A_36 = vector.extract_strided_slice %dot_general3A_11 {offsets = [0, 160], sizes = [200, 32], strides = [1, 1]} : vector<200x256xf32> to vector<200x32xf32>
    %mul3A_37 = vector.broadcast %slice3A_35 : vector<200x1xf32> to vector<200x32xf32>
    %mul3A_38 = arith.mulf %mul3A_37, %slice3A_36 : vector<200x32xf32>
    %add3A_39 = arith.addf %add3A_34, %mul3A_38 : vector<200x32xf32>
    %slice3A_40 = vector.extract_strided_slice %max3A_7 {offsets = [0, 6], sizes = [200, 1], strides = [1, 1]} : vector<200x8xf32> to vector<200x1xf32>
    %slice3A_41 = vector.extract_strided_slice %dot_general3A_11 {offsets = [0, 192], sizes = [200, 32], strides = [1, 1]} : vector<200x256xf32> to vector<200x32xf32>
    %mul3A_42 = vector.broadcast %slice3A_40 : vector<200x1xf32> to vector<200x32xf32>
    %mul3A_43 = arith.mulf %mul3A_42, %slice3A_41 : vector<200x32xf32>
    %add3A_44 = arith.addf %add3A_39, %mul3A_43 : vector<200x32xf32>
    %slice3A_45 = vector.extract_strided_slice %max3A_7 {offsets = [0, 7], sizes = [200, 1], strides = [1, 1]} : vector<200x8xf32> to vector<200x1xf32>
    %slice3A_46 = vector.extract_strided_slice %dot_general3A_11 {offsets = [0, 224], sizes = [200, 32], strides = [1, 1]} : vector<200x256xf32> to vector<200x32xf32>
    %mul3A_47 = vector.broadcast %slice3A_45 : vector<200x1xf32> to vector<200x32xf32>
    %mul3A_48 = arith.mulf %mul3A_47, %slice3A_46 : vector<200x32xf32>
    %add3A_49 = arith.addf %add3A_44, %mul3A_48 : vector<200x32xf32>
    %iota3A = tpu.iota {dimensions = array<i32: 0>} : vector<200x1xi32>
    %iota3A_50 = tpu.iota {dimensions = array<i32: 1>} : vector<1x200xi32>
    %eq3A = vector.broadcast %iota3A : vector<200x1xi32> to vector<200x200xi32>
    %eq3A_51 = vector.broadcast %iota3A_50 : vector<1x200xi32> to vector<200x200xi32>
    %eq3A_52 = arith.cmpi eq, %eq3A, %eq3A_51 : vector<200x200xi32>
    %convert_element_type3A_53 = arith.extui %eq3A_52 : vector<200x200xi1> to vector<200x200xi32>
    %convert_element_type3A_54 = arith.sitofp %convert_element_type3A_53 : vector<200x200xi32> to vector<200x200xf32>
    %dot_general3A_55 = arith.constant dense<0.000000e+00> : vector<32x200xf32>
    %dot_general3A_56 = tpu.matmul %add3A_49, %convert_element_type3A_54, %dot_general3A_55 {dimension_numbers = #tpu.dot_dimension_numbers<[0], [0], [1], [1], [0, 1, 1, 1], [], []>, precision = #tpu.contract_precision<fp32>, transpose_lhs_hint = false} : vector<200x32xf32>, vector<200x200xf32>, vector<32x200xf32> -> vector<32x200xf32>
    %reshape3A = vector.shape_cast %dot_general3A_56 : vector<32x200xf32> to vector<1x32x200xf32>
    %swap3A = arith.constant 0 : index
    %swap3A_57 = arith.constant 0 : index
    %swap3A_58 = arith.constant 0 : index
    %swap3A_59 = vector.load %arg4[%swap3A, %swap3A_57, %swap3A_58] : memref<1x32x200xf32, #tpu.memory_space<vmem>>, vector<1x32x200xf32>
    tpu.vector_store %arg4[%swap3A, %swap3A_57, %swap3A_58], %reshape3A {strides = array<i32>} : memref<1x32x200xf32, #tpu.memory_space<vmem>>, vector<1x32x200xf32>,
    return
  }
  func.func @transform_0(%arg0: i32) -> (i32, i32) {
    %c0_i32 = arith.constant 0 : i32
    %c0_i32_0 = arith.constant 0 : i32
    return %arg0, %c0_i32 : i32, i32
  }
  func.func @transform_1(%arg0: i32) -> (i32, i32) {
    %c0_i32 = arith.constant 0 : i32
    %c0_i32_0 = arith.constant 0 : i32
    %c0_i32_1 = arith.constant 0 : i32
    return %c0_i32, %c0_i32_0 : i32, i32
  }
  func.func @transform_2(%arg0: i32) -> (i32, i32) {
    %c0_i32 = arith.constant 0 : i32
    %c0_i32_0 = arith.constant 0 : i32
    %c0_i32_1 = arith.constant 0 : i32
    return %c0_i32, %c0_i32_0 : i32, i32
  }
  func.func @transform_3(%arg0: i32) -> (i32, i32, i32) {
    %c0_i32 = arith.constant 0 : i32
    %c0_i32_0 = arith.constant 0 : i32
    %c0_i32_1 = arith.constant 0 : i32
    return %arg0, %c0_i32, %c0_i32_0 : i32, i32, i32
  }
}

module attributes {stable_mosaic.version = 14 : i64} {
  func.func @_topk1_body(%arg0: i32, %arg1: memref<1x32x200xf32, #tpu.memory_space<vmem>>, %arg2: memref<200x8xf32, #tpu.memory_space<vmem>>, %arg3: memref<32x256xf32, #tpu.memory_space<vmem>>, %arg4: memref<8x128xf32, #tpu.memory_space<vmem>>, %arg5: memref<1x1x100xf32, #tpu.memory_space<vmem>>, %arg6: memref<1x1x100xf32, #tpu.memory_space<vmem>>, %arg7: memref<1x1x64xf32, #tpu.memory_space<vmem>>, %arg8: memref<1x32x128xf32, #tpu.memory_space<vmem>>, %arg9: memref<1x1x200xi32, #tpu.memory_space<vmem>>) attributes {dimension_semantics = [#tpu.dimension_semantics<arbitrary>], iteration_bounds = array<i64: 100>, scalar_prefetch = 0 : i64, scratch_operands = 0 : i64, tpu.core_type = #tpu.core_type<tc>, window_params = [{transform_indices = @transform_0, window_bounds = array<i64: 1, 32, 200>}, {pipeline_mode = #tpu.pipeline_mode<synchronous>, transform_indices = @transform_1, window_bounds = array<i64: 200, 8>}, {pipeline_mode = #tpu.pipeline_mode<synchronous>, transform_indices = @transform_2, window_bounds = array<i64: 32, 256>}, {pipeline_mode = #tpu.pipeline_mode<synchronous>, transform_indices = @transform_3, window_bounds = array<i64: 8, 128>}, {transform_indices = @transform_4, window_bounds = array<i64: 1, 1, 100>}, {transform_indices = @transform_5, window_bounds = array<i64: 1, 1, 100>}, {transform_indices = @transform_6, window_bounds = array<i64: 1, 1, 64>}, {transform_indices = @transform_7, window_bounds = array<i64: 1, 32, 128>}, {transform_indices = @transform_8, window_bounds = array<i64: 1, 1, 200>}]} {
    %get3A = arith.constant 0 : index
    %get3A_0 = arith.constant 0 : index
    %get3A_1 = arith.constant 0 : index
    %get3A_2 = vector.load %arg1[%get3A, %get3A_0, %get3A_1] : memref<1x32x200xf32, #tpu.memory_space<vmem>>, vector<1x32x200xf32>
    %get3A_3 = vector.shape_cast %get3A_2 : vector<1x32x200xf32> to vector<32x200xf32>
    %iota3A = tpu.iota {dimensions = array<i32: 0>} : vector<200x1xi32>
    %iota3A_4 = tpu.iota {dimensions = array<i32: 1>} : vector<1x200xi32>
    %eq3A = vector.broadcast %iota3A : vector<200x1xi32> to vector<200x200xi32>
    %eq3A_5 = vector.broadcast %iota3A_4 : vector<1x200xi32> to vector<200x200xi32>
    %eq3A_6 = arith.cmpi eq, %eq3A, %eq3A_5 : vector<200x200xi32>
    %convert_element_type3A = arith.extui %eq3A_6 : vector<200x200xi1> to vector<200x200xi32>
    %convert_element_type3A_7 = arith.sitofp %convert_element_type3A : vector<200x200xi32> to vector<200x200xf32>
    %dot_general3A = arith.constant dense<0.000000e+00> : vector<200x32xf32>
    %dot_general3A_8 = tpu.matmul %convert_element_type3A_7, %get3A_3, %dot_general3A {dimension_numbers = #tpu.dot_dimension_numbers<[1], [1], [0], [0], [0, 0, 1, 0], [], []>, precision = #tpu.contract_precision<fp32>, transpose_lhs_hint = false} : vector<200x200xf32>, vector<32x200xf32>, vector<200x32xf32> -> vector<200x32xf32>
    %get3A_9 = arith.constant 0 : index
    %get3A_10 = arith.constant 0 : index
    %get3A_11 = vector.load %arg4[%get3A_9, %get3A_10] : memref<8x128xf32, #tpu.memory_space<vmem>>, vector<1x32xf32>
    %add3A = vector.broadcast %get3A_11 : vector<1x32xf32> to vector<200x32xf32>
    %add3A_12 = arith.addf %dot_general3A_8, %add3A : vector<200x32xf32>
    %get3A_13 = arith.constant 2 : index
    %get3A_14 = arith.constant 0 : index
    %get3A_15 = vector.load %arg4[%get3A_13, %get3A_14] : memref<8x128xf32, #tpu.memory_space<vmem>>, vector<1x32xf32>
    %mul3A = arith.mulf %get3A_15, %get3A_15 : vector<1x32xf32>
    %reduce_sum3A = vector.shape_cast %mul3A : vector<1x32xf32> to vector<1x1x32xf32>
    %reduce_sum3A_16 = arith.constant dense<0.000000e+00> : vector<1xf32>
    %reduce_sum3A_17 = vector.multi_reduction <add>, %reduce_sum3A, %reduce_sum3A_16 [1, 2] : vector<1x1x32xf32> to vector<1xf32>
    %reduce_sum3A_18 = vector.shape_cast %reduce_sum3A_17 : vector<1xf32> to vector<1x1x1xf32>
    %reduce_sum3A_19 = vector.extract %reduce_sum3A_18[0, 0, 0] : f32 from vector<1x1x1xf32>
    %sqrt3A = math.sqrt %reduce_sum3A_19 : f32
    %convert_element_type3A_20 = arith.truncf %add3A_12 : vector<200x32xf32> to vector<200x32xbf16>
    %convert_element_type3A_21 = arith.extf %convert_element_type3A_20 : vector<200x32xbf16> to vector<200x32xf32>
    %convert_element_type3A_22 = arith.truncf %get3A_15 : vector<1x32xf32> to vector<1x32xbf16>
    %convert_element_type3A_23 = arith.extf %convert_element_type3A_22 : vector<1x32xbf16> to vector<1x32xf32>
    %dot_general3A_24 = arith.constant dense<0.000000e+00> : vector<200x1xf32>
    %dot_general3A_25 = tpu.matmul %convert_element_type3A_21, %convert_element_type3A_23, %dot_general3A_24 {dimension_numbers = #tpu.dot_dimension_numbers<[1], [1], [0], [0], [0, 0, 1, 0], [], []>, precision = #tpu.contract_precision<fp32>, transpose_lhs_hint = false} : vector<200x32xf32>, vector<1x32xf32>, vector<200x1xf32> -> vector<200x1xf32>
    %div3A = vector.broadcast %sqrt3A : f32 to vector<200x1xf32>
    %div3A_26 = arith.divf %dot_general3A_25, %div3A : vector<200x1xf32>
    %neg3A = arith.constant 0.000000e+00 : f32
    %neg3A_27 = vector.broadcast %neg3A : f32 to vector<200x1xf32>
    %neg3A_28 = arith.subf %neg3A_27, %div3A_26 : vector<200x1xf32>
    %exp3A = math.exp %neg3A_28 : vector<200x1xf32>
    %add3A_29 = arith.constant 1.000000e+00 : f32
    %add3A_30 = vector.broadcast %add3A_29 : f32 to vector<200x1xf32>
    %add3A_31 = arith.addf %add3A_30, %exp3A : vector<200x1xf32>
    %div3A_32 = arith.constant 1.000000e+00 : f32
    %div3A_33 = vector.broadcast %div3A_32 : f32 to vector<200x1xf32>
    %div3A_34 = arith.divf %div3A_33, %add3A_31 : vector<200x1xf32>
    %iota3A_35 = tpu.iota {dimensions = array<i32: 0>} : vector<200x1xi32>
    %convert_element_type3A_36 = arith.sitofp %iota3A_35 : vector<200x1xi32> to vector<200x1xf32>
    %iota3A_37 = tpu.iota {dimensions = array<i32: 1>} : vector<1x200xi32>
    %convert_element_type3A_38 = arith.sitofp %iota3A_37 : vector<1x200xi32> to vector<1x200xf32>
    %eq3A_39 = vector.broadcast %convert_element_type3A_36 : vector<200x1xf32> to vector<200x200xf32>
    %eq3A_40 = vector.broadcast %convert_element_type3A_38 : vector<1x200xf32> to vector<200x200xf32>
    %eq3A_41 = arith.cmpf oeq, %eq3A_39, %eq3A_40 : vector<200x200xf32>
    %convert_element_type3A_42 = arith.extui %eq3A_41 : vector<200x200xi1> to vector<200x200xi32>
    %convert_element_type3A_43 = arith.sitofp %convert_element_type3A_42 : vector<200x200xi32> to vector<200x200xf32>
    %dot_general3A_44 = arith.constant dense<0.000000e+00> : vector<1x200xf32>
    %dot_general3A_45 = tpu.matmul %div3A_34, %convert_element_type3A_43, %dot_general3A_44 {dimension_numbers = #tpu.dot_dimension_numbers<[0], [0], [1], [1], [0, 1, 1, 1], [], []>, precision = #tpu.contract_precision<fp32>, transpose_lhs_hint = false} : vector<200x1xf32>, vector<200x200xf32>, vector<1x200xf32> -> vector<1x200xf32>
    %gt3A = vector.broadcast %div3A_34 : vector<200x1xf32> to vector<200x200xf32>
    %gt3A_46 = vector.broadcast %dot_general3A_45 : vector<1x200xf32> to vector<200x200xf32>
    %gt3A_47 = arith.cmpf ogt, %gt3A, %gt3A_46 : vector<200x200xf32>
    %eq3A_48 = vector.broadcast %div3A_34 : vector<200x1xf32> to vector<200x200xf32>
    %eq3A_49 = vector.broadcast %dot_general3A_45 : vector<1x200xf32> to vector<200x200xf32>
    %eq3A_50 = arith.cmpf oeq, %eq3A_48, %eq3A_49 : vector<200x200xf32>
    %lt3A = vector.broadcast %convert_element_type3A_36 : vector<200x1xf32> to vector<200x200xf32>
    %lt3A_51 = vector.broadcast %convert_element_type3A_38 : vector<1x200xf32> to vector<200x200xf32>
    %lt3A_52 = arith.cmpf olt, %lt3A, %lt3A_51 : vector<200x200xf32>
    %and3A = arith.andi %eq3A_50, %lt3A_52 : vector<200x200xi1>
    %or3A = arith.ori %gt3A_47, %and3A : vector<200x200xi1>
    %jit3A = arith.constant 1.000000e+00 : f32
    %jit3A_53 = arith.constant 0.000000e+00 : f32
    %broadcast_in_dim3A = vector.broadcast %jit3A : f32 to vector<200x200xf32>
    %broadcast_in_dim3A_54 = vector.broadcast %jit3A_53 : f32 to vector<200x200xf32>
    %select_n3A = arith.select %or3A, %broadcast_in_dim3A, %broadcast_in_dim3A_54 : vector<200x200xi1>, vector<200x200xf32>
    %reduce_sum3A_55 = arith.constant dense<0.000000e+00> : vector<200xf32>
    %reduce_sum3A_56 = vector.multi_reduction <add>, %select_n3A, %reduce_sum3A_55 [0] : vector<200x200xf32> to vector<200xf32>
    %broadcast_in_dim3A_57 = vector.shape_cast %reduce_sum3A_56 : vector<200xf32> to vector<1x200xf32>
    %convert_element_type3A_58 = arith.fptosi %broadcast_in_dim3A_57 : vector<1x200xf32> to vector<1x200xi32>
    %reshape3A = vector.shape_cast %convert_element_type3A_58 : vector<1x200xi32> to vector<1x1x200xi32>
    %swap3A = arith.constant 0 : index
    %swap3A_59 = arith.constant 0 : index
    %swap3A_60 = arith.constant 0 : index
    %swap3A_61 = vector.load %arg9[%swap3A, %swap3A_59, %swap3A_60] : memref<1x1x200xi32, #tpu.memory_space<vmem>>, vector<1x1x200xi32>
    tpu.vector_store %arg9[%swap3A, %swap3A_59, %swap3A_60], %reshape3A {strides = array<i32>} : memref<1x1x200xi32, #tpu.memory_space<vmem>>, vector<1x1x200xi32>,
    %iota3A_62 = tpu.iota {dimensions = array<i32: 0>} : vector<100x1xi32>
    %convert_element_type3A_63 = arith.sitofp %iota3A_62 : vector<100x1xi32> to vector<100x1xf32>
    %eq3A_64 = vector.broadcast %convert_element_type3A_63 : vector<100x1xf32> to vector<100x200xf32>
    %eq3A_65 = vector.broadcast %broadcast_in_dim3A_57 : vector<1x200xf32> to vector<100x200xf32>
    %eq3A_66 = arith.cmpf oeq, %eq3A_64, %eq3A_65 : vector<100x200xf32>
    %convert_element_type3A_67 = arith.extui %eq3A_66 : vector<100x200xi1> to vector<100x200xi32>
    %convert_element_type3A_68 = arith.sitofp %convert_element_type3A_67 : vector<100x200xi32> to vector<100x200xf32>
    %dot_general3A_69 = arith.constant dense<0.000000e+00> : vector<100x1xf32>
    %dot_general3A_70 = tpu.matmul %convert_element_type3A_68, %div3A_34, %dot_general3A_69 {dimension_numbers = #tpu.dot_dimension_numbers<[1], [0], [0], [1], [0, 0, 1, 1], [], []>, precision = #tpu.contract_precision<fp32>, transpose_lhs_hint = false} : vector<100x200xf32>, vector<200x1xf32>, vector<100x1xf32> -> vector<100x1xf32>
    %mul3A_71 = vector.broadcast %div3A_34 : vector<200x1xf32> to vector<200x32xf32>
    %mul3A_72 = arith.mulf %add3A_12, %mul3A_71 : vector<200x32xf32>
    %dot_general3A_73 = arith.constant dense<0.000000e+00> : vector<100x32xf32>
    %dot_general3A_74 = tpu.matmul %convert_element_type3A_68, %mul3A_72, %dot_general3A_73 {dimension_numbers = #tpu.dot_dimension_numbers<[1], [0], [0], [1], [0, 0, 1, 1], [], []>, precision = #tpu.contract_precision<fp32>, transpose_lhs_hint = false} : vector<100x200xf32>, vector<200x32xf32>, vector<100x32xf32> -> vector<100x32xf32>
    %iota3A_75 = tpu.iota {dimensions = array<i32: 1>} : vector<1x100xi32>
    %convert_element_type3A_76 = arith.sitofp %iota3A_75 : vector<1x100xi32> to vector<1x100xf32>
    %eq3A_77 = vector.broadcast %convert_element_type3A_63 : vector<100x1xf32> to vector<100x100xf32>
    %eq3A_78 = vector.broadcast %convert_element_type3A_76 : vector<1x100xf32> to vector<100x100xf32>
    %eq3A_79 = arith.cmpf oeq, %eq3A_77, %eq3A_78 : vector<100x100xf32>
    %convert_element_type3A_80 = arith.extui %eq3A_79 : vector<100x100xi1> to vector<100x100xi32>
    %convert_element_type3A_81 = arith.sitofp %convert_element_type3A_80 : vector<100x100xi32> to vector<100x100xf32>
    %dot_general3A_82 = arith.constant dense<0.000000e+00> : vector<1x100xf32>
    %dot_general3A_83 = tpu.matmul %dot_general3A_70, %convert_element_type3A_81, %dot_general3A_82 {dimension_numbers = #tpu.dot_dimension_numbers<[0], [0], [1], [1], [0, 1, 1, 1], [], []>, precision = #tpu.contract_precision<fp32>, transpose_lhs_hint = false} : vector<100x1xf32>, vector<100x100xf32>, vector<1x100xf32> -> vector<1x100xf32>
    %reduce_max3A = vector.shape_cast %dot_general3A_83 : vector<1x100xf32> to vector<1x1x100xf32>
    %reduce_max3A_84 = arith.constant dense<0xFF800000> : vector<1xf32>
    %reduce_max3A_85 = vector.multi_reduction <maximumf>, %reduce_max3A, %reduce_max3A_84 [1, 2] : vector<1x1x100xf32> to vector<1xf32>
    %reduce_max3A_86 = vector.shape_cast %reduce_max3A_85 : vector<1xf32> to vector<1x1x1xf32>
    %reduce_max3A_87 = vector.extract %reduce_max3A_86[0, 0, 0] : f32 from vector<1x1x1xf32>
    %sub3A = vector.broadcast %reduce_max3A_87 : f32 to vector<1x100xf32>
    %sub3A_88 = arith.subf %dot_general3A_83, %sub3A : vector<1x100xf32>
    %exp3A_89 = math.exp %sub3A_88 : vector<1x100xf32>
    %reshape3A_90 = vector.shape_cast %dot_general3A_83 : vector<1x100xf32> to vector<1x1x100xf32>
    %swap3A_91 = arith.constant 0 : index
    %swap3A_92 = arith.constant 0 : index
    %swap3A_93 = arith.constant 0 : index
    %swap3A_94 = vector.load %arg5[%swap3A_91, %swap3A_92, %swap3A_93] : memref<1x1x100xf32, #tpu.memory_space<vmem>>, vector<1x1x100xf32>
    tpu.vector_store %arg5[%swap3A_91, %swap3A_92, %swap3A_93], %reshape3A_90 {strides = array<i32>} : memref<1x1x100xf32, #tpu.memory_space<vmem>>, vector<1x1x100xf32>,
    %reduce_sum3A_95 = vector.shape_cast %exp3A_89 : vector<1x100xf32> to vector<1x1x100xf32>
    %reduce_sum3A_96 = arith.constant dense<0.000000e+00> : vector<1xf32>
    %reduce_sum3A_97 = vector.multi_reduction <add>, %reduce_sum3A_95, %reduce_sum3A_96 [1, 2] : vector<1x1x100xf32> to vector<1xf32>
    %reduce_sum3A_98 = vector.shape_cast %reduce_sum3A_97 : vector<1xf32> to vector<1x1x1xf32>
    %reduce_sum3A_99 = vector.extract %reduce_sum3A_98[0, 0, 0] : f32 from vector<1x1x1xf32>
    %div3A_100 = vector.broadcast %reduce_sum3A_99 : f32 to vector<1x100xf32>
    %div3A_101 = arith.divf %exp3A_89, %div3A_100 : vector<1x100xf32>
    %reshape3A_102 = vector.shape_cast %div3A_101 : vector<1x100xf32> to vector<1x1x100xf32>
    %swap3A_103 = arith.constant 0 : index
    %swap3A_104 = arith.constant 0 : index
    %swap3A_105 = arith.constant 0 : index
    %swap3A_106 = vector.load %arg6[%swap3A_103, %swap3A_104, %swap3A_105] : memref<1x1x100xf32, #tpu.memory_space<vmem>>, vector<1x1x100xf32>
    tpu.vector_store %arg6[%swap3A_103, %swap3A_104, %swap3A_105], %reshape3A_102 {strides = array<i32>} : memref<1x1x100xf32, #tpu.memory_space<vmem>>, vector<1x1x100xf32>,
    %get3A_107 = arith.constant 0 : index
    %get3A_108 = arith.constant 0 : index
    %get3A_109 = vector.load %arg2[%get3A_107, %get3A_108] : memref<200x8xf32, #tpu.memory_space<vmem>>, vector<200x8xf32>
    %convert_element_type3A_110 = arith.truncf %get3A_109 : vector<200x8xf32> to vector<200x8xbf16>
    %convert_element_type3A_111 = arith.extf %convert_element_type3A_110 : vector<200x8xbf16> to vector<200x8xf32>
    %max3A = arith.constant 0.000000e+00 : f32
    %max3A_112 = vector.broadcast %max3A : f32 to vector<200x8xf32>
    %max3A_113 = arith.maximumf %convert_element_type3A_111, %max3A_112 : vector<200x8xf32>
    %dot_general3A_114 = arith.constant dense<0.000000e+00> : vector<100x8xf32>
    %dot_general3A_115 = tpu.matmul %convert_element_type3A_68, %max3A_113, %dot_general3A_114 {dimension_numbers = #tpu.dot_dimension_numbers<[1], [0], [0], [1], [0, 0, 1, 1], [], []>, precision = #tpu.contract_precision<fp32>, transpose_lhs_hint = false} : vector<100x200xf32>, vector<200x8xf32>, vector<100x8xf32> -> vector<100x8xf32>
    %get3A_116 = arith.constant 0 : index
    %get3A_117 = arith.constant 0 : index
    %get3A_118 = vector.load %arg3[%get3A_116, %get3A_117] : memref<32x256xf32, #tpu.memory_space<vmem>>, vector<32x256xf32>
    %dot_general3A_119 = arith.constant dense<0.000000e+00> : vector<100x256xf32>
    %dot_general3A_120 = tpu.matmul %dot_general3A_74, %get3A_118, %dot_general3A_119 {dimension_numbers = #tpu.dot_dimension_numbers<[1], [0], [0], [1], [0, 0, 1, 1], [], []>, transpose_lhs_hint = false} : vector<100x32xf32>, vector<32x256xf32>, vector<100x256xf32> -> vector<100x256xf32>
    %broadcast_in_dim3A_121 = arith.constant 0.000000e+00 : f32
    %broadcast_in_dim3A_122 = vector.broadcast %broadcast_in_dim3A_121 : f32 to vector<100x32xf32>
    %slice3A = vector.extract_strided_slice %dot_general3A_115 {offsets = [0, 0], sizes = [100, 1], strides = [1, 1]} : vector<100x8xf32> to vector<100x1xf32>
    %slice3A_123 = vector.extract_strided_slice %dot_general3A_120 {offsets = [0, 0], sizes = [100, 32], strides = [1, 1]} : vector<100x256xf32> to vector<100x32xf32>
    %mul3A_124 = vector.broadcast %slice3A : vector<100x1xf32> to vector<100x32xf32>
    %mul3A_125 = arith.mulf %mul3A_124, %slice3A_123 : vector<100x32xf32>
    %add3A_126 = arith.addf %broadcast_in_dim3A_122, %mul3A_125 : vector<100x32xf32>
    %slice3A_127 = vector.extract_strided_slice %dot_general3A_115 {offsets = [0, 1], sizes = [100, 1], strides = [1, 1]} : vector<100x8xf32> to vector<100x1xf32>
    %slice3A_128 = vector.extract_strided_slice %dot_general3A_120 {offsets = [0, 32], sizes = [100, 32], strides = [1, 1]} : vector<100x256xf32> to vector<100x32xf32>
    %mul3A_129 = vector.broadcast %slice3A_127 : vector<100x1xf32> to vector<100x32xf32>
    %mul3A_130 = arith.mulf %mul3A_129, %slice3A_128 : vector<100x32xf32>
    %add3A_131 = arith.addf %add3A_126, %mul3A_130 : vector<100x32xf32>
    %slice3A_132 = vector.extract_strided_slice %dot_general3A_115 {offsets = [0, 2], sizes = [100, 1], strides = [1, 1]} : vector<100x8xf32> to vector<100x1xf32>
    %slice3A_133 = vector.extract_strided_slice %dot_general3A_120 {offsets = [0, 64], sizes = [100, 32], strides = [1, 1]} : vector<100x256xf32> to vector<100x32xf32>
    %mul3A_134 = vector.broadcast %slice3A_132 : vector<100x1xf32> to vector<100x32xf32>
    %mul3A_135 = arith.mulf %mul3A_134, %slice3A_133 : vector<100x32xf32>
    %add3A_136 = arith.addf %add3A_131, %mul3A_135 : vector<100x32xf32>
    %slice3A_137 = vector.extract_strided_slice %dot_general3A_115 {offsets = [0, 3], sizes = [100, 1], strides = [1, 1]} : vector<100x8xf32> to vector<100x1xf32>
    %slice3A_138 = vector.extract_strided_slice %dot_general3A_120 {offsets = [0, 96], sizes = [100, 32], strides = [1, 1]} : vector<100x256xf32> to vector<100x32xf32>
    %mul3A_139 = vector.broadcast %slice3A_137 : vector<100x1xf32> to vector<100x32xf32>
    %mul3A_140 = arith.mulf %mul3A_139, %slice3A_138 : vector<100x32xf32>
    %add3A_141 = arith.addf %add3A_136, %mul3A_140 : vector<100x32xf32>
    %slice3A_142 = vector.extract_strided_slice %dot_general3A_115 {offsets = [0, 4], sizes = [100, 1], strides = [1, 1]} : vector<100x8xf32> to vector<100x1xf32>
    %slice3A_143 = vector.extract_strided_slice %dot_general3A_120 {offsets = [0, 128], sizes = [100, 32], strides = [1, 1]} : vector<100x256xf32> to vector<100x32xf32>
    %mul3A_144 = vector.broadcast %slice3A_142 : vector<100x1xf32> to vector<100x32xf32>
    %mul3A_145 = arith.mulf %mul3A_144, %slice3A_143 : vector<100x32xf32>
    %add3A_146 = arith.addf %add3A_141, %mul3A_145 : vector<100x32xf32>
    %slice3A_147 = vector.extract_strided_slice %dot_general3A_115 {offsets = [0, 5], sizes = [100, 1], strides = [1, 1]} : vector<100x8xf32> to vector<100x1xf32>
    %slice3A_148 = vector.extract_strided_slice %dot_general3A_120 {offsets = [0, 160], sizes = [100, 32], strides = [1, 1]} : vector<100x256xf32> to vector<100x32xf32>
    %mul3A_149 = vector.broadcast %slice3A_147 : vector<100x1xf32> to vector<100x32xf32>
    %mul3A_150 = arith.mulf %mul3A_149, %slice3A_148 : vector<100x32xf32>
    %add3A_151 = arith.addf %add3A_146, %mul3A_150 : vector<100x32xf32>
    %slice3A_152 = vector.extract_strided_slice %dot_general3A_115 {offsets = [0, 6], sizes = [100, 1], strides = [1, 1]} : vector<100x8xf32> to vector<100x1xf32>
    %slice3A_153 = vector.extract_strided_slice %dot_general3A_120 {offsets = [0, 192], sizes = [100, 32], strides = [1, 1]} : vector<100x256xf32> to vector<100x32xf32>
    %mul3A_154 = vector.broadcast %slice3A_152 : vector<100x1xf32> to vector<100x32xf32>
    %mul3A_155 = arith.mulf %mul3A_154, %slice3A_153 : vector<100x32xf32>
    %add3A_156 = arith.addf %add3A_151, %mul3A_155 : vector<100x32xf32>
    %slice3A_157 = vector.extract_strided_slice %dot_general3A_115 {offsets = [0, 7], sizes = [100, 1], strides = [1, 1]} : vector<100x8xf32> to vector<100x1xf32>
    %slice3A_158 = vector.extract_strided_slice %dot_general3A_120 {offsets = [0, 224], sizes = [100, 32], strides = [1, 1]} : vector<100x256xf32> to vector<100x32xf32>
    %mul3A_159 = vector.broadcast %slice3A_157 : vector<100x1xf32> to vector<100x32xf32>
    %mul3A_160 = arith.mulf %mul3A_159, %slice3A_158 : vector<100x32xf32>
    %add3A_161 = arith.addf %add3A_156, %mul3A_160 : vector<100x32xf32>
    %iota3A_162 = tpu.iota {dimensions = array<i32: 0>} : vector<100x1xi32>
    %iota3A_163 = tpu.iota {dimensions = array<i32: 1>} : vector<1x128xi32>
    %eq3A_164 = vector.broadcast %iota3A_162 : vector<100x1xi32> to vector<100x128xi32>
    %eq3A_165 = vector.broadcast %iota3A_163 : vector<1x128xi32> to vector<100x128xi32>
    %eq3A_166 = arith.cmpi eq, %eq3A_164, %eq3A_165 : vector<100x128xi32>
    %convert_element_type3A_167 = arith.extui %eq3A_166 : vector<100x128xi1> to vector<100x128xi32>
    %convert_element_type3A_168 = arith.sitofp %convert_element_type3A_167 : vector<100x128xi32> to vector<100x128xf32>
    %dot_general3A_169 = arith.constant dense<0.000000e+00> : vector<32x128xf32>
    %dot_general3A_170 = tpu.matmul %add3A_161, %convert_element_type3A_168, %dot_general3A_169 {dimension_numbers = #tpu.dot_dimension_numbers<[0], [0], [1], [1], [0, 1, 1, 1], [], []>, precision = #tpu.contract_precision<fp32>, transpose_lhs_hint = false} : vector<100x32xf32>, vector<100x128xf32>, vector<32x128xf32> -> vector<32x128xf32>
    %reshape3A_171 = vector.shape_cast %dot_general3A_170 : vector<32x128xf32> to vector<1x32x128xf32>
    %swap3A_172 = arith.constant 0 : index
    %swap3A_173 = arith.constant 0 : index
    %swap3A_174 = arith.constant 0 : index
    %swap3A_175 = vector.load %arg8[%swap3A_172, %swap3A_173, %swap3A_174] : memref<1x32x128xf32, #tpu.memory_space<vmem>>, vector<1x32x128xf32>
    tpu.vector_store %arg8[%swap3A_172, %swap3A_173, %swap3A_174], %reshape3A_171 {strides = array<i32>} : memref<1x32x128xf32, #tpu.memory_space<vmem>>, vector<1x32x128xf32>,
    %reduce_max3A_176 = arith.constant dense<0xFF800000> : vector<32xf32>
    %reduce_max3A_177 = vector.multi_reduction <maximumf>, %dot_general3A_74, %reduce_max3A_176 [0] : vector<100x32xf32> to vector<32xf32>
    %broadcast_in_dim3A_178 = vector.shape_cast %reduce_max3A_177 : vector<32xf32> to vector<1x32xf32>
    %reduce_sum3A_179 = arith.constant dense<0.000000e+00> : vector<32xf32>
    %reduce_sum3A_180 = vector.multi_reduction <add>, %dot_general3A_74, %reduce_sum3A_179 [0] : vector<100x32xf32> to vector<32xf32>
    %broadcast_in_dim3A_181 = vector.shape_cast %reduce_sum3A_180 : vector<32xf32> to vector<1x32xf32>
    %div3A_182 = arith.constant 1.000000e+02 : f32
    %div3A_183 = vector.broadcast %div3A_182 : f32 to vector<1x32xf32>
    %div3A_184 = arith.divf %broadcast_in_dim3A_181, %div3A_183 : vector<1x32xf32>
    %concatenate3A = tpu.concatenate %broadcast_in_dim3A_178, %div3A_184 in 1 : vector<1x32xf32>, vector<1x32xf32> -> vector<1x64xf32>
    %reshape3A_185 = vector.shape_cast %concatenate3A : vector<1x64xf32> to vector<1x1x64xf32>
    %swap3A_186 = arith.constant 0 : index
    %swap3A_187 = arith.constant 0 : index
    %swap3A_188 = arith.constant 0 : index
    %swap3A_189 = vector.load %arg7[%swap3A_186, %swap3A_187, %swap3A_188] : memref<1x1x64xf32, #tpu.memory_space<vmem>>, vector<1x1x64xf32>
    tpu.vector_store %arg7[%swap3A_186, %swap3A_187, %swap3A_188], %reshape3A_185 {strides = array<i32>} : memref<1x1x64xf32, #tpu.memory_space<vmem>>, vector<1x1x64xf32>,
    return
  }
  func.func @transform_0(%arg0: i32) -> (i32, i32, i32) {
    %c0_i32 = arith.constant 0 : i32
    %c0_i32_0 = arith.constant 0 : i32
    %c0_i32_1 = arith.constant 0 : i32
    return %arg0, %c0_i32, %c0_i32_0 : i32, i32, i32
  }
  func.func @transform_1(%arg0: i32) -> (i32, i32) {
    %c0_i32 = arith.constant 0 : i32
    %c0_i32_0 = arith.constant 0 : i32
    %c0_i32_1 = arith.constant 0 : i32
    return %c0_i32, %c0_i32_0 : i32, i32
  }
  func.func @transform_2(%arg0: i32) -> (i32, i32) {
    %c0_i32 = arith.constant 0 : i32
    %c0_i32_0 = arith.constant 0 : i32
    %c0_i32_1 = arith.constant 0 : i32
    return %c0_i32, %c0_i32_0 : i32, i32
  }
  func.func @transform_3(%arg0: i32) -> (i32, i32) {
    %c0_i32 = arith.constant 0 : i32
    %c0_i32_0 = arith.constant 0 : i32
    %c0_i32_1 = arith.constant 0 : i32
    return %c0_i32, %c0_i32_0 : i32, i32
  }
  func.func @transform_4(%arg0: i32) -> (i32, i32, i32) {
    %c0_i32 = arith.constant 0 : i32
    %c0_i32_0 = arith.constant 0 : i32
    %c0_i32_1 = arith.constant 0 : i32
    return %arg0, %c0_i32, %c0_i32_0 : i32, i32, i32
  }
  func.func @transform_5(%arg0: i32) -> (i32, i32, i32) {
    %c0_i32 = arith.constant 0 : i32
    %c0_i32_0 = arith.constant 0 : i32
    %c0_i32_1 = arith.constant 0 : i32
    return %arg0, %c0_i32, %c0_i32_0 : i32, i32, i32
  }
  func.func @transform_6(%arg0: i32) -> (i32, i32, i32) {
    %c0_i32 = arith.constant 0 : i32
    %c0_i32_0 = arith.constant 0 : i32
    %c0_i32_1 = arith.constant 0 : i32
    return %arg0, %c0_i32, %c0_i32_0 : i32, i32, i32
  }
  func.func @transform_7(%arg0: i32) -> (i32, i32, i32) {
    %c0_i32 = arith.constant 0 : i32
    %c0_i32_0 = arith.constant 0 : i32
    %c0_i32_1 = arith.constant 0 : i32
    return %arg0, %c0_i32, %c0_i32_0 : i32, i32, i32
  }
  func.func @transform_8(%arg0: i32) -> (i32, i32, i32) {
    %c0_i32 = arith.constant 0 : i32
    %c0_i32_0 = arith.constant 0 : i32
    %c0_i32_1 = arith.constant 0 : i32
    return %arg0, %c0_i32, %c0_i32_0 : i32, i32, i32
  }
}

module attributes {stable_mosaic.version = 14 : i64} {
  func.func @_topk2_body(%arg0: i32, %arg1: memref<1x32x128xf32, #tpu.memory_space<vmem>>, %arg2: memref<8x128xf32, #tpu.memory_space<vmem>>, %arg3: memref<1x1x50xf32, #tpu.memory_space<vmem>>, %arg4: memref<1x1x64xf32, #tpu.memory_space<vmem>>) attributes {dimension_semantics = [#tpu.dimension_semantics<arbitrary>], iteration_bounds = array<i64: 100>, scalar_prefetch = 0 : i64, scratch_operands = 0 : i64, tpu.core_type = #tpu.core_type<tc>, window_params = [{transform_indices = @transform_0, window_bounds = array<i64: 1, 32, 128>}, {pipeline_mode = #tpu.pipeline_mode<synchronous>, transform_indices = @transform_1, window_bounds = array<i64: 8, 128>}, {transform_indices = @transform_2, window_bounds = array<i64: 1, 1, 50>}, {transform_indices = @transform_3, window_bounds = array<i64: 1, 1, 64>}]} {
    %get3A = arith.constant 0 : index
    %get3A_0 = arith.constant 0 : index
    %get3A_1 = arith.constant 0 : index
    %get3A_2 = vector.load %arg1[%get3A, %get3A_0, %get3A_1] : memref<1x32x128xf32, #tpu.memory_space<vmem>>, vector<1x32x128xf32>
    %get3A_3 = vector.shape_cast %get3A_2 : vector<1x32x128xf32> to vector<32x128xf32>
    %iota3A = tpu.iota {dimensions = array<i32: 0>} : vector<100x1xi32>
    %iota3A_4 = tpu.iota {dimensions = array<i32: 1>} : vector<1x128xi32>
    %eq3A = vector.broadcast %iota3A : vector<100x1xi32> to vector<100x128xi32>
    %eq3A_5 = vector.broadcast %iota3A_4 : vector<1x128xi32> to vector<100x128xi32>
    %eq3A_6 = arith.cmpi eq, %eq3A, %eq3A_5 : vector<100x128xi32>
    %convert_element_type3A = arith.extui %eq3A_6 : vector<100x128xi1> to vector<100x128xi32>
    %convert_element_type3A_7 = arith.sitofp %convert_element_type3A : vector<100x128xi32> to vector<100x128xf32>
    %dot_general3A = arith.constant dense<0.000000e+00> : vector<100x32xf32>
    %dot_general3A_8 = tpu.matmul %convert_element_type3A_7, %get3A_3, %dot_general3A {dimension_numbers = #tpu.dot_dimension_numbers<[1], [1], [0], [0], [0, 0, 1, 0], [], []>, precision = #tpu.contract_precision<fp32>, transpose_lhs_hint = false} : vector<100x128xf32>, vector<32x128xf32>, vector<100x32xf32> -> vector<100x32xf32>
    %get3A_9 = arith.constant 1 : index
    %get3A_10 = arith.constant 0 : index
    %get3A_11 = vector.load %arg2[%get3A_9, %get3A_10] : memref<8x128xf32, #tpu.memory_space<vmem>>, vector<1x32xf32>
    %add3A = vector.broadcast %get3A_11 : vector<1x32xf32> to vector<100x32xf32>
    %add3A_12 = arith.addf %dot_general3A_8, %add3A : vector<100x32xf32>
    %get3A_13 = arith.constant 3 : index
    %get3A_14 = arith.constant 0 : index
    %get3A_15 = vector.load %arg2[%get3A_13, %get3A_14] : memref<8x128xf32, #tpu.memory_space<vmem>>, vector<1x32xf32>
    %mul3A = arith.mulf %get3A_15, %get3A_15 : vector<1x32xf32>
    %reduce_sum3A = vector.shape_cast %mul3A : vector<1x32xf32> to vector<1x1x32xf32>
    %reduce_sum3A_16 = arith.constant dense<0.000000e+00> : vector<1xf32>
    %reduce_sum3A_17 = vector.multi_reduction <add>, %reduce_sum3A, %reduce_sum3A_16 [1, 2] : vector<1x1x32xf32> to vector<1xf32>
    %reduce_sum3A_18 = vector.shape_cast %reduce_sum3A_17 : vector<1xf32> to vector<1x1x1xf32>
    %reduce_sum3A_19 = vector.extract %reduce_sum3A_18[0, 0, 0] : f32 from vector<1x1x1xf32>
    %sqrt3A = math.sqrt %reduce_sum3A_19 : f32
    %convert_element_type3A_20 = arith.truncf %add3A_12 : vector<100x32xf32> to vector<100x32xbf16>
    %convert_element_type3A_21 = arith.extf %convert_element_type3A_20 : vector<100x32xbf16> to vector<100x32xf32>
    %convert_element_type3A_22 = arith.truncf %get3A_15 : vector<1x32xf32> to vector<1x32xbf16>
    %convert_element_type3A_23 = arith.extf %convert_element_type3A_22 : vector<1x32xbf16> to vector<1x32xf32>
    %dot_general3A_24 = arith.constant dense<0.000000e+00> : vector<100x1xf32>
    %dot_general3A_25 = tpu.matmul %convert_element_type3A_21, %convert_element_type3A_23, %dot_general3A_24 {dimension_numbers = #tpu.dot_dimension_numbers<[1], [1], [0], [0], [0, 0, 1, 0], [], []>, precision = #tpu.contract_precision<fp32>, transpose_lhs_hint = false} : vector<100x32xf32>, vector<1x32xf32>, vector<100x1xf32> -> vector<100x1xf32>
    %div3A = vector.broadcast %sqrt3A : f32 to vector<100x1xf32>
    %div3A_26 = arith.divf %dot_general3A_25, %div3A : vector<100x1xf32>
    %neg3A = arith.constant 0.000000e+00 : f32
    %neg3A_27 = vector.broadcast %neg3A : f32 to vector<100x1xf32>
    %neg3A_28 = arith.subf %neg3A_27, %div3A_26 : vector<100x1xf32>
    %exp3A = math.exp %neg3A_28 : vector<100x1xf32>
    %add3A_29 = arith.constant 1.000000e+00 : f32
    %add3A_30 = vector.broadcast %add3A_29 : f32 to vector<100x1xf32>
    %add3A_31 = arith.addf %add3A_30, %exp3A : vector<100x1xf32>
    %div3A_32 = arith.constant 1.000000e+00 : f32
    %div3A_33 = vector.broadcast %div3A_32 : f32 to vector<100x1xf32>
    %div3A_34 = arith.divf %div3A_33, %add3A_31 : vector<100x1xf32>
    %iota3A_35 = tpu.iota {dimensions = array<i32: 0>} : vector<100x1xi32>
    %convert_element_type3A_36 = arith.sitofp %iota3A_35 : vector<100x1xi32> to vector<100x1xf32>
    %iota3A_37 = tpu.iota {dimensions = array<i32: 1>} : vector<1x100xi32>
    %convert_element_type3A_38 = arith.sitofp %iota3A_37 : vector<1x100xi32> to vector<1x100xf32>
    %eq3A_39 = vector.broadcast %convert_element_type3A_36 : vector<100x1xf32> to vector<100x100xf32>
    %eq3A_40 = vector.broadcast %convert_element_type3A_38 : vector<1x100xf32> to vector<100x100xf32>
    %eq3A_41 = arith.cmpf oeq, %eq3A_39, %eq3A_40 : vector<100x100xf32>
    %convert_element_type3A_42 = arith.extui %eq3A_41 : vector<100x100xi1> to vector<100x100xi32>
    %convert_element_type3A_43 = arith.sitofp %convert_element_type3A_42 : vector<100x100xi32> to vector<100x100xf32>
    %dot_general3A_44 = arith.constant dense<0.000000e+00> : vector<1x100xf32>
    %dot_general3A_45 = tpu.matmul %div3A_34, %convert_element_type3A_43, %dot_general3A_44 {dimension_numbers = #tpu.dot_dimension_numbers<[0], [0], [1], [1], [0, 1, 1, 1], [], []>, precision = #tpu.contract_precision<fp32>, transpose_lhs_hint = false} : vector<100x1xf32>, vector<100x100xf32>, vector<1x100xf32> -> vector<1x100xf32>
    %gt3A = vector.broadcast %div3A_34 : vector<100x1xf32> to vector<100x100xf32>
    %gt3A_46 = vector.broadcast %dot_general3A_45 : vector<1x100xf32> to vector<100x100xf32>
    %gt3A_47 = arith.cmpf ogt, %gt3A, %gt3A_46 : vector<100x100xf32>
    %eq3A_48 = vector.broadcast %div3A_34 : vector<100x1xf32> to vector<100x100xf32>
    %eq3A_49 = vector.broadcast %dot_general3A_45 : vector<1x100xf32> to vector<100x100xf32>
    %eq3A_50 = arith.cmpf oeq, %eq3A_48, %eq3A_49 : vector<100x100xf32>
    %lt3A = vector.broadcast %convert_element_type3A_36 : vector<100x1xf32> to vector<100x100xf32>
    %lt3A_51 = vector.broadcast %convert_element_type3A_38 : vector<1x100xf32> to vector<100x100xf32>
    %lt3A_52 = arith.cmpf olt, %lt3A, %lt3A_51 : vector<100x100xf32>
    %and3A = arith.andi %eq3A_50, %lt3A_52 : vector<100x100xi1>
    %or3A = arith.ori %gt3A_47, %and3A : vector<100x100xi1>
    %jit3A = arith.constant 1.000000e+00 : f32
    %jit3A_53 = arith.constant 0.000000e+00 : f32
    %broadcast_in_dim3A = vector.broadcast %jit3A : f32 to vector<100x100xf32>
    %broadcast_in_dim3A_54 = vector.broadcast %jit3A_53 : f32 to vector<100x100xf32>
    %select_n3A = arith.select %or3A, %broadcast_in_dim3A, %broadcast_in_dim3A_54 : vector<100x100xi1>, vector<100x100xf32>
    %reduce_sum3A_55 = arith.constant dense<0.000000e+00> : vector<100xf32>
    %reduce_sum3A_56 = vector.multi_reduction <add>, %select_n3A, %reduce_sum3A_55 [0] : vector<100x100xf32> to vector<100xf32>
    %broadcast_in_dim3A_57 = vector.shape_cast %reduce_sum3A_56 : vector<100xf32> to vector<1x100xf32>
    %iota3A_58 = tpu.iota {dimensions = array<i32: 0>} : vector<50x1xi32>
    %convert_element_type3A_59 = arith.sitofp %iota3A_58 : vector<50x1xi32> to vector<50x1xf32>
    %eq3A_60 = vector.broadcast %convert_element_type3A_59 : vector<50x1xf32> to vector<50x100xf32>
    %eq3A_61 = vector.broadcast %broadcast_in_dim3A_57 : vector<1x100xf32> to vector<50x100xf32>
    %eq3A_62 = arith.cmpf oeq, %eq3A_60, %eq3A_61 : vector<50x100xf32>
    %convert_element_type3A_63 = arith.extui %eq3A_62 : vector<50x100xi1> to vector<50x100xi32>
    %convert_element_type3A_64 = arith.sitofp %convert_element_type3A_63 : vector<50x100xi32> to vector<50x100xf32>
    %dot_general3A_65 = arith.constant dense<0.000000e+00> : vector<50x1xf32>
    %dot_general3A_66 = tpu.matmul %convert_element_type3A_64, %div3A_34, %dot_general3A_65 {dimension_numbers = #tpu.dot_dimension_numbers<[1], [0], [0], [1], [0, 0, 1, 1], [], []>, precision = #tpu.contract_precision<fp32>, transpose_lhs_hint = false} : vector<50x100xf32>, vector<100x1xf32>, vector<50x1xf32> -> vector<50x1xf32>
    %mul3A_67 = vector.broadcast %div3A_34 : vector<100x1xf32> to vector<100x32xf32>
    %mul3A_68 = arith.mulf %add3A_12, %mul3A_67 : vector<100x32xf32>
    %dot_general3A_69 = arith.constant dense<0.000000e+00> : vector<50x32xf32>
    %dot_general3A_70 = tpu.matmul %convert_element_type3A_64, %mul3A_68, %dot_general3A_69 {dimension_numbers = #tpu.dot_dimension_numbers<[1], [0], [0], [1], [0, 0, 1, 1], [], []>, precision = #tpu.contract_precision<fp32>, transpose_lhs_hint = false} : vector<50x100xf32>, vector<100x32xf32>, vector<50x32xf32> -> vector<50x32xf32>
    %iota3A_71 = tpu.iota {dimensions = array<i32: 1>} : vector<1x50xi32>
    %convert_element_type3A_72 = arith.sitofp %iota3A_71 : vector<1x50xi32> to vector<1x50xf32>
    %eq3A_73 = vector.broadcast %convert_element_type3A_59 : vector<50x1xf32> to vector<50x50xf32>
    %eq3A_74 = vector.broadcast %convert_element_type3A_72 : vector<1x50xf32> to vector<50x50xf32>
    %eq3A_75 = arith.cmpf oeq, %eq3A_73, %eq3A_74 : vector<50x50xf32>
    %convert_element_type3A_76 = arith.extui %eq3A_75 : vector<50x50xi1> to vector<50x50xi32>
    %convert_element_type3A_77 = arith.sitofp %convert_element_type3A_76 : vector<50x50xi32> to vector<50x50xf32>
    %dot_general3A_78 = arith.constant dense<0.000000e+00> : vector<1x50xf32>
    %dot_general3A_79 = tpu.matmul %dot_general3A_66, %convert_element_type3A_77, %dot_general3A_78 {dimension_numbers = #tpu.dot_dimension_numbers<[0], [0], [1], [1], [0, 1, 1, 1], [], []>, precision = #tpu.contract_precision<fp32>, transpose_lhs_hint = false} : vector<50x1xf32>, vector<50x50xf32>, vector<1x50xf32> -> vector<1x50xf32>
    %reduce_max3A = vector.shape_cast %dot_general3A_79 : vector<1x50xf32> to vector<1x1x50xf32>
    %reduce_max3A_80 = arith.constant dense<0xFF800000> : vector<1xf32>
    %reduce_max3A_81 = vector.multi_reduction <maximumf>, %reduce_max3A, %reduce_max3A_80 [1, 2] : vector<1x1x50xf32> to vector<1xf32>
    %reduce_max3A_82 = vector.shape_cast %reduce_max3A_81 : vector<1xf32> to vector<1x1x1xf32>
    %reduce_max3A_83 = vector.extract %reduce_max3A_82[0, 0, 0] : f32 from vector<1x1x1xf32>
    %sub3A = vector.broadcast %reduce_max3A_83 : f32 to vector<1x50xf32>
    %sub3A_84 = arith.subf %dot_general3A_79, %sub3A : vector<1x50xf32>
    %exp3A_85 = math.exp %sub3A_84 : vector<1x50xf32>
    %reduce_sum3A_86 = vector.shape_cast %exp3A_85 : vector<1x50xf32> to vector<1x1x50xf32>
    %reduce_sum3A_87 = arith.constant dense<0.000000e+00> : vector<1xf32>
    %reduce_sum3A_88 = vector.multi_reduction <add>, %reduce_sum3A_86, %reduce_sum3A_87 [1, 2] : vector<1x1x50xf32> to vector<1xf32>
    %reduce_sum3A_89 = vector.shape_cast %reduce_sum3A_88 : vector<1xf32> to vector<1x1x1xf32>
    %reduce_sum3A_90 = vector.extract %reduce_sum3A_89[0, 0, 0] : f32 from vector<1x1x1xf32>
    %div3A_91 = vector.broadcast %reduce_sum3A_90 : f32 to vector<1x50xf32>
    %div3A_92 = arith.divf %exp3A_85, %div3A_91 : vector<1x50xf32>
    %reshape3A = vector.shape_cast %div3A_92 : vector<1x50xf32> to vector<1x1x50xf32>
    %swap3A = arith.constant 0 : index
    %swap3A_93 = arith.constant 0 : index
    %swap3A_94 = arith.constant 0 : index
    %swap3A_95 = vector.load %arg3[%swap3A, %swap3A_93, %swap3A_94] : memref<1x1x50xf32, #tpu.memory_space<vmem>>, vector<1x1x50xf32>
    tpu.vector_store %arg3[%swap3A, %swap3A_93, %swap3A_94], %reshape3A {strides = array<i32>} : memref<1x1x50xf32, #tpu.memory_space<vmem>>, vector<1x1x50xf32>,
    %reduce_max3A_96 = arith.constant dense<0xFF800000> : vector<32xf32>
    %reduce_max3A_97 = vector.multi_reduction <maximumf>, %dot_general3A_70, %reduce_max3A_96 [0] : vector<50x32xf32> to vector<32xf32>
    %broadcast_in_dim3A_98 = vector.shape_cast %reduce_max3A_97 : vector<32xf32> to vector<1x32xf32>
    %reduce_sum3A_99 = arith.constant dense<0.000000e+00> : vector<32xf32>
    %reduce_sum3A_100 = vector.multi_reduction <add>, %dot_general3A_70, %reduce_sum3A_99 [0] : vector<50x32xf32> to vector<32xf32>
    %broadcast_in_dim3A_101 = vector.shape_cast %reduce_sum3A_100 : vector<32xf32> to vector<1x32xf32>
    %div3A_102 = arith.constant 5.000000e+01 : f32
    %div3A_103 = vector.broadcast %div3A_102 : f32 to vector<1x32xf32>
    %div3A_104 = arith.divf %broadcast_in_dim3A_101, %div3A_103 : vector<1x32xf32>
    %concatenate3A = tpu.concatenate %broadcast_in_dim3A_98, %div3A_104 in 1 : vector<1x32xf32>, vector<1x32xf32> -> vector<1x64xf32>
    %reshape3A_105 = vector.shape_cast %concatenate3A : vector<1x64xf32> to vector<1x1x64xf32>
    %swap3A_106 = arith.constant 0 : index
    %swap3A_107 = arith.constant 0 : index
    %swap3A_108 = arith.constant 0 : index
    %swap3A_109 = vector.load %arg4[%swap3A_106, %swap3A_107, %swap3A_108] : memref<1x1x64xf32, #tpu.memory_space<vmem>>, vector<1x1x64xf32>
    tpu.vector_store %arg4[%swap3A_106, %swap3A_107, %swap3A_108], %reshape3A_105 {strides = array<i32>} : memref<1x1x64xf32, #tpu.memory_space<vmem>>, vector<1x1x64xf32>,
    return
  }
  func.func @transform_0(%arg0: i32) -> (i32, i32, i32) {
    %c0_i32 = arith.constant 0 : i32
    %c0_i32_0 = arith.constant 0 : i32
    %c0_i32_1 = arith.constant 0 : i32
    return %arg0, %c0_i32, %c0_i32_0 : i32, i32, i32
  }
  func.func @transform_1(%arg0: i32) -> (i32, i32) {
    %c0_i32 = arith.constant 0 : i32
    %c0_i32_0 = arith.constant 0 : i32
    %c0_i32_1 = arith.constant 0 : i32
    return %c0_i32, %c0_i32_0 : i32, i32
  }
  func.func @transform_2(%arg0: i32) -> (i32, i32, i32) {
    %c0_i32 = arith.constant 0 : i32
    %c0_i32_0 = arith.constant 0 : i32
    %c0_i32_1 = arith.constant 0 : i32
    return %arg0, %c0_i32, %c0_i32_0 : i32, i32, i32
  }
  func.func @transform_3(%arg0: i32) -> (i32, i32, i32) {
    %c0_i32 = arith.constant 0 : i32
    %c0_i32_0 = arith.constant 0 : i32
    %c0_i32_1 = arith.constant 0 : i32
    return %arg0, %c0_i32, %c0_i32_0 : i32, i32, i32
  }
}

module attributes {stable_mosaic.version = 14 : i64} {
  func.func @_mlp_body(%arg0: memref<100x128xf32, #tpu.memory_space<vmem>>, %arg1: memref<128x32xf32, #tpu.memory_space<vmem>>, %arg2: memref<32x512xf32, #tpu.memory_space<vmem>>, %arg3: memref<512x2xf32, #tpu.memory_space<vmem>>, %arg4: memref<8x512xf32, #tpu.memory_space<vmem>>, %arg5: memref<100x2xf32, #tpu.memory_space<vmem>>) attributes {dimension_semantics = [], scalar_prefetch = 0 : i64, scratch_operands = 0 : i64, tpu.core_type = #tpu.core_type<tc>} {
    %get3A = arith.constant 0 : index
    %get3A_0 = arith.constant 0 : index
    %get3A_1 = vector.load %arg0[%get3A, %get3A_0] : memref<100x128xf32, #tpu.memory_space<vmem>>, vector<100x128xf32>
    %convert_element_type3A = arith.truncf %get3A_1 : vector<100x128xf32> to vector<100x128xbf16>
    %convert_element_type3A_2 = arith.extf %convert_element_type3A : vector<100x128xbf16> to vector<100x128xf32>
    %get3A_3 = arith.constant 0 : index
    %get3A_4 = arith.constant 0 : index
    %get3A_5 = vector.load %arg1[%get3A_3, %get3A_4] : memref<128x32xf32, #tpu.memory_space<vmem>>, vector<128x32xf32>
    %convert_element_type3A_6 = arith.truncf %get3A_5 : vector<128x32xf32> to vector<128x32xbf16>
    %convert_element_type3A_7 = arith.extf %convert_element_type3A_6 : vector<128x32xbf16> to vector<128x32xf32>
    %dot_general3A = arith.constant dense<0.000000e+00> : vector<100x32xf32>
    %dot_general3A_8 = tpu.matmul %convert_element_type3A_2, %convert_element_type3A_7, %dot_general3A {dimension_numbers = #tpu.dot_dimension_numbers<[1], [0], [0], [1], [0, 0, 1, 1], [], []>, precision = #tpu.contract_precision<fp32>, transpose_lhs_hint = false} : vector<100x128xf32>, vector<128x32xf32>, vector<100x32xf32> -> vector<100x32xf32>
    %get3A_9 = arith.constant 0 : index
    %get3A_10 = arith.constant 0 : index
    %get3A_11 = vector.load %arg4[%get3A_9, %get3A_10] : memref<8x512xf32, #tpu.memory_space<vmem>>, vector<1x32xf32>
    %add3A = vector.broadcast %get3A_11 : vector<1x32xf32> to vector<100x32xf32>
    %add3A_12 = arith.addf %dot_general3A_8, %add3A : vector<100x32xf32>
    %get3A_13 = arith.constant 7 : index
    %get3A_14 = arith.constant 0 : index
    %get3A_15 = vector.load %arg4[%get3A_13, %get3A_14] : memref<8x512xf32, #tpu.memory_space<vmem>>, vector<1x1xf32>
    %gt3A = arith.constant 0.000000e+00 : f32
    %gt3A_16 = vector.broadcast %gt3A : f32 to vector<100x32xf32>
    %gt3A_17 = arith.cmpf ogt, %add3A_12, %gt3A_16 : vector<100x32xf32>
    %mul3A = vector.broadcast %get3A_15 : vector<1x1xf32> to vector<100x32xf32>
    %mul3A_18 = arith.mulf %mul3A, %add3A_12 : vector<100x32xf32>
    %select_n3A = arith.select %gt3A_17, %add3A_12, %mul3A_18 : vector<100x32xi1>, vector<100x32xf32>
    %reduce_sum3A = arith.constant dense<0.000000e+00> : vector<32xf32>
    %reduce_sum3A_19 = vector.multi_reduction <add>, %select_n3A, %reduce_sum3A [0] : vector<100x32xf32> to vector<32xf32>
    %broadcast_in_dim3A = vector.shape_cast %reduce_sum3A_19 : vector<32xf32> to vector<1x32xf32>
    %div3A = arith.constant 1.000000e+02 : f32
    %div3A_20 = vector.broadcast %div3A : f32 to vector<1x32xf32>
    %div3A_21 = arith.divf %broadcast_in_dim3A, %div3A_20 : vector<1x32xf32>
    %sub3A = vector.broadcast %div3A_21 : vector<1x32xf32> to vector<100x32xf32>
    %sub3A_22 = arith.subf %select_n3A, %sub3A : vector<100x32xf32>
    %integer_pow3A = arith.mulf %sub3A_22, %sub3A_22 : vector<100x32xf32>
    %reduce_sum3A_23 = arith.constant dense<0.000000e+00> : vector<32xf32>
    %reduce_sum3A_24 = vector.multi_reduction <add>, %integer_pow3A, %reduce_sum3A_23 [0] : vector<100x32xf32> to vector<32xf32>
    %broadcast_in_dim3A_25 = vector.shape_cast %reduce_sum3A_24 : vector<32xf32> to vector<1x32xf32>
    %div3A_26 = arith.constant 1.000000e+02 : f32
    %div3A_27 = vector.broadcast %div3A_26 : f32 to vector<1x32xf32>
    %div3A_28 = arith.divf %broadcast_in_dim3A_25, %div3A_27 : vector<1x32xf32>
    %get3A_29 = arith.constant 1 : index
    %get3A_30 = arith.constant 0 : index
    %get3A_31 = vector.load %arg4[%get3A_29, %get3A_30] : memref<8x512xf32, #tpu.memory_space<vmem>>, vector<1x32xf32>
    %sub3A_32 = vector.broadcast %div3A_21 : vector<1x32xf32> to vector<100x32xf32>
    %sub3A_33 = arith.subf %select_n3A, %sub3A_32 : vector<100x32xf32>
    %mul3A_34 = vector.broadcast %get3A_31 : vector<1x32xf32> to vector<100x32xf32>
    %mul3A_35 = arith.mulf %mul3A_34, %sub3A_33 : vector<100x32xf32>
    %add3A_36 = arith.constant 9.99999974E-6 : f32
    %add3A_37 = vector.broadcast %add3A_36 : f32 to vector<1x32xf32>
    %add3A_38 = arith.addf %div3A_28, %add3A_37 : vector<1x32xf32>
    %sqrt3A = math.sqrt %add3A_38 : vector<1x32xf32>
    %div3A_39 = vector.broadcast %sqrt3A : vector<1x32xf32> to vector<100x32xf32>
    %div3A_40 = arith.divf %mul3A_35, %div3A_39 : vector<100x32xf32>
    %get3A_41 = arith.constant 2 : index
    %get3A_42 = arith.constant 0 : index
    %get3A_43 = vector.load %arg4[%get3A_41, %get3A_42] : memref<8x512xf32, #tpu.memory_space<vmem>>, vector<1x32xf32>
    %add3A_44 = vector.broadcast %get3A_43 : vector<1x32xf32> to vector<100x32xf32>
    %add3A_45 = arith.addf %div3A_40, %add3A_44 : vector<100x32xf32>
    %convert_element_type3A_46 = arith.truncf %add3A_45 : vector<100x32xf32> to vector<100x32xbf16>
    %convert_element_type3A_47 = arith.extf %convert_element_type3A_46 : vector<100x32xbf16> to vector<100x32xf32>
    %get3A_48 = arith.constant 0 : index
    %get3A_49 = arith.constant 0 : index
    %get3A_50 = vector.load %arg2[%get3A_48, %get3A_49] : memref<32x512xf32, #tpu.memory_space<vmem>>, vector<32x512xf32>
    %convert_element_type3A_51 = arith.truncf %get3A_50 : vector<32x512xf32> to vector<32x512xbf16>
    %convert_element_type3A_52 = arith.extf %convert_element_type3A_51 : vector<32x512xbf16> to vector<32x512xf32>
    %dot_general3A_53 = arith.constant dense<0.000000e+00> : vector<100x512xf32>
    %dot_general3A_54 = tpu.matmul %convert_element_type3A_47, %convert_element_type3A_52, %dot_general3A_53 {dimension_numbers = #tpu.dot_dimension_numbers<[1], [0], [0], [1], [0, 0, 1, 1], [], []>, precision = #tpu.contract_precision<fp32>, transpose_lhs_hint = false} : vector<100x32xf32>, vector<32x512xf32>, vector<100x512xf32> -> vector<100x512xf32>
    %get3A_55 = arith.constant 3 : index
    %get3A_56 = arith.constant 0 : index
    %get3A_57 = vector.load %arg4[%get3A_55, %get3A_56] : memref<8x512xf32, #tpu.memory_space<vmem>>, vector<1x512xf32>
    %add3A_58 = vector.broadcast %get3A_57 : vector<1x512xf32> to vector<100x512xf32>
    %add3A_59 = arith.addf %dot_general3A_54, %add3A_58 : vector<100x512xf32>
    %get3A_60 = arith.constant 7 : index
    %get3A_61 = arith.constant 1 : index
    %get3A_62 = vector.load %arg4[%get3A_60, %get3A_61] : memref<8x512xf32, #tpu.memory_space<vmem>>, vector<1x1xf32>
    %gt3A_63 = arith.constant 0.000000e+00 : f32
    %gt3A_64 = vector.broadcast %gt3A_63 : f32 to vector<100x512xf32>
    %gt3A_65 = arith.cmpf ogt, %add3A_59, %gt3A_64 : vector<100x512xf32>
    %mul3A_66 = vector.broadcast %get3A_62 : vector<1x1xf32> to vector<100x512xf32>
    %mul3A_67 = arith.mulf %mul3A_66, %add3A_59 : vector<100x512xf32>
    %select_n3A_68 = arith.select %gt3A_65, %add3A_59, %mul3A_67 : vector<100x512xi1>, vector<100x512xf32>
    %reduce_sum3A_69 = arith.constant dense<0.000000e+00> : vector<512xf32>
    %reduce_sum3A_70 = vector.multi_reduction <add>, %select_n3A_68, %reduce_sum3A_69 [0] : vector<100x512xf32> to vector<512xf32>
    %broadcast_in_dim3A_71 = vector.shape_cast %reduce_sum3A_70 : vector<512xf32> to vector<1x512xf32>
    %div3A_72 = arith.constant 1.000000e+02 : f32
    %div3A_73 = vector.broadcast %div3A_72 : f32 to vector<1x512xf32>
    %div3A_74 = arith.divf %broadcast_in_dim3A_71, %div3A_73 : vector<1x512xf32>
    %sub3A_75 = vector.broadcast %div3A_74 : vector<1x512xf32> to vector<100x512xf32>
    %sub3A_76 = arith.subf %select_n3A_68, %sub3A_75 : vector<100x512xf32>
    %integer_pow3A_77 = arith.mulf %sub3A_76, %sub3A_76 : vector<100x512xf32>
    %reduce_sum3A_78 = arith.constant dense<0.000000e+00> : vector<512xf32>
    %reduce_sum3A_79 = vector.multi_reduction <add>, %integer_pow3A_77, %reduce_sum3A_78 [0] : vector<100x512xf32> to vector<512xf32>
    %broadcast_in_dim3A_80 = vector.shape_cast %reduce_sum3A_79 : vector<512xf32> to vector<1x512xf32>
    %div3A_81 = arith.constant 1.000000e+02 : f32
    %div3A_82 = vector.broadcast %div3A_81 : f32 to vector<1x512xf32>
    %div3A_83 = arith.divf %broadcast_in_dim3A_80, %div3A_82 : vector<1x512xf32>
    %get3A_84 = arith.constant 4 : index
    %get3A_85 = arith.constant 0 : index
    %get3A_86 = vector.load %arg4[%get3A_84, %get3A_85] : memref<8x512xf32, #tpu.memory_space<vmem>>, vector<1x512xf32>
    %sub3A_87 = vector.broadcast %div3A_74 : vector<1x512xf32> to vector<100x512xf32>
    %sub3A_88 = arith.subf %select_n3A_68, %sub3A_87 : vector<100x512xf32>
    %mul3A_89 = vector.broadcast %get3A_86 : vector<1x512xf32> to vector<100x512xf32>
    %mul3A_90 = arith.mulf %mul3A_89, %sub3A_88 : vector<100x512xf32>
    %add3A_91 = arith.constant 9.99999974E-6 : f32
    %add3A_92 = vector.broadcast %add3A_91 : f32 to vector<1x512xf32>
    %add3A_93 = arith.addf %div3A_83, %add3A_92 : vector<1x512xf32>
    %sqrt3A_94 = math.sqrt %add3A_93 : vector<1x512xf32>
    %div3A_95 = vector.broadcast %sqrt3A_94 : vector<1x512xf32> to vector<100x512xf32>
    %div3A_96 = arith.divf %mul3A_90, %div3A_95 : vector<100x512xf32>
    %get3A_97 = arith.constant 5 : index
    %get3A_98 = arith.constant 0 : index
    %get3A_99 = vector.load %arg4[%get3A_97, %get3A_98] : memref<8x512xf32, #tpu.memory_space<vmem>>, vector<1x512xf32>
    %add3A_100 = vector.broadcast %get3A_99 : vector<1x512xf32> to vector<100x512xf32>
    %add3A_101 = arith.addf %div3A_96, %add3A_100 : vector<100x512xf32>
    %convert_element_type3A_102 = arith.truncf %add3A_101 : vector<100x512xf32> to vector<100x512xbf16>
    %convert_element_type3A_103 = arith.extf %convert_element_type3A_102 : vector<100x512xbf16> to vector<100x512xf32>
    %get3A_104 = arith.constant 0 : index
    %get3A_105 = arith.constant 0 : index
    %get3A_106 = vector.load %arg3[%get3A_104, %get3A_105] : memref<512x2xf32, #tpu.memory_space<vmem>>, vector<512x2xf32>
    %convert_element_type3A_107 = arith.truncf %get3A_106 : vector<512x2xf32> to vector<512x2xbf16>
    %convert_element_type3A_108 = arith.extf %convert_element_type3A_107 : vector<512x2xbf16> to vector<512x2xf32>
    %dot_general3A_109 = arith.constant dense<0.000000e+00> : vector<100x2xf32>
    %dot_general3A_110 = tpu.matmul %convert_element_type3A_103, %convert_element_type3A_108, %dot_general3A_109 {dimension_numbers = #tpu.dot_dimension_numbers<[1], [0], [0], [1], [0, 0, 1, 1], [], []>, precision = #tpu.contract_precision<fp32>, transpose_lhs_hint = false} : vector<100x512xf32>, vector<512x2xf32>, vector<100x2xf32> -> vector<100x2xf32>
    %get3A_111 = arith.constant 6 : index
    %get3A_112 = arith.constant 0 : index
    %get3A_113 = vector.load %arg4[%get3A_111, %get3A_112] : memref<8x512xf32, #tpu.memory_space<vmem>>, vector<1x2xf32>
    %add3A_114 = vector.broadcast %get3A_113 : vector<1x2xf32> to vector<100x2xf32>
    %add3A_115 = arith.addf %dot_general3A_110, %add3A_114 : vector<100x2xf32>
    %reduce_max3A = arith.constant dense<0xFF800000> : vector<100xf32>
    %reduce_max3A_116 = vector.multi_reduction <maximumf>, %add3A_115, %reduce_max3A [1] : vector<100x2xf32> to vector<100xf32>
    %broadcast_in_dim3A_117 = vector.shape_cast %reduce_max3A_116 : vector<100xf32> to vector<100x1xf32>
    %sub3A_118 = vector.broadcast %broadcast_in_dim3A_117 : vector<100x1xf32> to vector<100x2xf32>
    %sub3A_119 = arith.subf %add3A_115, %sub3A_118 : vector<100x2xf32>
    %exp3A = math.exp %sub3A_119 : vector<100x2xf32>
    %reduce_sum3A_120 = arith.constant dense<0.000000e+00> : vector<100xf32>
    %reduce_sum3A_121 = vector.multi_reduction <add>, %exp3A, %reduce_sum3A_120 [1] : vector<100x2xf32> to vector<100xf32>
    %broadcast_in_dim3A_122 = vector.shape_cast %reduce_sum3A_121 : vector<100xf32> to vector<100x1xf32>
    %log3A = math.log %broadcast_in_dim3A_122 : vector<100x1xf32>
    %add3A_123 = arith.addf %broadcast_in_dim3A_117, %log3A : vector<100x1xf32>
    %sub3A_124 = vector.broadcast %add3A_123 : vector<100x1xf32> to vector<100x2xf32>
    %sub3A_125 = arith.subf %add3A_115, %sub3A_124 : vector<100x2xf32>
    %swap3A = arith.constant 0 : index
    %swap3A_126 = arith.constant 0 : index
    %swap3A_127 = vector.load %arg5[%swap3A, %swap3A_126] : memref<100x2xf32, #tpu.memory_space<vmem>>, vector<100x2xf32>
    tpu.vector_store %arg5[%swap3A, %swap3A_126], %sub3A_125 {strides = array<i32>} : memref<100x2xf32, #tpu.memory_space<vmem>>, vector<100x2xf32>,
    return
  }
}

</mosaic_0001>

<sc_bundles>
// kernel: kernel.11.cloned.1.call-start
scs
__scs_entry_jumppad:
0x0: {  	(pc) =	sbr.rel $0x88, $3  }
0x1: {  	(tag) =	ssettag $0x0;
	lr =	simm.s32 $0x1  }
0x2: {  	[smem:$0x3F8A] =	sst lr;
	_ =	strace $0xD0000000  }
0x3: {  	_ = 	snop  }
0x4: {  	_ = 	snop  }
0x5: {  	_ = 	snop  }
0x6: {  	_ = 	snop  }
0x7: {  	_ = 	snop  }
__scs_overlays_trampoline_lowered:
0x8: {  	[smem:$0x3F99] =	sst s0  }
0x9: {  	[smem:$0x3F9A] =	sst s1  }
0xa: {  	[smem:$0x3F9B] =	sst s2  }
0xb: {  	[smem:$0x3F9C] =	sst s3  }
0xc: {  	[smem:$0x3F9D] =	sst s4  }
0xd: {  	[smem:$0x3F9E] =	sst s5  }
0xe: {  	[smem:$0x3F9F] =	sst s6  }
0xf: {  	[smem:$0x3FA0] =	sst s7  }
0x10: {  	[smem:$0x3FA1] =	sst s8  }
0x11: {  	[smem:$0x3FA2] =	sst s9;
	s0 =	simm.s32 @!p0 $0x0  }
0x12: {  	s1 =	sld [smem:$0x3F88];
	s0 =	simm.s32 @p0 $0x1  }
0x13: {  	[smem:$0x3FA3] =	sst s0;
	s0 =	simm.s32 @!p1 $0x0  }
0x14: {  	s2 =	sld [smem:$0x3F87];
	s0 =	simm.s32 @p1 $0x1  }
0x15: {  	[smem:$0x3FA4] =	sst s0;
	s0 =	simm.s32 @!p2 $0x0  }
0x16: {  	s3 =	sld [smem:$0x3FDB];
	s0 =	simm.s32 @p2 $0x1  }
0x17: {  	s4 =	simm.s32 $0x1BF5;
	[smem:$0x3FA6] =	sst s0  }
0x18: {  	s0 =	sld [smem:$0x3F89];
	_ =	swait.ge [sflag:s4], $0x0  }
0x19: {  	s7 =	sld [smem:$0x3F8A]  }
0x1a: {  	s8 =	sadd.s32 $0xFFFFE003, lr  }
0x1b: {  	s9 =	sadd.s32 $0xFFFFFEF7, lr;
	s5 =	simm.s32 $0xFFFFFFFF;
	p2 =	slt.u32 s8, $0xFFFFF086  }
0x1c: {  	p1 =	slt.u32 s9, $0xF7A;
	s5 =	simm.s32 @!p2 $0x0  }
0x1d: {  	s5 =	simm.s32 @p1 $0x1;
	p0 =	seq.s32 s7, s2  }
0x1e: {  	s7 =	smul.u32 @!p0 $0xF7A, s2;
	p2 =	seq.s32 @!p0 s5, $0x0  }
0x1f: {  	s9 =	smul.u32 $0xF7A, s1;
	s8 =	simm.s32 @!p0 $0x1BF5;
	p2 =	por !p2, p0  }
0x20: {  	[sflag:s8] =	ssyncset.s32 @!p0 $0xFFFFF086;
	s6 =	sadd.s32 @!p0 s3, s7;
	s7 =	simm.s32 @!p0 $0x108  }
0x21: {  	s3 =	sadd.s32 s3, s9;
	s6 =	sadd.s32 @!p0 $0x88, s6;
	s7 =	simm.s32 @p2 $0x1082  }
0x22: {  	[simem:s7], [sflag:s8] =	dma.local @!p0 [hbm:s6], $0xF7A  }
0x23: {  	s9 =	sor.u32 $0xD0000000, s2;
	s6 =	simm.s32 $0x108;
	_ =	swait.ge @!p0 [sflag:s8], $0x0  }
0x24: {  	s3 =	sadd.s32 $0x88, s3;
	s6 =	simm.s32 @!p1 $0x1082;
	[sflag:s4] =	ssyncset.s32 $0xFFFFF086  }
0x25: {  	[simem:s6], [sflag:s4] =	dma.local [hbm:s3], $0xF7A  }
0x26: {  	[smem:$0x3F8A] =	sst s1;
	(tag) =	ssettag s2;
	_ =	strace s9  }
0x27: {  	s1 =	sld [smem:$0x3F9A]  }
0x28: {  	s2 =	sld [smem:$0x3F9B]  }
0x29: {  	s4 =	sld [smem:$0x3F9D]  }
0x2a: {  	p0 =	seq.s32 s5, $0x0;
	s5 =	sld [smem:$0x3F9E]  }
0x2b: {  	s6 =	sld [smem:$0x3F9F]  }
0x2c: {  	s7 =	sld [smem:$0x3FA0]  }
0x2d: {  	s3 =	simm.s32 $0x108;
	s8 =	sld [smem:$0x3FA1]  }
0x2e: {  	s3 =	simm.s32 @!p0 $0x1082;
	s9 =	sld [smem:$0x3FA2]  }
0x2f: {  	lr =	sadd.s32 s0, s3;
	s0 =	sld [smem:$0x3F99]  }
0x30: {  	s3 =	sld [smem:$0x3F9C]  }
0x31: {  	[smem:$0x3FA5] =	sst s10  }
0x32: {  	s10 =	sld [smem:$0x3FA3];
	_ =	sdelay $0x3  }
0x33: {  	p0 =	seq.s32 s10, $0x1;
	s10 =	sld [smem:$0x3FA5];
	_ =	sdelay $0x3  }
0x34: {  	[smem:$0x3FA5] =	sst s10  }
0x35: {  	s10 =	sld [smem:$0x3FA4];
	_ =	sdelay $0x3  }
0x36: {  	p1 =	seq.s32 s10, $0x1;
	s10 =	sld [smem:$0x3FA5];
	_ =	sdelay $0x3  }
0x37: {  	[smem:$0x3FA5] =	sst s10  }
0x38: {  	s10 =	sld [smem:$0x3FA6]  }
0x39: {  	_ = 	snop;
	(pc) =	sbr.ind lr, $3  }
0x3a: {  	_ = 	snop  }
0x3b: {  	_ = 	snop  }
0x3c: {  	p2 =	seq.s32 s10, $0x1;
	s10 =	sld [smem:$0x3FA5]  }
0x3d: {  	_ =	shalt  }
0x3e: {  	_ =	shalt  }
0x3f: {  	_ =	shalt  }
0x40: {  	_ =	shalt  }
0x41: {  	_ =	shalt  }
0x42: {  	_ =	shalt  }
0x43: {  	_ =	shalt  }
0x44: {  	_ =	shalt  }
0x45: {  	_ =	shalt  }
0x46: {  	_ =	shalt  }
0x47: {  	_ =	shalt  }
0x48: {  	_ =	shalt  }
0x49: {  	_ =	shalt  }
0x4a: {  	_ =	shalt  }
0x4b: {  	_ =	shalt  }
0x4c: {  	_ =	shalt  }
0x4d: {  	_ =	shalt  }
0x4e: {  	_ =	shalt  }
0x4f: {  	_ =	shalt  }
0x50: {  	_ =	shalt  }
0x51: {  	_ =	shalt  }
0x52: {  	_ =	shalt  }
0x53: {  	_ =	shalt  }
0x54: {  	_ =	shalt  }
0x55: {  	_ =	shalt  }
0x56: {  	_ =	shalt  }
0x57: {  	_ =	shalt  }
0x58: {  	_ =	shalt  }
0x59: {  	_ =	shalt  }
0x5a: {  	_ =	shalt  }
0x5b: {  	_ =	shalt  }
0x5c: {  	_ =	shalt  }
0x5d: {  	_ =	shalt  }
0x5e: {  	_ =	shalt  }
0x5f: {  	_ =	shalt  }
0x60: {  	_ =	shalt  }
0x61: {  	_ =	shalt  }
0x62: {  	_ =	shalt  }
0x63: {  	_ =	shalt  }
0x64: {  	_ =	shalt  }
0x65: {  	_ =	shalt  }
0x66: {  	_ =	shalt  }
0x67: {  	_ =	shalt  }
0x68: {  	_ =	shalt  }
0x69: {  	_ =	shalt  }
0x6a: {  	_ =	shalt  }
0x6b: {  	_ =	shalt  }
0x6c: {  	_ =	shalt  }
0x6d: {  	_ =	shalt  }
0x6e: {  	_ =	shalt  }
0x6f: {  	_ =	shalt  }
0x70: {  	_ =	shalt  }
0x71: {  	_ =	shalt  }
0x72: {  	_ =	shalt  }
0x73: {  	_ =	shalt  }
0x74: {  	_ =	shalt  }
0x75: {  	_ =	shalt  }
0x76: {  	_ =	shalt  }
0x77: {  	_ =	shalt  }
0x78: {  	_ =	shalt  }
0x79: {  	_ =	shalt  }
0x7a: {  	_ =	shalt  }
0x7b: {  	_ =	shalt  }
0x7c: {  	_ =	shalt  }
0x7d: {  	_ =	shalt  }
0x7e: {  	_ =	shalt  }
0x7f: {  	_ =	shalt  }
0x80: {  	_ =	shalt  }
0x81: {  	_ =	shalt  }
0x82: {  	_ =	shalt  }
0x83: {  	_ =	shalt  }
0x84: {  	_ =	shalt  }
0x85: {  	_ =	shalt  }
0x86: {  	_ =	shalt  }
0x87: {  	_ =	shalt  }
.Lfunc_end0:
.L_simem_size_0:
called_computation.1_lowered:
.L_overlay_start_0:
0x88: {  	s2 =	sld [smem:$0x3FD9]  }
0x89: {  	s3 =	sld [smem:$0x3FFE];
	_ =	sdelay $0x1  }
0x8a: {  	s1 =	srdreg.scid  }
0x8b: {  	s0 =	sand.u32 $0x1, s1  }
0x8c: {  	s17 =	sshll.u32 s0, $0xA;
	s2 =	sadd.s32 s3, s2  }
0x8d: {  	s2 =	sadd.s32 s2, s17  }
0x8e: {  	[smem:$0x3FB1] =	sst s2  }
0x8f: {  	_ = 	snop  }
0x90: {  	s2 =	sld [smem:$0x3FC7];
	(tm) =	ssettm $0x1  }
0x91: {  	s18 =	sld [smem:$0x3FFB];
	_ =	sdelay $0x3  }
0x92: {  	_ =	strace s18  }
0x93: {  	s3 =	sld [smem:$0x3FFC];
	_ =	sdelay $0x3  }
0x94: {  	_ =	strace s3  }
0x95: {  	s3 =	sld [smem:$0x3FFD];
	_ =	sdelay $0x3  }
0x96: {  	_ =	strace s3  }
0x97: {  	_ =	strace $0x8FFFFFFF  }
0x98: {  	s19 =	sld [smem:$0x3FDB];
	_ =	sdelay $0x1  }
0x99: {  	s4 =	simm.s32 $_scs_section_size  }
0x9a: {  	s5 =	simm.s32 $_size__tile_overlayer_lowered;
	s6 =	simm.s32 $_tile_overlayer_lowered  }
0x9b: {  	s22 =	simm.s32 $0x1BFF;
	s21 =	sshll.u32 s6, $0x1;
	s3 =	sadd.s32 s4, s19  }
0x9c: {  	s7 =	simm.s32 $0x0;
	s20 =	sshll.u32 s5, $0x1;
	s5 =	sadd.s32 s21, s3  }
0x9d: {  	[timem:s7], [sflag:s22] =	dma.local [hbm:s5], s20  }
0x9e: {  	_ =	swait.ge [sflag:s22], s20  }
0x9f: {  	s4 =	ssub.s32 $0x0, s20;
	[sflag:s22] =	ssyncset.done $0x0  }
0xa0: {  	[sflag:s22] =	ssyncadd.s32 s4;
	_ =	sdelay $0x1  }
0xa1: {  	s23 =	simm.s32 $0x1B8B  }
0xa2: {  	_ =	swait.ge [sflag:s23], $0x1  }
0xa3: {  	[sflag:s23] =	ssyncset.done $0x0  }
0xa4: {  	s25 =	simm.s32 $0x1B8E;
	s24 =	sld [smem:$0x3FFE];
	[sflag:s23] =	ssyncadd.s32 $0xFFFFFFFF  }
0xa5: {  	s26 =	simm.s32 $execute0_lowered;
	[smem:$0x3FD2] =	sst s25  }
0xa6: {  	s5 =	sshll.u32 s26, $0x1;
	_ =	strace $0x80000049;
	[dreg:$0x1] =	wrdreg $0xFFFFFFFF  }
0xa7: {  	s28 =	simm.s32 $_size_execute0_lowered;
	s3 =	sadd.s32 s3, s5;
	[dreg:$0x0] =	wrdreg $0x0  }
0xa8: {  	s5 =	sshll.u32 s28, $0x1;
	[dreg:$0x2] =	wrdreg s3  }
0xa9: {  	[dreg:$0x3] =	wrdreg s5  }
0xaa: {  	[dreg:$0x4] =	wrdreg $0xC0  }
0xab: {  	_ =	task [dreg:s7], $0x5FFFF  }
0xac: {  	[dreg:$0x1] =	wrdreg $0xFFFFFFFF  }
0xad: {  	[dreg:$0x0] =	wrdreg $0x60  }
0xae: {  	[dreg:$0x2] =	wrdreg s24  }
0xaf: {  	[dreg:$0x3] =	wrdreg s2  }
0xb0: {  	[dreg:$0x4] =	wrdreg $0x9  }
0xb1: {  	_ =	task.clear_ibuf [dreg:s7], $0x5FFFF;
	_ =	strace $0x90000049  }
0xb2: {  	s29 =	simm.s32 $0x9;
	_ =	strace $0x8000004B  }
0xb3: {  	_ =	swait.ge [sflag:s29], $0x1  }
0xb4: {  	[sflag:s29] =	ssyncadd.s32 $0xFFFFFFFF  }
0xb5: {  	_ =	strace $0x9000004B  }
0xb6: {  	_ =	sfence  }
0xb7: {  	s30 =	sld [smem:$0x0];
	_ =	sdelay $0x2  }
0xb8: {  	s31 =	sshll.u32 s1, $0xD;
	s1 =	sshrl.u32 s1, $0x2  }
0xb9: {  	s3 =	sand.u32 $0x4000, s31;
	s1 =	sadd.s32 s1, s30  }
0xba: {  	s0 =	sor.u32 s3, s0;
	s1 =	sshll.u32 s1, $0x11  }
0xbb: {  	s0 =	sor.u32 s1, s0  }
0xbc: {  	s0 =	sadd.s32 $0x8F2B, s0  }
0xbd: {  	[sflag:s0] =	ssyncadd.remote.s32 $0x1  }
0xbe: {  	_ =	sfence.sel $0xFFFF  }
0xbf: {  	[dreg:$0x0] =	wrdreg $0xFFFFFFFF;
	(pc) =	sbr.abs _section_cstart, $3  }
0xc0: {  	[dreg:$0x1] =	wrdreg $0xFFFFFFFF  }
0xc1: {  	_ =	task.clear_ibuf [dreg:s7], $0x2FFFF;
	_ =	strace $0x9FFFFFFF  }
0xc2: {  	(tm) =	ssettm $0x7FFFFFFF  }
0xc3: {  	_ =	shalt  }
tec
execute0_lowered:
.L_overlay_start_1:
0x0: {  	(tag) =	ssettag $0x1  }
0x1: {  	s0 =	rddreg [dreg:$0x0]  }
0x2: {  	s1 =	rddreg [dreg:$0x1]  }
0x3: {  	s2 =	simm.s32 $0x0;
	s3 =	srdreg.scid;
	s5 =	stileid.u32  }
0x4: {  	s12 =	simm.s32 $0x2;
	s13 =	simm.s32 $0x1000;
	s14 =	simm.s32 $0x1C80  }
0x5: {  	s15 =	simm.s32 $0x2900;
	s16 =	simm.s32 $0x3580;
	s17 =	simm.s32 $0x3648  }
0x6: {  	s18 =	simm.s32 $0x36C8;
	s19 =	simm.s32 $0x1;
	s20 =	simm.s32 $0x0  }
.Ltmp0:
0x7: {  	s26 =	simm.s32 $0x0;
	s3 =	sand.u32 $0x1, s3;
	(pc) =	sbr.rel .LBB2_1-.Ltmp0, $4  }
0x8: {  	[smem:$0x7FF] =	sst s2;
	s4 =	sadd.s32 $0x2C00, s0;
	s9 =	ssub.s32 $0x2, s3  }
0x9: {  	s6 =	sadd.s32 $0x20400, s0;
	s7 =	sadd.s32 $0x16600, s0;
	s10 =	sshrl.u32 s9, $0x1  }
0xa: {  	v1 =	vlaneseq.u32;
	s8 =	sadd.s32 $0xF400, s0;
	_ =	strace $0x8000004A;
	s11 =	ssub.s32 s9, s10  }
0xb: {  	v0 =	vimm.f32 $0.0e+00;
	v1 =	vadd.s32 $0x64, v1;
	s9 =	sadd.s32 $0x2A200, s0;
	s10 =	sshll.u32 s5, $0x1;
	s11 =	smax.u32 s11, $0x1  }
.LBB2_13:
0xc: {  	s20 =	sadd.s32 $0x1, s20  }
0xd: {  	p0 =	sne.s32 s20, s11  }
.Ltmp1:
0xe: {  	_ = 	snop;
	(pc) =	sbr.rel @!p0 .LBB2_14-.Ltmp1, $1  }
0xf: {  	_ =	sdelay $0x3  }
.LBB2_1:
.Ltmp2:
0x10: {  	(pc) =	sbr.rel .LBB2_2-.Ltmp2, $2  }
0x11: {  	_ =	sdelay $0x2  }
0x12: {  	s21 =	simm.s32 $0x0  }
.LBB2_12:
0x13: {  	s21 =	sadd.s32 $0x1, s21  }
0x14: {  	p0 =	sne.s32 s21, $0x4  }
.Ltmp3:
0x15: {  	_ = 	snop;
	(pc) =	sbr.rel @!p0 .LBB2_13-.Ltmp3, $1  }
0x16: {  	_ =	sdelay $0x3  }
.LBB2_2:
0x17: {  	s0 =	sshll.u32 s21, $0x5  }
0x18: {  	s0 =	sor.u32 s10, s0  }
0x19: {  	p0 =	sgt.u32 s0, $0x63  }
.Ltmp4:
0x1a: {  	_ = 	snop;
	(pc) =	sbr.rel @p0 .LBB2_12-.Ltmp4, $1  }
0x1b: {  	_ =	sdelay $0x3  }
0x1c: {  	s23 =	sor.u32 s3, s0  }
0x1d: {  	s22 =	sshll.u32 s23, $0x9  }
0x1e: {  	s0 =	simm.s32 $0x0;
	s24 =	sadd.s32 s4, s22  }
0x1f: {  	[tilespmem:s0], [sflag:$0x2] =	stream.linear.gather [hbm4b:s24+s0], $0x1000, $0x38;
	[tilespmem:$0x46C8] =	vst v63  }
0x20: {  	s29 =	smul.u32 $0x190, s23;
	_ =	swait.ge [sflag:s12], $0x1000  }
0x21: {  	[sflag:s12] =	ssyncset.done $0x0  }
0x22: {  	s25 =	sadd.s32 s6, s29;
	[sflag:s12] =	ssyncadd.s32 $0xFFFFF000  }
0x23: {  	[tilespmem:s13], [sflag:$0x2] =	stream.linear.gather [hbm4b:s25+s0], $0xC80, $0x38;
	[tilespmem:$0x46C8] =	vst v63  }
0x24: {  	_ =	swait.ge [sflag:s12], $0xC80  }
0x25: {  	[sflag:s12] =	ssyncset.done $0x0  }
0x26: {  	s30 =	sadd.s32 s7, s29;
	[sflag:s12] =	ssyncadd.s32 $0xFFFFF380  }
0x27: {  	[tilespmem:s14], [sflag:$0x2] =	stream.linear.gather [hbm4b:s30+s0], $0xC80, $0x38;
	[tilespmem:$0x46C8] =	vst v63  }
0x28: {  	_ =	swait.ge [sflag:s12], $0xC80  }
0x29: {  	[sflag:s12] =	ssyncset.done $0x0  }
0x2a: {  	s23 =	smul.u32 $0xC8, s23;
	s24 =	sadd.s32 s1, s29;
	[sflag:s12] =	ssyncadd.s32 $0xFFFFF380  }
0x2b: {  	[tilespmem:s15], [sflag:$0x2] =	stream.linear.gather [hbm4b:s24+s0], $0xC80, $0x38;
	[tilespmem:$0x46C8] =	vst v63  }
0x2c: {  	_ =	swait.ge [sflag:s12], $0xC80  }
0x2d: {  	s31 =	sshrl.u32 s23, $0x3;
	[sflag:s12] =	ssyncset.done $0x0  }
0x2e: {  	s24 =	sadd.s32 s8, s31;
	[sflag:s12] =	ssyncadd.s32 $0xFFFFF380  }
0x2f: {  	[tilespmem:s16], [sflag:$0x2] =	stream.linear.gather [hbm4b:s24+s0], $0xC8, $0x38;
	[tilespmem:$0x46C8] =	vst v63  }
0x30: {  	_ =	swait.ge [sflag:s12], $0xC8  }
0x31: {  	[sflag:s12] =	ssyncset.done $0x0  }
0x32: {  	[sflag:s12] =	ssyncadd.s32 $0xFFFFFF38  }
.LBB2_4:
0x33: {  	p0 =	seq.s32 s0, $0x1C0  }
.Ltmp5:
0x34: {  	_ = 	snop;
	(pc) =	sbr.rel @!p0 .LBB2_4-.Ltmp5, $3  }
0x35: {  	_ =	sdelay $0x1  }
0x36: {  	s24 =	sshra.s32 s0, $0x2  }
0x37: {  	s0 =	sadd.s32 $0x40, s0;
	[tilespmem:s24+$0x3648] =	vst v0  }
0x38: {  	s24 =	simm.s32 $0xFFFFFF80;
	s25 =	simm.s32 $0xFFFFFE40  }
.LBB2_6:
0x39: {  	p0 =	seq.s32 s25, $0xFFFFFFC0;
	[tilespmem:s24+$0x46C8] =	vst v0  }
0x3a: {  	[tilespmem:s24+$0x3748] =	vst v0  }
0x3b: {  	[tilespmem:s24+$0x37C8] =	vst v0  }
0x3c: {  	[tilespmem:s24+$0x3848] =	vst v0  }
0x3d: {  	[tilespmem:s24+$0x38C8] =	vst v0  }
0x3e: {  	[tilespmem:s24+$0x3948] =	vst v0  }
0x3f: {  	[tilespmem:s24+$0x39C8] =	vst v0  }
0x40: {  	[tilespmem:s24+$0x3A48] =	vst v0  }
0x41: {  	[tilespmem:s24+$0x3AC8] =	vst v0  }
0x42: {  	[tilespmem:s24+$0x3B48] =	vst v0  }
0x43: {  	[tilespmem:s24+$0x3BC8] =	vst v0  }
0x44: {  	[tilespmem:s24+$0x3C48] =	vst v0  }
0x45: {  	[tilespmem:s24+$0x3CC8] =	vst v0  }
0x46: {  	[tilespmem:s24+$0x3D48] =	vst v0  }
0x47: {  	[tilespmem:s24+$0x3DC8] =	vst v0  }
0x48: {  	[tilespmem:s24+$0x3E48] =	vst v0  }
0x49: {  	[tilespmem:s24+$0x3EC8] =	vst v0  }
0x4a: {  	[tilespmem:s24+$0x3F48] =	vst v0  }
0x4b: {  	[tilespmem:s24+$0x3FC8] =	vst v0  }
0x4c: {  	[tilespmem:s24+$0x4048] =	vst v0  }
0x4d: {  	[tilespmem:s24+$0x40C8] =	vst v0  }
0x4e: {  	[tilespmem:s24+$0x4148] =	vst v0  }
0x4f: {  	[tilespmem:s24+$0x41C8] =	vst v0  }
0x50: {  	[tilespmem:s24+$0x4248] =	vst v0  }
0x51: {  	[tilespmem:s24+$0x42C8] =	vst v0  }
0x52: {  	[tilespmem:s24+$0x4348] =	vst v0  }
0x53: {  	[tilespmem:s24+$0x43C8] =	vst v0  }
.Ltmp6:
0x54: {  	[tilespmem:s24+$0x4448] =	vst v0;
	(pc) =	sbr.rel @!p0 .LBB2_6-.Ltmp6, $4  }
0x55: {  	[tilespmem:s24+$0x44C8] =	vst v0  }
0x56: {  	[tilespmem:s24+$0x4548] =	vst v0  }
0x57: {  	[tilespmem:s24+$0x45C8] =	vst v0  }
0x58: {  	[tilespmem:s24+$0x4648] =	vst v0;
	s24 =	sshra.s32 s25, $0x2;
	s25 =	sadd.s32 $0x40, s25  }
0x59: {  	[tilespmem:s24+$0x46C8] =	vst v0  }
0x5a: {  	[tilespmem:s24+$0x3748] =	vst v0  }
0x5b: {  	[tilespmem:s24+$0x37C8] =	vst v0  }
0x5c: {  	[tilespmem:s24+$0x3848] =	vst v0  }
0x5d: {  	[tilespmem:s24+$0x38C8] =	vst v0  }
0x5e: {  	[tilespmem:s24+$0x3948] =	vst v0  }
0x5f: {  	[tilespmem:s24+$0x39C8] =	vst v0  }
0x60: {  	[tilespmem:s24+$0x3A48] =	vst v0  }
0x61: {  	[tilespmem:s24+$0x3AC8] =	vst v0  }
0x62: {  	[tilespmem:s24+$0x3B48] =	vst v0  }
0x63: {  	[tilespmem:s24+$0x3BC8] =	vst v0  }
0x64: {  	[tilespmem:s24+$0x3C48] =	vst v0  }
0x65: {  	[tilespmem:s24+$0x3CC8] =	vst v0  }
0x66: {  	[tilespmem:s24+$0x3D48] =	vst v0  }
0x67: {  	[tilespmem:s24+$0x3DC8] =	vst v0  }
0x68: {  	[tilespmem:s24+$0x3E48] =	vst v0  }
0x69: {  	[tilespmem:s24+$0x3EC8] =	vst v0  }
0x6a: {  	[tilespmem:s24+$0x3F48] =	vst v0  }
0x6b: {  	[tilespmem:s24+$0x3FC8] =	vst v0  }
0x6c: {  	[tilespmem:s24+$0x4048] =	vst v0  }
0x6d: {  	[tilespmem:s24+$0x40C8] =	vst v0  }
0x6e: {  	[tilespmem:s24+$0x4148] =	vst v0  }
0x6f: {  	[tilespmem:s24+$0x41C8] =	vst v0  }
0x70: {  	[tilespmem:s24+$0x4248] =	vst v0  }
0x71: {  	[tilespmem:s24+$0x42C8] =	vst v0  }
0x72: {  	[tilespmem:s24+$0x4348] =	vst v0  }
0x73: {  	[tilespmem:s24+$0x43C8] =	vst v0  }
0x74: {  	[tilespmem:s24+$0x4448] =	vst v0  }
0x75: {  	[tilespmem:s24+$0x44C8] =	vst v0  }
0x76: {  	[tilespmem:s24+$0x4548] =	vst v0  }
0x77: {  	[tilespmem:s24+$0x45C8] =	vst v0  }
0x78: {  	[tilespmem:s24+$0x4648] =	vst v0  }
0x79: {  	v3 =	vld [tilespmem:s26+$0x1000]  }
0x7a: {  	v4 =	vld [tilespmem:s26+$0x1C80];
	_ =	sdelay $0x2  }
0x7b: {  	v2 =	vmov s23;
	v5 =	vld [tilespmem:s26+$0x2900]  }
0x7c: {  	s25 =	simm.s32 $0x10;
	v6 =	vsub.s32 v3, v2  }
0x7d: {  	v7 =	vld [tilespmem:s25+$0x1000];
	v3 =	vand.u32 $0x7, v3;
	v8 =	vsub.s32 v4, v2;
	v6 =	vand.u32 $0xFFFFFFF8, v6  }
0x7e: {  	v9 =	vld [tilespmem:s25+$0x1C80];
	v4 =	vand.u32 $0x7, v4;
	v8 =	vand.u32 $0xFFFFFFF8, v8;
	v3 =	vor.u32 v3, v6  }
0x7f: {  	v4 =	vor.u32 v4, v8  }
0x80: {  	s24 =	simm.s32 $0x20;
	v13 =	vmul.f32 $1.442695020e+00, v5;
	v6 =	vld [tilespmem:s25+$0x2900]  }
0x81: {  	v12 =	vld [tilespmem:s24+$0x1C80]  }
0x82: {  	v10 =	vand.u32 $0x7, v7;
	v7 =	vsub.s32 v7, v2;
	v8 =	vld [tilespmem:s24+$0x1000];
	(erf) = vpow2.f32 v13  }
0x83: {  	v11 =	vsub.s32 v9, v2;
	v7 =	vand.u32 $0xFFFFFFF8, v7;
	v5 =	vld.idx.msk [tilespmem:v3+s16+$0x0], $0xffff  }
0x84: {  	v10 =	vor.u32 v10, v7;
	v3 =	vand.u32 $0x7, v9;
	v9 =	vand.u32 $0xFFFFFFF8, v11;
	v11 =	vld.idx.msk [tilespmem:v4+s16+$0x0], $0xffff  }
0x85: {  	s23 =	simm.s32 $0x30;
	v7 =	vld [tilespmem:s24+$0x2900];
	v63 =	vmul.f32 $1.442695020e+00, v6;
	v4 =	vor.u32 v3, v9  }
0x86: {  	v14 =	vsub.s32 v12, v2;
	v6 =	vld [tilespmem:s23+$0x1000]  }
0x87: {  	v9 =	vand.u32 $0x7, v8;
	v3 =	vsub.s32 v8, v2;
	v8 =	vld [tilespmem:s23+$0x1C80];
	(erf) = vpow2.f32 v63  }
0x88: {  	v12 =	vand.u32 $0x7, v12;
	v14 =	vand.u32 $0xFFFFFFF8, v14;
	v15 =	vand.u32 $0xFFFFFFF8, v3  }
0x89: {  	s0 =	simm.s32 $0x100;
	s28 =	simm.s32 $0x30;
	v3 =	vld.idx.msk [tilespmem:v10+s16+$0x0], $0xffff;
	v9 =	vor.u32 v9, v15;
	vm0 =	vlt.s32 v5, $0x64;
	vm1 =	vlt.s32 v11, $0x64  }
0x8a: {  	s31 =	simm.s32 $0x0;
	s30 =	simm.s32 $0x10;
	s29 =	simm.s32 $0x20;
	v10 =	vor.u32 v12, v14;
	v4 =	vld.idx.msk [tilespmem:v4+s16+$0x0], $0xffff;
	vm0 =	vmand vm0, vm1  }
.LBB2_8:
0x8b: {  	s5 =	sshra.s32 s0, $0x2;
	v12 =	vand.u32 $0x7, v6;
	v13 =	vmul.f32 $1.442695020e+00, v7;
	v7 =	vld [tilespmem:s28+$0x2900];
	v14 =	vsel vm0, v11, v1;
	v11 =	vpop (erf);
	p0 =	sne.s32 s0, $0x31C0  }
.Ltmp7:
0x8c: {  	v16 =	vsel vm0, $0x3F800000, v0;
	v19 =	vsel vm0, v5, v1;
	v17 =	vmovc v6;
	v15 =	vand.u32 $0x7, v8;
	v6 =	vld [tilespmem:s5+$0x1000];
	(pc) =	sbr.rel @p0 .LBB2_8-.Ltmp7, $4  }
0x8d: {  	v17 =	vsub.s32 v17, v2;
	v18 =	vsub.s32 v8, v2;
	v16 =	vmul.f32 v16, v11;
	v8 =	vld [tilespmem:s5+$0x1C80];
	[tilespmem:s31+$0x1000] =	vst v19  }
0x8e: {  	s0 =	sadd.s32 $0x40, s0;
	v19 =	vand.u32 $0xFFFFFFF8, v17;
	v17 =	vand.u32 $0xFFFFFFF8, v18;
	v5 =	vmovc v3;
	(erf) = vpow2.f32 v13;
	[tilespmem:s31+$0x1C80] =	vst v14;
	v3 =	vld.idx.msk [tilespmem:v9+s16+$0x0], $0xffff  }
0x8f: {  	v9 =	vor.u32 v12, v19;
	vm0 =	vlt.s32 v5, $0x64;
	vm1 =	vlt.s32 v4, $0x64;
	v11 =	vmovc v4;
	[tilespmem:s31+$0x2900] =	vst v16;
	v4 =	vld.idx.msk [tilespmem:v10+s16+$0x0], $0xffff;
	s31 =	smov.u32 s30;
	s30 =	smov.u32 s29;
	s29 =	smov.u32 s28  }
0x90: {  	v10 =	vor.u32 v15, v17;
	vm0 =	vmand vm0, vm1;
	s28 =	smov.u32 s5;
	[tilespmem:v14+s17+$0x0] =	vst.idx.add.f32.msk $0xffff, v16  }
0x91: {  	v12 =	vand.u32 $0x7, v6;
	v7 =	vmul.f32 $1.442695020e+00, v7  }
0x92: {  	v13 =	vld [tilespmem:s28+$0x2900];
	v11 =	vsel vm0, v11, v1;
	v6 =	vsub.s32 v6, v2;
	v15 =	vsel vm0, $0x3F800000, v0  }
0x93: {  	v5 =	vsel vm0, v5, v1;
	v2 =	vsub.s32 v8, v2;
	v6 =	vand.u32 $0xFFFFFFF8, v6  }
0x94: {  	v14 =	vand.u32 $0x7, v8;
	v8 =	vpop (erf);
	v2 =	vand.u32 $0xFFFFFFF8, v2;
	v6 =	vor.u32 v12, v6  }
0x95: {  	[tilespmem:s31+$0x1000] =	vst v5;
	v5 =	vld.idx.msk [tilespmem:v9+s16+$0x0], $0xffff;
	v8 =	vmul.f32 v15, v8;
	(erf) = vpow2.f32 v7;
	v2 =	vor.u32 v14, v2  }
0x96: {  	[tilespmem:s31+$0x1C80] =	vst v11;
	v7 =	vld.idx.msk [tilespmem:v10+s16+$0x0], $0xffff  }
0x97: {  	vm11 =	vlt.s32 v3, $0x64;
	vm1 =	vlt.s32 v4, $0x64;
	[tilespmem:s31+$0x2900] =	vst v8;
	v9 =	vmul.f32 $1.442695020e+00, v13  }
0x98: {  	vm0 =	vmand vm11, vm1;
	[tilespmem:v11+s17+$0x0] =	vst.idx.add.f32.msk $0xffff, v8  }
0x99: {  	v4 =	vsel vm0, v4, v1;
	v6 =	vld.idx.msk [tilespmem:v6+s16+$0x0], $0xffff;
	(erf) = vpow2.f32 v9  }
0x9a: {  	v3 =	vsel vm0, v3, v1;
	v8 =	vpop (erf);
	v9 =	vsel vm0, $0x3F800000, v0;
	v2 =	vld.idx.msk [tilespmem:v2+s16+$0x0], $0xffff  }
0x9b: {  	[tilespmem:s30+$0x1000] =	vst v3;
	vm12 =	vlt.s32 v5, $0x64;
	vm13 =	vlt.s32 v7, $0x64;
	v8 =	vmul.f32 v9, v8  }
0x9c: {  	[tilespmem:s30+$0x1C80] =	vst v4;
	vm0 =	vmand vm12, vm13  }
0x9d: {  	v3 =	vsel vm0, v7, v1;
	[tilespmem:s30+$0x2900] =	vst v8  }
0x9e: {  	v7 =	vsel vm0, $0x3F800000, v0;
	v5 =	vsel vm0, v5, v1;
	[tilespmem:v4+s17+$0x0] =	vst.idx.add.f32.msk $0xffff, v8;
	v4 =	vpop (erf)  }
0x9f: {  	[tilespmem:s29+$0x1000] =	vst v5;
	v4 =	vmul.f32 v7, v4;
	vm14 =	vlt.s32 v6, $0x64;
	vm15 =	vlt.s32 v2, $0x64  }
0xa0: {  	[tilespmem:s29+$0x1C80] =	vst v3;
	vm0 =	vmand vm14, vm15  }
0xa1: {  	[tilespmem:s29+$0x2900] =	vst v4;
	v2 =	vsel vm0, v2, v1  }
0xa2: {  	[tilespmem:v3+s17+$0x0] =	vst.idx.add.f32.msk $0xffff, v4;
	v4 =	vsel vm0, $0x3F800000, v0;
	v5 =	vsel vm0, v6, v1;
	v3 =	vpop (erf)  }
0xa3: {  	[tilespmem:s28+$0x1000] =	vst v5;
	v3 =	vmul.f32 v4, v3  }
0xa4: {  	[tilespmem:s28+$0x1C80] =	vst v2  }
0xa5: {  	[tilespmem:s28+$0x2900] =	vst v3  }
0xa6: {  	[tilespmem:v2+s17+$0x0] =	vst.idx.add.f32.msk $0xffff, v3  }
0xa7: {  	v2 =	vld [tilespmem:s26+$0x1C80];
	_ =	sdelay $0x7  }
0xa8: {  	v3 =	vld.idx.msk [tilespmem:v2+s17+$0x0], $0xffff;
	_ =	sdelay $0x4  }
0xa9: {  	v10 =	vld [tilespmem:s26+$0x1000];
	v3 =	vmax.f32 v3, $1.000000020e-16  }
0xaa: {  	(erf) = vrcp.f32 v3;
	_ =	sdelay $0x4  }
0xab: {  	v3 =	vld [tilespmem:s26+$0x2900];
	_ =	sdelay $0x1  }
0xac: {  	v4 =	vld.idx.msk [tilespmem:v10+s2+$0x0], $0xffff;
	_ =	sdelay $0x1  }
0xad: {  	v5 =	vpop (erf)  }
0xae: {  	v3 =	vmul.f32 v5, v3;
	v5 =	vadd.s32 $0x80, v10;
	_ =	sdelay $0x1  }
0xaf: {  	v4 =	vmul.f32 v3, v4;
	_ =	sdelay $0x1  }
0xb0: {  	[tilespmem:v2+s18+$0x0] =	vst.idx.add.f32.msk $0xffff, v4  }
0xb1: {  	v4 =	vld.idx.msk [tilespmem:v5+s2+$0x0], $0xffff;
	_ =	sdelay $0x1  }
0xb2: {  	v5 =	vadd.s32 $0x80, v2  }
0xb3: {  	v6 =	vadd.s32 $0x100, v10;
	_ =	sdelay $0x1  }
0xb4: {  	v4 =	vmul.f32 v4, v3;
	_ =	sdelay $0x1  }
0xb5: {  	[tilespmem:v5+s18+$0x0] =	vst.idx.add.f32.msk $0xffff, v4  }
0xb6: {  	v4 =	vld.idx.msk [tilespmem:v6+s2+$0x0], $0xffff;
	_ =	sdelay $0x1  }
0xb7: {  	v5 =	vadd.s32 $0x100, v2  }
0xb8: {  	v6 =	vadd.s32 $0x180, v10;
	_ =	sdelay $0x1  }
0xb9: {  	v4 =	vmul.f32 v4, v3;
	_ =	sdelay $0x1  }
0xba: {  	[tilespmem:v5+s18+$0x0] =	vst.idx.add.f32.msk $0xffff, v4  }
0xbb: {  	v4 =	vld.idx.msk [tilespmem:v6+s2+$0x0], $0xffff;
	_ =	sdelay $0x1  }
0xbc: {  	v5 =	vadd.s32 $0x180, v2  }
0xbd: {  	v6 =	vadd.s32 $0x200, v10;
	_ =	sdelay $0x1  }
0xbe: {  	v4 =	vmul.f32 v4, v3;
	_ =	sdelay $0x1  }
0xbf: {  	[tilespmem:v5+s18+$0x0] =	vst.idx.add.f32.msk $0xffff, v4  }
0xc0: {  	v4 =	vld.idx.msk [tilespmem:v6+s2+$0x0], $0xffff;
	_ =	sdelay $0x1  }
0xc1: {  	v5 =	vadd.s32 $0x200, v2  }
0xc2: {  	v6 =	vadd.s32 $0x280, v10;
	_ =	sdelay $0x1  }
0xc3: {  	v7 =	vmul.f32 v4, v3  }
0xc4: {  	v4 =	vld [tilespmem:s25+$0x1C80]  }
0xc5: {  	[tilespmem:v5+s18+$0x0] =	vst.idx.add.f32.msk $0xffff, v7  }
0xc6: {  	v5 =	vld.idx.msk [tilespmem:v6+s2+$0x0], $0xffff;
	_ =	sdelay $0x1  }
0xc7: {  	v6 =	vadd.s32 $0x280, v2  }
0xc8: {  	v7 =	vadd.s32 $0x300, v10;
	_ =	sdelay $0x1  }
0xc9: {  	v5 =	vmul.f32 v5, v3  }
0xca: {  	v8 =	vld.idx.msk [tilespmem:v4+s17+$0x0], $0xffff  }
0xcb: {  	[tilespmem:v6+s18+$0x0] =	vst.idx.add.f32.msk $0xffff, v5  }
0xcc: {  	v5 =	vld.idx.msk [tilespmem:v7+s2+$0x0], $0xffff;
	_ =	sdelay $0x1  }
0xcd: {  	v7 =	vadd.s32 $0x300, v2  }
0xce: {  	v9 =	vadd.s32 $0x380, v10  }
0xcf: {  	v6 =	vld [tilespmem:s25+$0x1000];
	v8 =	vmax.f32 v8, $1.000000020e-16  }
0xd0: {  	(erf) = vrcp.f32 v8;
	v5 =	vmul.f32 v5, v3;
	_ =	sdelay $0x1  }
0xd1: {  	[tilespmem:v7+s18+$0x0] =	vst.idx.add.f32.msk $0xffff, v5  }
0xd2: {  	v5 =	vld.idx.msk [tilespmem:v9+s2+$0x0], $0xffff;
	_ =	sdelay $0x1  }
0xd3: {  	v8 =	vadd.s32 $0x380, v2;
	v7 =	vld [tilespmem:s25+$0x2900]  }
0xd4: {  	v9 =	vadd.s32 $0x400, v10  }
0xd5: {  	v11 =	vld.idx.msk [tilespmem:v6+s2+$0x0], $0xffff  }
0xd6: {  	v12 =	vmul.f32 v5, v3  }
0xd7: {  	v5 =	vpop (erf)  }
0xd8: {  	v5 =	vmul.f32 v5, v7;
	v7 =	vadd.s32 $0x80, v6;
	[tilespmem:v8+s18+$0x0] =	vst.idx.add.f32.msk $0xffff, v12  }
0xd9: {  	v8 =	vld.idx.msk [tilespmem:v9+s2+$0x0], $0xffff  }
0xda: {  	v9 =	vmul.f32 v5, v11  }
0xdb: {  	v11 =	vadd.s32 $0x400, v2  }
0xdc: {  	[tilespmem:v4+s18+$0x0] =	vst.idx.add.f32.msk $0xffff, v9;
	v9 =	vadd.s32 $0x480, v10  }
0xdd: {  	v7 =	vld.idx.msk [tilespmem:v7+s2+$0x0], $0xffff  }
0xde: {  	v8 =	vmul.f32 v8, v3  }
0xdf: {  	v12 =	vadd.s32 $0x80, v4  }
0xe0: {  	v13 =	vadd.s32 $0x100, v6;
	[tilespmem:v11+s18+$0x0] =	vst.idx.add.f32.msk $0xffff, v8  }
0xe1: {  	v8 =	vld.idx.msk [tilespmem:v9+s2+$0x0], $0xffff  }
0xe2: {  	v7 =	vmul.f32 v7, v5  }
0xe3: {  	v9 =	vadd.s32 $0x480, v2  }
0xe4: {  	[tilespmem:v12+s18+$0x0] =	vst.idx.add.f32.msk $0xffff, v7;
	v7 =	vadd.s32 $0x500, v10  }
0xe5: {  	v11 =	vld.idx.msk [tilespmem:v13+s2+$0x0], $0xffff  }
0xe6: {  	v8 =	vmul.f32 v8, v3  }
0xe7: {  	v12 =	vadd.s32 $0x100, v4  }
0xe8: {  	[tilespmem:v9+s18+$0x0] =	vst.idx.add.f32.msk $0xffff, v8;
	v8 =	vadd.s32 $0x180, v6  }
0xe9: {  	v7 =	vld.idx.msk [tilespmem:v7+s2+$0x0], $0xffff  }
0xea: {  	v9 =	vmul.f32 v11, v5  }
0xeb: {  	v11 =	vadd.s32 $0x500, v2  }
0xec: {  	[tilespmem:v12+s18+$0x0] =	vst.idx.add.f32.msk $0xffff, v9;
	v9 =	vadd.s32 $0x580, v10  }
0xed: {  	v8 =	vld.idx.msk [tilespmem:v8+s2+$0x0], $0xffff  }
0xee: {  	v7 =	vmul.f32 v7, v3  }
0xef: {  	v12 =	vadd.s32 $0x180, v4  }
0xf0: {  	[tilespmem:v11+s18+$0x0] =	vst.idx.add.f32.msk $0xffff, v7;
	v7 =	vadd.s32 $0x200, v6  }
0xf1: {  	v9 =	vld.idx.msk [tilespmem:v9+s2+$0x0], $0xffff  }
0xf2: {  	v8 =	vmul.f32 v8, v5  }
0xf3: {  	v11 =	vadd.s32 $0x580, v2  }
0xf4: {  	[tilespmem:v12+s18+$0x0] =	vst.idx.add.f32.msk $0xffff, v8;
	v8 =	vadd.s32 $0x600, v10  }
0xf5: {  	v12 =	vld.idx.msk [tilespmem:v7+s2+$0x0], $0xffff  }
0xf6: {  	v7 =	vmul.f32 v9, v3  }
0xf7: {  	v9 =	vadd.s32 $0x200, v4  }
0xf8: {  	[tilespmem:v11+s18+$0x0] =	vst.idx.add.f32.msk $0xffff, v7;
	v11 =	vadd.s32 $0x280, v6  }
0xf9: {  	v8 =	vld.idx.msk [tilespmem:v8+s2+$0x0], $0xffff  }
0xfa: {  	v12 =	vmul.f32 v12, v5  }
0xfb: {  	v13 =	vadd.s32 $0x600, v2;
	v7 =	vld [tilespmem:s24+$0x1C80]  }
0xfc: {  	[tilespmem:v9+s18+$0x0] =	vst.idx.add.f32.msk $0xffff, v12;
	v9 =	vadd.s32 $0x680, v10  }
0xfd: {  	v11 =	vld.idx.msk [tilespmem:v11+s2+$0x0], $0xffff  }
0xfe: {  	v8 =	vmul.f32 v8, v3  }
0xff: {  	v12 =	vadd.s32 $0x280, v4  }
0x100: {  	[tilespmem:v13+s18+$0x0] =	vst.idx.add.f32.msk $0xffff, v8;
	v8 =	vadd.s32 $0x300, v6  }
0x101: {  	v9 =	vld.idx.msk [tilespmem:v9+s2+$0x0], $0xffff  }
0x102: {  	v11 =	vmul.f32 v11, v5  }
0x103: {  	v14 =	vadd.s32 $0x680, v2;
	v13 =	vld.idx.msk [tilespmem:v7+s17+$0x0], $0xffff  }
0x104: {  	[tilespmem:v12+s18+$0x0] =	vst.idx.add.f32.msk $0xffff, v11;
	v11 =	vadd.s32 $0x700, v10  }
0x105: {  	v8 =	vld.idx.msk [tilespmem:v8+s2+$0x0], $0xffff  }
0x106: {  	v12 =	vmul.f32 v9, v3  }
0x107: {  	v15 =	vadd.s32 $0x300, v4;
	v9 =	vld [tilespmem:s24+$0x1000]  }
0x108: {  	v13 =	vmax.f32 v13, $1.000000020e-16;
	[tilespmem:v14+s18+$0x0] =	vst.idx.add.f32.msk $0xffff, v12;
	v12 =	vadd.s32 $0x380, v6  }
0x109: {  	(erf) = vrcp.f32 v13;
	v11 =	vld.idx.msk [tilespmem:v11+s2+$0x0], $0xffff  }
0x10a: {  	v8 =	vmul.f32 v8, v5  }
0x10b: {  	v14 =	vadd.s32 $0x700, v2  }
0x10c: {  	[tilespmem:v15+s18+$0x0] =	vst.idx.add.f32.msk $0xffff, v8  }
0x10d: {  	v8 =	vadd.s32 $0x780, v10;
	v12 =	vld.idx.msk [tilespmem:v12+s2+$0x0], $0xffff  }
0x10e: {  	v13 =	vld [tilespmem:s24+$0x2900];
	v11 =	vmul.f32 v11, v3  }
0x10f: {  	v16 =	vadd.s32 $0x380, v4;
	v15 =	vld.idx.msk [tilespmem:v9+s2+$0x0], $0xffff  }
0x110: {  	[tilespmem:v14+s18+$0x0] =	vst.idx.add.f32.msk $0xffff, v11;
	v11 =	vadd.s32 $0x400, v6;
	_ =	sdelay $0x1  }
0x111: {  	v14 =	vpop (erf);
	v17 =	vld.idx.msk [tilespmem:v8+s2+$0x0], $0xffff;
	v12 =	vmul.f32 v12, v5  }
0x112: {  	v8 =	vmul.f32 v14, v13;
	v13 =	vadd.s32 $0x80, v9  }
0x113: {  	v14 =	vadd.s32 $0x780, v2;
	[tilespmem:v16+s18+$0x0] =	vst.idx.add.f32.msk $0xffff, v12  }
0x114: {  	v15 =	vmul.f32 v8, v15;
	v12 =	vadd.s32 $0x800, v10;
	v11 =	vld.idx.msk [tilespmem:v11+s2+$0x0], $0xffff;
	_ =	sdelay $0x1  }
0x115: {  	v16 =	vadd.s32 $0x400, v4;
	[tilespmem:v7+s18+$0x0] =	vst.idx.add.f32.msk $0xffff, v15;
	v15 =	vmul.f32 v17, v3  }
0x116: {  	v13 =	vld.idx.msk [tilespmem:v13+s2+$0x0], $0xffff;
	v17 =	vadd.s32 $0x480, v6  }
0x117: {  	[tilespmem:v14+s18+$0x0] =	vst.idx.add.f32.msk $0xffff, v15  }
0x118: {  	v14 =	vadd.s32 $0x80, v7;
	v12 =	vld.idx.msk [tilespmem:v12+s2+$0x0], $0xffff;
	v11 =	vmul.f32 v11, v5  }
0x119: {  	v15 =	vadd.s32 $0x100, v9  }
0x11a: {  	v18 =	vadd.s32 $0x800, v2;
	[tilespmem:v16+s18+$0x0] =	vst.idx.add.f32.msk $0xffff, v11  }
0x11b: {  	v11 =	vmul.f32 v13, v8;
	v13 =	vadd.s32 $0x880, v10;
	v16 =	vld.idx.msk [tilespmem:v17+s2+$0x0], $0xffff;
	_ =	sdelay $0x1  }
0x11c: {  	[tilespmem:v14+s18+$0x0] =	vst.idx.add.f32.msk $0xffff, v11;
	v11 =	vmul.f32 v12, v3;
	v12 =	vadd.s32 $0x480, v4  }
0x11d: {  	v14 =	vld.idx.msk [tilespmem:v15+s2+$0x0], $0xffff;
	v15 =	vadd.s32 $0x500, v6  }
0x11e: {  	[tilespmem:v18+s18+$0x0] =	vst.idx.add.f32.msk $0xffff, v11  }
0x11f: {  	v11 =	vld.idx.msk [tilespmem:v13+s2+$0x0], $0xffff;
	v13 =	vadd.s32 $0x100, v7;
	v16 =	vmul.f32 v16, v5  }
0x120: {  	v17 =	vadd.s32 $0x180, v9  }
0x121: {  	v18 =	vadd.s32 $0x880, v2;
	[tilespmem:v12+s18+$0x0] =	vst.idx.add.f32.msk $0xffff, v16  }
0x122: {  	v12 =	vmul.f32 v14, v8;
	v14 =	vadd.s32 $0x900, v10;
	v15 =	vld.idx.msk [tilespmem:v15+s2+$0x0], $0xffff;
	_ =	sdelay $0x1  }
0x123: {  	[tilespmem:v13+s18+$0x0] =	vst.idx.add.f32.msk $0xffff, v12;
	v11 =	vmul.f32 v11, v3;
	v12 =	vadd.s32 $0x500, v4  }
0x124: {  	v16 =	vadd.s32 $0x580, v6;
	v13 =	vld.idx.msk [tilespmem:v17+s2+$0x0], $0xffff  }
0x125: {  	[tilespmem:v18+s18+$0x0] =	vst.idx.add.f32.msk $0xffff, v11  }
0x126: {  	v11 =	vld.idx.msk [tilespmem:v14+s2+$0x0], $0xffff;
	v14 =	vadd.s32 $0x180, v7;
	v15 =	vmul.f32 v15, v5  }
0x127: {  	v17 =	vadd.s32 $0x200, v9  }
0x128: {  	v18 =	vadd.s32 $0x900, v2;
	[tilespmem:v12+s18+$0x0] =	vst.idx.add.f32.msk $0xffff, v15  }
0x129: {  	v12 =	vmul.f32 v13, v8;
	v13 =	vadd.s32 $0x980, v10;
	v15 =	vld.idx.msk [tilespmem:v16+s2+$0x0], $0xffff;
	_ =	sdelay $0x1  }
0x12a: {  	[tilespmem:v14+s18+$0x0] =	vst.idx.add.f32.msk $0xffff, v12;
	v11 =	vmul.f32 v11, v3;
	v12 =	vadd.s32 $0x580, v4  }
0x12b: {  	v16 =	vadd.s32 $0x600, v6;
	v14 =	vld.idx.msk [tilespmem:v17+s2+$0x0], $0xffff  }
0x12c: {  	[tilespmem:v18+s18+$0x0] =	vst.idx.add.f32.msk $0xffff, v11  }
0x12d: {  	v17 =	vadd.s32 $0x200, v7;
	v13 =	vld.idx.msk [tilespmem:v13+s2+$0x0], $0xffff;
	v15 =	vmul.f32 v15, v5  }
0x12e: {  	v18 =	vadd.s32 $0x280, v9  }
0x12f: {  	v19 =	vadd.s32 $0x980, v2;
	[tilespmem:v12+s18+$0x0] =	vst.idx.add.f32.msk $0xffff, v15  }
0x130: {  	v12 =	vmul.f32 v14, v8;
	v14 =	vadd.s32 $0xA00, v10;
	v15 =	vld.idx.msk [tilespmem:v16+s2+$0x0], $0xffff  }
0x131: {  	v11 =	vld [tilespmem:s23+$0x1C80]  }
0x132: {  	[tilespmem:v17+s18+$0x0] =	vst.idx.add.f32.msk $0xffff, v12;
	v12 =	vmul.f32 v13, v3;
	v13 =	vadd.s32 $0x600, v4  }
0x133: {  	v17 =	vadd.s32 $0x680, v6;
	v16 =	vld.idx.msk [tilespmem:v18+s2+$0x0], $0xffff  }
0x134: {  	[tilespmem:v19+s18+$0x0] =	vst.idx.add.f32.msk $0xffff, v12  }
0x135: {  	v12 =	vld.idx.msk [tilespmem:v14+s2+$0x0], $0xffff;
	v14 =	vadd.s32 $0x280, v7;
	v15 =	vmul.f32 v15, v5  }
0x136: {  	v18 =	vadd.s32 $0x300, v9  }
0x137: {  	v20 =	vadd.s32 $0xA00, v2;
	[tilespmem:v13+s18+$0x0] =	vst.idx.add.f32.msk $0xffff, v15  }
0x138: {  	v13 =	vmul.f32 v16, v8;
	v15 =	vadd.s32 $0xA80, v10;
	v16 =	vld.idx.msk [tilespmem:v17+s2+$0x0], $0xffff  }
0x139: {  	v19 =	vld.idx.msk [tilespmem:v11+s17+$0x0], $0xffff  }
0x13a: {  	[tilespmem:v14+s18+$0x0] =	vst.idx.add.f32.msk $0xffff, v13;
	v12 =	vmul.f32 v12, v3;
	v13 =	vadd.s32 $0x680, v4  }
0x13b: {  	v17 =	vadd.s32 $0x700, v6;
	v14 =	vld.idx.msk [tilespmem:v18+s2+$0x0], $0xffff  }
0x13c: {  	[tilespmem:v20+s18+$0x0] =	vst.idx.add.f32.msk $0xffff, v12  }
0x13d: {  	v18 =	vadd.s32 $0x300, v7;
	v15 =	vld.idx.msk [tilespmem:v15+s2+$0x0], $0xffff;
	v16 =	vmul.f32 v16, v5  }
0x13e: {  	v21 =	vadd.s32 $0x380, v9;
	v12 =	vld [tilespmem:s23+$0x1000]  }
0x13f: {  	v22 =	vadd.s32 $0xA80, v2;
	v19 =	vmax.f32 v19, $1.000000020e-16;
	[tilespmem:v13+s18+$0x0] =	vst.idx.add.f32.msk $0xffff, v16  }
0x140: {  	(erf) = vrcp.f32 v19;
	v13 =	vmul.f32 v14, v8;
	v14 =	vadd.s32 $0xB00, v10;
	v16 =	vld.idx.msk [tilespmem:v17+s2+$0x0], $0xffff  }
0x141: {  	v20 =	vld [tilespmem:s23+$0x2900]  }
0x142: {  	[tilespmem:v18+s18+$0x0] =	vst.idx.add.f32.msk $0xffff, v13;
	v13 =	vmul.f32 v15, v3  }
0x143: {  	v15 =	vadd.s32 $0x700, v4;
	v17 =	vld.idx.msk [tilespmem:v21+s2+$0x0], $0xffff  }
0x144: {  	v18 =	vadd.s32 $0x780, v6;
	[tilespmem:v22+s18+$0x0] =	vst.idx.add.f32.msk $0xffff, v13  }
0x145: {  	v19 =	vadd.s32 $0x380, v7;
	v14 =	vld.idx.msk [tilespmem:v14+s2+$0x0], $0xffff;
	v13 =	vmul.f32 v16, v5  }
0x146: {  	v16 =	vadd.s32 $0x400, v9  }
0x147: {  	v21 =	vld.idx.msk [tilespmem:v12+s2+$0x0], $0xffff;
	v22 =	vadd.s32 $0xB00, v2  }
0x148: {  	[tilespmem:v15+s18+$0x0] =	vst.idx.add.f32.msk $0xffff, v13;
	v15 =	vmul.f32 v17, v8;
	v17 =	vadd.s32 $0xB80, v10  }
0x149: {  	v18 =	vld.idx.msk [tilespmem:v18+s2+$0x0], $0xffff;
	v13 =	vpop (erf)  }
0x14a: {  	[tilespmem:v19+s18+$0x0] =	vst.idx.add.f32.msk $0xffff, v15;
	v14 =	vmul.f32 v14, v3;
	v13 =	vmul.f32 v13, v20;
	v20 =	vadd.s32 $0x80, v12  }
0x14b: {  	v15 =	vadd.s32 $0x780, v4;
	v16 =	vld.idx.msk [tilespmem:v16+s2+$0x0], $0xffff  }
0x14c: {  	[tilespmem:v22+s18+$0x0] =	vst.idx.add.f32.msk $0xffff, v14;
	v14 =	vadd.s32 $0x800, v6;
	v19 =	vmul.f32 v13, v21  }
0x14d: {  	v17 =	vld.idx.msk [tilespmem:v17+s2+$0x0], $0xffff;
	v21 =	vadd.s32 $0x400, v7  }
0x14e: {  	v18 =	vmul.f32 v18, v5;
	[tilespmem:v11+s18+$0x0] =	vst.idx.add.f32.msk $0xffff, v19;
	v19 =	vadd.s32 $0x480, v9  }
0x14f: {  	v22 =	vadd.s32 $0xB80, v2;
	v20 =	vld.idx.msk [tilespmem:v20+s2+$0x0], $0xffff  }
0x150: {  	[tilespmem:v15+s18+$0x0] =	vst.idx.add.f32.msk $0xffff, v18;
	v15 =	vmul.f32 v16, v8;
	v16 =	vadd.s32 $0xC00, v10  }
0x151: {  	v18 =	vadd.s32 $0x80, v11;
	v14 =	vld.idx.msk [tilespmem:v14+s2+$0x0], $0xffff  }
0x152: {  	v23 =	vadd.s32 $0x100, v12;
	[tilespmem:v21+s18+$0x0] =	vst.idx.add.f32.msk $0xffff, v15;
	v15 =	vmul.f32 v17, v3  }
0x153: {  	v17 =	vld.idx.msk [tilespmem:v19+s2+$0x0], $0xffff;
	v19 =	vadd.s32 $0x800, v4  }
0x154: {  	[tilespmem:v22+s18+$0x0] =	vst.idx.add.f32.msk $0xffff, v15;
	v15 =	vadd.s32 $0x880, v6;
	v20 =	vmul.f32 v20, v13  }
0x155: {  	v21 =	vadd.s32 $0x480, v7;
	v16 =	vld.idx.msk [tilespmem:v16+s2+$0x0], $0xffff  }
0x156: {  	v14 =	vmul.f32 v14, v5;
	[tilespmem:v18+s18+$0x0] =	vst.idx.add.f32.msk $0xffff, v20;
	v18 =	vadd.s32 $0x500, v9  }
0x157: {  	v22 =	vadd.s32 $0xC00, v2;
	v20 =	vld.idx.msk [tilespmem:v23+s2+$0x0], $0xffff  }
0x158: {  	v17 =	vmul.f32 v17, v8;
	[tilespmem:v19+s18+$0x0] =	vst.idx.add.f32.msk $0xffff, v14  }
0x159: {  	v14 =	vadd.s32 $0xC80, v10;
	v19 =	vld.idx.msk [tilespmem:v15+s2+$0x0], $0xffff  }
0x15a: {  	v23 =	vadd.s32 $0x100, v11;
	v15 =	vmul.f32 v16, v3;
	[tilespmem:v21+s18+$0x0] =	vst.idx.add.f32.msk $0xffff, v17  }
0x15b: {  	v16 =	vadd.s32 $0x180, v12;
	v17 =	vld.idx.msk [tilespmem:v18+s2+$0x0], $0xffff  }
0x15c: {  	s24 =	simm.s32 $0x40;
	v18 =	vadd.s32 $0x880, v4;
	[tilespmem:v22+s18+$0x0] =	vst.idx.add.f32.msk $0xffff, v15  }
0x15d: {  	v21 =	vadd.s32 $0x900, v6;
	v15 =	vld [tilespmem:s24+$0x2900];
	v20 =	vmul.f32 v20, v13  }
0x15e: {  	v22 =	vadd.s32 $0x500, v7;
	v14 =	vld.idx.msk [tilespmem:v14+s2+$0x0], $0xffff  }
0x15f: {  	[tilespmem:v23+s18+$0x0] =	vst.idx.add.f32.msk $0xffff, v20;
	v20 =	vadd.s32 $0x580, v9;
	v19 =	vmul.f32 v19, v5  }
0x160: {  	v23 =	vadd.s32 $0xC80, v2;
	v16 =	vld.idx.msk [tilespmem:v16+s2+$0x0], $0xffff  }
0x161: {  	v17 =	vmul.f32 v17, v8;
	[tilespmem:v18+s18+$0x0] =	vst.idx.add.f32.msk $0xffff, v19  }
0x162: {  	v18 =	vadd.s32 $0xD00, v10;
	v19 =	vld.idx.msk [tilespmem:v21+s2+$0x0], $0xffff  }
0x163: {  	v21 =	vadd.s32 $0x180, v11;
	[tilespmem:v22+s18+$0x0] =	vst.idx.add.f32.msk $0xffff, v17;
	v14 =	vmul.f32 v14, v3  }
0x164: {  	v17 =	vadd.s32 $0x200, v12;
	v20 =	vld.idx.msk [tilespmem:v20+s2+$0x0], $0xffff  }
0x165: {  	v22 =	vadd.s32 $0x900, v4;
	[tilespmem:v23+s18+$0x0] =	vst.idx.add.f32.msk $0xffff, v14  }
0x166: {  	v16 =	vmul.f32 v16, v13;
	v23 =	vadd.s32 $0x980, v6;
	v14 =	vld [tilespmem:s24+$0x1C80]  }
0x167: {  	v24 =	vadd.s32 $0x580, v7;
	v18 =	vld.idx.msk [tilespmem:v18+s2+$0x0], $0xffff  }
0x168: {  	[tilespmem:v21+s18+$0x0] =	vst.idx.add.f32.msk $0xffff, v16;
	v16 =	vadd.s32 $0x600, v9;
	v19 =	vmul.f32 v19, v5  }
0x169: {  	v21 =	vadd.s32 $0xD00, v2;
	v17 =	vld.idx.msk [tilespmem:v17+s2+$0x0], $0xffff  }
0x16a: {  	v20 =	vmul.f32 v20, v8;
	[tilespmem:v22+s18+$0x0] =	vst.idx.add.f32.msk $0xffff, v19  }
0x16b: {  	v19 =	vadd.s32 $0xD80, v10;
	v22 =	vld.idx.msk [tilespmem:v23+s2+$0x0], $0xffff  }
0x16c: {  	v25 =	vadd.s32 $0x200, v11;
	[tilespmem:v24+s18+$0x0] =	vst.idx.add.f32.msk $0xffff, v20;
	v18 =	vmul.f32 v18, v3  }
0x16d: {  	v20 =	vadd.s32 $0x280, v12;
	v16 =	vld.idx.msk [tilespmem:v16+s2+$0x0], $0xffff  }
0x16e: {  	v24 =	vadd.s32 $0x980, v4;
	[tilespmem:v21+s18+$0x0] =	vst.idx.add.f32.msk $0xffff, v18  }
0x16f: {  	v17 =	vmul.f32 v17, v13;
	v18 =	vadd.s32 $0xA00, v6;
	v23 =	vld.idx.msk [tilespmem:v14+s17+$0x0], $0xffff  }
0x170: {  	v26 =	vadd.s32 $0x600, v7;
	v21 =	vld.idx.msk [tilespmem:v19+s2+$0x0], $0xffff  }
0x171: {  	v27 =	vadd.s32 $0x680, v9;
	[tilespmem:v25+s18+$0x0] =	vst.idx.add.f32.msk $0xffff, v17;
	v17 =	vmul.f32 v22, v5  }
0x172: {  	v19 =	vadd.s32 $0xD80, v2;
	v22 =	vld.idx.msk [tilespmem:v20+s2+$0x0], $0xffff  }
0x173: {  	v16 =	vmul.f32 v16, v8;
	[tilespmem:v24+s18+$0x0] =	vst.idx.add.f32.msk $0xffff, v17;
	v17 =	vadd.s32 $0xE00, v10  }
0x174: {  	v18 =	vld.idx.msk [tilespmem:v18+s2+$0x0], $0xffff  }
0x175: {  	v24 =	vadd.s32 $0x280, v11;
	[tilespmem:v26+s18+$0x0] =	vst.idx.add.f32.msk $0xffff, v16;
	v20 =	vmul.f32 v21, v3  }
0x176: {  	s23 =	simm.s32 $0x140;
	v25 =	vadd.s32 $0x300, v12;
	v21 =	vld.idx.msk [tilespmem:v27+s2+$0x0], $0xffff  }
.LBB2_10:
0x177: {  	p0 =	sne.s32 s23, $0x31C0;
	v16 =	vadd.s32 $0xA00, v4;
	[tilespmem:v19+s18+$0x0] =	vst.idx.add.f32.msk $0xffff, v20  }
0x178: {  	v19 =	vmul.f32 v22, v13;
	v20 =	vadd.s32 $0xA80, v6;
	v17 =	vld.idx.msk [tilespmem:v17+s2+$0x0], $0xffff  }
0x179: {  	v26 =	vadd.s32 $0x680, v7;
	v22 =	vld [tilespmem:s24+$0x1000]  }
0x17a: {  	v18 =	vmul.f32 v18, v5;
	[tilespmem:v24+s18+$0x0] =	vst.idx.add.f32.msk $0xffff, v19;
	v19 =	vadd.s32 $0x700, v9  }
0x17b: {  	v24 =	vld.idx.msk [tilespmem:v25+s2+$0x0], $0xffff;
	v25 =	vadd.s32 $0xE00, v2  }
0x17c: {  	v23 =	vmax.f32 v23, $1.000000020e-16;
	v21 =	vmul.f32 v21, v8;
	[tilespmem:v16+s18+$0x0] =	vst.idx.add.f32.msk $0xffff, v18;
	v16 =	vadd.s32 $0xE80, v10  }
0x17d: {  	(erf) = vrcp.f32 v23;
	v18 =	vld.idx.msk [tilespmem:v20+s2+$0x0], $0xffff  }
0x17e: {  	v20 =	vadd.s32 $0x300, v11;
	v17 =	vmul.f32 v17, v3;
	[tilespmem:v26+s18+$0x0] =	vst.idx.add.f32.msk $0xffff, v21  }
0x17f: {  	v21 =	vadd.s32 $0x380, v12;
	v19 =	vld.idx.msk [tilespmem:v19+s2+$0x0], $0xffff  }
0x180: {  	v23 =	vadd.s32 $0xA80, v4;
	[tilespmem:v25+s18+$0x0] =	vst.idx.add.f32.msk $0xffff, v17  }
0x181: {  	v17 =	vmul.f32 v24, v13;
	v24 =	vadd.s32 $0xB00, v6;
	v16 =	vld.idx.msk [tilespmem:v16+s2+$0x0], $0xffff  }
0x182: {  	v26 =	vadd.s32 $0x700, v7;
	v25 =	vld.idx.msk [tilespmem:v22+s2+$0x0], $0xffff  }
0x183: {  	v18 =	vmul.f32 v18, v5;
	[tilespmem:v20+s18+$0x0] =	vst.idx.add.f32.msk $0xffff, v17;
	v17 =	vadd.s32 $0x780, v9  }
0x184: {  	v20 =	vld.idx.msk [tilespmem:v21+s2+$0x0], $0xffff;
	v21 =	vadd.s32 $0xE80, v2  }
0x185: {  	v19 =	vmul.f32 v19, v8;
	[tilespmem:v23+s18+$0x0] =	vst.idx.add.f32.msk $0xffff, v18;
	v18 =	vadd.s32 $0xF00, v10  }
0x186: {  	v23 =	vpop (erf);
	v24 =	vld.idx.msk [tilespmem:v24+s2+$0x0], $0xffff  }
0x187: {  	v16 =	vmul.f32 v16, v3;
	v15 =	vmul.f32 v23, v15;
	v23 =	vadd.s32 $0x380, v11;
	[tilespmem:v26+s18+$0x0] =	vst.idx.add.f32.msk $0xffff, v19  }
0x188: {  	v19 =	vadd.s32 $0x400, v12;
	v17 =	vld.idx.msk [tilespmem:v17+s2+$0x0], $0xffff  }
0x189: {  	v26 =	vadd.s32 $0xB00, v4;
	v25 =	vmul.f32 v15, v25;
	[tilespmem:v21+s18+$0x0] =	vst.idx.add.f32.msk $0xffff, v16  }
0x18a: {  	v16 =	vmul.f32 v20, v13;
	v20 =	vadd.s32 $0xB80, v6;
	v18 =	vld.idx.msk [tilespmem:v18+s2+$0x0], $0xffff  }
0x18b: {  	v21 =	vadd.s32 $0x80, v22;
	[tilespmem:v14+s18+$0x0] =	vst.idx.add.f32.msk $0xffff, v25  }
0x18c: {  	[tilespmem:v23+s18+$0x0] =	vst.idx.add.f32.msk $0xffff, v16;
	v16 =	vadd.s32 $0x780, v7;
	v23 =	vmul.f32 v24, v5  }
0x18d: {  	v24 =	vadd.s32 $0xF00, v2;
	v19 =	vld.idx.msk [tilespmem:v19+s2+$0x0], $0xffff  }
0x18e: {  	[tilespmem:v26+s18+$0x0] =	vst.idx.add.f32.msk $0xffff, v23;
	v23 =	vadd.s32 $0xF80, v10;
	v10 =	vmovc v6;
	v6 =	vmovc v9;
	v9 =	vmov v12;
	v12 =	vmov v22  }
0x18f: {  	v17 =	vmul.f32 v17, v8;
	v22 =	vadd.s32 $0x800, v6;
	v20 =	vld.idx.msk [tilespmem:v20+s2+$0x0], $0xffff  }
0x190: {  	v25 =	vadd.s32 $0x400, v11;
	v18 =	vmul.f32 v18, v3;
	v21 =	vld.idx.msk [tilespmem:v21+s2+$0x0], $0xffff  }
0x191: {  	v26 =	vadd.s32 $0x480, v9;
	[tilespmem:v16+s18+$0x0] =	vst.idx.add.f32.msk $0xffff, v17  }
0x192: {  	v16 =	vadd.s32 $0xB80, v4;
	[tilespmem:v24+s18+$0x0] =	vst.idx.add.f32.msk $0xffff, v18  }
0x193: {  	v17 =	vmul.f32 v19, v13;
	v18 =	vadd.s32 $0xC00, v10;
	v19 =	vld.idx.msk [tilespmem:v23+s2+$0x0], $0xffff  }
0x194: {  	v23 =	vadd.s32 $0x80, v14;
	v22 =	vld.idx.msk [tilespmem:v22+s2+$0x0], $0xffff  }
0x195: {  	v24 =	vadd.s32 $0x100, v12;
	[tilespmem:v25+s18+$0x0] =	vst.idx.add.f32.msk $0xffff, v17;
	v17 =	vmul.f32 v20, v5  }
0x196: {  	v25 =	vadd.s32 $0xF80, v2;
	v2 =	vmovc v4;
	v4 =	vmovc v7;
	v7 =	vmov v11;
	v11 =	vmov v14;
	v20 =	vld.idx.msk [tilespmem:v26+s2+$0x0], $0xffff  }
0x197: {  	v14 =	vmul.f32 v21, v15;
	v21 =	vadd.s32 $0x800, v4;
	[tilespmem:v16+s18+$0x0] =	vst.idx.add.f32.msk $0xffff, v17  }
0x198: {  	v16 =	vadd.s32 $0x880, v6;
	v17 =	vld.idx.msk [tilespmem:v18+s2+$0x0], $0xffff  }
0x199: {  	v18 =	vmul.f32 v19, v3;
	v3 =	vmovc v5;
	v5 =	vmov v8;
	[tilespmem:v23+s18+$0x0] =	vst.idx.add.f32.msk $0xffff, v14;
	v14 =	vadd.s32 $0x480, v7  }
0x19a: {  	v8 =	vmovc v13;
	v13 =	vmov v15;
	v23 =	vadd.s32 $0x500, v9;
	v22 =	vmul.f32 v22, v5;
	v19 =	vld.idx.msk [tilespmem:v24+s2+$0x0], $0xffff  }
0x19b: {  	v15 =	vadd.s32 $0xC00, v2;
	[tilespmem:v25+s18+$0x0] =	vst.idx.add.f32.msk $0xffff, v18  }
0x19c: {  	v18 =	vmul.f32 v20, v8;
	v20 =	vadd.s32 $0xC80, v10;
	[tilespmem:v21+s18+$0x0] =	vst.idx.add.f32.msk $0xffff, v22  }
0x19d: {  	v16 =	vld.idx.msk [tilespmem:v16+s2+$0x0], $0xffff  }
0x19e: {  	v21 =	vadd.s32 $0x100, v11;
	[tilespmem:v14+s18+$0x0] =	vst.idx.add.f32.msk $0xffff, v18;
	v14 =	vmul.f32 v17, v3  }
0x19f: {  	v17 =	vadd.s32 $0x180, v12;
	v18 =	vld.idx.msk [tilespmem:v23+s2+$0x0], $0xffff  }
0x1a0: {  	v22 =	vadd.s32 $0x880, v4;
	[tilespmem:v15+s18+$0x0] =	vst.idx.add.f32.msk $0xffff, v14  }
0x1a1: {  	s24 =	sshra.s32 s23, $0x2;
	v14 =	vmul.f32 v19, v13;
	v19 =	vadd.s32 $0x900, v6;
	v20 =	vld.idx.msk [tilespmem:v20+s2+$0x0], $0xffff  }
0x1a2: {  	v23 =	vadd.s32 $0x500, v7;
	v15 =	vld [tilespmem:s24+$0x2900]  }
0x1a3: {  	v16 =	vmul.f32 v16, v5;
	[tilespmem:v21+s18+$0x0] =	vst.idx.add.f32.msk $0xffff, v14;
	v14 =	vadd.s32 $0x580, v9  }
0x1a4: {  	v21 =	vadd.s32 $0xC80, v2;
	v17 =	vld.idx.msk [tilespmem:v17+s2+$0x0], $0xffff  }
0x1a5: {  	v18 =	vmul.f32 v18, v8;
	[tilespmem:v22+s18+$0x0] =	vst.idx.add.f32.msk $0xffff, v16;
	v16 =	vadd.s32 $0xD00, v10  }
0x1a6: {  	v19 =	vld.idx.msk [tilespmem:v19+s2+$0x0], $0xffff  }
0x1a7: {  	v22 =	vadd.s32 $0x180, v11;
	[tilespmem:v23+s18+$0x0] =	vst.idx.add.f32.msk $0xffff, v18;
	v18 =	vmul.f32 v20, v3  }
0x1a8: {  	v20 =	vadd.s32 $0x200, v12;
	v23 =	vld.idx.msk [tilespmem:v14+s2+$0x0], $0xffff  }
0x1a9: {  	v24 =	vadd.s32 $0x900, v4;
	[tilespmem:v21+s18+$0x0] =	vst.idx.add.f32.msk $0xffff, v18  }
0x1aa: {  	v17 =	vmul.f32 v17, v13;
	v18 =	vadd.s32 $0x980, v6;
	v16 =	vld.idx.msk [tilespmem:v16+s2+$0x0], $0xffff  }
0x1ab: {  	v21 =	vadd.s32 $0x580, v7;
	v14 =	vld [tilespmem:s24+$0x1C80]  }
0x1ac: {  	v19 =	vmul.f32 v19, v5;
	[tilespmem:v22+s18+$0x0] =	vst.idx.add.f32.msk $0xffff, v17;
	v17 =	vadd.s32 $0x600, v9  }
0x1ad: {  	v22 =	vadd.s32 $0xD00, v2;
	v20 =	vld.idx.msk [tilespmem:v20+s2+$0x0], $0xffff  }
0x1ae: {  	v23 =	vmul.f32 v23, v8;
	[tilespmem:v24+s18+$0x0] =	vst.idx.add.f32.msk $0xffff, v19;
	v19 =	vadd.s32 $0xD80, v10  }
0x1af: {  	v18 =	vld.idx.msk [tilespmem:v18+s2+$0x0], $0xffff  }
0x1b0: {  	v24 =	vadd.s32 $0x200, v11;
	v16 =	vmul.f32 v16, v3;
	[tilespmem:v21+s18+$0x0] =	vst.idx.add.f32.msk $0xffff, v23  }
0x1b1: {  	v21 =	vadd.s32 $0x280, v12;
	v17 =	vld.idx.msk [tilespmem:v17+s2+$0x0], $0xffff  }
0x1b2: {  	v25 =	vadd.s32 $0x980, v4;
	[tilespmem:v22+s18+$0x0] =	vst.idx.add.f32.msk $0xffff, v16  }
0x1b3: {  	v16 =	vmul.f32 v20, v13;
	v20 =	vadd.s32 $0xA00, v6;
	v26 =	vld.idx.msk [tilespmem:v19+s2+$0x0], $0xffff  }
0x1b4: {  	v27 =	vadd.s32 $0x600, v7;
	v23 =	vld.idx.msk [tilespmem:v14+s17+$0x0], $0xffff  }
0x1b5: {  	v18 =	vmul.f32 v18, v5;
	[tilespmem:v24+s18+$0x0] =	vst.idx.add.f32.msk $0xffff, v16;
	v16 =	vadd.s32 $0x680, v9  }
.Ltmp8:
0x1b6: {  	v19 =	vadd.s32 $0xD80, v2;
	v22 =	vld.idx.msk [tilespmem:v21+s2+$0x0], $0xffff;
	(pc) =	sbr.rel @p0 .LBB2_10-.Ltmp8, $4  }
0x1b7: {  	v21 =	vmul.f32 v17, v8;
	v17 =	vadd.s32 $0xE00, v10;
	[tilespmem:v25+s18+$0x0] =	vst.idx.add.f32.msk $0xffff, v18  }
0x1b8: {  	v18 =	vld.idx.msk [tilespmem:v20+s2+$0x0], $0xffff  }
0x1b9: {  	v24 =	vadd.s32 $0x280, v11;
	v20 =	vmul.f32 v26, v3;
	[tilespmem:v27+s18+$0x0] =	vst.idx.add.f32.msk $0xffff, v21  }
0x1ba: {  	s23 =	sadd.s32 $0x40, s23;
	v25 =	vadd.s32 $0x300, v12;
	v21 =	vld.idx.msk [tilespmem:v16+s2+$0x0], $0xffff  }
0x1bb: {  	v16 =	vld [tilespmem:s24+$0x1000];
	v23 =	vmax.f32 v23, $1.000000020e-16  }
0x1bc: {  	(erf) = vrcp.f32 v23;
	_ =	sdelay $0x6  }
0x1bd: {  	v48 =	vld.idx.msk [tilespmem:v16+s2+$0x0], $0xffff;
	_ =	sdelay $0x1  }
0x1be: {  	v26 =	vpop (erf)  }
0x1bf: {  	v49 =	vadd.s32 $0x80, v16;
	v15 =	vmul.f32 v26, v15;
	_ =	sdelay $0x1  }
0x1c0: {  	v23 =	vmul.f32 v15, v48;
	_ =	sdelay $0x1  }
0x1c1: {  	[tilespmem:v14+s18+$0x0] =	vst.idx.add.f32.msk $0xffff, v23  }
0x1c2: {  	v23 =	vld.idx.msk [tilespmem:v49+s2+$0x0], $0xffff;
	_ =	sdelay $0x1  }
0x1c3: {  	v50 =	vadd.s32 $0x80, v14  }
0x1c4: {  	v27 =	vadd.s32 $0x100, v16;
	_ =	sdelay $0x1  }
0x1c5: {  	v23 =	vmul.f32 v23, v15;
	_ =	sdelay $0x1  }
0x1c6: {  	[tilespmem:v50+s18+$0x0] =	vst.idx.add.f32.msk $0xffff, v23  }
0x1c7: {  	v23 =	vld.idx.msk [tilespmem:v27+s2+$0x0], $0xffff;
	_ =	sdelay $0x1  }
0x1c8: {  	v51 =	vadd.s32 $0x100, v14  }
0x1c9: {  	v52 =	vadd.s32 $0x180, v16;
	_ =	sdelay $0x1  }
0x1ca: {  	v23 =	vmul.f32 v23, v15;
	_ =	sdelay $0x1  }
0x1cb: {  	[tilespmem:v51+s18+$0x0] =	vst.idx.add.f32.msk $0xffff, v23  }
0x1cc: {  	v23 =	vld.idx.msk [tilespmem:v52+s2+$0x0], $0xffff;
	_ =	sdelay $0x1  }
0x1cd: {  	v53 =	vadd.s32 $0x180, v14  }
0x1ce: {  	v54 =	vadd.s32 $0x200, v16;
	_ =	sdelay $0x1  }
0x1cf: {  	v23 =	vmul.f32 v23, v15;
	_ =	sdelay $0x1  }
0x1d0: {  	[tilespmem:v53+s18+$0x0] =	vst.idx.add.f32.msk $0xffff, v23  }
0x1d1: {  	v23 =	vld.idx.msk [tilespmem:v54+s2+$0x0], $0xffff;
	_ =	sdelay $0x1  }
0x1d2: {  	v55 =	vadd.s32 $0x200, v14  }
0x1d3: {  	v56 =	vadd.s32 $0x280, v16;
	_ =	sdelay $0x1  }
0x1d4: {  	v23 =	vmul.f32 v23, v15;
	_ =	sdelay $0x1  }
0x1d5: {  	v22 =	vmul.f32 v22, v13;
	[tilespmem:v55+s18+$0x0] =	vst.idx.add.f32.msk $0xffff, v23  }
0x1d6: {  	v23 =	vld.idx.msk [tilespmem:v56+s2+$0x0], $0xffff  }
0x1d7: {  	[tilespmem:v24+s18+$0x0] =	vst.idx.add.f32.msk $0xffff, v22  }
0x1d8: {  	v57 =	vadd.s32 $0x280, v14;
	v22 =	vld.idx.msk [tilespmem:v25+s2+$0x0], $0xffff  }
0x1d9: {  	v58 =	vadd.s32 $0x300, v16  }
0x1da: {  	v59 =	vadd.s32 $0x300, v11  }
0x1db: {  	v60 =	vadd.s32 $0x380, v12;
	v23 =	vmul.f32 v23, v15;
	_ =	sdelay $0x1  }
0x1dc: {  	v22 =	vmul.f32 v22, v13;
	[tilespmem:v57+s18+$0x0] =	vst.idx.add.f32.msk $0xffff, v23  }
0x1dd: {  	v61 =	vld.idx.msk [tilespmem:v58+s2+$0x0], $0xffff  }
0x1de: {  	[tilespmem:v59+s18+$0x0] =	vst.idx.add.f32.msk $0xffff, v22  }
0x1df: {  	v62 =	vadd.s32 $0x300, v14;
	v22 =	vld.idx.msk [tilespmem:v60+s2+$0x0], $0xffff  }
0x1e0: {  	v63 =	vadd.s32 $0x380, v16  }
0x1e1: {  	v31 =	vadd.s32 $0x380, v11  }
0x1e2: {  	v32 =	vadd.s32 $0x400, v12;
	v30 =	vmul.f32 v61, v15;
	_ =	sdelay $0x1  }
0x1e3: {  	v22 =	vmul.f32 v22, v13;
	[tilespmem:v62+s18+$0x0] =	vst.idx.add.f32.msk $0xffff, v30  }
0x1e4: {  	v33 =	vld.idx.msk [tilespmem:v63+s2+$0x0], $0xffff  }
0x1e5: {  	[tilespmem:v31+s18+$0x0] =	vst.idx.add.f32.msk $0xffff, v22  }
0x1e6: {  	v34 =	vadd.s32 $0x380, v14;
	v22 =	vld.idx.msk [tilespmem:v32+s2+$0x0], $0xffff  }
0x1e7: {  	v35 =	vadd.s32 $0x400, v16  }
0x1e8: {  	v37 =	vadd.s32 $0x400, v11  }
0x1e9: {  	v38 =	vadd.s32 $0x480, v12;
	v36 =	vmul.f32 v33, v15;
	_ =	sdelay $0x1  }
0x1ea: {  	v22 =	vmul.f32 v22, v13;
	[tilespmem:v34+s18+$0x0] =	vst.idx.add.f32.msk $0xffff, v36  }
0x1eb: {  	v39 =	vld.idx.msk [tilespmem:v35+s2+$0x0], $0xffff  }
0x1ec: {  	[tilespmem:v37+s18+$0x0] =	vst.idx.add.f32.msk $0xffff, v22  }
0x1ed: {  	v40 =	vadd.s32 $0x400, v14;
	v22 =	vld.idx.msk [tilespmem:v38+s2+$0x0], $0xffff  }
0x1ee: {  	v41 =	vadd.s32 $0x480, v16  }
0x1ef: {  	v43 =	vadd.s32 $0x480, v11  }
0x1f0: {  	v44 =	vadd.s32 $0x500, v12;
	v42 =	vmul.f32 v39, v15;
	_ =	sdelay $0x1  }
0x1f1: {  	v22 =	vmul.f32 v22, v13;
	[tilespmem:v40+s18+$0x0] =	vst.idx.add.f32.msk $0xffff, v42  }
0x1f2: {  	v45 =	vld.idx.msk [tilespmem:v41+s2+$0x0], $0xffff  }
0x1f3: {  	[tilespmem:v43+s18+$0x0] =	vst.idx.add.f32.msk $0xffff, v22  }
0x1f4: {  	v46 =	vadd.s32 $0x480, v14;
	v22 =	vld.idx.msk [tilespmem:v44+s2+$0x0], $0xffff  }
0x1f5: {  	v47 =	vadd.s32 $0x500, v16  }
0x1f6: {  	v49 =	vadd.s32 $0x500, v11  }
0x1f7: {  	v50 =	vadd.s32 $0x580, v12;
	v48 =	vmul.f32 v45, v15;
	_ =	sdelay $0x1  }
0x1f8: {  	v22 =	vmul.f32 v22, v13;
	[tilespmem:v46+s18+$0x0] =	vst.idx.add.f32.msk $0xffff, v48  }
0x1f9: {  	v51 =	vld.idx.msk [tilespmem:v47+s2+$0x0], $0xffff  }
0x1fa: {  	[tilespmem:v49+s18+$0x0] =	vst.idx.add.f32.msk $0xffff, v22  }
0x1fb: {  	v52 =	vadd.s32 $0x500, v14;
	v22 =	vld.idx.msk [tilespmem:v50+s2+$0x0], $0xffff  }
0x1fc: {  	v53 =	vadd.s32 $0x580, v16  }
0x1fd: {  	v55 =	vadd.s32 $0x580, v11  }
0x1fe: {  	v56 =	vadd.s32 $0x600, v12;
	v54 =	vmul.f32 v51, v15;
	_ =	sdelay $0x1  }
0x1ff: {  	v22 =	vmul.f32 v22, v13;
	[tilespmem:v52+s18+$0x0] =	vst.idx.add.f32.msk $0xffff, v54  }
0x200: {  	v57 =	vld.idx.msk [tilespmem:v53+s2+$0x0], $0xffff  }
0x201: {  	[tilespmem:v55+s18+$0x0] =	vst.idx.add.f32.msk $0xffff, v22  }
0x202: {  	v22 =	vld.idx.msk [tilespmem:v56+s2+$0x0], $0xffff;
	v58 =	vadd.s32 $0x580, v14  }
0x203: {  	v59 =	vadd.s32 $0x600, v16  }
0x204: {  	v61 =	vadd.s32 $0x600, v11  }
0x205: {  	v62 =	vadd.s32 $0x680, v12;
	v60 =	vmul.f32 v57, v15;
	_ =	sdelay $0x1  }
0x206: {  	v32 =	vadd.s32 $0x680, v7;
	v22 =	vmul.f32 v22, v13;
	[tilespmem:v58+s18+$0x0] =	vst.idx.add.f32.msk $0xffff, v60  }
0x207: {  	v34 =	vadd.s32 $0x700, v9;
	v63 =	vld.idx.msk [tilespmem:v59+s2+$0x0], $0xffff  }
0x208: {  	[tilespmem:v61+s18+$0x0] =	vst.idx.add.f32.msk $0xffff, v22  }
0x209: {  	v21 =	vmul.f32 v21, v8;
	v30 =	vadd.s32 $0x600, v14;
	v23 =	vld.idx.msk [tilespmem:v62+s2+$0x0], $0xffff  }
0x20a: {  	v31 =	vadd.s32 $0x680, v16  }
0x20b: {  	[tilespmem:v32+s18+$0x0] =	vst.idx.add.f32.msk $0xffff, v21;
	v35 =	vadd.s32 $0x680, v11  }
0x20c: {  	v36 =	vadd.s32 $0x700, v12;
	v39 =	vld.idx.msk [tilespmem:v34+s2+$0x0], $0xffff;
	v33 =	vmul.f32 v63, v15;
	_ =	sdelay $0x1  }
0x20d: {  	v37 =	vmul.f32 v23, v13;
	v41 =	vadd.s32 $0x700, v7;
	[tilespmem:v30+s18+$0x0] =	vst.idx.add.f32.msk $0xffff, v33  }
0x20e: {  	v43 =	vadd.s32 $0x780, v9;
	v27 =	vld.idx.msk [tilespmem:v31+s2+$0x0], $0xffff  }
0x20f: {  	[tilespmem:v35+s18+$0x0] =	vst.idx.add.f32.msk $0xffff, v37  }
0x210: {  	v38 =	vadd.s32 $0x680, v14;
	v24 =	vld.idx.msk [tilespmem:v36+s2+$0x0], $0xffff;
	v23 =	vmul.f32 v39, v8  }
0x211: {  	v40 =	vadd.s32 $0x700, v16  }
0x212: {  	v44 =	vadd.s32 $0x700, v11;
	[tilespmem:v41+s18+$0x0] =	vst.idx.add.f32.msk $0xffff, v23  }
0x213: {  	v45 =	vadd.s32 $0x780, v12;
	v48 =	vld.idx.msk [tilespmem:v43+s2+$0x0], $0xffff;
	v42 =	vmul.f32 v27, v15;
	_ =	sdelay $0x1  }
0x214: {  	v50 =	vadd.s32 $0x780, v7;
	v46 =	vmul.f32 v24, v13;
	[tilespmem:v38+s18+$0x0] =	vst.idx.add.f32.msk $0xffff, v42  }
0x215: {  	v51 =	vadd.s32 $0x800, v9;
	v25 =	vld.idx.msk [tilespmem:v40+s2+$0x0], $0xffff  }
0x216: {  	[tilespmem:v44+s18+$0x0] =	vst.idx.add.f32.msk $0xffff, v46  }
0x217: {  	v47 =	vadd.s32 $0x700, v14;
	v22 =	vld.idx.msk [tilespmem:v45+s2+$0x0], $0xffff;
	v24 =	vmul.f32 v48, v8  }
0x218: {  	v49 =	vadd.s32 $0x780, v16  }
0x219: {  	[tilespmem:v50+s18+$0x0] =	vst.idx.add.f32.msk $0xffff, v24;
	v52 =	vadd.s32 $0x780, v11  }
0x21a: {  	v53 =	vadd.s32 $0x800, v12;
	v24 =	vld.idx.msk [tilespmem:v51+s2+$0x0], $0xffff;
	v25 =	vmul.f32 v25, v15;
	_ =	sdelay $0x1  }
0x21b: {  	v54 =	vmul.f32 v22, v13;
	v57 =	vadd.s32 $0x800, v7;
	[tilespmem:v47+s18+$0x0] =	vst.idx.add.f32.msk $0xffff, v25  }
0x21c: {  	v59 =	vadd.s32 $0x880, v9;
	v27 =	vld.idx.msk [tilespmem:v49+s2+$0x0], $0xffff  }
0x21d: {  	[tilespmem:v52+s18+$0x0] =	vst.idx.add.f32.msk $0xffff, v54  }
0x21e: {  	v55 =	vadd.s32 $0x780, v14;
	v23 =	vld.idx.msk [tilespmem:v53+s2+$0x0], $0xffff;
	v24 =	vmul.f32 v24, v8  }
0x21f: {  	v56 =	vadd.s32 $0x800, v16  }
0x220: {  	v60 =	vadd.s32 $0x800, v11;
	[tilespmem:v57+s18+$0x0] =	vst.idx.add.f32.msk $0xffff, v24  }
0x221: {  	v61 =	vadd.s32 $0x880, v12;
	v29 =	vld.idx.msk [tilespmem:v59+s2+$0x0], $0xffff;
	v58 =	vmul.f32 v27, v15  }
0x222: {  	v62 =	vadd.s32 $0xA00, v4  }
0x223: {  	v63 =	vmul.f32 v23, v13;
	v31 =	vadd.s32 $0x880, v7;
	[tilespmem:v55+s18+$0x0] =	vst.idx.add.f32.msk $0xffff, v58  }
0x224: {  	v33 =	vadd.s32 $0x900, v9;
	v26 =	vld.idx.msk [tilespmem:v56+s2+$0x0], $0xffff  }
0x225: {  	v18 =	vmul.f32 v18, v5;
	[tilespmem:v60+s18+$0x0] =	vst.idx.add.f32.msk $0xffff, v63  }
0x226: {  	v28 =	vadd.s32 $0x800, v14;
	v22 =	vld.idx.msk [tilespmem:v61+s2+$0x0], $0xffff;
	v35 =	vmul.f32 v29, v8  }
0x227: {  	[tilespmem:v62+s18+$0x0] =	vst.idx.add.f32.msk $0xffff, v18;
	v30 =	vadd.s32 $0x880, v16  }
0x228: {  	v34 =	vadd.s32 $0x880, v11;
	[tilespmem:v31+s18+$0x0] =	vst.idx.add.f32.msk $0xffff, v35  }
0x229: {  	v36 =	vadd.s32 $0x900, v12;
	v18 =	vld.idx.msk [tilespmem:v33+s2+$0x0], $0xffff;
	v32 =	vmul.f32 v26, v15  }
0x22a: {  	[tilespmem:v19+s18+$0x0] =	vst.idx.add.f32.msk $0xffff, v20  }
0x22b: {  	v38 =	vmul.f32 v22, v13;
	v42 =	vadd.s32 $0x900, v7;
	[tilespmem:v28+s18+$0x0] =	vst.idx.add.f32.msk $0xffff, v32  }
0x22c: {  	v45 =	vadd.s32 $0x980, v9;
	v24 =	vld.idx.msk [tilespmem:v30+s2+$0x0], $0xffff  }
0x22d: {  	[tilespmem:v34+s18+$0x0] =	vst.idx.add.f32.msk $0xffff, v38  }
0x22e: {  	v39 =	vadd.s32 $0x880, v14;
	v20 =	vld.idx.msk [tilespmem:v36+s2+$0x0], $0xffff;
	v18 =	vmul.f32 v18, v8  }
0x22f: {  	v17 =	vld.idx.msk [tilespmem:v17+s2+$0x0], $0xffff;
	v40 =	vadd.s32 $0x900, v16  }
0x230: {  	v46 =	vadd.s32 $0x900, v11;
	[tilespmem:v42+s18+$0x0] =	vst.idx.add.f32.msk $0xffff, v18  }
0x231: {  	v51 =	vld.idx.msk [tilespmem:v45+s2+$0x0], $0xffff;
	v47 =	vadd.s32 $0x980, v12;
	v43 =	vmul.f32 v24, v15  }
0x232: {  	v41 =	vadd.s32 $0xE00, v2  }
0x233: {  	v54 =	vadd.s32 $0x980, v7;
	v49 =	vmul.f32 v20, v13;
	[tilespmem:v39+s18+$0x0] =	vst.idx.add.f32.msk $0xffff, v43  }
0x234: {  	v55 =	vadd.s32 $0xA00, v9;
	v22 =	vld.idx.msk [tilespmem:v40+s2+$0x0], $0xffff  }
0x235: {  	v17 =	vmul.f32 v17, v3;
	v53 =	vadd.s32 $0xE80, v10;
	[tilespmem:v46+s18+$0x0] =	vst.idx.add.f32.msk $0xffff, v49  }
0x236: {  	v50 =	vadd.s32 $0x900, v14;
	v57 =	vmul.f32 v51, v8;
	v21 =	vld.idx.msk [tilespmem:v47+s2+$0x0], $0xffff  }
0x237: {  	[tilespmem:v41+s18+$0x0] =	vst.idx.add.f32.msk $0xffff, v17;
	v52 =	vadd.s32 $0x980, v16  }
0x238: {  	[tilespmem:v54+s18+$0x0] =	vst.idx.add.f32.msk $0xffff, v57;
	v56 =	vadd.s32 $0x980, v11  }
0x239: {  	v58 =	vadd.s32 $0xA00, v12;
	v17 =	vld.idx.msk [tilespmem:v55+s2+$0x0], $0xffff;
	v22 =	vmul.f32 v22, v15  }
0x23a: {  	v37 =	vadd.s32 $0xA80, v6;
	v60 =	vld.idx.msk [tilespmem:v53+s2+$0x0], $0xffff  }
0x23b: {  	v29 =	vadd.s32 $0xA00, v7;
	v61 =	vmul.f32 v21, v13;
	[tilespmem:v50+s18+$0x0] =	vst.idx.add.f32.msk $0xffff, v22  }
0x23c: {  	v28 =	vadd.s32 $0xE80, v2;
	v22 =	vld.idx.msk [tilespmem:v52+s2+$0x0], $0xffff  }
0x23d: {  	v31 =	vadd.s32 $0xA80, v9;
	[tilespmem:v56+s18+$0x0] =	vst.idx.add.f32.msk $0xffff, v61  }
0x23e: {  	v62 =	vadd.s32 $0x980, v14;
	v20 =	vld.idx.msk [tilespmem:v58+s2+$0x0], $0xffff;
	v17 =	vmul.f32 v17, v8  }
0x23f: {  	v44 =	vld.idx.msk [tilespmem:v37+s2+$0x0], $0xffff;
	v63 =	vadd.s32 $0xA00, v16;
	v25 =	vmul.f32 v60, v3  }
0x240: {  	v32 =	vadd.s32 $0xA00, v11;
	[tilespmem:v29+s18+$0x0] =	vst.idx.add.f32.msk $0xffff, v17  }
0x241: {  	v34 =	vadd.s32 $0xA80, v12;
	[tilespmem:v28+s18+$0x0] =	vst.idx.add.f32.msk $0xffff, v25;
	v22 =	vmul.f32 v22, v15  }
0x242: {  	v48 =	vadd.s32 $0xA80, v4;
	v37 =	vld.idx.msk [tilespmem:v31+s2+$0x0], $0xffff  }
0x243: {  	v59 =	vadd.s32 $0xB00, v6;
	v35 =	vmul.f32 v20, v13;
	[tilespmem:v62+s18+$0x0] =	vst.idx.add.f32.msk $0xffff, v22  }
0x244: {  	v21 =	vld.idx.msk [tilespmem:v63+s2+$0x0], $0xffff  }
0x245: {  	v33 =	vadd.s32 $0xF00, v10;
	v24 =	vmul.f32 v44, v5;
	[tilespmem:v32+s18+$0x0] =	vst.idx.add.f32.msk $0xffff, v35  }
0x246: {  	v36 =	vadd.s32 $0xA00, v14;
	v25 =	vld.idx.msk [tilespmem:v34+s2+$0x0], $0xffff  }
0x247: {  	v38 =	vadd.s32 $0xA80, v16;
	[tilespmem:v48+s18+$0x0] =	vst.idx.add.f32.msk $0xffff, v24  }
0x248: {  	v42 =	vadd.s32 $0xA80, v7;
	v30 =	vld.idx.msk [tilespmem:v59+s2+$0x0], $0xffff  }
0x249: {  	v44 =	vadd.s32 $0xA80, v11;
	v21 =	vmul.f32 v21, v15  }
0x24a: {  	v41 =	vld.idx.msk [tilespmem:v33+s2+$0x0], $0xffff;
	v39 =	vadd.s32 $0xB00, v4  }
0x24b: {  	v45 =	vadd.s32 $0xB00, v12;
	v20 =	vmul.f32 v37, v8;
	[tilespmem:v36+s18+$0x0] =	vst.idx.add.f32.msk $0xffff, v21  }
0x24c: {  	v43 =	vadd.s32 $0xB00, v9;
	v47 =	vmul.f32 v25, v13;
	v24 =	vld.idx.msk [tilespmem:v38+s2+$0x0], $0xffff  }
0x24d: {  	v49 =	vadd.s32 $0xF00, v2;
	[tilespmem:v42+s18+$0x0] =	vst.idx.add.f32.msk $0xffff, v20;
	v23 =	vmul.f32 v30, v5  }
0x24e: {  	v46 =	vadd.s32 $0xA80, v14;
	[tilespmem:v44+s18+$0x0] =	vst.idx.add.f32.msk $0xffff, v47  }
0x24f: {  	v48 =	vadd.s32 $0xB00, v16;
	[tilespmem:v39+s18+$0x0] =	vst.idx.add.f32.msk $0xffff, v23  }
0x250: {  	v40 =	vadd.s32 $0xB80, v6;
	v19 =	vmul.f32 v41, v3;
	v23 =	vld.idx.msk [tilespmem:v45+s2+$0x0], $0xffff  }
0x251: {  	v18 =	vld.idx.msk [tilespmem:v43+s2+$0x0], $0xffff;
	v50 =	vadd.s32 $0xF80, v10;
	v51 =	vmul.f32 v24, v15  }
0x252: {  	v54 =	vadd.s32 $0xB00, v11;
	[tilespmem:v49+s18+$0x0] =	vst.idx.add.f32.msk $0xffff, v19  }
0x253: {  	v55 =	vadd.s32 $0xB80, v12;
	[tilespmem:v46+s18+$0x0] =	vst.idx.add.f32.msk $0xffff, v51  }
0x254: {  	v52 =	vadd.s32 $0xB00, v7;
	v22 =	vld.idx.msk [tilespmem:v48+s2+$0x0], $0xffff  }
0x255: {  	v53 =	vadd.s32 $0xB80, v9;
	v17 =	vld.idx.msk [tilespmem:v40+s2+$0x0], $0xffff;
	v57 =	vmul.f32 v23, v13  }
0x256: {  	v56 =	vadd.s32 $0xB00, v14;
	v10 =	vld.idx.msk [tilespmem:v50+s2+$0x0], $0xffff  }
0x257: {  	v58 =	vadd.s32 $0xB80, v16;
	v18 =	vmul.f32 v18, v8;
	[tilespmem:v54+s18+$0x0] =	vst.idx.add.f32.msk $0xffff, v57  }
0x258: {  	v59 =	vadd.s32 $0xB80, v4;
	v19 =	vld.idx.msk [tilespmem:v55+s2+$0x0], $0xffff  }
0x259: {  	v60 =	vadd.s32 $0xC00, v6;
	[tilespmem:v52+s18+$0x0] =	vst.idx.add.f32.msk $0xffff, v18;
	v61 =	vmul.f32 v22, v15  }
0x25a: {  	v28 =	vadd.s32 $0xB80, v11;
	v24 =	vld.idx.msk [tilespmem:v53+s2+$0x0], $0xffff  }
0x25b: {  	v30 =	vadd.s32 $0xC00, v12;
	v17 =	vmul.f32 v17, v5;
	[tilespmem:v56+s18+$0x0] =	vst.idx.add.f32.msk $0xffff, v61  }
0x25c: {  	v62 =	vadd.s32 $0xB80, v7;
	v21 =	vld.idx.msk [tilespmem:v58+s2+$0x0], $0xffff  }
0x25d: {  	[tilespmem:v59+s18+$0x0] =	vst.idx.add.f32.msk $0xffff, v17;
	v63 =	vadd.s32 $0xC00, v9;
	v33 =	vmul.f32 v19, v13  }
0x25e: {  	v32 =	vadd.s32 $0xB80, v14;
	v31 =	vld.idx.msk [tilespmem:v60+s2+$0x0], $0xffff  }
0x25f: {  	v34 =	vadd.s32 $0xC00, v16;
	[tilespmem:v28+s18+$0x0] =	vst.idx.add.f32.msk $0xffff, v33;
	v29 =	vmul.f32 v24, v8  }
0x260: {  	v35 =	vadd.s32 $0xC00, v4;
	v39 =	vld.idx.msk [tilespmem:v30+s2+$0x0], $0xffff  }
0x261: {  	v36 =	vadd.s32 $0xC80, v6;
	[tilespmem:v62+s18+$0x0] =	vst.idx.add.f32.msk $0xffff, v29;
	v37 =	vmul.f32 v21, v15  }
0x262: {  	v42 =	vadd.s32 $0xC00, v11;
	v22 =	vld.idx.msk [tilespmem:v63+s2+$0x0], $0xffff  }
0x263: {  	v44 =	vadd.s32 $0xC80, v12;
	v40 =	vmul.f32 v31, v5;
	[tilespmem:v32+s18+$0x0] =	vst.idx.add.f32.msk $0xffff, v37  }
0x264: {  	v38 =	vadd.s32 $0xC00, v7;
	v19 =	vld.idx.msk [tilespmem:v34+s2+$0x0], $0xffff  }
0x265: {  	v41 =	vadd.s32 $0xC80, v9;
	[tilespmem:v35+s18+$0x0] =	vst.idx.add.f32.msk $0xffff, v40;
	v46 =	vmul.f32 v39, v13  }
0x266: {  	v45 =	vadd.s32 $0xC00, v14;
	v23 =	vld.idx.msk [tilespmem:v36+s2+$0x0], $0xffff  }
0x267: {  	v47 =	vadd.s32 $0xC80, v16;
	[tilespmem:v42+s18+$0x0] =	vst.idx.add.f32.msk $0xffff, v46;
	v43 =	vmul.f32 v22, v8  }
0x268: {  	v48 =	vadd.s32 $0xC80, v4;
	v52 =	vld.idx.msk [tilespmem:v44+s2+$0x0], $0xffff  }
0x269: {  	v49 =	vadd.s32 $0xD00, v6;
	[tilespmem:v38+s18+$0x0] =	vst.idx.add.f32.msk $0xffff, v43;
	v50 =	vmul.f32 v19, v15  }
0x26a: {  	v55 =	vadd.s32 $0xC80, v11;
	v24 =	vld.idx.msk [tilespmem:v41+s2+$0x0], $0xffff  }
0x26b: {  	v57 =	vadd.s32 $0xD00, v12;
	v53 =	vmul.f32 v23, v5;
	[tilespmem:v45+s18+$0x0] =	vst.idx.add.f32.msk $0xffff, v50  }
0x26c: {  	v51 =	vadd.s32 $0xC80, v7;
	v20 =	vld.idx.msk [tilespmem:v47+s2+$0x0], $0xffff  }
0x26d: {  	v54 =	vadd.s32 $0xD00, v9;
	[tilespmem:v48+s18+$0x0] =	vst.idx.add.f32.msk $0xffff, v53;
	v60 =	vmul.f32 v52, v13  }
0x26e: {  	v59 =	vadd.s32 $0xC80, v14;
	v58 =	vld.idx.msk [tilespmem:v49+s2+$0x0], $0xffff  }
0x26f: {  	v61 =	vadd.s32 $0xD00, v16;
	[tilespmem:v55+s18+$0x0] =	vst.idx.add.f32.msk $0xffff, v60;
	v56 =	vmul.f32 v24, v8  }
0x270: {  	v62 =	vadd.s32 $0xD00, v4;
	v30 =	vld.idx.msk [tilespmem:v57+s2+$0x0], $0xffff  }
0x271: {  	v63 =	vadd.s32 $0xD80, v6;
	[tilespmem:v51+s18+$0x0] =	vst.idx.add.f32.msk $0xffff, v56;
	v28 =	vmul.f32 v20, v15  }
0x272: {  	v33 =	vadd.s32 $0xD00, v11;
	v23 =	vld.idx.msk [tilespmem:v54+s2+$0x0], $0xffff  }
0x273: {  	v35 =	vadd.s32 $0xD80, v12;
	v31 =	vmul.f32 v58, v5;
	[tilespmem:v59+s18+$0x0] =	vst.idx.add.f32.msk $0xffff, v28  }
0x274: {  	v29 =	vadd.s32 $0xD00, v7;
	v19 =	vld.idx.msk [tilespmem:v61+s2+$0x0], $0xffff  }
0x275: {  	v32 =	vadd.s32 $0xD80, v9;
	[tilespmem:v62+s18+$0x0] =	vst.idx.add.f32.msk $0xffff, v31;
	v38 =	vmul.f32 v30, v13  }
0x276: {  	v37 =	vadd.s32 $0xD00, v14;
	v36 =	vld.idx.msk [tilespmem:v63+s2+$0x0], $0xffff  }
0x277: {  	v39 =	vadd.s32 $0xD80, v16;
	[tilespmem:v33+s18+$0x0] =	vst.idx.add.f32.msk $0xffff, v38;
	v34 =	vmul.f32 v23, v8  }
0x278: {  	v40 =	vadd.s32 $0xD80, v4;
	v44 =	vld.idx.msk [tilespmem:v35+s2+$0x0], $0xffff  }
0x279: {  	v41 =	vadd.s32 $0xE00, v6;
	[tilespmem:v29+s18+$0x0] =	vst.idx.add.f32.msk $0xffff, v34;
	v42 =	vmul.f32 v19, v15  }
0x27a: {  	v47 =	vadd.s32 $0xD80, v11;
	v24 =	vld.idx.msk [tilespmem:v32+s2+$0x0], $0xffff  }
0x27b: {  	v49 =	vadd.s32 $0xE00, v12;
	v45 =	vmul.f32 v36, v5;
	[tilespmem:v37+s18+$0x0] =	vst.idx.add.f32.msk $0xffff, v42  }
0x27c: {  	v43 =	vadd.s32 $0xD80, v7;
	v20 =	vld.idx.msk [tilespmem:v39+s2+$0x0], $0xffff  }
0x27d: {  	v46 =	vadd.s32 $0xE00, v9;
	v52 =	vmul.f32 v44, v13;
	[tilespmem:v40+s18+$0x0] =	vst.idx.add.f32.msk $0xffff, v45  }
0x27e: {  	v51 =	vadd.s32 $0xD80, v14;
	v50 =	vld.idx.msk [tilespmem:v41+s2+$0x0], $0xffff  }
0x27f: {  	v53 =	vadd.s32 $0xE00, v16;
	[tilespmem:v47+s18+$0x0] =	vst.idx.add.f32.msk $0xffff, v52;
	v48 =	vmul.f32 v24, v8  }
0x280: {  	v54 =	vadd.s32 $0xE00, v4;
	v58 =	vld.idx.msk [tilespmem:v49+s2+$0x0], $0xffff  }
0x281: {  	v55 =	vadd.s32 $0xE80, v6;
	[tilespmem:v43+s18+$0x0] =	vst.idx.add.f32.msk $0xffff, v48;
	v56 =	vmul.f32 v20, v15  }
0x282: {  	v61 =	vadd.s32 $0xE00, v11;
	v23 =	vld.idx.msk [tilespmem:v46+s2+$0x0], $0xffff  }
0x283: {  	v63 =	vadd.s32 $0xE80, v12;
	v59 =	vmul.f32 v50, v5;
	[tilespmem:v51+s18+$0x0] =	vst.idx.add.f32.msk $0xffff, v56  }
0x284: {  	v57 =	vadd.s32 $0xE00, v7;
	v19 =	vld.idx.msk [tilespmem:v53+s2+$0x0], $0xffff  }
0x285: {  	v60 =	vadd.s32 $0xE80, v9;
	[tilespmem:v54+s18+$0x0] =	vst.idx.add.f32.msk $0xffff, v59;
	v30 =	vmul.f32 v58, v13  }
0x286: {  	v29 =	vadd.s32 $0xE00, v14;
	v28 =	vld.idx.msk [tilespmem:v55+s2+$0x0], $0xffff  }
0x287: {  	v31 =	vadd.s32 $0xE80, v16;
	[tilespmem:v61+s18+$0x0] =	vst.idx.add.f32.msk $0xffff, v30;
	v62 =	vmul.f32 v23, v8  }
0x288: {  	v32 =	vadd.s32 $0xE80, v4;
	v36 =	vld.idx.msk [tilespmem:v63+s2+$0x0], $0xffff  }
0x289: {  	v33 =	vadd.s32 $0xF00, v6;
	[tilespmem:v57+s18+$0x0] =	vst.idx.add.f32.msk $0xffff, v62;
	v34 =	vmul.f32 v19, v15  }
0x28a: {  	v39 =	vadd.s32 $0xE80, v11;
	v24 =	vld.idx.msk [tilespmem:v60+s2+$0x0], $0xffff  }
0x28b: {  	v41 =	vadd.s32 $0xF00, v12;
	v37 =	vmul.f32 v28, v5;
	[tilespmem:v29+s18+$0x0] =	vst.idx.add.f32.msk $0xffff, v34  }
0x28c: {  	v35 =	vadd.s32 $0xE80, v7;
	v20 =	vld.idx.msk [tilespmem:v31+s2+$0x0], $0xffff  }
0x28d: {  	v38 =	vadd.s32 $0xF00, v9;
	[tilespmem:v32+s18+$0x0] =	vst.idx.add.f32.msk $0xffff, v37;
	v44 =	vmul.f32 v36, v13  }
0x28e: {  	v43 =	vadd.s32 $0xE80, v14;
	v42 =	vld.idx.msk [tilespmem:v33+s2+$0x0], $0xffff  }
0x28f: {  	v45 =	vadd.s32 $0xF00, v16;
	[tilespmem:v39+s18+$0x0] =	vst.idx.add.f32.msk $0xffff, v44;
	v40 =	vmul.f32 v24, v8  }
0x290: {  	v46 =	vadd.s32 $0xF00, v4;
	v50 =	vld.idx.msk [tilespmem:v41+s2+$0x0], $0xffff  }
0x291: {  	v47 =	vadd.s32 $0xF80, v6;
	[tilespmem:v35+s18+$0x0] =	vst.idx.add.f32.msk $0xffff, v40;
	v48 =	vmul.f32 v20, v15  }
0x292: {  	v53 =	vadd.s32 $0xF00, v11;
	v23 =	vld.idx.msk [tilespmem:v38+s2+$0x0], $0xffff  }
0x293: {  	v55 =	vadd.s32 $0xF80, v12;
	v51 =	vmul.f32 v42, v5;
	[tilespmem:v43+s18+$0x0] =	vst.idx.add.f32.msk $0xffff, v48  }
0x294: {  	v49 =	vadd.s32 $0xF00, v7;
	v19 =	vld.idx.msk [tilespmem:v45+s2+$0x0], $0xffff  }
0x295: {  	v52 =	vadd.s32 $0xF80, v9;
	[tilespmem:v46+s18+$0x0] =	vst.idx.add.f32.msk $0xffff, v51;
	v57 =	vmul.f32 v50, v13  }
0x296: {  	v56 =	vadd.s32 $0xF00, v14;
	v6 =	vld.idx.msk [tilespmem:v47+s2+$0x0], $0xffff  }
0x297: {  	v16 =	vadd.s32 $0xF80, v16;
	[tilespmem:v53+s18+$0x0] =	vst.idx.add.f32.msk $0xffff, v57;
	v54 =	vmul.f32 v23, v8  }
0x298: {  	v12 =	vld.idx.msk [tilespmem:v55+s2+$0x0], $0xffff  }
0x299: {  	[tilespmem:v49+s18+$0x0] =	vst.idx.add.f32.msk $0xffff, v54;
	v58 =	vmul.f32 v19, v15  }
0x29a: {  	v2 =	vadd.s32 $0xF80, v2;
	v9 =	vld.idx.msk [tilespmem:v52+s2+$0x0], $0xffff  }
0x29b: {  	v59 =	vadd.s32 $0xF80, v4;
	[tilespmem:v56+s18+$0x0] =	vst.idx.add.f32.msk $0xffff, v58  }
0x29c: {  	v60 =	vadd.s32 $0xF80, v7;
	v16 =	vld.idx.msk [tilespmem:v16+s2+$0x0], $0xffff  }
0x29d: {  	v3 =	vmul.f32 v10, v3;
	v61 =	vadd.s32 $0xF80, v11  }
0x29e: {  	v63 =	vadd.s32 $0xF80, v14;
	v62 =	vmul.f32 v6, v5  }
0x29f: {  	[tilespmem:v2+s18+$0x0] =	vst.idx.add.f32.msk $0xffff, v3;
	v2 =	vmul.f32 v9, v8  }
0x2a0: {  	[tilespmem:v59+s18+$0x0] =	vst.idx.add.f32.msk $0xffff, v62;
	v3 =	vmul.f32 v12, v13  }
0x2a1: {  	[tilespmem:v60+s18+$0x0] =	vst.idx.add.f32.msk $0xffff, v2;
	v2 =	vmul.f32 v16, v15  }
0x2a2: {  	[tilespmem:v61+s18+$0x0] =	vst.idx.add.f32.msk $0xffff, v3  }
.Ltmp9:
0x2a3: {  	s0 =	sadd.s32 s9, s22;
	[tilespmem:v63+s18+$0x0] =	vst.idx.add.f32.msk $0xffff, v2;
	(pc) =	sbr.rel .LBB2_12-.Ltmp9, $4  }
0x2a4: {  	[hbm4b:s0+s2] =	stream.linear.scatter [tilespmem:s18], [sflag:$0x1], $0x1000, $0x38;
	[tilespmem:$0x46C8] =	vst v63  }
0x2a5: {  	_ =	swait.ge [sflag:s19], $0x1000  }
0x2a6: {  	[sflag:s19] =	ssyncset.done $0x0  }
0x2a7: {  	[sflag:s19] =	ssyncadd.s32 $0xFFFFF000  }
.LBB2_14:
0x2a8: {  	_ =	sfence.sel $0x180000  }
0x2a9: {  	[bflag:$0x0] =	sbarrier.arrive $0xFFFF  }
0x2aa: {  	_ =	strace $0x9000004A  }
0x2ab: {  	s0 =	stileid.u32;
	[bflag:$0x2] =	sbarrier.arrive $0xFFFF  }
0x2ac: {  	p0 =	sne.s32 s0, $0x0;
	s0 =	rddreg [dreg:$0x2]  }
0x2ad: {  	s0 =	sadd.s32 @!p0 $0x100000, s0  }
0x2ae: {  	[sflag:s0] =	ssyncadd.tile.s32 @!p0 $0x1;
	_ =	shalt  }
.Lfunc_end2:
_tile_overlayer_lowered:
.L_overlay_start_2:
0x2af: {  	(tag) =	ssettag $0x2  }
0x2b0: {  	s0 =	rddreg [dreg:$0x0];
	s2 =	stileid.u32  }
0x2b1: {  	s1 =	rddreg [dreg:$0x1];
	p0 =	sne.s32 s2, $0x0  }
0x2b2: {  	s3 =	rddreg [dreg:$0x2];
	[bflag:$0x3] =	sbarrier.arrive $0xFFFF;
	s2 =	simm.s32 @!p0 $0x1C01  }
0x2b3: {  	[timem:s3], [sflag:s2] =	dma.local @!p0 [hbm:s0], s1  }
0x2b4: {  	s0 =	simm.s32 @!p0 $0x1  }
0x2b5: {  	_ =	swait.ge @!p0 [sflag:s0], s1  }
0x2b6: {  	s1 =	ssub.s32 @!p0 $0x0, s1;
	[sflag:s0] =	ssyncset.done @!p0 $0x0  }
0x2b7: {  	[sflag:s0] =	ssyncadd.s32 @!p0 s1  }
0x2b8: {  	[bflag:$0x3] =	sbarrier.arrive $0xFFFF  }
0x2b9: {  	_ =	shalt  }

// kernel: kernel.8.cloned.1.call-start
scs
__scs_entry_jumppad:
0x0: {  	(pc) =	sbr.rel $0x88, $3  }
0x1: {  	(tag) =	ssettag $0x0;
	lr =	simm.s32 $0x1  }
0x2: {  	[smem:$0x3F8A] =	sst lr;
	_ =	strace $0xD0000000  }
0x3: {  	_ = 	snop  }
0x4: {  	_ = 	snop  }
0x5: {  	_ = 	snop  }
0x6: {  	_ = 	snop  }
0x7: {  	_ = 	snop  }
__scs_overlays_trampoline_lowered:
0x8: {  	[smem:$0x3F99] =	sst s0  }
0x9: {  	[smem:$0x3F9A] =	sst s1  }
0xa: {  	[smem:$0x3F9B] =	sst s2  }
0xb: {  	[smem:$0x3F9C] =	sst s3  }
0xc: {  	[smem:$0x3F9D] =	sst s4  }
0xd: {  	[smem:$0x3F9E] =	sst s5  }
0xe: {  	[smem:$0x3F9F] =	sst s6  }
0xf: {  	[smem:$0x3FA0] =	sst s7  }
0x10: {  	[smem:$0x3FA1] =	sst s8  }
0x11: {  	[smem:$0x3FA2] =	sst s9;
	s0 =	simm.s32 @!p0 $0x0  }
0x12: {  	s1 =	sld [smem:$0x3F88];
	s0 =	simm.s32 @p0 $0x1  }
0x13: {  	[smem:$0x3FA3] =	sst s0;
	s0 =	simm.s32 @!p1 $0x0  }
0x14: {  	s2 =	sld [smem:$0x3F87];
	s0 =	simm.s32 @p1 $0x1  }
0x15: {  	[smem:$0x3FA4] =	sst s0;
	s0 =	simm.s32 @!p2 $0x0  }
0x16: {  	s3 =	sld [smem:$0x3FDB];
	s0 =	simm.s32 @p2 $0x1  }
0x17: {  	s4 =	simm.s32 $0x1BF5;
	[smem:$0x3FA6] =	sst s0  }
0x18: {  	s0 =	sld [smem:$0x3F89];
	_ =	swait.ge [sflag:s4], $0x0  }
0x19: {  	s7 =	sld [smem:$0x3F8A]  }
0x1a: {  	s8 =	sadd.s32 $0xFFFFE003, lr  }
0x1b: {  	s9 =	sadd.s32 $0xFFFFFEF7, lr;
	s5 =	simm.s32 $0xFFFFFFFF;
	p2 =	slt.u32 s8, $0xFFFFF086  }
0x1c: {  	p1 =	slt.u32 s9, $0xF7A;
	s5 =	simm.s32 @!p2 $0x0  }
0x1d: {  	s5 =	simm.s32 @p1 $0x1;
	p0 =	seq.s32 s7, s2  }
0x1e: {  	s7 =	smul.u32 @!p0 $0xF7A, s2;
	p2 =	seq.s32 @!p0 s5, $0x0  }
0x1f: {  	s9 =	smul.u32 $0xF7A, s1;
	s8 =	simm.s32 @!p0 $0x1BF5;
	p2 =	por !p2, p0  }
0x20: {  	[sflag:s8] =	ssyncset.s32 @!p0 $0xFFFFF086;
	s6 =	sadd.s32 @!p0 s3, s7;
	s7 =	simm.s32 @!p0 $0x108  }
0x21: {  	s3 =	sadd.s32 s3, s9;
	s6 =	sadd.s32 @!p0 $0x88, s6;
	s7 =	simm.s32 @p2 $0x1082  }
0x22: {  	[simem:s7], [sflag:s8] =	dma.local @!p0 [hbm:s6], $0xF7A  }
0x23: {  	s9 =	sor.u32 $0xD0000000, s2;
	s6 =	simm.s32 $0x108;
	_ =	swait.ge @!p0 [sflag:s8], $0x0  }
0x24: {  	s3 =	sadd.s32 $0x88, s3;
	s6 =	simm.s32 @!p1 $0x1082;
	[sflag:s4] =	ssyncset.s32 $0xFFFFF086  }
0x25: {  	[simem:s6], [sflag:s4] =	dma.local [hbm:s3], $0xF7A  }
0x26: {  	[smem:$0x3F8A] =	sst s1;
	(tag) =	ssettag s2;
	_ =	strace s9  }
0x27: {  	s1 =	sld [smem:$0x3F9A]  }
0x28: {  	s2 =	sld [smem:$0x3F9B]  }
0x29: {  	s4 =	sld [smem:$0x3F9D]  }
0x2a: {  	p0 =	seq.s32 s5, $0x0;
	s5 =	sld [smem:$0x3F9E]  }
0x2b: {  	s6 =	sld [smem:$0x3F9F]  }
0x2c: {  	s7 =	sld [smem:$0x3FA0]  }
0x2d: {  	s3 =	simm.s32 $0x108;
	s8 =	sld [smem:$0x3FA1]  }
0x2e: {  	s3 =	simm.s32 @!p0 $0x1082;
	s9 =	sld [smem:$0x3FA2]  }
0x2f: {  	lr =	sadd.s32 s0, s3;
	s0 =	sld [smem:$0x3F99]  }
0x30: {  	s3 =	sld [smem:$0x3F9C]  }
0x31: {  	[smem:$0x3FA5] =	sst s10  }
0x32: {  	s10 =	sld [smem:$0x3FA3];
	_ =	sdelay $0x3  }
0x33: {  	p0 =	seq.s32 s10, $0x1;
	s10 =	sld [smem:$0x3FA5];
	_ =	sdelay $0x3  }
0x34: {  	[smem:$0x3FA5] =	sst s10  }
0x35: {  	s10 =	sld [smem:$0x3FA4];
	_ =	sdelay $0x3  }
0x36: {  	p1 =	seq.s32 s10, $0x1;
	s10 =	sld [smem:$0x3FA5];
	_ =	sdelay $0x3  }
0x37: {  	[smem:$0x3FA5] =	sst s10  }
0x38: {  	s10 =	sld [smem:$0x3FA6]  }
0x39: {  	_ = 	snop;
	(pc) =	sbr.ind lr, $3  }
0x3a: {  	_ = 	snop  }
0x3b: {  	_ = 	snop  }
0x3c: {  	p2 =	seq.s32 s10, $0x1;
	s10 =	sld [smem:$0x3FA5]  }
0x3d: {  	_ =	shalt  }
0x3e: {  	_ =	shalt  }
0x3f: {  	_ =	shalt  }
0x40: {  	_ =	shalt  }
0x41: {  	_ =	shalt  }
0x42: {  	_ =	shalt  }
0x43: {  	_ =	shalt  }
0x44: {  	_ =	shalt  }
0x45: {  	_ =	shalt  }
0x46: {  	_ =	shalt  }
0x47: {  	_ =	shalt  }
0x48: {  	_ =	shalt  }
0x49: {  	_ =	shalt  }
0x4a: {  	_ =	shalt  }
0x4b: {  	_ =	shalt  }
0x4c: {  	_ =	shalt  }
0x4d: {  	_ =	shalt  }
0x4e: {  	_ =	shalt  }
0x4f: {  	_ =	shalt  }
0x50: {  	_ =	shalt  }
0x51: {  	_ =	shalt  }
0x52: {  	_ =	shalt  }
0x53: {  	_ =	shalt  }
0x54: {  	_ =	shalt  }
0x55: {  	_ =	shalt  }
0x56: {  	_ =	shalt  }
0x57: {  	_ =	shalt  }
0x58: {  	_ =	shalt  }
0x59: {  	_ =	shalt  }
0x5a: {  	_ =	shalt  }
0x5b: {  	_ =	shalt  }
0x5c: {  	_ =	shalt  }
0x5d: {  	_ =	shalt  }
0x5e: {  	_ =	shalt  }
0x5f: {  	_ =	shalt  }
0x60: {  	_ =	shalt  }
0x61: {  	_ =	shalt  }
0x62: {  	_ =	shalt  }
0x63: {  	_ =	shalt  }
0x64: {  	_ =	shalt  }
0x65: {  	_ =	shalt  }
0x66: {  	_ =	shalt  }
0x67: {  	_ =	shalt  }
0x68: {  	_ =	shalt  }
0x69: {  	_ =	shalt  }
0x6a: {  	_ =	shalt  }
0x6b: {  	_ =	shalt  }
0x6c: {  	_ =	shalt  }
0x6d: {  	_ =	shalt  }
0x6e: {  	_ =	shalt  }
0x6f: {  	_ =	shalt  }
0x70: {  	_ =	shalt  }
0x71: {  	_ =	shalt  }
0x72: {  	_ =	shalt  }
0x73: {  	_ =	shalt  }
0x74: {  	_ =	shalt  }
0x75: {  	_ =	shalt  }
0x76: {  	_ =	shalt  }
0x77: {  	_ =	shalt  }
0x78: {  	_ =	shalt  }
0x79: {  	_ =	shalt  }
0x7a: {  	_ =	shalt  }
0x7b: {  	_ =	shalt  }
0x7c: {  	_ =	shalt  }
0x7d: {  	_ =	shalt  }
0x7e: {  	_ =	shalt  }
0x7f: {  	_ =	shalt  }
0x80: {  	_ =	shalt  }
0x81: {  	_ =	shalt  }
0x82: {  	_ =	shalt  }
0x83: {  	_ =	shalt  }
0x84: {  	_ =	shalt  }
0x85: {  	_ =	shalt  }
0x86: {  	_ =	shalt  }
0x87: {  	_ =	shalt  }
.Lfunc_end0:
.L_simem_size_0:
called_computation_lowered:
.L_overlay_start_0:
0x88: {  	s2 =	sld [smem:$0x3FD9]  }
0x89: {  	s3 =	sld [smem:$0x3FFE];
	_ =	sdelay $0x1  }
0x8a: {  	s1 =	srdreg.scid  }
0x8b: {  	s0 =	sand.u32 $0x1, s1  }
0x8c: {  	s17 =	sshll.u32 s0, $0xA;
	s2 =	sadd.s32 s3, s2  }
0x8d: {  	s2 =	sadd.s32 s2, s17  }
0x8e: {  	[smem:$0x3FB1] =	sst s2  }
0x8f: {  	_ = 	snop  }
0x90: {  	s2 =	sld [smem:$0x3FC7];
	(tm) =	ssettm $0x1  }
0x91: {  	s18 =	sld [smem:$0x3FFB];
	_ =	sdelay $0x3  }
0x92: {  	_ =	strace s18  }
0x93: {  	s3 =	sld [smem:$0x3FFC];
	_ =	sdelay $0x3  }
0x94: {  	_ =	strace s3  }
0x95: {  	s3 =	sld [smem:$0x3FFD];
	_ =	sdelay $0x3  }
0x96: {  	_ =	strace s3  }
0x97: {  	_ =	strace $0x8FFFFFFF  }
0x98: {  	s19 =	sld [smem:$0x3FDB];
	_ =	sdelay $0x1  }
0x99: {  	s4 =	simm.s32 $_scs_section_size  }
0x9a: {  	s5 =	simm.s32 $_size__tile_overlayer_lowered;
	s6 =	simm.s32 $_tile_overlayer_lowered  }
0x9b: {  	s22 =	simm.s32 $0x1BFF;
	s21 =	sshll.u32 s6, $0x1;
	s3 =	sadd.s32 s4, s19  }
0x9c: {  	s7 =	simm.s32 $0x0;
	s20 =	sshll.u32 s5, $0x1;
	s5 =	sadd.s32 s21, s3  }
0x9d: {  	[timem:s7], [sflag:s22] =	dma.local [hbm:s5], s20  }
0x9e: {  	_ =	swait.ge [sflag:s22], s20  }
0x9f: {  	s4 =	ssub.s32 $0x0, s20;
	[sflag:s22] =	ssyncset.done $0x0  }
0xa0: {  	[sflag:s22] =	ssyncadd.s32 s4;
	_ =	sdelay $0x1  }
0xa1: {  	s23 =	simm.s32 $0x1B8B  }
0xa2: {  	_ =	swait.ge [sflag:s23], $0x1  }
0xa3: {  	[sflag:s23] =	ssyncset.done $0x0  }
0xa4: {  	s25 =	simm.s32 $0x1B8E;
	s24 =	sld [smem:$0x3FFE];
	[sflag:s23] =	ssyncadd.s32 $0xFFFFFFFF  }
0xa5: {  	s26 =	simm.s32 $execute0_lowered;
	[smem:$0x3FD2] =	sst s25  }
0xa6: {  	s5 =	sshll.u32 s26, $0x1;
	_ =	strace $0x80000046;
	[dreg:$0x1] =	wrdreg $0xFFFFFFFF  }
0xa7: {  	s28 =	simm.s32 $_size_execute0_lowered;
	s3 =	sadd.s32 s3, s5;
	[dreg:$0x0] =	wrdreg $0x0  }
0xa8: {  	s5 =	sshll.u32 s28, $0x1;
	[dreg:$0x2] =	wrdreg s3  }
0xa9: {  	[dreg:$0x3] =	wrdreg s5  }
0xaa: {  	[dreg:$0x4] =	wrdreg $0xC0  }
0xab: {  	_ =	task [dreg:s7], $0x5FFFF  }
0xac: {  	[dreg:$0x1] =	wrdreg $0xFFFFFFFF  }
0xad: {  	[dreg:$0x0] =	wrdreg $0x60  }
0xae: {  	[dreg:$0x2] =	wrdreg s24  }
0xaf: {  	[dreg:$0x3] =	wrdreg s2  }
0xb0: {  	[dreg:$0x4] =	wrdreg $0x9  }
0xb1: {  	_ =	task.clear_ibuf [dreg:s7], $0x5FFFF;
	_ =	strace $0x90000046  }
0xb2: {  	s29 =	simm.s32 $0x9;
	_ =	strace $0x80000048  }
0xb3: {  	_ =	swait.ge [sflag:s29], $0x1  }
0xb4: {  	[sflag:s29] =	ssyncadd.s32 $0xFFFFFFFF  }
0xb5: {  	_ =	strace $0x90000048  }
0xb6: {  	_ =	sfence  }
0xb7: {  	s30 =	sld [smem:$0x0];
	_ =	sdelay $0x2  }
0xb8: {  	s31 =	sshll.u32 s1, $0xD;
	s1 =	sshrl.u32 s1, $0x2  }
0xb9: {  	s3 =	sand.u32 $0x4000, s31;
	s1 =	sadd.s32 s1, s30  }
0xba: {  	s0 =	sor.u32 s3, s0;
	s1 =	sshll.u32 s1, $0x11  }
0xbb: {  	s0 =	sor.u32 s1, s0  }
0xbc: {  	s0 =	sadd.s32 $0x8F2B, s0  }
0xbd: {  	[sflag:s0] =	ssyncadd.remote.s32 $0x1  }
0xbe: {  	_ =	sfence.sel $0xFFFF  }
0xbf: {  	[dreg:$0x0] =	wrdreg $0xFFFFFFFF;
	(pc) =	sbr.abs _section_cstart, $3  }
0xc0: {  	[dreg:$0x1] =	wrdreg $0xFFFFFFFF  }
0xc1: {  	_ =	task.clear_ibuf [dreg:s7], $0x2FFFF;
	_ =	strace $0x9FFFFFFF  }
0xc2: {  	(tm) =	ssettm $0x7FFFFFFF  }
0xc3: {  	_ =	shalt  }
tec
execute0_lowered:
.L_overlay_start_1:
0x0: {  	(tag) =	ssettag $0x1  }
0x1: {  	s8 =	rddreg [dreg:$0x0]  }
0x2: {  	s1 =	rddreg [dreg:$0x1]  }
0x3: {  	s0 =	rddreg [dreg:$0x2]  }
0x4: {  	s2 =	simm.s32 $0x0;
	s3 =	srdreg.scid;
	s4 =	stileid.u32  }
0x5: {  	s11 =	simm.s32 $0x2;
	s12 =	simm.s32 $0x1A00;
	s13 =	simm.s32 $0x2680  }
0x6: {  	s14 =	simm.s32 $0x3300;
	s15 =	simm.s32 $0x3F80;
	s16 =	simm.s32 $0x4050  }
.Ltmp0:
0x7: {  	s17 =	simm.s32 $0x1;
	s3 =	sand.u32 $0x1, s3;
	(pc) =	sbr.rel .LBB2_1-.Ltmp0, $4  }
0x8: {  	s18 =	simm.s32 $0x0;
	[smem:$0x7FF] =	sst s2;
	s9 =	ssub.s32 $0x2, s3  }
0x9: {  	s5 =	sadd.s32 $0x2C00, s8;
	s6 =	sadd.s32 $0x20400, s8;
	s10 =	sshrl.u32 s9, $0x1  }
0xa: {  	s7 =	sadd.s32 $0x16600, s8;
	s8 =	sadd.s32 $0x2A200, s8;
	s10 =	ssub.s32 s9, s10  }
0xb: {  	v0 =	vimm.f32 $0.0e+00;
	_ =	strace $0x80000047;
	s9 =	sshll.u32 s4, $0x1;
	s10 =	smax.u32 s10, $0x1  }
.LBB2_17:
0xc: {  	s18 =	sadd.s32 $0x1, s18  }
0xd: {  	p0 =	sne.s32 s18, s10  }
.Ltmp1:
0xe: {  	_ = 	snop;
	(pc) =	sbr.rel @!p0 .LBB2_18-.Ltmp1, $1  }
0xf: {  	_ =	sdelay $0x3  }
.LBB2_1:
.Ltmp2:
0x10: {  	(pc) =	sbr.rel .LBB2_2-.Ltmp2, $2  }
0x11: {  	_ =	sdelay $0x2  }
0x12: {  	s19 =	simm.s32 $0x0  }
.LBB2_16:
0x13: {  	s19 =	sadd.s32 $0x1, s19  }
0x14: {  	p0 =	sne.s32 s19, $0x4  }
.Ltmp3:
0x15: {  	_ = 	snop;
	(pc) =	sbr.rel @!p0 .LBB2_17-.Ltmp3, $1  }
0x16: {  	_ =	sdelay $0x3  }
.LBB2_2:
0x17: {  	s20 =	sshll.u32 s19, $0x5  }
0x18: {  	s20 =	sor.u32 s9, s20  }
0x19: {  	p0 =	sgt.u32 s20, $0x63  }
.Ltmp4:
0x1a: {  	_ = 	snop;
	(pc) =	sbr.rel @p0 .LBB2_16-.Ltmp4, $1  }
0x1b: {  	_ =	sdelay $0x3  }
0x1c: {  	s21 =	sor.u32 s3, s20  }
0x1d: {  	s20 =	smul.u32 $0x320, s21;
	_ =	sdelay $0x1  }
0x1e: {  	s23 =	simm.s32 $0x0;
	s22 =	sadd.s32 s5, s20  }
0x1f: {  	s24 =	simm.s32 $0x19;
	s25 =	simm.s32 $0xD0;
	s26 =	sadd.s32 $0x0, s22  }
.LBB2_4:
0x20: {  	[tilespmem:s23], [sflag:$0x2] =	stream.linear.gather [hbm4b:s26+s2], $0xC8, $0x38;
	[tilespmem:$0x5A50] =	vst v63  }
0x21: {  	s26 =	smov.u32 s24;
	s23 =	smov.u32 s25;
	p0 =	sne.s32 s24, $0x307  }
.Ltmp5:
0x22: {  	s24 =	sadd.s32 $0x19, s24;
	(pc) =	sbr.rel @p0 .LBB2_4-.Ltmp5, $2  }
0x23: {  	_ =	sdelay $0x2  }
0x24: {  	s25 =	sadd.s32 $0xD0, s25;
	s26 =	sadd.s32 s26, s22  }
0x25: {  	[tilespmem:s23], [sflag:$0x2] =	stream.linear.gather [hbm4b:s26+s2], $0xC8, $0x38;
	[tilespmem:$0x5A50] =	vst v63  }
0x26: {  	s30 =	smul.u32 $0x190, s21;
	_ =	swait.ge [sflag:s11], $0x1900  }
0x27: {  	[sflag:s11] =	ssyncset.done $0x0  }
0x28: {  	s22 =	simm.s32 $0x0;
	s24 =	sadd.s32 s6, s30;
	[sflag:s11] =	ssyncadd.s32 $0xFFFFE700  }
0x29: {  	[tilespmem:s12], [sflag:$0x2] =	stream.linear.gather [hbm4b:s24+s22], $0xC80, $0x38;
	[tilespmem:$0x5A50] =	vst v63  }
0x2a: {  	_ =	swait.ge [sflag:s11], $0xC80  }
0x2b: {  	[sflag:s11] =	ssyncset.done $0x0  }
0x2c: {  	s31 =	sadd.s32 s7, s30;
	[sflag:s11] =	ssyncadd.s32 $0xFFFFF380  }
0x2d: {  	[tilespmem:s13], [sflag:$0x2] =	stream.linear.gather [hbm4b:s31+s22], $0xC80, $0x38;
	[tilespmem:$0x5A50] =	vst v63  }
0x2e: {  	_ =	swait.ge [sflag:s11], $0xC80  }
0x2f: {  	[sflag:s11] =	ssyncset.done $0x0  }
0x30: {  	s23 =	sadd.s32 s1, s30;
	[sflag:s11] =	ssyncadd.s32 $0xFFFFF380  }
0x31: {  	[tilespmem:s14], [sflag:$0x2] =	stream.linear.gather [hbm4b:s23+s22], $0xC80, $0x38;
	[tilespmem:$0x5A50] =	vst v63  }
0x32: {  	_ =	swait.ge [sflag:s11], $0xC80  }
0x33: {  	[sflag:s11] =	ssyncset.done $0x0  }
0x34: {  	[sflag:s11] =	ssyncadd.s32 $0xFFFFF380  }
.LBB2_6:
0x35: {  	p0 =	seq.s32 s22, $0x300  }
.Ltmp6:
0x36: {  	_ = 	snop;
	(pc) =	sbr.rel @!p0 .LBB2_6-.Ltmp6, $3  }
0x37: {  	_ =	sdelay $0x1  }
0x38: {  	s23 =	sshra.s32 s22, $0x2  }
0x39: {  	s22 =	sadd.s32 $0x40, s22;
	[tilespmem:s23+$0x3F80] =	vst v0  }
0x3a: {  	s22 =	simm.s32 $0xFFFFFF30;
	s23 =	simm.s32 $0xFFFFFD00  }
.LBB2_8:
0x3b: {  	p0 =	seq.s32 s23, $0xFFFFFFC0;
	[tilespmem:s22+$0x5A50] =	vst v0  }
0x3c: {  	[tilespmem:s22+$0x4120] =	vst v0  }
0x3d: {  	[tilespmem:s22+$0x41F0] =	vst v0  }
0x3e: {  	[tilespmem:s22+$0x42C0] =	vst v0  }
0x3f: {  	[tilespmem:s22+$0x4390] =	vst v0  }
0x40: {  	[tilespmem:s22+$0x4460] =	vst v0  }
0x41: {  	[tilespmem:s22+$0x4530] =	vst v0  }
0x42: {  	[tilespmem:s22+$0x4600] =	vst v0  }
0x43: {  	[tilespmem:s22+$0x46D0] =	vst v0  }
0x44: {  	[tilespmem:s22+$0x47A0] =	vst v0  }
0x45: {  	[tilespmem:s22+$0x4870] =	vst v0  }
0x46: {  	[tilespmem:s22+$0x4940] =	vst v0  }
0x47: {  	[tilespmem:s22+$0x4A10] =	vst v0  }
0x48: {  	[tilespmem:s22+$0x4AE0] =	vst v0  }
0x49: {  	[tilespmem:s22+$0x4BB0] =	vst v0  }
0x4a: {  	[tilespmem:s22+$0x4C80] =	vst v0  }
0x4b: {  	[tilespmem:s22+$0x4D50] =	vst v0  }
0x4c: {  	[tilespmem:s22+$0x4E20] =	vst v0  }
0x4d: {  	[tilespmem:s22+$0x4EF0] =	vst v0  }
0x4e: {  	[tilespmem:s22+$0x4FC0] =	vst v0  }
0x4f: {  	[tilespmem:s22+$0x5090] =	vst v0  }
0x50: {  	[tilespmem:s22+$0x5160] =	vst v0  }
0x51: {  	[tilespmem:s22+$0x5230] =	vst v0  }
0x52: {  	[tilespmem:s22+$0x5300] =	vst v0  }
0x53: {  	[tilespmem:s22+$0x53D0] =	vst v0  }
0x54: {  	[tilespmem:s22+$0x54A0] =	vst v0  }
0x55: {  	[tilespmem:s22+$0x5570] =	vst v0  }
.Ltmp7:
0x56: {  	[tilespmem:s22+$0x5640] =	vst v0;
	(pc) =	sbr.rel @!p0 .LBB2_8-.Ltmp7, $4  }
0x57: {  	[tilespmem:s22+$0x5710] =	vst v0  }
0x58: {  	[tilespmem:s22+$0x57E0] =	vst v0  }
0x59: {  	[tilespmem:s22+$0x58B0] =	vst v0  }
0x5a: {  	[tilespmem:s22+$0x5980] =	vst v0;
	s22 =	sshra.s32 s23, $0x2;
	s23 =	sadd.s32 $0x40, s23  }
0x5b: {  	[tilespmem:s22+$0x5A50] =	vst v0  }
0x5c: {  	[tilespmem:s22+$0x4120] =	vst v0  }
0x5d: {  	[tilespmem:s22+$0x41F0] =	vst v0  }
0x5e: {  	[tilespmem:s22+$0x42C0] =	vst v0  }
0x5f: {  	[tilespmem:s22+$0x4390] =	vst v0  }
0x60: {  	[tilespmem:s22+$0x4460] =	vst v0  }
0x61: {  	[tilespmem:s22+$0x4530] =	vst v0  }
0x62: {  	[tilespmem:s22+$0x4600] =	vst v0  }
0x63: {  	[tilespmem:s22+$0x46D0] =	vst v0  }
0x64: {  	[tilespmem:s22+$0x47A0] =	vst v0  }
0x65: {  	[tilespmem:s22+$0x4870] =	vst v0  }
0x66: {  	[tilespmem:s22+$0x4940] =	vst v0  }
0x67: {  	[tilespmem:s22+$0x4A10] =	vst v0  }
0x68: {  	[tilespmem:s22+$0x4AE0] =	vst v0  }
0x69: {  	[tilespmem:s22+$0x4BB0] =	vst v0  }
0x6a: {  	[tilespmem:s22+$0x4C80] =	vst v0  }
0x6b: {  	[tilespmem:s22+$0x4D50] =	vst v0  }
0x6c: {  	[tilespmem:s22+$0x4E20] =	vst v0  }
0x6d: {  	[tilespmem:s22+$0x4EF0] =	vst v0  }
0x6e: {  	[tilespmem:s22+$0x4FC0] =	vst v0  }
0x6f: {  	[tilespmem:s22+$0x5090] =	vst v0  }
0x70: {  	[tilespmem:s22+$0x5160] =	vst v0  }
0x71: {  	[tilespmem:s22+$0x5230] =	vst v0  }
0x72: {  	[tilespmem:s22+$0x5300] =	vst v0  }
0x73: {  	[tilespmem:s22+$0x53D0] =	vst v0  }
0x74: {  	[tilespmem:s22+$0x54A0] =	vst v0  }
0x75: {  	[tilespmem:s22+$0x5570] =	vst v0  }
0x76: {  	[tilespmem:s22+$0x5640] =	vst v0  }
0x77: {  	[tilespmem:s22+$0x5710] =	vst v0  }
0x78: {  	[tilespmem:s22+$0x57E0] =	vst v0  }
0x79: {  	[tilespmem:s22+$0x58B0] =	vst v0  }
0x7a: {  	[tilespmem:s22+$0x5980] =	vst v0;
	s23 =	simm.s32 $0x0  }
0x7b: {  	v1 =	vld [tilespmem:s23+$0x3300];
	_ =	sdelay $0x3  }
0x7c: {  	s22 =	simm.s32 $0x10  }
0x7d: {  	v2 =	vld [tilespmem:s22+$0x3300];
	v1 =	vmul.f32 $1.442695020e+00, v1  }
0x7e: {  	v3 =	vld [tilespmem:s23+$0x2680]  }
0x7f: {  	(erf) = vpow2.f32 v1  }
0x80: {  	s21 =	smul.u32 $0xC8, s21;
	_ =	sdelay $0x1  }
0x81: {  	v13 =	vmov s21;
	v4 =	vmul.f32 $1.442695020e+00, v2  }
0x82: {  	s21 =	simm.s32 $0x20;
	v5 =	vsub.s32 v3, v13;
	v2 =	vld [tilespmem:s22+$0x2680]  }
0x83: {  	v1 =	vand.u32 $0xFFFFFFF8, v5;
	v5 =	vand.u32 $0x7, v3;
	v3 =	vld [tilespmem:s21+$0x3300];
	(erf) = vpow2.f32 v4  }
0x84: {  	v1 =	vor.u32 v5, v1  }
0x85: {  	s28 =	simm.s32 $0xC0  }
0x86: {  	s25 =	simm.s32 $0x20;
	s26 =	simm.s32 $0x0;
	s24 =	simm.s32 $0x10  }
.LBB2_10:
0x87: {  	s29 =	sshra.s32 s28, $0x2;
	v4 =	vld [tilespmem:s25+$0x2680];
	v5 =	vpop (erf);
	p0 =	sne.s32 s28, $0x31C0  }
.Ltmp8:
0x88: {  	v6 =	vmul.f32 $1.442695020e+00, v3;
	v7 =	vsub.s32 v2, v13;
	v3 =	vld [tilespmem:s29+$0x3300];
	[tilespmem:s26+$0x3300] =	vst v5;
	s26 =	smov.u32 s24;
	s24 =	smov.u32 s25;
	(pc) =	sbr.rel @p0 .LBB2_10-.Ltmp8, $3  }
0x89: {  	s28 =	sadd.s32 $0x40, s28;
	v2 =	vand.u32 $0x7, v2;
	v7 =	vand.u32 $0xFFFFFFF8, v7;
	s25 =	smov.u32 s29;
	[tilespmem:v1+s15+$0x0] =	vst.idx.add.f32.msk $0xffff, v5  }
0x8a: {  	v1 =	vor.u32 v2, v7;
	(erf) = vpow2.f32 v6;
	_ =	sdelay $0x1  }
0x8b: {  	v2 =	vmov v4  }
0x8c: {  	v3 =	vmul.f32 $1.442695020e+00, v3  }
0x8d: {  	v4 =	vld [tilespmem:s25+$0x2680]  }
0x8e: {  	(erf) = vpow2.f32 v3;
	_ =	sdelay $0x1  }
0x8f: {  	v3 =	vsub.s32 v2, v13  }
0x90: {  	v2 =	vand.u32 $0x7, v2;
	v3 =	vand.u32 $0xFFFFFFF8, v3  }
0x91: {  	v2 =	vor.u32 v2, v3;
	v3 =	vsub.s32 v4, v13  }
0x92: {  	v5 =	vpop (erf);
	v4 =	vand.u32 $0x7, v4;
	v3 =	vand.u32 $0xFFFFFFF8, v3  }
0x93: {  	[tilespmem:s26+$0x3300] =	vst v5;
	v3 =	vor.u32 v4, v3  }
0x94: {  	[tilespmem:v1+s15+$0x0] =	vst.idx.add.f32.msk $0xffff, v5;
	v1 =	vpop (erf)  }
0x95: {  	[tilespmem:s24+$0x3300] =	vst v1  }
0x96: {  	[tilespmem:v2+s15+$0x0] =	vst.idx.add.f32.msk $0xffff, v1;
	v1 =	vpop (erf)  }
0x97: {  	[tilespmem:s25+$0x3300] =	vst v1  }
0x98: {  	[tilespmem:v3+s15+$0x0] =	vst.idx.add.f32.msk $0xffff, v1  }
0x99: {  	v1 =	vld [tilespmem:s23+$0x2680];
	_ =	sdelay $0x4  }
0x9a: {  	v2 =	vsub.s32 v1, v13  }
0x9b: {  	v1 =	vand.u32 $0x7, v1;
	v2 =	vand.u32 $0xFFFFFFF8, v2  }
0x9c: {  	v1 =	vor.u32 v1, v2;
	_ =	sdelay $0x4  }
0x9d: {  	v2 =	vld.idx.msk [tilespmem:v1+s15+$0x0], $0xffff  }
0x9e: {  	v3 =	vld [tilespmem:s23+$0x1A00];
	_ =	sdelay $0x3  }
0x9f: {  	v2 =	vmax.f32 v2, $1.000000020e-16  }
0xa0: {  	v4 =	vsub.s32 v3, v13;
	(erf) = vrcp.f32 v2  }
0xa1: {  	v3 =	vand.u32 $0x7, v3;
	v2 =	vand.u32 $0xFFFFFFF8, v4  }
0xa2: {  	v9 =	vor.u32 v3, v2;
	_ =	sdelay $0x2  }
0xa3: {  	v2 =	vld [tilespmem:s23+$0x3300];
	_ =	sdelay $0x1  }
0xa4: {  	v3 =	vld.idx.msk [tilespmem:v9+s2+$0x0], $0xffff;
	_ =	sdelay $0x1  }
0xa5: {  	v4 =	vpop (erf)  }
0xa6: {  	v2 =	vmul.f32 v4, v2;
	v4 =	vadd.s32 $0xD0, v9;
	_ =	sdelay $0x1  }
0xa7: {  	v3 =	vmul.f32 v2, v3;
	_ =	sdelay $0x1  }
0xa8: {  	[tilespmem:v1+s16+$0x0] =	vst.idx.add.f32.msk $0xffff, v3  }
0xa9: {  	v3 =	vld.idx.msk [tilespmem:v4+s2+$0x0], $0xffff;
	_ =	sdelay $0x1  }
0xaa: {  	v4 =	vadd.s32 $0xD0, v1  }
0xab: {  	v5 =	vadd.s32 $0x1A0, v9;
	_ =	sdelay $0x1  }
0xac: {  	v3 =	vmul.f32 v3, v2;
	_ =	sdelay $0x1  }
0xad: {  	[tilespmem:v4+s16+$0x0] =	vst.idx.add.f32.msk $0xffff, v3  }
0xae: {  	v3 =	vld.idx.msk [tilespmem:v5+s2+$0x0], $0xffff;
	_ =	sdelay $0x1  }
0xaf: {  	v4 =	vadd.s32 $0x1A0, v1  }
0xb0: {  	v5 =	vadd.s32 $0x270, v9;
	_ =	sdelay $0x1  }
0xb1: {  	v3 =	vmul.f32 v3, v2;
	_ =	sdelay $0x1  }
0xb2: {  	[tilespmem:v4+s16+$0x0] =	vst.idx.add.f32.msk $0xffff, v3  }
0xb3: {  	v3 =	vld.idx.msk [tilespmem:v5+s2+$0x0], $0xffff;
	_ =	sdelay $0x1  }
0xb4: {  	v4 =	vadd.s32 $0x270, v1  }
0xb5: {  	v5 =	vadd.s32 $0x340, v9;
	_ =	sdelay $0x1  }
0xb6: {  	v3 =	vmul.f32 v3, v2;
	_ =	sdelay $0x1  }
0xb7: {  	[tilespmem:v4+s16+$0x0] =	vst.idx.add.f32.msk $0xffff, v3  }
0xb8: {  	v3 =	vld.idx.msk [tilespmem:v5+s2+$0x0], $0xffff;
	_ =	sdelay $0x1  }
0xb9: {  	v4 =	vld [tilespmem:s22+$0x2680];
	v5 =	vadd.s32 $0x340, v1  }
0xba: {  	v6 =	vadd.s32 $0x410, v9;
	_ =	sdelay $0x1  }
0xbb: {  	v3 =	vmul.f32 v3, v2;
	_ =	sdelay $0x1  }
0xbc: {  	v7 =	vsub.s32 v4, v13;
	[tilespmem:v5+s16+$0x0] =	vst.idx.add.f32.msk $0xffff, v3  }
0xbd: {  	v3 =	vand.u32 $0x7, v4;
	v4 =	vand.u32 $0xFFFFFFF8, v7;
	v5 =	vld.idx.msk [tilespmem:v6+s2+$0x0], $0xffff  }
0xbe: {  	v3 =	vor.u32 v3, v4  }
0xbf: {  	v4 =	vadd.s32 $0x410, v1  }
0xc0: {  	v6 =	vadd.s32 $0x4E0, v9;
	_ =	sdelay $0x1  }
0xc1: {  	v7 =	vld [tilespmem:s22+$0x1A00];
	v5 =	vmul.f32 v5, v2  }
0xc2: {  	v8 =	vld.idx.msk [tilespmem:v3+s15+$0x0], $0xffff  }
0xc3: {  	[tilespmem:v4+s16+$0x0] =	vst.idx.add.f32.msk $0xffff, v5  }
0xc4: {  	v4 =	vld.idx.msk [tilespmem:v6+s2+$0x0], $0xffff;
	_ =	sdelay $0x1  }
0xc5: {  	v6 =	vadd.s32 $0x4E0, v1  }
0xc6: {  	v10 =	vadd.s32 $0x5B0, v9  }
0xc7: {  	v5 =	vmax.f32 v8, $1.000000020e-16  }
0xc8: {  	v8 =	vsub.s32 v7, v13;
	(erf) = vrcp.f32 v5;
	v4 =	vmul.f32 v4, v2  }
0xc9: {  	v7 =	vand.u32 $0x7, v7;
	v5 =	vand.u32 $0xFFFFFFF8, v8  }
0xca: {  	v5 =	vor.u32 v7, v5;
	[tilespmem:v6+s16+$0x0] =	vst.idx.add.f32.msk $0xffff, v4  }
0xcb: {  	v4 =	vld.idx.msk [tilespmem:v10+s2+$0x0], $0xffff;
	_ =	sdelay $0x1  }
0xcc: {  	v7 =	vadd.s32 $0x5B0, v1;
	v6 =	vld [tilespmem:s22+$0x3300]  }
0xcd: {  	v8 =	vadd.s32 $0x680, v9  }
0xce: {  	v10 =	vld.idx.msk [tilespmem:v5+s2+$0x0], $0xffff  }
0xcf: {  	v11 =	vmul.f32 v4, v2  }
0xd0: {  	v4 =	vpop (erf)  }
0xd1: {  	v4 =	vmul.f32 v4, v6;
	v6 =	vadd.s32 $0xD0, v5;
	[tilespmem:v7+s16+$0x0] =	vst.idx.add.f32.msk $0xffff, v11  }
0xd2: {  	v7 =	vld.idx.msk [tilespmem:v8+s2+$0x0], $0xffff  }
0xd3: {  	v8 =	vmul.f32 v4, v10  }
0xd4: {  	v10 =	vadd.s32 $0x680, v1  }
0xd5: {  	[tilespmem:v3+s16+$0x0] =	vst.idx.add.f32.msk $0xffff, v8;
	v8 =	vadd.s32 $0x750, v9  }
0xd6: {  	v6 =	vld.idx.msk [tilespmem:v6+s2+$0x0], $0xffff  }
0xd7: {  	v7 =	vmul.f32 v7, v2  }
0xd8: {  	v11 =	vadd.s32 $0xD0, v3  }
0xd9: {  	v12 =	vadd.s32 $0x1A0, v5;
	[tilespmem:v10+s16+$0x0] =	vst.idx.add.f32.msk $0xffff, v7  }
0xda: {  	v7 =	vld.idx.msk [tilespmem:v8+s2+$0x0], $0xffff  }
0xdb: {  	v6 =	vmul.f32 v6, v4  }
0xdc: {  	v8 =	vadd.s32 $0x750, v1  }
0xdd: {  	[tilespmem:v11+s16+$0x0] =	vst.idx.add.f32.msk $0xffff, v6;
	v6 =	vadd.s32 $0x820, v9  }
0xde: {  	v10 =	vld.idx.msk [tilespmem:v12+s2+$0x0], $0xffff  }
0xdf: {  	v7 =	vmul.f32 v7, v2  }
0xe0: {  	v11 =	vadd.s32 $0x1A0, v3  }
0xe1: {  	[tilespmem:v8+s16+$0x0] =	vst.idx.add.f32.msk $0xffff, v7;
	v7 =	vadd.s32 $0x270, v5  }
0xe2: {  	v6 =	vld.idx.msk [tilespmem:v6+s2+$0x0], $0xffff  }
0xe3: {  	v8 =	vmul.f32 v10, v4  }
0xe4: {  	v10 =	vadd.s32 $0x820, v1  }
0xe5: {  	[tilespmem:v11+s16+$0x0] =	vst.idx.add.f32.msk $0xffff, v8;
	v8 =	vadd.s32 $0x8F0, v9  }
0xe6: {  	v7 =	vld.idx.msk [tilespmem:v7+s2+$0x0], $0xffff  }
0xe7: {  	v6 =	vmul.f32 v6, v2  }
0xe8: {  	v11 =	vadd.s32 $0x270, v3  }
0xe9: {  	[tilespmem:v10+s16+$0x0] =	vst.idx.add.f32.msk $0xffff, v6;
	v6 =	vadd.s32 $0x340, v5  }
0xea: {  	v8 =	vld.idx.msk [tilespmem:v8+s2+$0x0], $0xffff  }
0xeb: {  	v7 =	vmul.f32 v7, v4  }
0xec: {  	v10 =	vadd.s32 $0x8F0, v1  }
0xed: {  	[tilespmem:v11+s16+$0x0] =	vst.idx.add.f32.msk $0xffff, v7;
	v7 =	vadd.s32 $0x9C0, v9  }
0xee: {  	v6 =	vld.idx.msk [tilespmem:v6+s2+$0x0], $0xffff  }
0xef: {  	v11 =	vld [tilespmem:s21+$0x2680];
	v8 =	vmul.f32 v8, v2  }
0xf0: {  	v12 =	vadd.s32 $0x340, v3  }
0xf1: {  	[tilespmem:v10+s16+$0x0] =	vst.idx.add.f32.msk $0xffff, v8;
	v8 =	vadd.s32 $0x410, v5  }
0xf2: {  	v7 =	vld.idx.msk [tilespmem:v7+s2+$0x0], $0xffff  }
0xf3: {  	v6 =	vmul.f32 v6, v4  }
0xf4: {  	v14 =	vadd.s32 $0x9C0, v1;
	v10 =	vsub.s32 v11, v13  }
0xf5: {  	v11 =	vand.u32 $0x7, v11;
	v10 =	vand.u32 $0xFFFFFFF8, v10;
	[tilespmem:v12+s16+$0x0] =	vst.idx.add.f32.msk $0xffff, v6;
	v12 =	vadd.s32 $0xA90, v9  }
0xf6: {  	v6 =	vor.u32 v11, v10;
	v8 =	vld.idx.msk [tilespmem:v8+s2+$0x0], $0xffff  }
0xf7: {  	v7 =	vmul.f32 v7, v2  }
0xf8: {  	v10 =	vadd.s32 $0x410, v3  }
0xf9: {  	[tilespmem:v14+s16+$0x0] =	vst.idx.add.f32.msk $0xffff, v7;
	v7 =	vadd.s32 $0x4E0, v5  }
0xfa: {  	v11 =	vld.idx.msk [tilespmem:v12+s2+$0x0], $0xffff  }
0xfb: {  	v12 =	vld.idx.msk [tilespmem:v6+s15+$0x0], $0xffff;
	v8 =	vmul.f32 v8, v4  }
0xfc: {  	v15 =	vadd.s32 $0xA90, v1;
	v14 =	vld [tilespmem:s21+$0x1A00]  }
0xfd: {  	[tilespmem:v10+s16+$0x0] =	vst.idx.add.f32.msk $0xffff, v8;
	v8 =	vadd.s32 $0xB60, v9  }
0xfe: {  	v7 =	vld.idx.msk [tilespmem:v7+s2+$0x0], $0xffff  }
0xff: {  	v10 =	vmul.f32 v11, v2  }
0x100: {  	v11 =	vmax.f32 v12, $1.000000020e-16;
	v12 =	vadd.s32 $0x4E0, v3  }
0x101: {  	v16 =	vsub.s32 v14, v13;
	[tilespmem:v15+s16+$0x0] =	vst.idx.add.f32.msk $0xffff, v10;
	v10 =	vadd.s32 $0x5B0, v5  }
0x102: {  	v14 =	vand.u32 $0x7, v14;
	(erf) = vrcp.f32 v11;
	v11 =	vand.u32 $0xFFFFFFF8, v16;
	v15 =	vld.idx.msk [tilespmem:v8+s2+$0x0], $0xffff  }
0x103: {  	v8 =	vor.u32 v14, v11;
	v7 =	vmul.f32 v7, v4  }
0x104: {  	v14 =	vadd.s32 $0xB60, v1  }
0x105: {  	[tilespmem:v12+s16+$0x0] =	vst.idx.add.f32.msk $0xffff, v7  }
0x106: {  	v7 =	vadd.s32 $0xC30, v9;
	v10 =	vld.idx.msk [tilespmem:v10+s2+$0x0], $0xffff  }
0x107: {  	v11 =	vld [tilespmem:s21+$0x3300];
	v12 =	vmul.f32 v15, v2  }
0x108: {  	v16 =	vadd.s32 $0x5B0, v3;
	v15 =	vld.idx.msk [tilespmem:v8+s2+$0x0], $0xffff  }
0x109: {  	[tilespmem:v14+s16+$0x0] =	vst.idx.add.f32.msk $0xffff, v12;
	v12 =	vadd.s32 $0x680, v5;
	_ =	sdelay $0x1  }
0x10a: {  	v14 =	vpop (erf);
	v17 =	vld.idx.msk [tilespmem:v7+s2+$0x0], $0xffff;
	v10 =	vmul.f32 v10, v4  }
0x10b: {  	v7 =	vmul.f32 v14, v11;
	v11 =	vadd.s32 $0xD0, v8  }
0x10c: {  	v14 =	vadd.s32 $0xC30, v1;
	[tilespmem:v16+s16+$0x0] =	vst.idx.add.f32.msk $0xffff, v10  }
0x10d: {  	v15 =	vmul.f32 v7, v15;
	v10 =	vadd.s32 $0xD00, v9;
	v12 =	vld.idx.msk [tilespmem:v12+s2+$0x0], $0xffff;
	_ =	sdelay $0x1  }
0x10e: {  	v16 =	vadd.s32 $0x680, v3;
	[tilespmem:v6+s16+$0x0] =	vst.idx.add.f32.msk $0xffff, v15;
	v15 =	vmul.f32 v17, v2  }
0x10f: {  	v11 =	vld.idx.msk [tilespmem:v11+s2+$0x0], $0xffff;
	v17 =	vadd.s32 $0x750, v5  }
0x110: {  	[tilespmem:v14+s16+$0x0] =	vst.idx.add.f32.msk $0xffff, v15  }
0x111: {  	v14 =	vadd.s32 $0xD0, v6;
	v10 =	vld.idx.msk [tilespmem:v10+s2+$0x0], $0xffff;
	v12 =	vmul.f32 v12, v4  }
0x112: {  	v15 =	vadd.s32 $0x1A0, v8  }
0x113: {  	v18 =	vadd.s32 $0xD00, v1;
	[tilespmem:v16+s16+$0x0] =	vst.idx.add.f32.msk $0xffff, v12  }
0x114: {  	v11 =	vmul.f32 v11, v7;
	v12 =	vadd.s32 $0xDD0, v9;
	v16 =	vld.idx.msk [tilespmem:v17+s2+$0x0], $0xffff;
	_ =	sdelay $0x1  }
0x115: {  	[tilespmem:v14+s16+$0x0] =	vst.idx.add.f32.msk $0xffff, v11;
	v11 =	vadd.s32 $0x750, v3;
	v10 =	vmul.f32 v10, v2  }
0x116: {  	v14 =	vld.idx.msk [tilespmem:v15+s2+$0x0], $0xffff;
	v15 =	vadd.s32 $0x820, v5  }
0x117: {  	[tilespmem:v18+s16+$0x0] =	vst.idx.add.f32.msk $0xffff, v10  }
0x118: {  	v10 =	vld.idx.msk [tilespmem:v12+s2+$0x0], $0xffff;
	v12 =	vadd.s32 $0x1A0, v6;
	v16 =	vmul.f32 v16, v4  }
0x119: {  	v17 =	vadd.s32 $0x270, v8  }
0x11a: {  	v18 =	vadd.s32 $0xDD0, v1;
	[tilespmem:v11+s16+$0x0] =	vst.idx.add.f32.msk $0xffff, v16  }
0x11b: {  	v11 =	vmul.f32 v14, v7;
	v14 =	vadd.s32 $0xEA0, v9;
	v15 =	vld.idx.msk [tilespmem:v15+s2+$0x0], $0xffff;
	_ =	sdelay $0x1  }
0x11c: {  	[tilespmem:v12+s16+$0x0] =	vst.idx.add.f32.msk $0xffff, v11;
	v10 =	vmul.f32 v10, v2;
	v11 =	vadd.s32 $0x820, v3  }
0x11d: {  	v16 =	vadd.s32 $0x8F0, v5;
	v12 =	vld.idx.msk [tilespmem:v17+s2+$0x0], $0xffff  }
0x11e: {  	[tilespmem:v18+s16+$0x0] =	vst.idx.add.f32.msk $0xffff, v10  }
0x11f: {  	v10 =	vld.idx.msk [tilespmem:v14+s2+$0x0], $0xffff;
	v14 =	vadd.s32 $0x270, v6;
	v15 =	vmul.f32 v15, v4  }
0x120: {  	v17 =	vadd.s32 $0x340, v8  }
0x121: {  	v19 =	vadd.s32 $0xEA0, v1;
	[tilespmem:v11+s16+$0x0] =	vst.idx.add.f32.msk $0xffff, v15  }
0x122: {  	s31 =	simm.s32 $0x30;
	v11 =	vmul.f32 v12, v7;
	v12 =	vadd.s32 $0xF70, v9;
	v15 =	vld.idx.msk [tilespmem:v16+s2+$0x0], $0xffff  }
0x123: {  	v18 =	vld [tilespmem:s31+$0x2680]  }
0x124: {  	[tilespmem:v14+s16+$0x0] =	vst.idx.add.f32.msk $0xffff, v11;
	v10 =	vmul.f32 v10, v2;
	v11 =	vadd.s32 $0x8F0, v3  }
0x125: {  	v16 =	vadd.s32 $0x9C0, v5;
	v14 =	vld.idx.msk [tilespmem:v17+s2+$0x0], $0xffff  }
0x126: {  	[tilespmem:v19+s16+$0x0] =	vst.idx.add.f32.msk $0xffff, v10  }
0x127: {  	v17 =	vadd.s32 $0x340, v6;
	v12 =	vld.idx.msk [tilespmem:v12+s2+$0x0], $0xffff;
	v10 =	vmul.f32 v15, v4  }
0x128: {  	v15 =	vadd.s32 $0x410, v8  }
0x129: {  	v19 =	vadd.s32 $0xF70, v1;
	[tilespmem:v11+s16+$0x0] =	vst.idx.add.f32.msk $0xffff, v10  }
0x12a: {  	v11 =	vmul.f32 v14, v7;
	v14 =	vadd.s32 $0x1040, v9;
	v16 =	vld.idx.msk [tilespmem:v16+s2+$0x0], $0xffff;
	_ =	sdelay $0x1  }
0x12b: {  	v20 =	vsub.s32 v18, v13;
	[tilespmem:v17+s16+$0x0] =	vst.idx.add.f32.msk $0xffff, v11;
	v11 =	vmul.f32 v12, v2;
	v12 =	vadd.s32 $0x9C0, v3  }
0x12c: {  	v10 =	vand.u32 $0x7, v18;
	v18 =	vand.u32 $0xFFFFFFF8, v20;
	v17 =	vadd.s32 $0xA90, v5;
	v15 =	vld.idx.msk [tilespmem:v15+s2+$0x0], $0xffff  }
0x12d: {  	v10 =	vor.u32 v10, v18;
	[tilespmem:v19+s16+$0x0] =	vst.idx.add.f32.msk $0xffff, v11  }
0x12e: {  	v11 =	vld.idx.msk [tilespmem:v14+s2+$0x0], $0xffff;
	v14 =	vadd.s32 $0x410, v6;
	v16 =	vmul.f32 v16, v4  }
0x12f: {  	v18 =	vld [tilespmem:s31+$0x1A00];
	v19 =	vadd.s32 $0x4E0, v8  }
0x130: {  	v21 =	vadd.s32 $0x1040, v1;
	[tilespmem:v12+s16+$0x0] =	vst.idx.add.f32.msk $0xffff, v16  }
0x131: {  	v12 =	vmul.f32 v15, v7;
	v15 =	vadd.s32 $0x1110, v9;
	v16 =	vld.idx.msk [tilespmem:v17+s2+$0x0], $0xffff  }
0x132: {  	v20 =	vld.idx.msk [tilespmem:v10+s15+$0x0], $0xffff  }
0x133: {  	[tilespmem:v14+s16+$0x0] =	vst.idx.add.f32.msk $0xffff, v12;
	v11 =	vmul.f32 v11, v2;
	v12 =	vadd.s32 $0xA90, v3  }
0x134: {  	v17 =	vadd.s32 $0xB60, v5;
	v14 =	vld.idx.msk [tilespmem:v19+s2+$0x0], $0xffff  }
0x135: {  	[tilespmem:v21+s16+$0x0] =	vst.idx.add.f32.msk $0xffff, v11  }
0x136: {  	v11 =	vld.idx.msk [tilespmem:v15+s2+$0x0], $0xffff;
	v15 =	vadd.s32 $0x4E0, v6;
	v16 =	vmul.f32 v16, v4  }
0x137: {  	v19 =	vadd.s32 $0x5B0, v8  }
0x138: {  	v23 =	vadd.s32 $0x1110, v1;
	v22 =	vsub.s32 v18, v13;
	v20 =	vmax.f32 v20, $1.000000020e-16;
	[tilespmem:v12+s16+$0x0] =	vst.idx.add.f32.msk $0xffff, v16  }
0x139: {  	(erf) = vrcp.f32 v20;
	v14 =	vmul.f32 v14, v7;
	v16 =	vadd.s32 $0x11E0, v9;
	v17 =	vld.idx.msk [tilespmem:v17+s2+$0x0], $0xffff  }
0x13a: {  	v18 =	vand.u32 $0x7, v18;
	v21 =	vld [tilespmem:s31+$0x3300];
	v12 =	vand.u32 $0xFFFFFFF8, v22  }
0x13b: {  	v12 =	vor.u32 v18, v12;
	[tilespmem:v15+s16+$0x0] =	vst.idx.add.f32.msk $0xffff, v14;
	v11 =	vmul.f32 v11, v2  }
0x13c: {  	v14 =	vadd.s32 $0xB60, v3;
	v15 =	vld.idx.msk [tilespmem:v19+s2+$0x0], $0xffff  }
0x13d: {  	v18 =	vadd.s32 $0xC30, v5;
	[tilespmem:v23+s16+$0x0] =	vst.idx.add.f32.msk $0xffff, v11  }
0x13e: {  	v19 =	vadd.s32 $0x5B0, v6;
	v16 =	vld.idx.msk [tilespmem:v16+s2+$0x0], $0xffff;
	v11 =	vmul.f32 v17, v4  }
0x13f: {  	v17 =	vadd.s32 $0x680, v8  }
0x140: {  	v22 =	vadd.s32 $0x11E0, v1;
	v20 =	vld.idx.msk [tilespmem:v12+s2+$0x0], $0xffff  }
0x141: {  	[tilespmem:v14+s16+$0x0] =	vst.idx.add.f32.msk $0xffff, v11;
	v14 =	vmul.f32 v15, v7;
	v15 =	vadd.s32 $0x12B0, v9  }
0x142: {  	v18 =	vld.idx.msk [tilespmem:v18+s2+$0x0], $0xffff;
	v11 =	vpop (erf)  }
0x143: {  	[tilespmem:v19+s16+$0x0] =	vst.idx.add.f32.msk $0xffff, v14;
	v14 =	vmul.f32 v16, v2;
	v11 =	vmul.f32 v11, v21;
	v21 =	vadd.s32 $0xD0, v12  }
0x144: {  	v16 =	vadd.s32 $0xC30, v3;
	v17 =	vld.idx.msk [tilespmem:v17+s2+$0x0], $0xffff  }
0x145: {  	[tilespmem:v22+s16+$0x0] =	vst.idx.add.f32.msk $0xffff, v14;
	v14 =	vadd.s32 $0xD00, v5;
	v19 =	vmul.f32 v11, v20  }
0x146: {  	v15 =	vld.idx.msk [tilespmem:v15+s2+$0x0], $0xffff;
	v20 =	vadd.s32 $0x680, v6  }
0x147: {  	v18 =	vmul.f32 v18, v4;
	[tilespmem:v10+s16+$0x0] =	vst.idx.add.f32.msk $0xffff, v19;
	v19 =	vadd.s32 $0x750, v8  }
0x148: {  	v22 =	vadd.s32 $0x12B0, v1;
	v21 =	vld.idx.msk [tilespmem:v21+s2+$0x0], $0xffff  }
0x149: {  	[tilespmem:v16+s16+$0x0] =	vst.idx.add.f32.msk $0xffff, v18;
	v16 =	vmul.f32 v17, v7;
	v17 =	vadd.s32 $0x1380, v9  }
0x14a: {  	v18 =	vadd.s32 $0xD0, v10;
	v14 =	vld.idx.msk [tilespmem:v14+s2+$0x0], $0xffff  }
0x14b: {  	v23 =	vadd.s32 $0x1A0, v12;
	[tilespmem:v20+s16+$0x0] =	vst.idx.add.f32.msk $0xffff, v16;
	v15 =	vmul.f32 v15, v2  }
0x14c: {  	v16 =	vld.idx.msk [tilespmem:v19+s2+$0x0], $0xffff;
	v19 =	vadd.s32 $0xD00, v3  }
0x14d: {  	[tilespmem:v22+s16+$0x0] =	vst.idx.add.f32.msk $0xffff, v15;
	v15 =	vadd.s32 $0xDD0, v5;
	v20 =	vmul.f32 v21, v11  }
0x14e: {  	v17 =	vld.idx.msk [tilespmem:v17+s2+$0x0], $0xffff;
	v21 =	vadd.s32 $0x750, v6  }
0x14f: {  	v14 =	vmul.f32 v14, v4;
	[tilespmem:v18+s16+$0x0] =	vst.idx.add.f32.msk $0xffff, v20;
	v18 =	vadd.s32 $0x820, v8  }
0x150: {  	v22 =	vadd.s32 $0x1380, v1;
	v20 =	vld.idx.msk [tilespmem:v23+s2+$0x0], $0xffff  }
0x151: {  	v16 =	vmul.f32 v16, v7;
	[tilespmem:v19+s16+$0x0] =	vst.idx.add.f32.msk $0xffff, v14  }
0x152: {  	v14 =	vadd.s32 $0x1450, v9;
	v15 =	vld.idx.msk [tilespmem:v15+s2+$0x0], $0xffff  }
0x153: {  	v19 =	vadd.s32 $0x1A0, v10;
	[tilespmem:v21+s16+$0x0] =	vst.idx.add.f32.msk $0xffff, v16;
	v16 =	vmul.f32 v17, v2  }
0x154: {  	v17 =	vadd.s32 $0x270, v12;
	v18 =	vld.idx.msk [tilespmem:v18+s2+$0x0], $0xffff  }
0x155: {  	s22 =	simm.s32 $0x40;
	v21 =	vadd.s32 $0xDD0, v3;
	[tilespmem:v22+s16+$0x0] =	vst.idx.add.f32.msk $0xffff, v16  }
0x156: {  	v16 =	vmul.f32 v20, v11;
	v20 =	vadd.s32 $0xEA0, v5;
	v22 =	vld [tilespmem:s22+$0x2680]  }
0x157: {  	v23 =	vadd.s32 $0x820, v6;
	v14 =	vld.idx.msk [tilespmem:v14+s2+$0x0], $0xffff  }
0x158: {  	[tilespmem:v19+s16+$0x0] =	vst.idx.add.f32.msk $0xffff, v16;
	v16 =	vadd.s32 $0x8F0, v8;
	v15 =	vmul.f32 v15, v4  }
0x159: {  	v19 =	vadd.s32 $0x1450, v1;
	v17 =	vld.idx.msk [tilespmem:v17+s2+$0x0], $0xffff  }
0x15a: {  	v18 =	vmul.f32 v18, v7;
	[tilespmem:v21+s16+$0x0] =	vst.idx.add.f32.msk $0xffff, v15;
	v15 =	vadd.s32 $0x1520, v9  }
0x15b: {  	v20 =	vld.idx.msk [tilespmem:v20+s2+$0x0], $0xffff  }
0x15c: {  	v21 =	vadd.s32 $0x270, v10;
	[tilespmem:v23+s16+$0x0] =	vst.idx.add.f32.msk $0xffff, v18;
	v14 =	vmul.f32 v14, v2  }
0x15d: {  	v18 =	vadd.s32 $0x340, v12;
	v16 =	vld.idx.msk [tilespmem:v16+s2+$0x0], $0xffff  }
0x15e: {  	v23 =	vadd.s32 $0xEA0, v3;
	[tilespmem:v19+s16+$0x0] =	vst.idx.add.f32.msk $0xffff, v14  }
0x15f: {  	v14 =	vmul.f32 v17, v11;
	v17 =	vadd.s32 $0xF70, v5;
	v19 =	vld.idx.msk [tilespmem:v15+s2+$0x0], $0xffff  }
0x160: {  	v24 =	vadd.s32 $0x8F0, v6;
	v15 =	vld [tilespmem:s22+$0x1A00]  }
0x161: {  	[tilespmem:v21+s16+$0x0] =	vst.idx.add.f32.msk $0xffff, v14;
	v21 =	vadd.s32 $0x9C0, v8;
	v14 =	vmul.f32 v20, v4  }
0x162: {  	v25 =	vadd.s32 $0x1520, v1;
	v20 =	vsub.s32 v22, v13;
	v22 =	vand.u32 $0x7, v22;
	v18 =	vld.idx.msk [tilespmem:v18+s2+$0x0], $0xffff  }
0x163: {  	v20 =	vand.u32 $0xFFFFFFF8, v20;
	v16 =	vmul.f32 v16, v7;
	[tilespmem:v23+s16+$0x0] =	vst.idx.add.f32.msk $0xffff, v14;
	v23 =	vadd.s32 $0x15F0, v9  }
0x164: {  	v14 =	vor.u32 v22, v20;
	v17 =	vld.idx.msk [tilespmem:v17+s2+$0x0], $0xffff  }
0x165: {  	v20 =	vadd.s32 $0x340, v10;
	[tilespmem:v24+s16+$0x0] =	vst.idx.add.f32.msk $0xffff, v16;
	v16 =	vmul.f32 v19, v2  }
0x166: {  	v24 =	vadd.s32 $0x410, v12;
	v21 =	vld.idx.msk [tilespmem:v21+s2+$0x0], $0xffff  }
0x167: {  	v19 =	vadd.s32 $0xF70, v3;
	[tilespmem:v25+s16+$0x0] =	vst.idx.add.f32.msk $0xffff, v16  }
0x168: {  	v22 =	vmul.f32 v18, v11;
	v18 =	vadd.s32 $0x1040, v5;
	v16 =	vld.idx.msk [tilespmem:v23+s2+$0x0], $0xffff  }
0x169: {  	v25 =	vld.idx.msk [tilespmem:v14+s15+$0x0], $0xffff;
	v23 =	vadd.s32 $0x9C0, v6  }
0x16a: {  	[tilespmem:v20+s16+$0x0] =	vst.idx.add.f32.msk $0xffff, v22;
	v22 =	vadd.s32 $0xA90, v8;
	v20 =	vmul.f32 v17, v4  }
0x16b: {  	s21 =	simm.s32 $0x140;
	v17 =	vadd.s32 $0x15F0, v1;
	v24 =	vld.idx.msk [tilespmem:v24+s2+$0x0], $0xffff  }
.LBB2_12:
0x16c: {  	p0 =	sne.s32 s21, $0x31C0;
	v21 =	vmul.f32 v21, v7;
	[tilespmem:v19+s16+$0x0] =	vst.idx.add.f32.msk $0xffff, v20;
	v19 =	vadd.s32 $0x16C0, v9  }
0x16d: {  	v18 =	vld.idx.msk [tilespmem:v18+s2+$0x0], $0xffff  }
0x16e: {  	v20 =	vadd.s32 $0x410, v10;
	v16 =	vmul.f32 v16, v2;
	[tilespmem:v23+s16+$0x0] =	vst.idx.add.f32.msk $0xffff, v21  }
0x16f: {  	v21 =	vadd.s32 $0x4E0, v12;
	v22 =	vld.idx.msk [tilespmem:v22+s2+$0x0], $0xffff  }
0x170: {  	v23 =	vadd.s32 $0x1040, v3;
	[tilespmem:v17+s16+$0x0] =	vst.idx.add.f32.msk $0xffff, v16  }
0x171: {  	v16 =	vmul.f32 v24, v11;
	v17 =	vadd.s32 $0x1110, v5;
	v19 =	vld.idx.msk [tilespmem:v19+s2+$0x0], $0xffff  }
0x172: {  	v26 =	vadd.s32 $0xA90, v6;
	v24 =	vld [tilespmem:s22+$0x3300]  }
0x173: {  	v27 =	vsub.s32 v15, v13;
	v18 =	vmul.f32 v18, v4;
	[tilespmem:v20+s16+$0x0] =	vst.idx.add.f32.msk $0xffff, v16;
	v16 =	vadd.s32 $0xB60, v8  }
0x174: {  	v15 =	vand.u32 $0x7, v15;
	v20 =	vand.u32 $0xFFFFFFF8, v27;
	v27 =	vadd.s32 $0x16C0, v1;
	v21 =	vld.idx.msk [tilespmem:v21+s2+$0x0], $0xffff  }
0x175: {  	v25 =	vmax.f32 v25, $1.000000020e-16;
	v22 =	vmul.f32 v22, v7;
	[tilespmem:v23+s16+$0x0] =	vst.idx.add.f32.msk $0xffff, v18;
	v18 =	vadd.s32 $0x1790, v9  }
0x176: {  	v15 =	vor.u32 v15, v20;
	(erf) = vrcp.f32 v25;
	v17 =	vld.idx.msk [tilespmem:v17+s2+$0x0], $0xffff  }
0x177: {  	v20 =	vadd.s32 $0x4E0, v10;
	v19 =	vmul.f32 v19, v2;
	[tilespmem:v26+s16+$0x0] =	vst.idx.add.f32.msk $0xffff, v22  }
0x178: {  	v22 =	vadd.s32 $0x5B0, v12;
	v16 =	vld.idx.msk [tilespmem:v16+s2+$0x0], $0xffff  }
0x179: {  	v23 =	vadd.s32 $0x1110, v3;
	[tilespmem:v27+s16+$0x0] =	vst.idx.add.f32.msk $0xffff, v19  }
0x17a: {  	v19 =	vmul.f32 v21, v11;
	v21 =	vadd.s32 $0x11E0, v5;
	v18 =	vld.idx.msk [tilespmem:v18+s2+$0x0], $0xffff  }
0x17b: {  	v26 =	vadd.s32 $0xB60, v6;
	v25 =	vld.idx.msk [tilespmem:v15+s2+$0x0], $0xffff  }
0x17c: {  	v17 =	vmul.f32 v17, v4;
	[tilespmem:v20+s16+$0x0] =	vst.idx.add.f32.msk $0xffff, v19;
	v19 =	vadd.s32 $0xC30, v8  }
0x17d: {  	v20 =	vld.idx.msk [tilespmem:v22+s2+$0x0], $0xffff;
	v22 =	vadd.s32 $0x1790, v1  }
0x17e: {  	v16 =	vmul.f32 v16, v7;
	[tilespmem:v23+s16+$0x0] =	vst.idx.add.f32.msk $0xffff, v17;
	v17 =	vadd.s32 $0x1860, v9  }
0x17f: {  	v23 =	vpop (erf);
	v21 =	vld.idx.msk [tilespmem:v21+s2+$0x0], $0xffff  }
0x180: {  	v23 =	vmul.f32 v23, v24;
	v24 =	vadd.s32 $0x5B0, v10;
	[tilespmem:v26+s16+$0x0] =	vst.idx.add.f32.msk $0xffff, v16;
	v16 =	vmul.f32 v18, v2  }
0x181: {  	v18 =	vadd.s32 $0x680, v12;
	v19 =	vld.idx.msk [tilespmem:v19+s2+$0x0], $0xffff  }
0x182: {  	v26 =	vadd.s32 $0x11E0, v3;
	v25 =	vmul.f32 v23, v25;
	[tilespmem:v22+s16+$0x0] =	vst.idx.add.f32.msk $0xffff, v16  }
0x183: {  	v16 =	vmul.f32 v20, v11;
	v20 =	vadd.s32 $0x12B0, v5;
	v17 =	vld.idx.msk [tilespmem:v17+s2+$0x0], $0xffff  }
0x184: {  	v22 =	vadd.s32 $0xD0, v15;
	[tilespmem:v14+s16+$0x0] =	vst.idx.add.f32.msk $0xffff, v25  }
0x185: {  	v21 =	vmul.f32 v21, v4;
	[tilespmem:v24+s16+$0x0] =	vst.idx.add.f32.msk $0xffff, v16;
	v16 =	vadd.s32 $0xC30, v6  }
0x186: {  	v24 =	vadd.s32 $0x1860, v1;
	v18 =	vld.idx.msk [tilespmem:v18+s2+$0x0], $0xffff  }
0x187: {  	[tilespmem:v26+s16+$0x0] =	vst.idx.add.f32.msk $0xffff, v21;
	v21 =	vadd.s32 $0x1930, v9;
	v9 =	vmovc v5;
	v5 =	vmovc v8;
	v8 =	vmov v12;
	v12 =	vmov v15  }
0x188: {  	v15 =	vmul.f32 v19, v7;
	v19 =	vadd.s32 $0xD00, v5;
	v20 =	vld.idx.msk [tilespmem:v20+s2+$0x0], $0xffff  }
0x189: {  	v25 =	vadd.s32 $0x680, v10;
	v17 =	vmul.f32 v17, v2;
	v22 =	vld.idx.msk [tilespmem:v22+s2+$0x0], $0xffff  }
0x18a: {  	v26 =	vadd.s32 $0x750, v8;
	[tilespmem:v16+s16+$0x0] =	vst.idx.add.f32.msk $0xffff, v15  }
0x18b: {  	v15 =	vadd.s32 $0x12B0, v3;
	[tilespmem:v24+s16+$0x0] =	vst.idx.add.f32.msk $0xffff, v17  }
0x18c: {  	v16 =	vmul.f32 v18, v11;
	v17 =	vadd.s32 $0x1380, v9;
	v18 =	vld.idx.msk [tilespmem:v21+s2+$0x0], $0xffff  }
0x18d: {  	v21 =	vadd.s32 $0xD0, v14;
	v19 =	vld.idx.msk [tilespmem:v19+s2+$0x0], $0xffff  }
0x18e: {  	v24 =	vadd.s32 $0x1A0, v12;
	[tilespmem:v25+s16+$0x0] =	vst.idx.add.f32.msk $0xffff, v16;
	v16 =	vmul.f32 v20, v4  }
0x18f: {  	v25 =	vadd.s32 $0x1930, v1;
	v1 =	vmovc v3;
	v3 =	vmovc v6;
	v6 =	vmov v10;
	v10 =	vmov v14;
	v20 =	vld.idx.msk [tilespmem:v26+s2+$0x0], $0xffff  }
0x190: {  	v14 =	vmul.f32 v22, v23;
	v22 =	vadd.s32 $0xD00, v3;
	[tilespmem:v15+s16+$0x0] =	vst.idx.add.f32.msk $0xffff, v16  }
0x191: {  	v15 =	vadd.s32 $0xDD0, v5;
	v16 =	vld.idx.msk [tilespmem:v17+s2+$0x0], $0xffff  }
0x192: {  	v17 =	vmul.f32 v18, v2;
	v2 =	vmovc v4;
	v4 =	vmov v7;
	[tilespmem:v21+s16+$0x0] =	vst.idx.add.f32.msk $0xffff, v14;
	v14 =	vadd.s32 $0x750, v6  }
0x193: {  	v7 =	vmovc v11;
	v11 =	vmov v23;
	v21 =	vadd.s32 $0x820, v8;
	v19 =	vmul.f32 v19, v4;
	v18 =	vld.idx.msk [tilespmem:v24+s2+$0x0], $0xffff  }
0x194: {  	v23 =	vadd.s32 $0x1380, v1;
	[tilespmem:v25+s16+$0x0] =	vst.idx.add.f32.msk $0xffff, v17  }
0x195: {  	v17 =	vmul.f32 v20, v7;
	[tilespmem:v22+s16+$0x0] =	vst.idx.add.f32.msk $0xffff, v19;
	v19 =	vadd.s32 $0x1450, v9  }
0x196: {  	v15 =	vld.idx.msk [tilespmem:v15+s2+$0x0], $0xffff  }
0x197: {  	v20 =	vadd.s32 $0x1A0, v10;
	[tilespmem:v14+s16+$0x0] =	vst.idx.add.f32.msk $0xffff, v17;
	v14 =	vmul.f32 v16, v2  }
0x198: {  	v16 =	vadd.s32 $0x270, v12;
	v17 =	vld.idx.msk [tilespmem:v21+s2+$0x0], $0xffff  }
0x199: {  	v21 =	vadd.s32 $0xDD0, v3;
	[tilespmem:v23+s16+$0x0] =	vst.idx.add.f32.msk $0xffff, v14  }
0x19a: {  	s22 =	sshra.s32 s21, $0x2;
	v14 =	vmul.f32 v18, v11;
	v18 =	vadd.s32 $0xEA0, v5;
	v19 =	vld.idx.msk [tilespmem:v19+s2+$0x0], $0xffff  }
0x19b: {  	v23 =	vadd.s32 $0x820, v6;
	v22 =	vld [tilespmem:s22+$0x2680]  }
0x19c: {  	v15 =	vmul.f32 v15, v4;
	[tilespmem:v20+s16+$0x0] =	vst.idx.add.f32.msk $0xffff, v14;
	v14 =	vadd.s32 $0x8F0, v8  }
0x19d: {  	v20 =	vadd.s32 $0x1450, v1;
	v16 =	vld.idx.msk [tilespmem:v16+s2+$0x0], $0xffff  }
0x19e: {  	v17 =	vmul.f32 v17, v7;
	[tilespmem:v21+s16+$0x0] =	vst.idx.add.f32.msk $0xffff, v15;
	v15 =	vadd.s32 $0x1520, v9  }
0x19f: {  	v18 =	vld.idx.msk [tilespmem:v18+s2+$0x0], $0xffff  }
0x1a0: {  	v21 =	vadd.s32 $0x270, v10;
	[tilespmem:v23+s16+$0x0] =	vst.idx.add.f32.msk $0xffff, v17;
	v17 =	vmul.f32 v19, v2  }
0x1a1: {  	v19 =	vadd.s32 $0x340, v12;
	v14 =	vld.idx.msk [tilespmem:v14+s2+$0x0], $0xffff  }
0x1a2: {  	v23 =	vadd.s32 $0xEA0, v3;
	[tilespmem:v20+s16+$0x0] =	vst.idx.add.f32.msk $0xffff, v17  }
0x1a3: {  	v16 =	vmul.f32 v16, v11;
	v17 =	vadd.s32 $0xF70, v5;
	v20 =	vld.idx.msk [tilespmem:v15+s2+$0x0], $0xffff  }
0x1a4: {  	v24 =	vadd.s32 $0x8F0, v6;
	v15 =	vld [tilespmem:s22+$0x1A00]  }
0x1a5: {  	v18 =	vmul.f32 v18, v4;
	[tilespmem:v21+s16+$0x0] =	vst.idx.add.f32.msk $0xffff, v16;
	v16 =	vadd.s32 $0x9C0, v8  }
0x1a6: {  	v26 =	vadd.s32 $0x1520, v1;
	v21 =	vsub.s32 v22, v13;
	v22 =	vand.u32 $0x7, v22;
	v25 =	vld.idx.msk [tilespmem:v19+s2+$0x0], $0xffff  }
0x1a7: {  	v19 =	vand.u32 $0xFFFFFFF8, v21;
	v21 =	vmul.f32 v14, v7;
	[tilespmem:v23+s16+$0x0] =	vst.idx.add.f32.msk $0xffff, v18;
	v23 =	vadd.s32 $0x15F0, v9  }
0x1a8: {  	v14 =	vor.u32 v22, v19;
	v17 =	vld.idx.msk [tilespmem:v17+s2+$0x0], $0xffff  }
0x1a9: {  	v22 =	vadd.s32 $0x340, v10;
	v18 =	vmul.f32 v20, v2;
	[tilespmem:v24+s16+$0x0] =	vst.idx.add.f32.msk $0xffff, v21  }
0x1aa: {  	v24 =	vadd.s32 $0x410, v12;
	v21 =	vld.idx.msk [tilespmem:v16+s2+$0x0], $0xffff  }
.Ltmp9:
0x1ab: {  	v19 =	vadd.s32 $0xF70, v3;
	[tilespmem:v26+s16+$0x0] =	vst.idx.add.f32.msk $0xffff, v18;
	(pc) =	sbr.rel @p0 .LBB2_12-.Ltmp9, $4  }
0x1ac: {  	v20 =	vmul.f32 v25, v11;
	v18 =	vadd.s32 $0x1040, v5;
	v16 =	vld.idx.msk [tilespmem:v23+s2+$0x0], $0xffff  }
0x1ad: {  	v23 =	vadd.s32 $0x9C0, v6;
	v25 =	vld.idx.msk [tilespmem:v14+s15+$0x0], $0xffff  }
0x1ae: {  	[tilespmem:v22+s16+$0x0] =	vst.idx.add.f32.msk $0xffff, v20;
	v22 =	vadd.s32 $0xA90, v8;
	v20 =	vmul.f32 v17, v4  }
0x1af: {  	s21 =	sadd.s32 $0x40, s21;
	v17 =	vadd.s32 $0x15F0, v1;
	v24 =	vld.idx.msk [tilespmem:v24+s2+$0x0], $0xffff  }
0x1b0: {  	_ =	sdelay $0x1  }
0x1b1: {  	v25 =	vmax.f32 v25, $1.000000020e-16  }
0x1b2: {  	v13 =	vsub.s32 v15, v13;
	(erf) = vrcp.f32 v25  }
0x1b3: {  	v55 =	vand.u32 $0x7, v15;
	v13 =	vand.u32 $0xFFFFFFF8, v13  }
0x1b4: {  	v15 =	vor.u32 v55, v13;
	_ =	sdelay $0x2  }
0x1b5: {  	v56 =	vld [tilespmem:s22+$0x3300];
	_ =	sdelay $0x1  }
0x1b6: {  	v57 =	vld.idx.msk [tilespmem:v15+s2+$0x0], $0xffff;
	_ =	sdelay $0x1  }
0x1b7: {  	v26 =	vpop (erf)  }
0x1b8: {  	v58 =	vadd.s32 $0xD0, v15;
	v13 =	vmul.f32 v26, v56;
	_ =	sdelay $0x1  }
0x1b9: {  	v25 =	vmul.f32 v13, v57;
	_ =	sdelay $0x1  }
0x1ba: {  	[tilespmem:v14+s16+$0x0] =	vst.idx.add.f32.msk $0xffff, v25  }
0x1bb: {  	v25 =	vld.idx.msk [tilespmem:v58+s2+$0x0], $0xffff;
	_ =	sdelay $0x1  }
0x1bc: {  	v59 =	vadd.s32 $0xD0, v14  }
0x1bd: {  	v27 =	vadd.s32 $0x1A0, v15;
	_ =	sdelay $0x1  }
0x1be: {  	v25 =	vmul.f32 v25, v13;
	_ =	sdelay $0x1  }
0x1bf: {  	[tilespmem:v59+s16+$0x0] =	vst.idx.add.f32.msk $0xffff, v25  }
0x1c0: {  	v25 =	vld.idx.msk [tilespmem:v27+s2+$0x0], $0xffff;
	_ =	sdelay $0x1  }
0x1c1: {  	v60 =	vadd.s32 $0x1A0, v14  }
0x1c2: {  	v61 =	vadd.s32 $0x270, v15;
	_ =	sdelay $0x1  }
0x1c3: {  	v25 =	vmul.f32 v25, v13;
	_ =	sdelay $0x1  }
0x1c4: {  	[tilespmem:v60+s16+$0x0] =	vst.idx.add.f32.msk $0xffff, v25  }
0x1c5: {  	v25 =	vld.idx.msk [tilespmem:v61+s2+$0x0], $0xffff;
	_ =	sdelay $0x1  }
0x1c6: {  	v62 =	vadd.s32 $0x270, v14  }
0x1c7: {  	v63 =	vadd.s32 $0x340, v15;
	_ =	sdelay $0x1  }
0x1c8: {  	v25 =	vmul.f32 v25, v13;
	_ =	sdelay $0x1  }
0x1c9: {  	[tilespmem:v62+s16+$0x0] =	vst.idx.add.f32.msk $0xffff, v25  }
0x1ca: {  	v25 =	vld.idx.msk [tilespmem:v63+s2+$0x0], $0xffff;
	_ =	sdelay $0x1  }
0x1cb: {  	v30 =	vadd.s32 $0x340, v14  }
0x1cc: {  	v31 =	vadd.s32 $0x410, v15;
	_ =	sdelay $0x1  }
0x1cd: {  	v25 =	vmul.f32 v25, v13;
	_ =	sdelay $0x1  }
0x1ce: {  	[tilespmem:v30+s16+$0x0] =	vst.idx.add.f32.msk $0xffff, v25  }
0x1cf: {  	v32 =	vadd.s32 $0x410, v10;
	v26 =	vld.idx.msk [tilespmem:v31+s2+$0x0], $0xffff  }
0x1d0: {  	v33 =	vadd.s32 $0x4E0, v12  }
0x1d1: {  	v28 =	vadd.s32 $0x410, v14  }
0x1d2: {  	v29 =	vadd.s32 $0x4E0, v15;
	v24 =	vmul.f32 v24, v11;
	_ =	sdelay $0x1  }
0x1d3: {  	[tilespmem:v32+s16+$0x0] =	vst.idx.add.f32.msk $0xffff, v24;
	v34 =	vmul.f32 v26, v13  }
0x1d4: {  	v25 =	vld.idx.msk [tilespmem:v33+s2+$0x0], $0xffff  }
0x1d5: {  	[tilespmem:v28+s16+$0x0] =	vst.idx.add.f32.msk $0xffff, v34  }
0x1d6: {  	v35 =	vadd.s32 $0x4E0, v10;
	v36 =	vld.idx.msk [tilespmem:v29+s2+$0x0], $0xffff  }
0x1d7: {  	v37 =	vadd.s32 $0x5B0, v12  }
0x1d8: {  	v38 =	vadd.s32 $0x4E0, v14  }
0x1d9: {  	v39 =	vadd.s32 $0x5B0, v15;
	v25 =	vmul.f32 v25, v11;
	_ =	sdelay $0x1  }
0x1da: {  	[tilespmem:v35+s16+$0x0] =	vst.idx.add.f32.msk $0xffff, v25;
	v40 =	vmul.f32 v36, v13  }
0x1db: {  	v25 =	vld.idx.msk [tilespmem:v37+s2+$0x0], $0xffff  }
0x1dc: {  	[tilespmem:v38+s16+$0x0] =	vst.idx.add.f32.msk $0xffff, v40  }
0x1dd: {  	v41 =	vadd.s32 $0x5B0, v10;
	v42 =	vld.idx.msk [tilespmem:v39+s2+$0x0], $0xffff  }
0x1de: {  	v43 =	vadd.s32 $0x680, v12  }
0x1df: {  	v44 =	vadd.s32 $0x5B0, v14  }
0x1e0: {  	v45 =	vadd.s32 $0x680, v15;
	v25 =	vmul.f32 v25, v11;
	_ =	sdelay $0x1  }
0x1e1: {  	[tilespmem:v41+s16+$0x0] =	vst.idx.add.f32.msk $0xffff, v25;
	v46 =	vmul.f32 v42, v13  }
0x1e2: {  	v25 =	vld.idx.msk [tilespmem:v43+s2+$0x0], $0xffff  }
0x1e3: {  	[tilespmem:v44+s16+$0x0] =	vst.idx.add.f32.msk $0xffff, v46  }
0x1e4: {  	v47 =	vadd.s32 $0x680, v10;
	v48 =	vld.idx.msk [tilespmem:v45+s2+$0x0], $0xffff  }
0x1e5: {  	v49 =	vadd.s32 $0x750, v12  }
0x1e6: {  	v50 =	vadd.s32 $0x680, v14  }
0x1e7: {  	v51 =	vadd.s32 $0x750, v15;
	v25 =	vmul.f32 v25, v11;
	_ =	sdelay $0x1  }
0x1e8: {  	[tilespmem:v47+s16+$0x0] =	vst.idx.add.f32.msk $0xffff, v25;
	v52 =	vmul.f32 v48, v13  }
0x1e9: {  	v25 =	vld.idx.msk [tilespmem:v49+s2+$0x0], $0xffff  }
0x1ea: {  	[tilespmem:v50+s16+$0x0] =	vst.idx.add.f32.msk $0xffff, v52  }
0x1eb: {  	v53 =	vadd.s32 $0x750, v10;
	v54 =	vld.idx.msk [tilespmem:v51+s2+$0x0], $0xffff  }
0x1ec: {  	v55 =	vadd.s32 $0x820, v12  }
0x1ed: {  	v56 =	vadd.s32 $0x750, v14  }
0x1ee: {  	v57 =	vadd.s32 $0x820, v15;
	v25 =	vmul.f32 v25, v11;
	_ =	sdelay $0x1  }
0x1ef: {  	[tilespmem:v53+s16+$0x0] =	vst.idx.add.f32.msk $0xffff, v25;
	v58 =	vmul.f32 v54, v13  }
0x1f0: {  	v25 =	vld.idx.msk [tilespmem:v55+s2+$0x0], $0xffff  }
0x1f1: {  	[tilespmem:v56+s16+$0x0] =	vst.idx.add.f32.msk $0xffff, v58  }
0x1f2: {  	v59 =	vadd.s32 $0x820, v10;
	v60 =	vld.idx.msk [tilespmem:v57+s2+$0x0], $0xffff  }
0x1f3: {  	v61 =	vadd.s32 $0x8F0, v12  }
0x1f4: {  	v62 =	vadd.s32 $0x820, v14  }
0x1f5: {  	v63 =	vadd.s32 $0x8F0, v15;
	v25 =	vmul.f32 v25, v11;
	_ =	sdelay $0x1  }
0x1f6: {  	[tilespmem:v59+s16+$0x0] =	vst.idx.add.f32.msk $0xffff, v25;
	v32 =	vmul.f32 v60, v13  }
0x1f7: {  	v25 =	vld.idx.msk [tilespmem:v61+s2+$0x0], $0xffff  }
0x1f8: {  	[tilespmem:v62+s16+$0x0] =	vst.idx.add.f32.msk $0xffff, v32  }
0x1f9: {  	v33 =	vadd.s32 $0x8F0, v10;
	v34 =	vld.idx.msk [tilespmem:v63+s2+$0x0], $0xffff  }
0x1fa: {  	v35 =	vadd.s32 $0x9C0, v12  }
0x1fb: {  	v36 =	vadd.s32 $0x8F0, v14  }
0x1fc: {  	v37 =	vadd.s32 $0x9C0, v15;
	v25 =	vmul.f32 v25, v11;
	_ =	sdelay $0x1  }
0x1fd: {  	[tilespmem:v33+s16+$0x0] =	vst.idx.add.f32.msk $0xffff, v25;
	v38 =	vmul.f32 v34, v13  }
0x1fe: {  	v25 =	vld.idx.msk [tilespmem:v35+s2+$0x0], $0xffff  }
0x1ff: {  	[tilespmem:v36+s16+$0x0] =	vst.idx.add.f32.msk $0xffff, v38  }
0x200: {  	v39 =	vadd.s32 $0x9C0, v10;
	v40 =	vld.idx.msk [tilespmem:v37+s2+$0x0], $0xffff  }
0x201: {  	v21 =	vmul.f32 v21, v7;
	v41 =	vadd.s32 $0xA90, v12  }
0x202: {  	v42 =	vadd.s32 $0x9C0, v14  }
0x203: {  	[tilespmem:v23+s16+$0x0] =	vst.idx.add.f32.msk $0xffff, v21;
	v44 =	vadd.s32 $0xA90, v15;
	v43 =	vmul.f32 v25, v11  }
0x204: {  	v22 =	vld.idx.msk [tilespmem:v22+s2+$0x0], $0xffff  }
0x205: {  	[tilespmem:v39+s16+$0x0] =	vst.idx.add.f32.msk $0xffff, v43;
	v45 =	vmul.f32 v40, v13  }
0x206: {  	v46 =	vadd.s32 $0xA90, v6;
	v47 =	vld.idx.msk [tilespmem:v41+s2+$0x0], $0xffff  }
0x207: {  	v48 =	vadd.s32 $0xB60, v8;
	[tilespmem:v42+s16+$0x0] =	vst.idx.add.f32.msk $0xffff, v45  }
0x208: {  	v49 =	vadd.s32 $0xA90, v10;
	v23 =	vld.idx.msk [tilespmem:v44+s2+$0x0], $0xffff  }
0x209: {  	v22 =	vmul.f32 v22, v7;
	v50 =	vadd.s32 $0xB60, v12  }
0x20a: {  	v51 =	vadd.s32 $0xA90, v14  }
0x20b: {  	[tilespmem:v46+s16+$0x0] =	vst.idx.add.f32.msk $0xffff, v22;
	v53 =	vadd.s32 $0xB60, v15;
	v52 =	vmul.f32 v47, v11  }
0x20c: {  	v54 =	vld.idx.msk [tilespmem:v48+s2+$0x0], $0xffff  }
0x20d: {  	[tilespmem:v49+s16+$0x0] =	vst.idx.add.f32.msk $0xffff, v52;
	v55 =	vmul.f32 v23, v13  }
0x20e: {  	v56 =	vadd.s32 $0xB60, v6;
	v57 =	vld.idx.msk [tilespmem:v50+s2+$0x0], $0xffff  }
0x20f: {  	v58 =	vadd.s32 $0xC30, v8;
	[tilespmem:v51+s16+$0x0] =	vst.idx.add.f32.msk $0xffff, v55  }
0x210: {  	v59 =	vadd.s32 $0xB60, v10;
	v24 =	vld.idx.msk [tilespmem:v53+s2+$0x0], $0xffff  }
0x211: {  	v60 =	vadd.s32 $0xC30, v12;
	v25 =	vmul.f32 v54, v7  }
0x212: {  	v61 =	vadd.s32 $0xB60, v14  }
0x213: {  	v63 =	vadd.s32 $0xC30, v15;
	[tilespmem:v56+s16+$0x0] =	vst.idx.add.f32.msk $0xffff, v25;
	v62 =	vmul.f32 v57, v11  }
0x214: {  	v25 =	vld.idx.msk [tilespmem:v58+s2+$0x0], $0xffff  }
0x215: {  	[tilespmem:v59+s16+$0x0] =	vst.idx.add.f32.msk $0xffff, v62;
	v29 =	vmul.f32 v24, v13  }
0x216: {  	v30 =	vadd.s32 $0xC30, v6;
	v31 =	vld.idx.msk [tilespmem:v60+s2+$0x0], $0xffff  }
0x217: {  	v32 =	vadd.s32 $0xD00, v8;
	[tilespmem:v61+s16+$0x0] =	vst.idx.add.f32.msk $0xffff, v29  }
0x218: {  	v33 =	vadd.s32 $0xC30, v10;
	v23 =	vld.idx.msk [tilespmem:v63+s2+$0x0], $0xffff  }
0x219: {  	[tilespmem:v19+s16+$0x0] =	vst.idx.add.f32.msk $0xffff, v20;
	v35 =	vadd.s32 $0xD00, v12;
	v34 =	vmul.f32 v25, v7  }
0x21a: {  	v18 =	vld.idx.msk [tilespmem:v18+s2+$0x0], $0xffff;
	v36 =	vadd.s32 $0xC30, v14  }
0x21b: {  	v38 =	vadd.s32 $0xD00, v15;
	[tilespmem:v30+s16+$0x0] =	vst.idx.add.f32.msk $0xffff, v34;
	v37 =	vmul.f32 v31, v11  }
0x21c: {  	v21 =	vld.idx.msk [tilespmem:v32+s2+$0x0], $0xffff  }
0x21d: {  	v39 =	vadd.s32 $0x16C0, v9;
	[tilespmem:v33+s16+$0x0] =	vst.idx.add.f32.msk $0xffff, v37;
	v40 =	vmul.f32 v23, v13  }
0x21e: {  	v41 =	vadd.s32 $0xD00, v6;
	v20 =	vld.idx.msk [tilespmem:v35+s2+$0x0], $0xffff  }
0x21f: {  	v16 =	vmul.f32 v16, v2;
	v42 =	vadd.s32 $0xDD0, v8;
	[tilespmem:v36+s16+$0x0] =	vst.idx.add.f32.msk $0xffff, v40  }
0x220: {  	v43 =	vadd.s32 $0xD00, v10;
	v22 =	vld.idx.msk [tilespmem:v38+s2+$0x0], $0xffff  }
0x221: {  	[tilespmem:v17+s16+$0x0] =	vst.idx.add.f32.msk $0xffff, v16;
	v45 =	vadd.s32 $0xDD0, v12;
	v44 =	vmul.f32 v21, v7  }
0x222: {  	v46 =	vld.idx.msk [tilespmem:v39+s2+$0x0], $0xffff;
	v47 =	vadd.s32 $0xD00, v14  }
0x223: {  	v49 =	vadd.s32 $0xDD0, v15;
	[tilespmem:v41+s16+$0x0] =	vst.idx.add.f32.msk $0xffff, v44;
	v48 =	vmul.f32 v20, v11  }
0x224: {  	v50 =	vadd.s32 $0x1040, v3;
	v51 =	vld.idx.msk [tilespmem:v42+s2+$0x0], $0xffff  }
0x225: {  	v52 =	vadd.s32 $0x1110, v5;
	[tilespmem:v43+s16+$0x0] =	vst.idx.add.f32.msk $0xffff, v48;
	v53 =	vmul.f32 v22, v13  }
0x226: {  	v54 =	vadd.s32 $0xDD0, v6;
	v17 =	vld.idx.msk [tilespmem:v45+s2+$0x0], $0xffff  }
0x227: {  	v18 =	vmul.f32 v18, v4;
	v55 =	vadd.s32 $0xEA0, v8;
	[tilespmem:v47+s16+$0x0] =	vst.idx.add.f32.msk $0xffff, v53  }
0x228: {  	v56 =	vadd.s32 $0xDD0, v10;
	v20 =	vld.idx.msk [tilespmem:v49+s2+$0x0], $0xffff  }
0x229: {  	v58 =	vadd.s32 $0xEA0, v12;
	[tilespmem:v50+s16+$0x0] =	vst.idx.add.f32.msk $0xffff, v18;
	v57 =	vmul.f32 v51, v7  }
0x22a: {  	v59 =	vld.idx.msk [tilespmem:v52+s2+$0x0], $0xffff;
	v60 =	vadd.s32 $0xDD0, v14  }
0x22b: {  	[tilespmem:v54+s16+$0x0] =	vst.idx.add.f32.msk $0xffff, v57;
	v61 =	vadd.s32 $0xEA0, v15;
	v17 =	vmul.f32 v17, v11  }
0x22c: {  	v62 =	vadd.s32 $0x16C0, v1;
	v22 =	vld.idx.msk [tilespmem:v55+s2+$0x0], $0xffff  }
0x22d: {  	v63 =	vadd.s32 $0x1790, v9;
	[tilespmem:v56+s16+$0x0] =	vst.idx.add.f32.msk $0xffff, v17;
	v27 =	vmul.f32 v20, v13  }
0x22e: {  	v28 =	vadd.s32 $0xEA0, v6;
	v29 =	vld.idx.msk [tilespmem:v58+s2+$0x0], $0xffff  }
0x22f: {  	v30 =	vadd.s32 $0xF70, v8;
	v21 =	vmul.f32 v46, v2;
	[tilespmem:v60+s16+$0x0] =	vst.idx.add.f32.msk $0xffff, v27  }
0x230: {  	v31 =	vadd.s32 $0xEA0, v10;
	v18 =	vld.idx.msk [tilespmem:v61+s2+$0x0], $0xffff  }
0x231: {  	[tilespmem:v62+s16+$0x0] =	vst.idx.add.f32.msk $0xffff, v21;
	v33 =	vadd.s32 $0xF70, v12;
	v32 =	vmul.f32 v22, v7  }
0x232: {  	v35 =	vadd.s32 $0xEA0, v14;
	v34 =	vld.idx.msk [tilespmem:v63+s2+$0x0], $0xffff  }
0x233: {  	v37 =	vadd.s32 $0xF70, v15;
	[tilespmem:v28+s16+$0x0] =	vst.idx.add.f32.msk $0xffff, v32;
	v36 =	vmul.f32 v29, v11  }
0x234: {  	v52 =	vadd.s32 $0x1790, v1;
	v23 =	vld.idx.msk [tilespmem:v30+s2+$0x0], $0xffff  }
0x235: {  	v38 =	vadd.s32 $0x1110, v3;
	[tilespmem:v31+s16+$0x0] =	vst.idx.add.f32.msk $0xffff, v36;
	v40 =	vmul.f32 v18, v13  }
0x236: {  	v41 =	vadd.s32 $0xF70, v6;
	v42 =	vld.idx.msk [tilespmem:v33+s2+$0x0], $0xffff  }
0x237: {  	v44 =	vadd.s32 $0x1040, v8;
	v57 =	vmul.f32 v34, v2;
	[tilespmem:v35+s16+$0x0] =	vst.idx.add.f32.msk $0xffff, v40  }
0x238: {  	v43 =	vmul.f32 v59, v4;
	v45 =	vadd.s32 $0xF70, v10;
	v19 =	vld.idx.msk [tilespmem:v37+s2+$0x0], $0xffff  }
0x239: {  	[tilespmem:v52+s16+$0x0] =	vst.idx.add.f32.msk $0xffff, v57;
	v47 =	vadd.s32 $0x1040, v12;
	v46 =	vmul.f32 v23, v7  }
0x23a: {  	[tilespmem:v38+s16+$0x0] =	vst.idx.add.f32.msk $0xffff, v43;
	v49 =	vadd.s32 $0xF70, v14  }
0x23b: {  	v51 =	vadd.s32 $0x1040, v15;
	[tilespmem:v41+s16+$0x0] =	vst.idx.add.f32.msk $0xffff, v46;
	v50 =	vmul.f32 v42, v11  }
0x23c: {  	v39 =	vadd.s32 $0x11E0, v5;
	v24 =	vld.idx.msk [tilespmem:v44+s2+$0x0], $0xffff  }
0x23d: {  	v53 =	vadd.s32 $0x1860, v9;
	[tilespmem:v45+s16+$0x0] =	vst.idx.add.f32.msk $0xffff, v50;
	v54 =	vmul.f32 v19, v13  }
0x23e: {  	v55 =	vadd.s32 $0x1040, v6;
	v56 =	vld.idx.msk [tilespmem:v47+s2+$0x0], $0xffff  }
0x23f: {  	v58 =	vadd.s32 $0x1110, v8;
	[tilespmem:v49+s16+$0x0] =	vst.idx.add.f32.msk $0xffff, v54  }
0x240: {  	v59 =	vadd.s32 $0x1040, v10;
	v18 =	vld.idx.msk [tilespmem:v51+s2+$0x0], $0xffff  }
0x241: {  	v48 =	vld.idx.msk [tilespmem:v39+s2+$0x0], $0xffff;
	v61 =	vadd.s32 $0x1110, v12;
	v60 =	vmul.f32 v24, v7  }
0x242: {  	v63 =	vadd.s32 $0x1040, v14;
	v62 =	vld.idx.msk [tilespmem:v53+s2+$0x0], $0xffff  }
0x243: {  	v29 =	vadd.s32 $0x1110, v15;
	[tilespmem:v55+s16+$0x0] =	vst.idx.add.f32.msk $0xffff, v60;
	v28 =	vmul.f32 v56, v11  }
0x244: {  	v30 =	vadd.s32 $0x11E0, v3;
	v22 =	vld.idx.msk [tilespmem:v58+s2+$0x0], $0xffff  }
0x245: {  	v31 =	vadd.s32 $0x12B0, v5;
	[tilespmem:v59+s16+$0x0] =	vst.idx.add.f32.msk $0xffff, v28;
	v32 =	vmul.f32 v18, v13  }
0x246: {  	v33 =	vadd.s32 $0x1110, v6;
	v34 =	vld.idx.msk [tilespmem:v61+s2+$0x0], $0xffff  }
0x247: {  	v36 =	vadd.s32 $0x11E0, v8;
	v35 =	vmul.f32 v48, v4;
	[tilespmem:v63+s16+$0x0] =	vst.idx.add.f32.msk $0xffff, v32  }
0x248: {  	v37 =	vadd.s32 $0x1110, v10;
	v19 =	vld.idx.msk [tilespmem:v29+s2+$0x0], $0xffff  }
0x249: {  	v39 =	vadd.s32 $0x11E0, v12;
	[tilespmem:v30+s16+$0x0] =	vst.idx.add.f32.msk $0xffff, v35;
	v38 =	vmul.f32 v22, v7  }
0x24a: {  	v41 =	vadd.s32 $0x1110, v14;
	v40 =	vld.idx.msk [tilespmem:v31+s2+$0x0], $0xffff  }
0x24b: {  	v43 =	vadd.s32 $0x11E0, v15;
	[tilespmem:v33+s16+$0x0] =	vst.idx.add.f32.msk $0xffff, v38;
	v42 =	vmul.f32 v34, v11  }
0x24c: {  	v44 =	vadd.s32 $0x1860, v1;
	v23 =	vld.idx.msk [tilespmem:v36+s2+$0x0], $0xffff  }
0x24d: {  	v57 =	vadd.s32 $0x12B0, v3;
	[tilespmem:v37+s16+$0x0] =	vst.idx.add.f32.msk $0xffff, v42;
	v46 =	vmul.f32 v19, v13  }
0x24e: {  	v47 =	vadd.s32 $0x11E0, v6;
	v48 =	vld.idx.msk [tilespmem:v39+s2+$0x0], $0xffff  }
0x24f: {  	v50 =	vadd.s32 $0x12B0, v8;
	v49 =	vmul.f32 v62, v2;
	[tilespmem:v41+s16+$0x0] =	vst.idx.add.f32.msk $0xffff, v46  }
0x250: {  	v62 =	vmul.f32 v40, v4;
	v51 =	vadd.s32 $0x11E0, v10;
	v18 =	vld.idx.msk [tilespmem:v43+s2+$0x0], $0xffff  }
0x251: {  	v53 =	vadd.s32 $0x12B0, v12;
	[tilespmem:v44+s16+$0x0] =	vst.idx.add.f32.msk $0xffff, v49;
	v52 =	vmul.f32 v23, v7  }
0x252: {  	v54 =	vadd.s32 $0x11E0, v14;
	[tilespmem:v57+s16+$0x0] =	vst.idx.add.f32.msk $0xffff, v62  }
0x253: {  	v56 =	vadd.s32 $0x12B0, v15;
	[tilespmem:v47+s16+$0x0] =	vst.idx.add.f32.msk $0xffff, v52;
	v55 =	vmul.f32 v48, v11  }
0x254: {  	v45 =	vadd.s32 $0x1930, v9;
	v24 =	vld.idx.msk [tilespmem:v50+s2+$0x0], $0xffff  }
0x255: {  	v58 =	vadd.s32 $0x1380, v5;
	[tilespmem:v51+s16+$0x0] =	vst.idx.add.f32.msk $0xffff, v55;
	v59 =	vmul.f32 v18, v13  }
0x256: {  	v60 =	vadd.s32 $0x12B0, v6;
	v61 =	vld.idx.msk [tilespmem:v53+s2+$0x0], $0xffff  }
0x257: {  	v63 =	vadd.s32 $0x1380, v8;
	[tilespmem:v54+s16+$0x0] =	vst.idx.add.f32.msk $0xffff, v59  }
0x258: {  	v28 =	vadd.s32 $0x12B0, v10;
	v19 =	vld.idx.msk [tilespmem:v56+s2+$0x0], $0xffff  }
0x259: {  	v30 =	vadd.s32 $0x1380, v12;
	v9 =	vld.idx.msk [tilespmem:v45+s2+$0x0], $0xffff;
	v29 =	vmul.f32 v24, v7  }
0x25a: {  	v31 =	vld.idx.msk [tilespmem:v58+s2+$0x0], $0xffff;
	v32 =	vadd.s32 $0x12B0, v14  }
0x25b: {  	v34 =	vadd.s32 $0x1380, v15;
	[tilespmem:v60+s16+$0x0] =	vst.idx.add.f32.msk $0xffff, v29;
	v33 =	vmul.f32 v61, v11  }
0x25c: {  	v35 =	vadd.s32 $0x1380, v3;
	v22 =	vld.idx.msk [tilespmem:v63+s2+$0x0], $0xffff  }
0x25d: {  	v36 =	vadd.s32 $0x1450, v5;
	[tilespmem:v28+s16+$0x0] =	vst.idx.add.f32.msk $0xffff, v33;
	v37 =	vmul.f32 v19, v13  }
0x25e: {  	v38 =	vadd.s32 $0x1380, v6;
	v39 =	vld.idx.msk [tilespmem:v30+s2+$0x0], $0xffff  }
0x25f: {  	v40 =	vmul.f32 v31, v4;
	v41 =	vadd.s32 $0x1450, v8;
	[tilespmem:v32+s16+$0x0] =	vst.idx.add.f32.msk $0xffff, v37  }
0x260: {  	v42 =	vadd.s32 $0x1380, v10;
	v18 =	vld.idx.msk [tilespmem:v34+s2+$0x0], $0xffff  }
0x261: {  	v44 =	vadd.s32 $0x1450, v12;
	[tilespmem:v35+s16+$0x0] =	vst.idx.add.f32.msk $0xffff, v40;
	v43 =	vmul.f32 v22, v7  }
0x262: {  	v45 =	vld.idx.msk [tilespmem:v36+s2+$0x0], $0xffff;
	v46 =	vadd.s32 $0x1380, v14  }
0x263: {  	v48 =	vadd.s32 $0x1450, v15;
	[tilespmem:v38+s16+$0x0] =	vst.idx.add.f32.msk $0xffff, v43;
	v47 =	vmul.f32 v39, v11  }
0x264: {  	v49 =	vadd.s32 $0x1450, v3;
	v23 =	vld.idx.msk [tilespmem:v41+s2+$0x0], $0xffff  }
0x265: {  	v50 =	vadd.s32 $0x1520, v5;
	[tilespmem:v42+s16+$0x0] =	vst.idx.add.f32.msk $0xffff, v47;
	v51 =	vmul.f32 v18, v13  }
0x266: {  	v52 =	vadd.s32 $0x1450, v6;
	v53 =	vld.idx.msk [tilespmem:v44+s2+$0x0], $0xffff  }
0x267: {  	v55 =	vadd.s32 $0x1520, v8;
	v54 =	vmul.f32 v45, v4;
	[tilespmem:v46+s16+$0x0] =	vst.idx.add.f32.msk $0xffff, v51  }
0x268: {  	v56 =	vadd.s32 $0x1450, v10;
	v19 =	vld.idx.msk [tilespmem:v48+s2+$0x0], $0xffff  }
0x269: {  	v58 =	vadd.s32 $0x1520, v12;
	[tilespmem:v49+s16+$0x0] =	vst.idx.add.f32.msk $0xffff, v54;
	v57 =	vmul.f32 v23, v7  }
0x26a: {  	v60 =	vadd.s32 $0x1450, v14;
	v59 =	vld.idx.msk [tilespmem:v50+s2+$0x0], $0xffff  }
0x26b: {  	v62 =	vadd.s32 $0x1520, v15;
	[tilespmem:v52+s16+$0x0] =	vst.idx.add.f32.msk $0xffff, v57;
	v61 =	vmul.f32 v53, v11  }
0x26c: {  	v63 =	vadd.s32 $0x1520, v3;
	v22 =	vld.idx.msk [tilespmem:v55+s2+$0x0], $0xffff  }
0x26d: {  	v28 =	vadd.s32 $0x15F0, v5;
	[tilespmem:v56+s16+$0x0] =	vst.idx.add.f32.msk $0xffff, v61;
	v29 =	vmul.f32 v19, v13  }
0x26e: {  	v30 =	vadd.s32 $0x1520, v6;
	v31 =	vld.idx.msk [tilespmem:v58+s2+$0x0], $0xffff  }
0x26f: {  	v33 =	vadd.s32 $0x15F0, v8;
	v32 =	vmul.f32 v59, v4;
	[tilespmem:v60+s16+$0x0] =	vst.idx.add.f32.msk $0xffff, v29  }
0x270: {  	v34 =	vadd.s32 $0x1520, v10;
	v18 =	vld.idx.msk [tilespmem:v62+s2+$0x0], $0xffff  }
0x271: {  	v36 =	vadd.s32 $0x15F0, v12;
	[tilespmem:v63+s16+$0x0] =	vst.idx.add.f32.msk $0xffff, v32;
	v35 =	vmul.f32 v22, v7  }
0x272: {  	v38 =	vadd.s32 $0x1520, v14;
	v37 =	vld.idx.msk [tilespmem:v28+s2+$0x0], $0xffff  }
0x273: {  	v40 =	vadd.s32 $0x15F0, v15;
	[tilespmem:v30+s16+$0x0] =	vst.idx.add.f32.msk $0xffff, v35;
	v39 =	vmul.f32 v31, v11  }
0x274: {  	v41 =	vadd.s32 $0x15F0, v3;
	v23 =	vld.idx.msk [tilespmem:v33+s2+$0x0], $0xffff  }
0x275: {  	v42 =	vadd.s32 $0x16C0, v5;
	[tilespmem:v34+s16+$0x0] =	vst.idx.add.f32.msk $0xffff, v39;
	v43 =	vmul.f32 v18, v13  }
0x276: {  	v44 =	vadd.s32 $0x15F0, v6;
	v45 =	vld.idx.msk [tilespmem:v36+s2+$0x0], $0xffff  }
0x277: {  	v47 =	vadd.s32 $0x16C0, v8;
	v46 =	vmul.f32 v37, v4;
	[tilespmem:v38+s16+$0x0] =	vst.idx.add.f32.msk $0xffff, v43  }
0x278: {  	v48 =	vadd.s32 $0x15F0, v10;
	v19 =	vld.idx.msk [tilespmem:v40+s2+$0x0], $0xffff  }
0x279: {  	v50 =	vadd.s32 $0x16C0, v12;
	[tilespmem:v41+s16+$0x0] =	vst.idx.add.f32.msk $0xffff, v46;
	v49 =	vmul.f32 v23, v7  }
0x27a: {  	v52 =	vadd.s32 $0x15F0, v14;
	v51 =	vld.idx.msk [tilespmem:v42+s2+$0x0], $0xffff  }
0x27b: {  	v54 =	vadd.s32 $0x16C0, v15;
	[tilespmem:v44+s16+$0x0] =	vst.idx.add.f32.msk $0xffff, v49;
	v53 =	vmul.f32 v45, v11  }
0x27c: {  	v55 =	vadd.s32 $0x16C0, v3;
	v22 =	vld.idx.msk [tilespmem:v47+s2+$0x0], $0xffff  }
0x27d: {  	v56 =	vadd.s32 $0x1790, v5;
	[tilespmem:v48+s16+$0x0] =	vst.idx.add.f32.msk $0xffff, v53;
	v57 =	vmul.f32 v19, v13  }
0x27e: {  	v58 =	vadd.s32 $0x16C0, v6;
	v59 =	vld.idx.msk [tilespmem:v50+s2+$0x0], $0xffff  }
0x27f: {  	v61 =	vadd.s32 $0x1790, v8;
	v60 =	vmul.f32 v51, v4;
	[tilespmem:v52+s16+$0x0] =	vst.idx.add.f32.msk $0xffff, v57  }
0x280: {  	v62 =	vadd.s32 $0x16C0, v10;
	v18 =	vld.idx.msk [tilespmem:v54+s2+$0x0], $0xffff  }
0x281: {  	v28 =	vadd.s32 $0x1790, v12;
	[tilespmem:v55+s16+$0x0] =	vst.idx.add.f32.msk $0xffff, v60;
	v63 =	vmul.f32 v22, v7  }
0x282: {  	v30 =	vadd.s32 $0x16C0, v14;
	v29 =	vld.idx.msk [tilespmem:v56+s2+$0x0], $0xffff  }
0x283: {  	v32 =	vadd.s32 $0x1790, v15;
	[tilespmem:v58+s16+$0x0] =	vst.idx.add.f32.msk $0xffff, v63;
	v31 =	vmul.f32 v59, v11  }
0x284: {  	v33 =	vadd.s32 $0x1790, v3;
	v23 =	vld.idx.msk [tilespmem:v61+s2+$0x0], $0xffff  }
0x285: {  	v34 =	vadd.s32 $0x1860, v5;
	[tilespmem:v62+s16+$0x0] =	vst.idx.add.f32.msk $0xffff, v31;
	v35 =	vmul.f32 v18, v13  }
0x286: {  	v36 =	vadd.s32 $0x1790, v6;
	v37 =	vld.idx.msk [tilespmem:v28+s2+$0x0], $0xffff  }
0x287: {  	v39 =	vadd.s32 $0x1860, v8;
	v38 =	vmul.f32 v29, v4;
	[tilespmem:v30+s16+$0x0] =	vst.idx.add.f32.msk $0xffff, v35  }
0x288: {  	v40 =	vadd.s32 $0x1790, v10;
	v19 =	vld.idx.msk [tilespmem:v32+s2+$0x0], $0xffff  }
0x289: {  	v42 =	vadd.s32 $0x1860, v12;
	[tilespmem:v33+s16+$0x0] =	vst.idx.add.f32.msk $0xffff, v38;
	v41 =	vmul.f32 v23, v7  }
0x28a: {  	v44 =	vadd.s32 $0x1790, v14;
	v43 =	vld.idx.msk [tilespmem:v34+s2+$0x0], $0xffff  }
0x28b: {  	v46 =	vadd.s32 $0x1860, v15;
	[tilespmem:v36+s16+$0x0] =	vst.idx.add.f32.msk $0xffff, v41;
	v45 =	vmul.f32 v37, v11  }
0x28c: {  	v47 =	vadd.s32 $0x1860, v3;
	v22 =	vld.idx.msk [tilespmem:v39+s2+$0x0], $0xffff  }
0x28d: {  	v48 =	vadd.s32 $0x1930, v5;
	[tilespmem:v40+s16+$0x0] =	vst.idx.add.f32.msk $0xffff, v45;
	v49 =	vmul.f32 v19, v13  }
0x28e: {  	v50 =	vadd.s32 $0x1860, v6;
	v51 =	vld.idx.msk [tilespmem:v42+s2+$0x0], $0xffff  }
0x28f: {  	v53 =	vadd.s32 $0x1930, v8;
	v52 =	vmul.f32 v43, v4;
	[tilespmem:v44+s16+$0x0] =	vst.idx.add.f32.msk $0xffff, v49  }
0x290: {  	v54 =	vadd.s32 $0x1860, v10;
	v18 =	vld.idx.msk [tilespmem:v46+s2+$0x0], $0xffff  }
0x291: {  	v56 =	vadd.s32 $0x1930, v12;
	[tilespmem:v47+s16+$0x0] =	vst.idx.add.f32.msk $0xffff, v52;
	v55 =	vmul.f32 v22, v7  }
0x292: {  	v57 =	vadd.s32 $0x1860, v14;
	v5 =	vld.idx.msk [tilespmem:v48+s2+$0x0], $0xffff  }
0x293: {  	v15 =	vadd.s32 $0x1930, v15;
	[tilespmem:v50+s16+$0x0] =	vst.idx.add.f32.msk $0xffff, v55;
	v58 =	vmul.f32 v51, v11  }
0x294: {  	v8 =	vld.idx.msk [tilespmem:v53+s2+$0x0], $0xffff  }
0x295: {  	[tilespmem:v54+s16+$0x0] =	vst.idx.add.f32.msk $0xffff, v58;
	v59 =	vmul.f32 v18, v13  }
0x296: {  	v1 =	vadd.s32 $0x1930, v1;
	v12 =	vld.idx.msk [tilespmem:v56+s2+$0x0], $0xffff  }
0x297: {  	v3 =	vadd.s32 $0x1930, v3;
	[tilespmem:v57+s16+$0x0] =	vst.idx.add.f32.msk $0xffff, v59  }
0x298: {  	v60 =	vadd.s32 $0x1930, v6;
	v15 =	vld.idx.msk [tilespmem:v15+s2+$0x0], $0xffff  }
0x299: {  	v2 =	vmul.f32 v9, v2;
	v61 =	vadd.s32 $0x1930, v10  }
0x29a: {  	v63 =	vadd.s32 $0x1930, v14;
	v62 =	vmul.f32 v5, v4  }
0x29b: {  	[tilespmem:v1+s16+$0x0] =	vst.idx.add.f32.msk $0xffff, v2;
	v1 =	vmul.f32 v8, v7  }
0x29c: {  	[tilespmem:v3+s16+$0x0] =	vst.idx.add.f32.msk $0xffff, v62;
	v2 =	vmul.f32 v12, v11  }
0x29d: {  	[tilespmem:v60+s16+$0x0] =	vst.idx.add.f32.msk $0xffff, v1;
	v1 =	vmul.f32 v15, v13  }
0x29e: {  	s20 =	sadd.s32 s8, s20;
	s21 =	simm.s32 $0x4050;
	[tilespmem:v61+s16+$0x0] =	vst.idx.add.f32.msk $0xffff, v2  }
0x29f: {  	s22 =	simm.s32 $0x19;
	s23 =	simm.s32 $0x4120;
	s24 =	sadd.s32 $0x0, s20;
	[tilespmem:v63+s16+$0x0] =	vst.idx.add.f32.msk $0xffff, v1  }
.LBB2_14:
0x2a0: {  	[hbm4b:s24+s2] =	stream.linear.scatter [tilespmem:s21], [sflag:$0x1], $0xC8, $0x38;
	[tilespmem:$0x5A50] =	vst v63  }
0x2a1: {  	s24 =	smov.u32 s22;
	s21 =	smov.u32 s23;
	p0 =	sne.s32 s22, $0x307  }
.Ltmp10:
0x2a2: {  	s22 =	sadd.s32 $0x19, s22;
	(pc) =	sbr.rel @p0 .LBB2_14-.Ltmp10, $2  }
0x2a3: {  	_ =	sdelay $0x2  }
0x2a4: {  	s23 =	sadd.s32 $0xD0, s23;
	s24 =	sadd.s32 s24, s20  }
.Ltmp11:
0x2a5: {  	(pc) =	sbr.rel .LBB2_16-.Ltmp11, $4  }
0x2a6: {  	[hbm4b:s24+s2] =	stream.linear.scatter [tilespmem:s21], [sflag:$0x1], $0xC8, $0x38;
	[tilespmem:$0x5A50] =	vst v63  }
0x2a7: {  	_ =	swait.ge [sflag:s17], $0x1900  }
0x2a8: {  	[sflag:s17] =	ssyncset.done $0x0  }
0x2a9: {  	[sflag:s17] =	ssyncadd.s32 $0xFFFFE700  }
.LBB2_18:
0x2aa: {  	_ =	sfence.sel $0x180000  }
0x2ab: {  	[bflag:$0x0] =	sbarrier.arrive $0xFFFF  }
0x2ac: {  	p0 =	sne.s32 s4, $0x0;
	_ =	strace $0x90000047  }
0x2ad: {  	s0 =	sadd.s32 @!p0 $0x100000, s0;
	[bflag:$0x2] =	sbarrier.arrive $0xFFFF  }
0x2ae: {  	[sflag:s0] =	ssyncadd.tile.s32 @!p0 $0x1;
	_ =	shalt  }
.Lfunc_end2:
_tile_overlayer_lowered:
.L_overlay_start_2:
0x2af: {  	(tag) =	ssettag $0x2  }
0x2b0: {  	s0 =	rddreg [dreg:$0x0];
	s2 =	stileid.u32  }
0x2b1: {  	s1 =	rddreg [dreg:$0x1];
	p0 =	sne.s32 s2, $0x0  }
0x2b2: {  	s3 =	rddreg [dreg:$0x2];
	[bflag:$0x3] =	sbarrier.arrive $0xFFFF;
	s2 =	simm.s32 @!p0 $0x1C01  }
0x2b3: {  	[timem:s3], [sflag:s2] =	dma.local @!p0 [hbm:s0], s1  }
0x2b4: {  	s0 =	simm.s32 @!p0 $0x1  }
0x2b5: {  	_ =	swait.ge @!p0 [sflag:s0], s1  }
0x2b6: {  	s1 =	ssub.s32 @!p0 $0x0, s1;
	[sflag:s0] =	ssyncset.done @!p0 $0x0  }
0x2b7: {  	[sflag:s0] =	ssyncadd.s32 @!p0 s1  }
0x2b8: {  	[bflag:$0x3] =	sbarrier.arrive $0xFFFF  }
0x2b9: {  	_ =	shalt  }

</sc_bundles>
